<compile_context>
chip_gen: v7x
topology: tpu7x:2x2x1
jax: 0.10.2.dev20260603
libtpu: 0.0.44.dev20260713+nightly
codegen_flags: <defaults>
</compile_context>

<pallas_src>
import jax
import jax.numpy as jnp
from jax import lax
from jax.experimental import pallas as pl
from jax.experimental.pallas import tpu as pltpu
from jax.experimental.pallas import tpu_sc as plsc

N = 10000
E = 320000
D_IN = 128
H = 8
F = 16
D = H * F
CW = D + 16
NC = 2
NS = 16
NW = NC * NS
EPW = E // NW
K = 80
NCHUNK = EPW // K
NPAD = 10240
RPS = NPAD // NS
RCHUNK = 64
NRC = RPS // RCHUNK


def _leaky(x, slope):
    return jnp.where(x >= 0, x, slope * x)



def _tc_front_body(x_ref, w_ref, alr, arr, hx_ref, er_ref, lmax_ref):
    h = jnp.dot(x_ref[...], w_ref[...], preferred_element_type=jnp.float32)
    el = jnp.dot(h, alr[...], preferred_element_type=jnp.float32)
    er = jnp.dot(h, arr[...], preferred_element_type=jnp.float32)
    hx_ref[:, :D] = h
    hx_ref[:, D:] = el
    er_ref[...] = er
    gm = jnp.max(el, axis=0, keepdims=True) + jnp.max(er, axis=0, keepdims=True)
    lmax_ref[...] = _leaky(gm, 0.2)


def _tc_front(x, W, ALe, ARe):
    return pl.pallas_call(
        _tc_front_body,
        out_shape=(
            jax.ShapeDtypeStruct((N, CW), jnp.float32),
            jax.ShapeDtypeStruct((N, 16), jnp.float32),
            jax.ShapeDtypeStruct((1, 16), jnp.float32),
        ),
    )(x, W, ALe, ARe)


def _tc_mid_body(p_ref, b_ref, r_ref, w_ref, alr, arr, hx_ref, er_ref, lmax_ref):
    acc = p_ref[0, :N] + p_ref[1, :N]
    denf = jnp.dot(acc[:, D:], r_ref[...],
                   preferred_element_type=jnp.float32)
    x = acc[:, :D] / (denf + 1e-9) + b_ref[...]
    x = _leaky(x, 0.01)
    h = jnp.dot(x, w_ref[...], preferred_element_type=jnp.float32)
    el = jnp.dot(h, alr[...], preferred_element_type=jnp.float32)
    er = jnp.dot(h, arr[...], preferred_element_type=jnp.float32)
    hx_ref[:, :D] = h
    hx_ref[:, D:] = el
    er_ref[...] = er
    gm = jnp.max(el, axis=0, keepdims=True) + jnp.max(er, axis=0, keepdims=True)
    lmax_ref[...] = _leaky(gm, 0.2)


def _tc_mid(part, b1, R, W, ALe, ARe):
    return pl.pallas_call(
        _tc_mid_body,
        out_shape=(
            jax.ShapeDtypeStruct((N, CW), jnp.float32),
            jax.ShapeDtypeStruct((N, 16), jnp.float32),
            jax.ShapeDtypeStruct((1, 16), jnp.float32),
        ),
    )(part, b1, R, W, ALe, ARe)


def _tc_final_body(p_ref, b_ref, r_ref, out_ref):
    acc = p_ref[0, :N] + p_ref[1, :N]
    denf = jnp.dot(acc[:, D:], r_ref[...], preferred_element_type=jnp.float32)
    out_ref[...] = acc[:, :D] / (denf + 1e-9) + b_ref[...]


def _tc_final(part, b2, R):
    return pl.pallas_call(
        _tc_final_body,
        out_shape=jax.ShapeDtypeStruct((N, D), jnp.float32),
    )(part, b2, R)



def _bcast_lane(v, h):
    return jnp.take_along_axis(
        v, jnp.full((16,), h, dtype=jnp.int32), axis=0,
        mode="promise_in_bounds")


def _sc_body(hx_hbm, er_hbm, src_hbm, dst_hbm, lmax_hbm, out_hbm,
             srcv0, dstv0, srcv1, dstv1, dstsc0, dstsc1,
             hrows0, errows0, hrows1, errows1,
             lmaxv, stage, acc,
             semi0, semi1, semg0, semg1, semsc0, semsc1, semz):
    c = lax.axis_index("c")
    s = lax.axis_index("s")
    wid = c * NS + s
    eb0 = wid * EPW

    def zrow(i, _):
        for j in range(CW // 16):
            stage[i, pl.ds(j * 16, 16)] = jnp.zeros((16,), jnp.float32)
        return 0
    lax.fori_loop(0, RCHUNK, zrow, 0)
    for t in range(NRC):
        pltpu.async_copy(stage, acc.at[pl.ds(s * RPS + t * RCHUNK, RCHUNK)],
                         semz)
    for t in range(NRC):
        pltpu.make_async_copy(
            stage, acc.at[pl.ds(s * RPS + t * RCHUNK, RCHUNK)], semz).wait()

    pltpu.sync_copy(lmax_hbm, lmaxv)
    lmax = lmaxv[...]
    plsc.subcore_barrier()

    def idx_copy(i, sv, dv, sem):
        eb = eb0 + i * K
        pltpu.async_copy(src_hbm.at[pl.ds(eb, K)], sv, sem)
        pltpu.async_copy(dst_hbm.at[pl.ds(eb, K)], dv, sem)

    def idx_wait(sv, dv, sem):
        pltpu.make_async_copy(src_hbm.at[pl.ds(0, K)], sv, sem).wait()
        pltpu.make_async_copy(dst_hbm.at[pl.ds(0, K)], dv, sem).wait()

    def gather_start(sv, dv, hb, erb, sem):
        pltpu.async_copy(hx_hbm.at[sv], hb, sem)
        pltpu.async_copy(er_hbm.at[dv], erb, sem)

    def gather_wait(sv, dv, hb, erb, sem):
        pltpu.make_async_copy(hx_hbm.at[sv], hb, sem).wait()
        pltpu.make_async_copy(er_hbm.at[dv], erb, sem).wait()

    def compute(hb, erb):
        @plsc.parallel_loop(0, K, unroll=4)
        def edge(k):
            el = hb[k, pl.ds(D, 16)]
            e = el + erb[k, :]
            e = _leaky(e, 0.2)
            w = jnp.exp(e - lmax)
            hb[k, pl.ds(D, 16)] = w
            for h in range(H):
                wh = _bcast_lane(w, h)
                hb[k, pl.ds(h * F, F)] = hb[k, pl.ds(h * F, F)] * wh

    def dst_snapshot(dv, dsc):
        for j in range(K // 16):
            dsc[pl.ds(j * 16, 16)] = dv[pl.ds(j * 16, 16)]

    def scatter_start(hb, dsc, sem):
        pltpu.async_copy(hb, acc.at[dsc], sem, add=True)

    def scatter_wait(hb, dsc, sem):
        pltpu.make_async_copy(hb, acc.at[dsc], sem).wait()

    idx_copy(0, srcv0, dstv0, semi0)
    idx_wait(srcv0, dstv0, semi0)
    gather_start(srcv0, dstv0, hrows0, errows0, semg0)
    idx_copy(1, srcv1, dstv1, semi1)

    def pair(j, _):
        @pl.when(j > 0)
        def _():
            scatter_wait(hrows1, dstsc1, semsc1)
        idx_wait(srcv1, dstv1, semi1)
        gather_start(srcv1, dstv1, hrows1, errows1, semg1)
        gather_wait(srcv0, dstv0, hrows0, errows0, semg0)
        compute(hrows0, errows0)
        dst_snapshot(dstv0, dstsc0)
        scatter_start(hrows0, dstsc0, semsc0)
        idx_copy(2 * j + 2, srcv0, dstv0, semi0)
        gather_wait(srcv1, dstv1, hrows1, errows1, semg1)
        compute(hrows1, errows1)
        dst_snapshot(dstv1, dstsc1)
        scatter_start(hrows1, dstsc1, semsc1)
        idx_copy(jnp.minimum(2 * j + 3, NCHUNK - 1), srcv1, dstv1, semi1)
        scatter_wait(hrows0, dstsc0, semsc0)
        idx_wait(srcv0, dstv0, semi0)
        gather_start(srcv0, dstv0, hrows0, errows0, semg0)
        return 0
    lax.fori_loop(0, (NCHUNK - 1) // 2, pair, 0)

    scatter_wait(hrows1, dstsc1, semsc1)
    gather_wait(srcv0, dstv0, hrows0, errows0, semg0)
    compute(hrows0, errows0)
    pltpu.sync_copy(hrows0, acc.at[dstv0], add=True)
    idx_wait(srcv1, dstv1, semi1)

    plsc.subcore_barrier()

    pltpu.sync_copy(acc.at[pl.ds(s * RPS, RPS)],
                    out_hbm.at[c, pl.ds(s * RPS, RPS)])


def _sc_aggregate(hx, er, src, dst, lmax):
    mesh = plsc.VectorSubcoreMesh(core_axis_name="c", subcore_axis_name="s")
    f = pl.kernel(
        _sc_body,
        out_type=jax.ShapeDtypeStruct((NC, NPAD, CW), jnp.float32),
        mesh=mesh,
        compiler_params=pltpu.CompilerParams(use_tc_tiling_on_sc=False),
        scratch_types=[
            pltpu.VMEM((K,), jnp.int32),
            pltpu.VMEM((K,), jnp.int32),
            pltpu.VMEM((K,), jnp.int32),
            pltpu.VMEM((K,), jnp.int32),
            pltpu.VMEM((K,), jnp.int32),
            pltpu.VMEM((K,), jnp.int32),
            pltpu.VMEM((K, CW), jnp.float32),
            pltpu.VMEM((K, 16), jnp.float32),
            pltpu.VMEM((K, CW), jnp.float32),
            pltpu.VMEM((K, 16), jnp.float32),
            pltpu.VMEM((16,), jnp.float32),
            pltpu.VMEM((RCHUNK, CW), jnp.float32),
            pltpu.VMEM_SHARED((NPAD, CW), jnp.float32),
            pltpu.SemaphoreType.DMA,
            pltpu.SemaphoreType.DMA,
            pltpu.SemaphoreType.DMA,
            pltpu.SemaphoreType.DMA,
            pltpu.SemaphoreType.DMA,
            pltpu.SemaphoreType.DMA,
            pltpu.SemaphoreType.DMA,
        ],
    )
    return f(hx, er, src, dst, lmax)



def _expand_att(a):
    m = jnp.zeros((D, 16), jnp.float32)
    rows = jnp.arange(D)
    return m.at[rows, rows // F].set(a.reshape(D))


def _expand_rep():
    cols = jnp.arange(D)
    m = jnp.zeros((16, D), jnp.float32)
    return m.at[cols // F, cols].set(1.0)


@jax.jit
def kernel(n_feat, edge_index, e_feat, W1, al1, ar1, b1, W2, al2, ar2, b2):
    del e_feat
    src = edge_index[0].astype(jnp.int32)
    dst = edge_index[1].astype(jnp.int32)
    AL1, AR1 = _expand_att(al1), _expand_att(ar1)
    AL2, AR2 = _expand_att(al2), _expand_att(ar2)
    R = _expand_rep()
    b1r = b1.reshape(1, D)
    b2r = b2.reshape(1, D)

    hx1, er1, lmax1 = _tc_front(n_feat, W1, AL1, AR1)
    part1 = _sc_aggregate(hx1, er1, src, dst, lmax1.reshape(16))
    hx2, er2, lmax2 = _tc_mid(part1, b1r, R, W2, AL2, AR2)
    part2 = _sc_aggregate(hx2, er2, src, dst, lmax2.reshape(16))
    return _tc_final(part2, b2r, R)

# --- scband reference (transcript-rebuilt; emitter-appended) ---
"""Pipeline reference for scband-unsupervised-gat-18468359373276 (READ-ONLY COPY).

The authoritative reference and input builder live on the scoring server;
editing this copy changes nothing except your own understanding.
"""

import jax, jax.numpy as jnp
import numpy as np

N_NODES = 10000
N_EDGES = 320000
D_IN = 128
D_HID = 128
NUM_HEADS = 8
OUT_FEATS = D_HID // NUM_HEADS  # 16


def setup_inputs(seed: int = 0) -> dict:
    key = jax.random.key(seed)
    ks = jax.random.split(key, 12)
    n_feat = jax.random.normal(ks[0], (N_NODES, D_IN), dtype=jnp.float32)
    edge_index = jax.random.randint(ks[1], (2, N_EDGES), 0, N_NODES, dtype=jnp.int64)
    e_feat = jax.random.normal(ks[2], (N_EDGES, 16), dtype=jnp.float32)
    # GATConv params, layer 1
    W1 = jax.random.normal(ks[3], (D_IN, NUM_HEADS * OUT_FEATS), dtype=jnp.float32) / np.sqrt(D_IN)
    al1 = jax.random.normal(ks[4], (NUM_HEADS, OUT_FEATS), dtype=jnp.float32) * 0.1
    ar1 = jax.random.normal(ks[5], (NUM_HEADS, OUT_FEATS), dtype=jnp.float32) * 0.1
    b1 = jnp.zeros((NUM_HEADS * OUT_FEATS,), dtype=jnp.float32)
    # layer 2
    W2 = jax.random.normal(ks[6], (D_HID, NUM_HEADS * OUT_FEATS), dtype=jnp.float32) / np.sqrt(D_HID)
    al2 = jax.random.normal(ks[7], (NUM_HEADS, OUT_FEATS), dtype=jnp.float32) * 0.1
    ar2 = jax.random.normal(ks[8], (NUM_HEADS, OUT_FEATS), dtype=jnp.float32) * 0.1
    b2 = jnp.zeros((NUM_HEADS * OUT_FEATS,), dtype=jnp.float32)
    return {"n_feat": n_feat, "edge_index": edge_index, "e_feat": e_feat,
            "W1": W1, "al1": al1, "ar1": ar1, "b1": b1,
            "W2": W2, "al2": al2, "ar2": ar2, "b2": b2}


def _gat_layer(x, src, dst, W, al, ar, bias, apply_act):
    h = (x @ W).reshape(-1, NUM_HEADS, OUT_FEATS)  # [N, H, F]
    el = (h * al[None, :, :]).sum(-1)  # [N, H]
    er = (h * ar[None, :, :]).sum(-1)  # [N, H]
    e = el[src] + er[dst]              # [E, H]
    e = jnp.where(e >= 0, e, 0.2 * e)  # LeakyReLU(0.2)
    # edge softmax grouped by destination node
    emax = jax.ops.segment_max(e, dst, num_segments=N_NODES)
    emax = jnp.where(jnp.isfinite(emax), emax, 0.0)
    ee = jnp.exp(e - emax[dst])
    denom = jax.ops.segment_sum(ee, dst, num_segments=N_NODES)
    a = ee / (denom[dst] + 1e-9)       # [E, H]
    msg = h[src] * a[:, :, None]       # [E, H, F]
    out = jax.ops.segment_sum(msg, dst, num_segments=N_NODES)  # [N, H, F]
    out = out + bias.reshape(1, NUM_HEADS, OUT_FEATS)
    out = out.reshape(N_NODES, NUM_HEADS * OUT_FEATS)  # agg_mode='flatten'
    if apply_act:
        out = jnp.where(out >= 0, out, 0.01 * out)  # F.leaky_relu default slope
    return out


def reference(n_feat, edge_index, e_feat, W1, al1, ar1, b1, W2, al2, ar2, b2):
    src = edge_index[0]
    dst = edge_index[1]
    h = _gat_layer(n_feat, src, dst, W1, al1, ar1, b1, apply_act=True)
    h = _gat_layer(h, src, dst, W2, al2, ar2, b2, apply_act=False)
    return h

if __name__ == "__main__":
    import jax
    _d = setup_inputs()
    print(jax.jit(kernel)(*tuple(_d.values())))

</pallas_src>

<mosaic_0001>
#map = affine_map<(d0, d1) -> (0, 0)>
#map1 = affine_map<(d0, d1) -> (0)>
#map2 = affine_map<(d0, d1) -> (0, 0, 0)>
module attributes {stable_mosaic.version = 14 : i64} {
  func.func @_sc_body(%arg0: i32, %arg1: i32, %arg2: memref<10000x144xf32, #tpu.memory_space<hbm>>, %arg3: memref<10000x16xf32, #tpu.memory_space<hbm>>, %arg4: memref<320000xi32, #tpu.memory_space<hbm>>, %arg5: memref<320000xi32, #tpu.memory_space<hbm>>, %arg6: memref<16xf32, #tpu.memory_space<hbm>>, %arg7: memref<2x10240x144xf32, #tpu.memory_space<hbm>>, %arg8: memref<80xi32, #tpu.memory_space<vmem>>, %arg9: memref<80xi32, #tpu.memory_space<vmem>>, %arg10: memref<80xi32, #tpu.memory_space<vmem>>, %arg11: memref<80xi32, #tpu.memory_space<vmem>>, %arg12: memref<80xi32, #tpu.memory_space<vmem>>, %arg13: memref<80xi32, #tpu.memory_space<vmem>>, %arg14: memref<80x144xf32, #tpu.memory_space<vmem>>, %arg15: memref<80x16xf32, #tpu.memory_space<vmem>>, %arg16: memref<80x144xf32, #tpu.memory_space<vmem>>, %arg17: memref<80x16xf32, #tpu.memory_space<vmem>>, %arg18: memref<16xf32, #tpu.memory_space<vmem>>, %arg19: memref<64x144xf32, #tpu.memory_space<vmem>>, %arg20: memref<10240x144xf32, #tpu.memory_space<vmem_shared>>, %arg21: memref<!tpu.dma_semaphore, #tpu.memory_space<semaphore_mem>>, %arg22: memref<!tpu.dma_semaphore, #tpu.memory_space<semaphore_mem>>, %arg23: memref<!tpu.dma_semaphore, #tpu.memory_space<semaphore_mem>>, %arg24: memref<!tpu.dma_semaphore, #tpu.memory_space<semaphore_mem>>, %arg25: memref<!tpu.dma_semaphore, #tpu.memory_space<semaphore_mem>>, %arg26: memref<!tpu.dma_semaphore, #tpu.memory_space<semaphore_mem>>, %arg27: memref<!tpu.dma_semaphore, #tpu.memory_space<semaphore_mem>>) attributes {dimension_semantics = [#tpu.dimension_semantics<core_parallel>, #tpu.dimension_semantics<subcore_parallel>], iteration_bounds = array<i64: 2, 16>, scalar_prefetch = 0 : i64, scratch_operands = 20 : i64, tpu.core_type = #tpu.core_type<sc_vector_subcore>, window_params = [{transform_indices = #map}, {transform_indices = #map}, {transform_indices = #map1}, {transform_indices = #map1}, {transform_indices = #map1}, {transform_indices = #map2}]} {
    %mul3A = arith.constant 16 : i32
    %mul3A_0 = arith.muli %arg0, %mul3A : i32
    %add3A = arith.addi %mul3A_0, %arg1 : i32
    %mul3A_1 = arith.constant 10000 : i32
    %mul3A_2 = arith.muli %add3A, %mul3A_1 : i32
    %scan3A = arith.constant 0 : i32
    %scan3A_3 = arith.constant 0 : i32
    %scan3A_4 = arith.constant 64 : i32
    %scan3A_5 = arith.addi %scan3A_3, %scan3A_4 : i32
    %scan3A_6 = arith.constant 1 : i32
    %scan3A_7 = scf.for %scan3A_226 = %scan3A_3 to %scan3A_5 step %scan3A_6 iter_args(%scan3A_227 = %scan3A) -> (i32)  : i32 {
      %broadcast_in_dim3A = arith.constant 0.000000e+00 : f32
      %broadcast_in_dim3A_228 = vector.broadcast %broadcast_in_dim3A : f32 to vector<16xf32>
      %swap3A = arith.index_cast %scan3A_226 : i32 to index
      %swap3A_229 = arith.constant 0 : index
      %swap3A_230 = tpu.vector_load %arg19[%swap3A, %swap3A_229] {strides = array<i32>} : memref<64x144xf32, #tpu.memory_space<vmem>>, vector<1x16xf32>,
      %swap3A_231 = vector.shape_cast %swap3A_230 : vector<1x16xf32> to vector<16xf32>
      %swap3A_232 = vector.shape_cast %broadcast_in_dim3A_228 : vector<16xf32> to vector<1x16xf32>
      tpu.vector_store %arg19[%swap3A, %swap3A_229], %swap3A_232 {strides = array<i32>} : memref<64x144xf32, #tpu.memory_space<vmem>>, vector<1x16xf32>,
      %broadcast_in_dim3A_233 = arith.constant 0.000000e+00 : f32
      %broadcast_in_dim3A_234 = vector.broadcast %broadcast_in_dim3A_233 : f32 to vector<16xf32>
      %swap3A_235 = arith.index_cast %scan3A_226 : i32 to index
      %swap3A_236 = arith.constant 16 : index
      %swap3A_237 = tpu.vector_load %arg19[%swap3A_235, %swap3A_236] {strides = array<i32>} : memref<64x144xf32, #tpu.memory_space<vmem>>, vector<1x16xf32>,
      %swap3A_238 = vector.shape_cast %swap3A_237 : vector<1x16xf32> to vector<16xf32>
      %swap3A_239 = vector.shape_cast %broadcast_in_dim3A_234 : vector<16xf32> to vector<1x16xf32>
      tpu.vector_store %arg19[%swap3A_235, %swap3A_236], %swap3A_239 {strides = array<i32>} : memref<64x144xf32, #tpu.memory_space<vmem>>, vector<1x16xf32>,
      %broadcast_in_dim3A_240 = arith.constant 0.000000e+00 : f32
      %broadcast_in_dim3A_241 = vector.broadcast %broadcast_in_dim3A_240 : f32 to vector<16xf32>
      %swap3A_242 = arith.index_cast %scan3A_226 : i32 to index
      %swap3A_243 = arith.constant 32 : index
      %swap3A_244 = tpu.vector_load %arg19[%swap3A_242, %swap3A_243] {strides = array<i32>} : memref<64x144xf32, #tpu.memory_space<vmem>>, vector<1x16xf32>,
      %swap3A_245 = vector.shape_cast %swap3A_244 : vector<1x16xf32> to vector<16xf32>
      %swap3A_246 = vector.shape_cast %broadcast_in_dim3A_241 : vector<16xf32> to vector<1x16xf32>
      tpu.vector_store %arg19[%swap3A_242, %swap3A_243], %swap3A_246 {strides = array<i32>} : memref<64x144xf32, #tpu.memory_space<vmem>>, vector<1x16xf32>,
      %broadcast_in_dim3A_247 = arith.constant 0.000000e+00 : f32
      %broadcast_in_dim3A_248 = vector.broadcast %broadcast_in_dim3A_247 : f32 to vector<16xf32>
      %swap3A_249 = arith.index_cast %scan3A_226 : i32 to index
      %swap3A_250 = arith.constant 48 : index
      %swap3A_251 = tpu.vector_load %arg19[%swap3A_249, %swap3A_250] {strides = array<i32>} : memref<64x144xf32, #tpu.memory_space<vmem>>, vector<1x16xf32>,
      %swap3A_252 = vector.shape_cast %swap3A_251 : vector<1x16xf32> to vector<16xf32>
      %swap3A_253 = vector.shape_cast %broadcast_in_dim3A_248 : vector<16xf32> to vector<1x16xf32>
      tpu.vector_store %arg19[%swap3A_249, %swap3A_250], %swap3A_253 {strides = array<i32>} : memref<64x144xf32, #tpu.memory_space<vmem>>, vector<1x16xf32>,
      %broadcast_in_dim3A_254 = arith.constant 0.000000e+00 : f32
      %broadcast_in_dim3A_255 = vector.broadcast %broadcast_in_dim3A_254 : f32 to vector<16xf32>
      %swap3A_256 = arith.index_cast %scan3A_226 : i32 to index
      %swap3A_257 = arith.constant 64 : index
      %swap3A_258 = tpu.vector_load %arg19[%swap3A_256, %swap3A_257] {strides = array<i32>} : memref<64x144xf32, #tpu.memory_space<vmem>>, vector<1x16xf32>,
      %swap3A_259 = vector.shape_cast %swap3A_258 : vector<1x16xf32> to vector<16xf32>
      %swap3A_260 = vector.shape_cast %broadcast_in_dim3A_255 : vector<16xf32> to vector<1x16xf32>
      tpu.vector_store %arg19[%swap3A_256, %swap3A_257], %swap3A_260 {strides = array<i32>} : memref<64x144xf32, #tpu.memory_space<vmem>>, vector<1x16xf32>,
      %broadcast_in_dim3A_261 = arith.constant 0.000000e+00 : f32
      %broadcast_in_dim3A_262 = vector.broadcast %broadcast_in_dim3A_261 : f32 to vector<16xf32>
      %swap3A_263 = arith.index_cast %scan3A_226 : i32 to index
      %swap3A_264 = arith.constant 80 : index
      %swap3A_265 = tpu.vector_load %arg19[%swap3A_263, %swap3A_264] {strides = array<i32>} : memref<64x144xf32, #tpu.memory_space<vmem>>, vector<1x16xf32>,
      %swap3A_266 = vector.shape_cast %swap3A_265 : vector<1x16xf32> to vector<16xf32>
      %swap3A_267 = vector.shape_cast %broadcast_in_dim3A_262 : vector<16xf32> to vector<1x16xf32>
      tpu.vector_store %arg19[%swap3A_263, %swap3A_264], %swap3A_267 {strides = array<i32>} : memref<64x144xf32, #tpu.memory_space<vmem>>, vector<1x16xf32>,
      %broadcast_in_dim3A_268 = arith.constant 0.000000e+00 : f32
      %broadcast_in_dim3A_269 = vector.broadcast %broadcast_in_dim3A_268 : f32 to vector<16xf32>
      %swap3A_270 = arith.index_cast %scan3A_226 : i32 to index
      %swap3A_271 = arith.constant 96 : index
      %swap3A_272 = tpu.vector_load %arg19[%swap3A_270, %swap3A_271] {strides = array<i32>} : memref<64x144xf32, #tpu.memory_space<vmem>>, vector<1x16xf32>,
      %swap3A_273 = vector.shape_cast %swap3A_272 : vector<1x16xf32> to vector<16xf32>
      %swap3A_274 = vector.shape_cast %broadcast_in_dim3A_269 : vector<16xf32> to vector<1x16xf32>
      tpu.vector_store %arg19[%swap3A_270, %swap3A_271], %swap3A_274 {strides = array<i32>} : memref<64x144xf32, #tpu.memory_space<vmem>>, vector<1x16xf32>,
      %broadcast_in_dim3A_275 = arith.constant 0.000000e+00 : f32
      %broadcast_in_dim3A_276 = vector.broadcast %broadcast_in_dim3A_275 : f32 to vector<16xf32>
      %swap3A_277 = arith.index_cast %scan3A_226 : i32 to index
      %swap3A_278 = arith.constant 112 : index
      %swap3A_279 = tpu.vector_load %arg19[%swap3A_277, %swap3A_278] {strides = array<i32>} : memref<64x144xf32, #tpu.memory_space<vmem>>, vector<1x16xf32>,
      %swap3A_280 = vector.shape_cast %swap3A_279 : vector<1x16xf32> to vector<16xf32>
      %swap3A_281 = vector.shape_cast %broadcast_in_dim3A_276 : vector<16xf32> to vector<1x16xf32>
      tpu.vector_store %arg19[%swap3A_277, %swap3A_278], %swap3A_281 {strides = array<i32>} : memref<64x144xf32, #tpu.memory_space<vmem>>, vector<1x16xf32>,
      %broadcast_in_dim3A_282 = arith.constant 0.000000e+00 : f32
      %broadcast_in_dim3A_283 = vector.broadcast %broadcast_in_dim3A_282 : f32 to vector<16xf32>
      %swap3A_284 = arith.index_cast %scan3A_226 : i32 to index
      %swap3A_285 = arith.constant 128 : index
      %swap3A_286 = tpu.vector_load %arg19[%swap3A_284, %swap3A_285] {strides = array<i32>} : memref<64x144xf32, #tpu.memory_space<vmem>>, vector<1x16xf32>,
      %swap3A_287 = vector.shape_cast %swap3A_286 : vector<1x16xf32> to vector<16xf32>
      %swap3A_288 = vector.shape_cast %broadcast_in_dim3A_283 : vector<16xf32> to vector<1x16xf32>
      tpu.vector_store %arg19[%swap3A_284, %swap3A_285], %swap3A_288 {strides = array<i32>} : memref<64x144xf32, #tpu.memory_space<vmem>>, vector<1x16xf32>,
      %scan3A_289 = arith.constant 0 : i32
      scf.yield %scan3A_289 : i32
    }
    %scan3A_8 = arith.constant 64 : i32
    %mul3A_9 = arith.constant 640 : i32
    %mul3A_10 = arith.muli %arg1, %mul3A_9 : i32
    %add3A_11 = arith.constant 0 : i32
    %add3A_12 = arith.addi %mul3A_10, %add3A_11 : i32
    %dma_start3A = arith.constant 0 : i32
    %dma_start3A_13 = tpu.memref_slice %arg20[%add3A_12, %dma_start3A] : memref<10240x144xf32, #tpu.memory_space<vmem_shared>> -> memref<64x144xf32, #tpu.memory_space<vmem_shared>>
    %dma_start3A_14 = arith.constant 0 : i32
    %dma_start3A_15 = tpu.memref_slice %arg20[%add3A_12, %dma_start3A_14] : memref<10240x144xf32, #tpu.memory_space<vmem_shared>> -> memref<64x144xf32, #tpu.memory_space<vmem_shared>>
    tpu.enqueue_dma source(%arg19 : memref<64x144xf32, #tpu.memory_space<vmem>>) target(%dma_start3A_15 : memref<64x144xf32, #tpu.memory_space<vmem_shared>>) target_semaphore(%arg27 : memref<!tpu.dma_semaphore, #tpu.memory_space<semaphore_mem>>)
    %mul3A_16 = arith.constant 640 : i32
    %mul3A_17 = arith.muli %arg1, %mul3A_16 : i32
    %add3A_18 = arith.constant 64 : i32
    %add3A_19 = arith.addi %mul3A_17, %add3A_18 : i32
    %dma_start3A_20 = arith.constant 0 : i32
    %dma_start3A_21 = tpu.memref_slice %arg20[%add3A_19, %dma_start3A_20] : memref<10240x144xf32, #tpu.memory_space<vmem_shared>> -> memref<64x144xf32, #tpu.memory_space<vmem_shared>>
    %dma_start3A_22 = arith.constant 0 : i32
    %dma_start3A_23 = tpu.memref_slice %arg20[%add3A_19, %dma_start3A_22] : memref<10240x144xf32, #tpu.memory_space<vmem_shared>> -> memref<64x144xf32, #tpu.memory_space<vmem_shared>>
    tpu.enqueue_dma source(%arg19 : memref<64x144xf32, #tpu.memory_space<vmem>>) target(%dma_start3A_23 : memref<64x144xf32, #tpu.memory_space<vmem_shared>>) target_semaphore(%arg27 : memref<!tpu.dma_semaphore, #tpu.memory_space<semaphore_mem>>)
    %mul3A_24 = arith.constant 640 : i32
    %mul3A_25 = arith.muli %arg1, %mul3A_24 : i32
    %add3A_26 = arith.constant 128 : i32
    %add3A_27 = arith.addi %mul3A_25, %add3A_26 : i32
    %dma_start3A_28 = arith.constant 0 : i32
    %dma_start3A_29 = tpu.memref_slice %arg20[%add3A_27, %dma_start3A_28] : memref<10240x144xf32, #tpu.memory_space<vmem_shared>> -> memref<64x144xf32, #tpu.memory_space<vmem_shared>>
    %dma_start3A_30 = arith.constant 0 : i32
    %dma_start3A_31 = tpu.memref_slice %arg20[%add3A_27, %dma_start3A_30] : memref<10240x144xf32, #tpu.memory_space<vmem_shared>> -> memref<64x144xf32, #tpu.memory_space<vmem_shared>>
    tpu.enqueue_dma source(%arg19 : memref<64x144xf32, #tpu.memory_space<vmem>>) target(%dma_start3A_31 : memref<64x144xf32, #tpu.memory_space<vmem_shared>>) target_semaphore(%arg27 : memref<!tpu.dma_semaphore, #tpu.memory_space<semaphore_mem>>)
    %mul3A_32 = arith.constant 640 : i32
    %mul3A_33 = arith.muli %arg1, %mul3A_32 : i32
    %add3A_34 = arith.constant 192 : i32
    %add3A_35 = arith.addi %mul3A_33, %add3A_34 : i32
    %dma_start3A_36 = arith.constant 0 : i32
    %dma_start3A_37 = tpu.memref_slice %arg20[%add3A_35, %dma_start3A_36] : memref<10240x144xf32, #tpu.memory_space<vmem_shared>> -> memref<64x144xf32, #tpu.memory_space<vmem_shared>>
    %dma_start3A_38 = arith.constant 0 : i32
    %dma_start3A_39 = tpu.memref_slice %arg20[%add3A_35, %dma_start3A_38] : memref<10240x144xf32, #tpu.memory_space<vmem_shared>> -> memref<64x144xf32, #tpu.memory_space<vmem_shared>>
    tpu.enqueue_dma source(%arg19 : memref<64x144xf32, #tpu.memory_space<vmem>>) target(%dma_start3A_39 : memref<64x144xf32, #tpu.memory_space<vmem_shared>>) target_semaphore(%arg27 : memref<!tpu.dma_semaphore, #tpu.memory_space<semaphore_mem>>)
    %mul3A_40 = arith.constant 640 : i32
    %mul3A_41 = arith.muli %arg1, %mul3A_40 : i32
    %add3A_42 = arith.constant 256 : i32
    %add3A_43 = arith.addi %mul3A_41, %add3A_42 : i32
    %dma_start3A_44 = arith.constant 0 : i32
    %dma_start3A_45 = tpu.memref_slice %arg20[%add3A_43, %dma_start3A_44] : memref<10240x144xf32, #tpu.memory_space<vmem_shared>> -> memref<64x144xf32, #tpu.memory_space<vmem_shared>>
    %dma_start3A_46 = arith.constant 0 : i32
    %dma_start3A_47 = tpu.memref_slice %arg20[%add3A_43, %dma_start3A_46] : memref<10240x144xf32, #tpu.memory_space<vmem_shared>> -> memref<64x144xf32, #tpu.memory_space<vmem_shared>>
    tpu.enqueue_dma source(%arg19 : memref<64x144xf32, #tpu.memory_space<vmem>>) target(%dma_start3A_47 : memref<64x144xf32, #tpu.memory_space<vmem_shared>>) target_semaphore(%arg27 : memref<!tpu.dma_semaphore, #tpu.memory_space<semaphore_mem>>)
    %mul3A_48 = arith.constant 640 : i32
    %mul3A_49 = arith.muli %arg1, %mul3A_48 : i32
    %add3A_50 = arith.constant 320 : i32
    %add3A_51 = arith.addi %mul3A_49, %add3A_50 : i32
    %dma_start3A_52 = arith.constant 0 : i32
    %dma_start3A_53 = tpu.memref_slice %arg20[%add3A_51, %dma_start3A_52] : memref<10240x144xf32, #tpu.memory_space<vmem_shared>> -> memref<64x144xf32, #tpu.memory_space<vmem_shared>>
    %dma_start3A_54 = arith.constant 0 : i32
    %dma_start3A_55 = tpu.memref_slice %arg20[%add3A_51, %dma_start3A_54] : memref<10240x144xf32, #tpu.memory_space<vmem_shared>> -> memref<64x144xf32, #tpu.memory_space<vmem_shared>>
    tpu.enqueue_dma source(%arg19 : memref<64x144xf32, #tpu.memory_space<vmem>>) target(%dma_start3A_55 : memref<64x144xf32, #tpu.memory_space<vmem_shared>>) target_semaphore(%arg27 : memref<!tpu.dma_semaphore, #tpu.memory_space<semaphore_mem>>)
    %mul3A_56 = arith.constant 640 : i32
    %mul3A_57 = arith.muli %arg1, %mul3A_56 : i32
    %add3A_58 = arith.constant 384 : i32
    %add3A_59 = arith.addi %mul3A_57, %add3A_58 : i32
    %dma_start3A_60 = arith.constant 0 : i32
    %dma_start3A_61 = tpu.memref_slice %arg20[%add3A_59, %dma_start3A_60] : memref<10240x144xf32, #tpu.memory_space<vmem_shared>> -> memref<64x144xf32, #tpu.memory_space<vmem_shared>>
    %dma_start3A_62 = arith.constant 0 : i32
    %dma_start3A_63 = tpu.memref_slice %arg20[%add3A_59, %dma_start3A_62] : memref<10240x144xf32, #tpu.memory_space<vmem_shared>> -> memref<64x144xf32, #tpu.memory_space<vmem_shared>>
    tpu.enqueue_dma source(%arg19 : memref<64x144xf32, #tpu.memory_space<vmem>>) target(%dma_start3A_63 : memref<64x144xf32, #tpu.memory_space<vmem_shared>>) target_semaphore(%arg27 : memref<!tpu.dma_semaphore, #tpu.memory_space<semaphore_mem>>)
    %mul3A_64 = arith.constant 640 : i32
    %mul3A_65 = arith.muli %arg1, %mul3A_64 : i32
    %add3A_66 = arith.constant 448 : i32
    %add3A_67 = arith.addi %mul3A_65, %add3A_66 : i32
    %dma_start3A_68 = arith.constant 0 : i32
    %dma_start3A_69 = tpu.memref_slice %arg20[%add3A_67, %dma_start3A_68] : memref<10240x144xf32, #tpu.memory_space<vmem_shared>> -> memref<64x144xf32, #tpu.memory_space<vmem_shared>>
    %dma_start3A_70 = arith.constant 0 : i32
    %dma_start3A_71 = tpu.memref_slice %arg20[%add3A_67, %dma_start3A_70] : memref<10240x144xf32, #tpu.memory_space<vmem_shared>> -> memref<64x144xf32, #tpu.memory_space<vmem_shared>>
    tpu.enqueue_dma source(%arg19 : memref<64x144xf32, #tpu.memory_space<vmem>>) target(%dma_start3A_71 : memref<64x144xf32, #tpu.memory_space<vmem_shared>>) target_semaphore(%arg27 : memref<!tpu.dma_semaphore, #tpu.memory_space<semaphore_mem>>)
    %mul3A_72 = arith.constant 640 : i32
    %mul3A_73 = arith.muli %arg1, %mul3A_72 : i32
    %add3A_74 = arith.constant 512 : i32
    %add3A_75 = arith.addi %mul3A_73, %add3A_74 : i32
    %dma_start3A_76 = arith.constant 0 : i32
    %dma_start3A_77 = tpu.memref_slice %arg20[%add3A_75, %dma_start3A_76] : memref<10240x144xf32, #tpu.memory_space<vmem_shared>> -> memref<64x144xf32, #tpu.memory_space<vmem_shared>>
    %dma_start3A_78 = arith.constant 0 : i32
    %dma_start3A_79 = tpu.memref_slice %arg20[%add3A_75, %dma_start3A_78] : memref<10240x144xf32, #tpu.memory_space<vmem_shared>> -> memref<64x144xf32, #tpu.memory_space<vmem_shared>>
    tpu.enqueue_dma source(%arg19 : memref<64x144xf32, #tpu.memory_space<vmem>>) target(%dma_start3A_79 : memref<64x144xf32, #tpu.memory_space<vmem_shared>>) target_semaphore(%arg27 : memref<!tpu.dma_semaphore, #tpu.memory_space<semaphore_mem>>)
    %mul3A_80 = arith.constant 640 : i32
    %mul3A_81 = arith.muli %arg1, %mul3A_80 : i32
    %add3A_82 = arith.constant 576 : i32
    %add3A_83 = arith.addi %mul3A_81, %add3A_82 : i32
    %dma_start3A_84 = arith.constant 0 : i32
    %dma_start3A_85 = tpu.memref_slice %arg20[%add3A_83, %dma_start3A_84] : memref<10240x144xf32, #tpu.memory_space<vmem_shared>> -> memref<64x144xf32, #tpu.memory_space<vmem_shared>>
    %dma_start3A_86 = arith.constant 0 : i32
    %dma_start3A_87 = tpu.memref_slice %arg20[%add3A_83, %dma_start3A_86] : memref<10240x144xf32, #tpu.memory_space<vmem_shared>> -> memref<64x144xf32, #tpu.memory_space<vmem_shared>>
    tpu.enqueue_dma source(%arg19 : memref<64x144xf32, #tpu.memory_space<vmem>>) target(%dma_start3A_87 : memref<64x144xf32, #tpu.memory_space<vmem_shared>>) target_semaphore(%arg27 : memref<!tpu.dma_semaphore, #tpu.memory_space<semaphore_mem>>)
    %mul3A_88 = arith.constant 640 : i32
    %mul3A_89 = arith.muli %arg1, %mul3A_88 : i32
    %add3A_90 = arith.constant 0 : i32
    %add3A_91 = arith.addi %mul3A_89, %add3A_90 : i32
    %dma_wait3A = arith.constant 0 : i32
    %dma_wait3A_92 = tpu.memref_slice %arg20[%add3A_91, %dma_wait3A] : memref<10240x144xf32, #tpu.memory_space<vmem_shared>> -> memref<64x144xf32, #tpu.memory_space<vmem_shared>>
    %dma_wait3A_93 = arith.constant 0 : i32
    %dma_wait3A_94 = tpu.memref_slice %arg20[%add3A_91, %dma_wait3A_93] : memref<10240x144xf32, #tpu.memory_space<vmem_shared>> -> memref<64x144xf32, #tpu.memory_space<vmem_shared>>
    tpu.wait_dma2 semaphore(%arg27 : memref<!tpu.dma_semaphore, #tpu.memory_space<semaphore_mem>>) src(%arg19 : memref<64x144xf32, #tpu.memory_space<vmem>>) dst(%dma_wait3A_94 : memref<64x144xf32, #tpu.memory_space<vmem_shared>>)
    %mul3A_95 = arith.constant 640 : i32
    %mul3A_96 = arith.muli %arg1, %mul3A_95 : i32
    %add3A_97 = arith.constant 64 : i32
    %add3A_98 = arith.addi %mul3A_96, %add3A_97 : i32
    %dma_wait3A_99 = arith.constant 0 : i32
    %dma_wait3A_100 = tpu.memref_slice %arg20[%add3A_98, %dma_wait3A_99] : memref<10240x144xf32, #tpu.memory_space<vmem_shared>> -> memref<64x144xf32, #tpu.memory_space<vmem_shared>>
    %dma_wait3A_101 = arith.constant 0 : i32
    %dma_wait3A_102 = tpu.memref_slice %arg20[%add3A_98, %dma_wait3A_101] : memref<10240x144xf32, #tpu.memory_space<vmem_shared>> -> memref<64x144xf32, #tpu.memory_space<vmem_shared>>
    tpu.wait_dma2 semaphore(%arg27 : memref<!tpu.dma_semaphore, #tpu.memory_space<semaphore_mem>>) src(%arg19 : memref<64x144xf32, #tpu.memory_space<vmem>>) dst(%dma_wait3A_102 : memref<64x144xf32, #tpu.memory_space<vmem_shared>>)
    %mul3A_103 = arith.constant 640 : i32
    %mul3A_104 = arith.muli %arg1, %mul3A_103 : i32
    %add3A_105 = arith.constant 128 : i32
    %add3A_106 = arith.addi %mul3A_104, %add3A_105 : i32
    %dma_wait3A_107 = arith.constant 0 : i32
    %dma_wait3A_108 = tpu.memref_slice %arg20[%add3A_106, %dma_wait3A_107] : memref<10240x144xf32, #tpu.memory_space<vmem_shared>> -> memref<64x144xf32, #tpu.memory_space<vmem_shared>>
    %dma_wait3A_109 = arith.constant 0 : i32
    %dma_wait3A_110 = tpu.memref_slice %arg20[%add3A_106, %dma_wait3A_109] : memref<10240x144xf32, #tpu.memory_space<vmem_shared>> -> memref<64x144xf32, #tpu.memory_space<vmem_shared>>
    tpu.wait_dma2 semaphore(%arg27 : memref<!tpu.dma_semaphore, #tpu.memory_space<semaphore_mem>>) src(%arg19 : memref<64x144xf32, #tpu.memory_space<vmem>>) dst(%dma_wait3A_110 : memref<64x144xf32, #tpu.memory_space<vmem_shared>>)
    %mul3A_111 = arith.constant 640 : i32
    %mul3A_112 = arith.muli %arg1, %mul3A_111 : i32
    %add3A_113 = arith.constant 192 : i32
    %add3A_114 = arith.addi %mul3A_112, %add3A_113 : i32
    %dma_wait3A_115 = arith.constant 0 : i32
    %dma_wait3A_116 = tpu.memref_slice %arg20[%add3A_114, %dma_wait3A_115] : memref<10240x144xf32, #tpu.memory_space<vmem_shared>> -> memref<64x144xf32, #tpu.memory_space<vmem_shared>>
    %dma_wait3A_117 = arith.constant 0 : i32
    %dma_wait3A_118 = tpu.memref_slice %arg20[%add3A_114, %dma_wait3A_117] : memref<10240x144xf32, #tpu.memory_space<vmem_shared>> -> memref<64x144xf32, #tpu.memory_space<vmem_shared>>
    tpu.wait_dma2 semaphore(%arg27 : memref<!tpu.dma_semaphore, #tpu.memory_space<semaphore_mem>>) src(%arg19 : memref<64x144xf32, #tpu.memory_space<vmem>>) dst(%dma_wait3A_118 : memref<64x144xf32, #tpu.memory_space<vmem_shared>>)
    %mul3A_119 = arith.constant 640 : i32
    %mul3A_120 = arith.muli %arg1, %mul3A_119 : i32
    %add3A_121 = arith.constant 256 : i32
    %add3A_122 = arith.addi %mul3A_120, %add3A_121 : i32
    %dma_wait3A_123 = arith.constant 0 : i32
    %dma_wait3A_124 = tpu.memref_slice %arg20[%add3A_122, %dma_wait3A_123] : memref<10240x144xf32, #tpu.memory_space<vmem_shared>> -> memref<64x144xf32, #tpu.memory_space<vmem_shared>>
    %dma_wait3A_125 = arith.constant 0 : i32
    %dma_wait3A_126 = tpu.memref_slice %arg20[%add3A_122, %dma_wait3A_125] : memref<10240x144xf32, #tpu.memory_space<vmem_shared>> -> memref<64x144xf32, #tpu.memory_space<vmem_shared>>
    tpu.wait_dma2 semaphore(%arg27 : memref<!tpu.dma_semaphore, #tpu.memory_space<semaphore_mem>>) src(%arg19 : memref<64x144xf32, #tpu.memory_space<vmem>>) dst(%dma_wait3A_126 : memref<64x144xf32, #tpu.memory_space<vmem_shared>>)
    %mul3A_127 = arith.constant 640 : i32
    %mul3A_128 = arith.muli %arg1, %mul3A_127 : i32
    %add3A_129 = arith.constant 320 : i32
    %add3A_130 = arith.addi %mul3A_128, %add3A_129 : i32
    %dma_wait3A_131 = arith.constant 0 : i32
    %dma_wait3A_132 = tpu.memref_slice %arg20[%add3A_130, %dma_wait3A_131] : memref<10240x144xf32, #tpu.memory_space<vmem_shared>> -> memref<64x144xf32, #tpu.memory_space<vmem_shared>>
    %dma_wait3A_133 = arith.constant 0 : i32
    %dma_wait3A_134 = tpu.memref_slice %arg20[%add3A_130, %dma_wait3A_133] : memref<10240x144xf32, #tpu.memory_space<vmem_shared>> -> memref<64x144xf32, #tpu.memory_space<vmem_shared>>
    tpu.wait_dma2 semaphore(%arg27 : memref<!tpu.dma_semaphore, #tpu.memory_space<semaphore_mem>>) src(%arg19 : memref<64x144xf32, #tpu.memory_space<vmem>>) dst(%dma_wait3A_134 : memref<64x144xf32, #tpu.memory_space<vmem_shared>>)
    %mul3A_135 = arith.constant 640 : i32
    %mul3A_136 = arith.muli %arg1, %mul3A_135 : i32
    %add3A_137 = arith.constant 384 : i32
    %add3A_138 = arith.addi %mul3A_136, %add3A_137 : i32
    %dma_wait3A_139 = arith.constant 0 : i32
    %dma_wait3A_140 = tpu.memref_slice %arg20[%add3A_138, %dma_wait3A_139] : memref<10240x144xf32, #tpu.memory_space<vmem_shared>> -> memref<64x144xf32, #tpu.memory_space<vmem_shared>>
    %dma_wait3A_141 = arith.constant 0 : i32
    %dma_wait3A_142 = tpu.memref_slice %arg20[%add3A_138, %dma_wait3A_141] : memref<10240x144xf32, #tpu.memory_space<vmem_shared>> -> memref<64x144xf32, #tpu.memory_space<vmem_shared>>
    tpu.wait_dma2 semaphore(%arg27 : memref<!tpu.dma_semaphore, #tpu.memory_space<semaphore_mem>>) src(%arg19 : memref<64x144xf32, #tpu.memory_space<vmem>>) dst(%dma_wait3A_142 : memref<64x144xf32, #tpu.memory_space<vmem_shared>>)
    %mul3A_143 = arith.constant 640 : i32
    %mul3A_144 = arith.muli %arg1, %mul3A_143 : i32
    %add3A_145 = arith.constant 448 : i32
    %add3A_146 = arith.addi %mul3A_144, %add3A_145 : i32
    %dma_wait3A_147 = arith.constant 0 : i32
    %dma_wait3A_148 = tpu.memref_slice %arg20[%add3A_146, %dma_wait3A_147] : memref<10240x144xf32, #tpu.memory_space<vmem_shared>> -> memref<64x144xf32, #tpu.memory_space<vmem_shared>>
    %dma_wait3A_149 = arith.constant 0 : i32
    %dma_wait3A_150 = tpu.memref_slice %arg20[%add3A_146, %dma_wait3A_149] : memref<10240x144xf32, #tpu.memory_space<vmem_shared>> -> memref<64x144xf32, #tpu.memory_space<vmem_shared>>
    tpu.wait_dma2 semaphore(%arg27 : memref<!tpu.dma_semaphore, #tpu.memory_space<semaphore_mem>>) src(%arg19 : memref<64x144xf32, #tpu.memory_space<vmem>>) dst(%dma_wait3A_150 : memref<64x144xf32, #tpu.memory_space<vmem_shared>>)
    %mul3A_151 = arith.constant 640 : i32
    %mul3A_152 = arith.muli %arg1, %mul3A_151 : i32
    %add3A_153 = arith.constant 512 : i32
    %add3A_154 = arith.addi %mul3A_152, %add3A_153 : i32
    %dma_wait3A_155 = arith.constant 0 : i32
    %dma_wait3A_156 = tpu.memref_slice %arg20[%add3A_154, %dma_wait3A_155] : memref<10240x144xf32, #tpu.memory_space<vmem_shared>> -> memref<64x144xf32, #tpu.memory_space<vmem_shared>>
    %dma_wait3A_157 = arith.constant 0 : i32
    %dma_wait3A_158 = tpu.memref_slice %arg20[%add3A_154, %dma_wait3A_157] : memref<10240x144xf32, #tpu.memory_space<vmem_shared>> -> memref<64x144xf32, #tpu.memory_space<vmem_shared>>
    tpu.wait_dma2 semaphore(%arg27 : memref<!tpu.dma_semaphore, #tpu.memory_space<semaphore_mem>>) src(%arg19 : memref<64x144xf32, #tpu.memory_space<vmem>>) dst(%dma_wait3A_158 : memref<64x144xf32, #tpu.memory_space<vmem_shared>>)
    %mul3A_159 = arith.constant 640 : i32
    %mul3A_160 = arith.muli %arg1, %mul3A_159 : i32
    %add3A_161 = arith.constant 576 : i32
    %add3A_162 = arith.addi %mul3A_160, %add3A_161 : i32
    %dma_wait3A_163 = arith.constant 0 : i32
    %dma_wait3A_164 = tpu.memref_slice %arg20[%add3A_162, %dma_wait3A_163] : memref<10240x144xf32, #tpu.memory_space<vmem_shared>> -> memref<64x144xf32, #tpu.memory_space<vmem_shared>>
    %dma_wait3A_165 = arith.constant 0 : i32
    %dma_wait3A_166 = tpu.memref_slice %arg20[%add3A_162, %dma_wait3A_165] : memref<10240x144xf32, #tpu.memory_space<vmem_shared>> -> memref<64x144xf32, #tpu.memory_space<vmem_shared>>
    tpu.wait_dma2 semaphore(%arg27 : memref<!tpu.dma_semaphore, #tpu.memory_space<semaphore_mem>>) src(%arg19 : memref<64x144xf32, #tpu.memory_space<vmem>>) dst(%dma_wait3A_166 : memref<64x144xf32, #tpu.memory_space<vmem_shared>>)
    "tpu.region"() ({
      %run_scoped3A = tpu.sem_alloc : memref<!tpu.dma_semaphore, #tpu.memory_space<semaphore_mem>>
      tpu.enqueue_dma source(%arg6 : memref<16xf32, #tpu.memory_space<hbm>>) target(%arg18 : memref<16xf32, #tpu.memory_space<vmem>>) target_semaphore(%run_scoped3A : memref<!tpu.dma_semaphore, #tpu.memory_space<semaphore_mem>>)
      tpu.wait_dma2 semaphore(%run_scoped3A : memref<!tpu.dma_semaphore, #tpu.memory_space<semaphore_mem>>) src(%arg6 : memref<16xf32, #tpu.memory_space<hbm>>) dst(%arg18 : memref<16xf32, #tpu.memory_space<vmem>>)
      tpu.yield
    }) : () -> ()
    %get3A = arith.constant 0 : index
    %get3A_167 = tpu.vector_load %arg18[%get3A] {strides = array<i32>} : memref<16xf32, #tpu.memory_space<vmem>>, vector<16xf32>,
    %get3A_168 = vector.shape_cast %get3A_167 : vector<16xf32> to vector<16xf32>
    %barrier3A = arith.constant 0 : index
    tpu.barrier barrier_id(%barrier3A)
    %add3A_169 = arith.constant 0 : i32
    %add3A_170 = arith.addi %mul3A_2, %add3A_169 : i32
    %dma_start3A_171 = tpu.memref_slice %arg4[%add3A_170] : memref<320000xi32, #tpu.memory_space<hbm>> -> memref<80xi32, #tpu.memory_space<hbm>>
    %dma_start3A_172 = tpu.memref_slice %arg4[%add3A_170] : memref<320000xi32, #tpu.memory_space<hbm>> -> memref<80xi32, #tpu.memory_space<hbm>>
    tpu.enqueue_dma source(%dma_start3A_172 : memref<80xi32, #tpu.memory_space<hbm>>) target(%arg8 : memref<80xi32, #tpu.memory_space<vmem>>) target_semaphore(%arg21 : memref<!tpu.dma_semaphore, #tpu.memory_space<semaphore_mem>>)
    %dma_start3A_173 = tpu.memref_slice %arg5[%add3A_170] : memref<320000xi32, #tpu.memory_space<hbm>> -> memref<80xi32, #tpu.memory_space<hbm>>
    %dma_start3A_174 = tpu.memref_slice %arg5[%add3A_170] : memref<320000xi32, #tpu.memory_space<hbm>> -> memref<80xi32, #tpu.memory_space<hbm>>
    tpu.enqueue_dma source(%dma_start3A_174 : memref<80xi32, #tpu.memory_space<hbm>>) target(%arg9 : memref<80xi32, #tpu.memory_space<vmem>>) target_semaphore(%arg21 : memref<!tpu.dma_semaphore, #tpu.memory_space<semaphore_mem>>)
    %dma_wait3A_175 = arith.constant 0 : i32
    %dma_wait3A_176 = tpu.memref_slice %arg4[%dma_wait3A_175] : memref<320000xi32, #tpu.memory_space<hbm>> -> memref<80xi32, #tpu.memory_space<hbm>>
    %dma_wait3A_177 = arith.constant 0 : i32
    %dma_wait3A_178 = tpu.memref_slice %arg4[%dma_wait3A_177] : memref<320000xi32, #tpu.memory_space<hbm>> -> memref<80xi32, #tpu.memory_space<hbm>>
    tpu.wait_dma2 semaphore(%arg21 : memref<!tpu.dma_semaphore, #tpu.memory_space<semaphore_mem>>) src(%dma_wait3A_178 : memref<80xi32, #tpu.memory_space<hbm>>) dst(%arg8 : memref<80xi32, #tpu.memory_space<vmem>>)
    %dma_wait3A_179 = arith.constant 0 : i32
    %dma_wait3A_180 = tpu.memref_slice %arg5[%dma_wait3A_179] : memref<320000xi32, #tpu.memory_space<hbm>> -> memref<80xi32, #tpu.memory_space<hbm>>
    %dma_wait3A_181 = arith.constant 0 : i32
    %dma_wait3A_182 = tpu.memref_slice %arg5[%dma_wait3A_181] : memref<320000xi32, #tpu.memory_space<hbm>> -> memref<80xi32, #tpu.memory_space<hbm>>
    tpu.wait_dma2 semaphore(%arg21 : memref<!tpu.dma_semaphore, #tpu.memory_space<semaphore_mem>>) src(%dma_wait3A_182 : memref<80xi32, #tpu.memory_space<hbm>>) dst(%arg9 : memref<80xi32, #tpu.memory_space<vmem>>)
    %dma_start3A_183 = arith.constant 0 : i32
    %dma_start3A_184 = arith.constant 0 : i32
    %dma_start3A_185 = tpu.memref_slice %arg2[%dma_start3A_183, %dma_start3A_184] : memref<10000x144xf32, #tpu.memory_space<hbm>> -> memref<10000x144xf32, #tpu.memory_space<hbm>>
    tpu.enqueue_indirect_dma source(%dma_start3A_185 : memref<10000x144xf32, #tpu.memory_space<hbm>>) target(%arg14 : memref<80x144xf32, #tpu.memory_space<vmem>>) offsets(%arg8 : memref<80xi32, #tpu.memory_space<vmem>>) semaphore(%arg23 : memref<!tpu.dma_semaphore, #tpu.memory_space<semaphore_mem>>)
    %dma_start3A_186 = arith.constant 0 : i32
    %dma_start3A_187 = arith.constant 0 : i32
    %dma_start3A_188 = tpu.memref_slice %arg3[%dma_start3A_186, %dma_start3A_187] : memref<10000x16xf32, #tpu.memory_space<hbm>> -> memref<10000x16xf32, #tpu.memory_space<hbm>>
    tpu.enqueue_indirect_dma source(%dma_start3A_188 : memref<10000x16xf32, #tpu.memory_space<hbm>>) target(%arg15 : memref<80x16xf32, #tpu.memory_space<vmem>>) offsets(%arg9 : memref<80xi32, #tpu.memory_space<vmem>>) semaphore(%arg23 : memref<!tpu.dma_semaphore, #tpu.memory_space<semaphore_mem>>)
    %add3A_189 = arith.constant 80 : i32
    %add3A_190 = arith.addi %mul3A_2, %add3A_189 : i32
    %dma_start3A_191 = tpu.memref_slice %arg4[%add3A_190] : memref<320000xi32, #tpu.memory_space<hbm>> -> memref<80xi32, #tpu.memory_space<hbm>>
    %dma_start3A_192 = tpu.memref_slice %arg4[%add3A_190] : memref<320000xi32, #tpu.memory_space<hbm>> -> memref<80xi32, #tpu.memory_space<hbm>>
    tpu.enqueue_dma source(%dma_start3A_192 : memref<80xi32, #tpu.memory_space<hbm>>) target(%arg10 : memref<80xi32, #tpu.memory_space<vmem>>) target_semaphore(%arg22 : memref<!tpu.dma_semaphore, #tpu.memory_space<semaphore_mem>>)
    %dma_start3A_193 = tpu.memref_slice %arg5[%add3A_190] : memref<320000xi32, #tpu.memory_space<hbm>> -> memref<80xi32, #tpu.memory_space<hbm>>
    %dma_start3A_194 = tpu.memref_slice %arg5[%add3A_190] : memref<320000xi32, #tpu.memory_space<hbm>> -> memref<80xi32, #tpu.memory_space<hbm>>
    tpu.enqueue_dma source(%dma_start3A_194 : memref<80xi32, #tpu.memory_space<hbm>>) target(%arg11 : memref<80xi32, #tpu.memory_space<vmem>>) target_semaphore(%arg22 : memref<!tpu.dma_semaphore, #tpu.memory_space<semaphore_mem>>)
    %scan3A_195 = arith.constant 0 : i32
    %scan3A_196 = arith.constant 0 : i32
    %scan3A_197 = arith.constant 62 : i32
    %scan3A_198 = arith.addi %scan3A_196, %scan3A_197 : i32
    %scan3A_199 = arith.constant 1 : i32
    %scan3A_200 = scf.for %scan3A_226 = %scan3A_196 to %scan3A_198 step %scan3A_199 iter_args(%scan3A_227 = %scan3A_195) -> (i32)  : i32 {
      %gt3A = arith.constant 0 : i32
      %gt3A_228 = arith.cmpi sgt, %scan3A_226, %gt3A : i32
      %convert_element_type3A = arith.extui %gt3A_228 : i1 to i32
      %cond3A = arith.constant 0 : i32
      %cond3A_229 = arith.cmpi ne, %convert_element_type3A, %cond3A : i32
      scf.if %cond3A_229 {
        %dma_wait3A_378 = arith.constant 0 : i32
        %dma_wait3A_379 = arith.constant 0 : i32
        %dma_wait3A_380 = tpu.memref_slice %arg20[%dma_wait3A_378, %dma_wait3A_379] : memref<10240x144xf32, #tpu.memory_space<vmem_shared>> -> memref<10240x144xf32, #tpu.memory_space<vmem_shared>>
        tpu.wait_indirect_dma semaphore(%arg26 : memref<!tpu.dma_semaphore, #tpu.memory_space<semaphore_mem>>) src(%arg16 : memref<80x144xf32, #tpu.memory_space<vmem>>) dst(%dma_wait3A_380 : memref<10240x144xf32, #tpu.memory_space<vmem_shared>>)
      } else {
      }
      %dma_wait3A_230 = arith.constant 0 : i32
      %dma_wait3A_231 = tpu.memref_slice %arg4[%dma_wait3A_230] : memref<320000xi32, #tpu.memory_space<hbm>> -> memref<80xi32, #tpu.memory_space<hbm>>
      %dma_wait3A_232 = arith.constant 0 : i32
      %dma_wait3A_233 = tpu.memref_slice %arg4[%dma_wait3A_232] : memref<320000xi32, #tpu.memory_space<hbm>> -> memref<80xi32, #tpu.memory_space<hbm>>
      tpu.wait_dma2 semaphore(%arg22 : memref<!tpu.dma_semaphore, #tpu.memory_space<semaphore_mem>>) src(%dma_wait3A_233 : memref<80xi32, #tpu.memory_space<hbm>>) dst(%arg10 : memref<80xi32, #tpu.memory_space<vmem>>)
      %dma_wait3A_234 = arith.constant 0 : i32
      %dma_wait3A_235 = tpu.memref_slice %arg5[%dma_wait3A_234] : memref<320000xi32, #tpu.memory_space<hbm>> -> memref<80xi32, #tpu.memory_space<hbm>>
      %dma_wait3A_236 = arith.constant 0 : i32
      %dma_wait3A_237 = tpu.memref_slice %arg5[%dma_wait3A_236] : memref<320000xi32, #tpu.memory_space<hbm>> -> memref<80xi32, #tpu.memory_space<hbm>>
      tpu.wait_dma2 semaphore(%arg22 : memref<!tpu.dma_semaphore, #tpu.memory_space<semaphore_mem>>) src(%dma_wait3A_237 : memref<80xi32, #tpu.memory_space<hbm>>) dst(%arg11 : memref<80xi32, #tpu.memory_space<vmem>>)
      %dma_start3A_238 = arith.constant 0 : i32
      %dma_start3A_239 = arith.constant 0 : i32
      %dma_start3A_240 = tpu.memref_slice %arg2[%dma_start3A_238, %dma_start3A_239] : memref<10000x144xf32, #tpu.memory_space<hbm>> -> memref<10000x144xf32, #tpu.memory_space<hbm>>
      tpu.enqueue_indirect_dma source(%dma_start3A_240 : memref<10000x144xf32, #tpu.memory_space<hbm>>) target(%arg16 : memref<80x144xf32, #tpu.memory_space<vmem>>) offsets(%arg10 : memref<80xi32, #tpu.memory_space<vmem>>) semaphore(%arg24 : memref<!tpu.dma_semaphore, #tpu.memory_space<semaphore_mem>>)
      %dma_start3A_241 = arith.constant 0 : i32
      %dma_start3A_242 = arith.constant 0 : i32
      %dma_start3A_243 = tpu.memref_slice %arg3[%dma_start3A_241, %dma_start3A_242] : memref<10000x16xf32, #tpu.memory_space<hbm>> -> memref<10000x16xf32, #tpu.memory_space<hbm>>
      tpu.enqueue_indirect_dma source(%dma_start3A_243 : memref<10000x16xf32, #tpu.memory_space<hbm>>) target(%arg17 : memref<80x16xf32, #tpu.memory_space<vmem>>) offsets(%arg11 : memref<80xi32, #tpu.memory_space<vmem>>) semaphore(%arg24 : memref<!tpu.dma_semaphore, #tpu.memory_space<semaphore_mem>>)
      %dma_wait3A_244 = arith.constant 0 : i32
      %dma_wait3A_245 = arith.constant 0 : i32
      %dma_wait3A_246 = tpu.memref_slice %arg2[%dma_wait3A_244, %dma_wait3A_245] : memref<10000x144xf32, #tpu.memory_space<hbm>> -> memref<10000x144xf32, #tpu.memory_space<hbm>>
      tpu.wait_indirect_dma semaphore(%arg23 : memref<!tpu.dma_semaphore, #tpu.memory_space<semaphore_mem>>) src(%dma_wait3A_246 : memref<10000x144xf32, #tpu.memory_space<hbm>>) dst(%arg14 : memref<80x144xf32, #tpu.memory_space<vmem>>)
      %dma_wait3A_247 = arith.constant 0 : i32
      %dma_wait3A_248 = arith.constant 0 : i32
      %dma_wait3A_249 = tpu.memref_slice %arg3[%dma_wait3A_247, %dma_wait3A_248] : memref<10000x16xf32, #tpu.memory_space<hbm>> -> memref<10000x16xf32, #tpu.memory_space<hbm>>
      tpu.wait_indirect_dma semaphore(%arg23 : memref<!tpu.dma_semaphore, #tpu.memory_space<semaphore_mem>>) src(%dma_wait3A_249 : memref<10000x16xf32, #tpu.memory_space<hbm>>) dst(%arg15 : memref<80x16xf32, #tpu.memory_space<vmem>>)
      %parallel_loop3A_250 = arith.constant 0 : i32
      %parallel_loop3A_251 = arith.constant 80 : i32
      %parallel_loop3A_252 = arith.constant 1 : i32
      scf.for %parallel_loop3A_378 = %parallel_loop3A_250 to %parallel_loop3A_251 step %parallel_loop3A_252  : i32 {
        %parallel_loop3A_379 = arith.index_cast %parallel_loop3A_378 : i32 to index
        %parallel_loop3A_380 = arith.constant 128 : index
        %parallel_loop3A_381 = tpu.vector_load %arg14[%parallel_loop3A_379, %parallel_loop3A_380] {strides = array<i32>} : memref<80x144xf32, #tpu.memory_space<vmem>>, vector<1x16xf32>,
        %parallel_loop3A_382 = vector.shape_cast %parallel_loop3A_381 : vector<1x16xf32> to vector<16xf32>
        %parallel_loop3A_383 = arith.index_cast %parallel_loop3A_378 : i32 to index
        %parallel_loop3A_384 = arith.constant 0 : index
        %parallel_loop3A_385 = tpu.vector_load %arg15[%parallel_loop3A_383, %parallel_loop3A_384] {strides = array<i32>} : memref<80x16xf32, #tpu.memory_space<vmem>>, vector<1x16xf32>,
        %parallel_loop3A_386 = vector.shape_cast %parallel_loop3A_385 : vector<1x16xf32> to vector<16xf32>
        %parallel_loop3A_387 = arith.addf %parallel_loop3A_382, %parallel_loop3A_386 : vector<16xf32>
        %parallel_loop3A_388 = arith.constant 0.000000e+00 : f32
        %parallel_loop3A_389 = vector.broadcast %parallel_loop3A_388 : f32 to vector<16xf32>
        %parallel_loop3A_390 = arith.cmpf oge, %parallel_loop3A_387, %parallel_loop3A_389 : vector<16xf32>
        %parallel_loop3A_391 = arith.constant 2.000000e-01 : f32
        %parallel_loop3A_392 = vector.broadcast %parallel_loop3A_391 : f32 to vector<16xf32>
        %parallel_loop3A_393 = arith.mulf %parallel_loop3A_392, %parallel_loop3A_387 : vector<16xf32>
        %parallel_loop3A_394 = arith.select %parallel_loop3A_390, %parallel_loop3A_387, %parallel_loop3A_393 : vector<16xi1>, vector<16xf32>
        %parallel_loop3A_395 = arith.subf %parallel_loop3A_394, %get3A_168 : vector<16xf32>
        %parallel_loop3A_396 = math.exp %parallel_loop3A_395 : vector<16xf32>
        %parallel_loop3A_397 = arith.index_cast %parallel_loop3A_378 : i32 to index
        %parallel_loop3A_398 = arith.constant 128 : index
        %parallel_loop3A_399 = tpu.vector_load %arg14[%parallel_loop3A_397, %parallel_loop3A_398] {strides = array<i32>} : memref<80x144xf32, #tpu.memory_space<vmem>>, vector<1x16xf32>,
        %parallel_loop3A_400 = vector.shape_cast %parallel_loop3A_399 : vector<1x16xf32> to vector<16xf32>
        %parallel_loop3A_401 = vector.shape_cast %parallel_loop3A_396 : vector<16xf32> to vector<1x16xf32>
        tpu.vector_store %arg14[%parallel_loop3A_397, %parallel_loop3A_398], %parallel_loop3A_401 {strides = array<i32>} : memref<80x144xf32, #tpu.memory_space<vmem>>, vector<1x16xf32>,
        %parallel_loop3A_402 = arith.constant 0 : i32
        %parallel_loop3A_403 = vector.broadcast %parallel_loop3A_402 : i32 to vector<16xi32>
        %parallel_loop3A_404 = vector.shape_cast %parallel_loop3A_403 : vector<16xi32> to vector<16x1xi32>
        %parallel_loop3A_405 = vector.shape_cast %parallel_loop3A_404 : vector<16x1xi32> to vector<16xi32>
        %parallel_loop3A_406 = tpu.dynamic_gather %parallel_loop3A_396[%parallel_loop3A_405] in [0] : vector<16xf32>, vector<16xi32> -> vector<16xf32>
        %parallel_loop3A_407 = arith.index_cast %parallel_loop3A_378 : i32 to index
        %parallel_loop3A_408 = arith.constant 0 : index
        %parallel_loop3A_409 = tpu.vector_load %arg14[%parallel_loop3A_407, %parallel_loop3A_408] {strides = array<i32>} : memref<80x144xf32, #tpu.memory_space<vmem>>, vector<1x16xf32>,
        %parallel_loop3A_410 = vector.shape_cast %parallel_loop3A_409 : vector<1x16xf32> to vector<16xf32>
        %parallel_loop3A_411 = arith.mulf %parallel_loop3A_410, %parallel_loop3A_406 : vector<16xf32>
        %parallel_loop3A_412 = arith.index_cast %parallel_loop3A_378 : i32 to index
        %parallel_loop3A_413 = arith.constant 0 : index
        %parallel_loop3A_414 = tpu.vector_load %arg14[%parallel_loop3A_412, %parallel_loop3A_413] {strides = array<i32>} : memref<80x144xf32, #tpu.memory_space<vmem>>, vector<1x16xf32>,
        %parallel_loop3A_415 = vector.shape_cast %parallel_loop3A_414 : vector<1x16xf32> to vector<16xf32>
        %parallel_loop3A_416 = vector.shape_cast %parallel_loop3A_411 : vector<16xf32> to vector<1x16xf32>
        tpu.vector_store %arg14[%parallel_loop3A_412, %parallel_loop3A_413], %parallel_loop3A_416 {strides = array<i32>} : memref<80x144xf32, #tpu.memory_space<vmem>>, vector<1x16xf32>,
        %parallel_loop3A_417 = arith.constant 1 : i32
        %parallel_loop3A_418 = vector.broadcast %parallel_loop3A_417 : i32 to vector<16xi32>
        %parallel_loop3A_419 = vector.shape_cast %parallel_loop3A_418 : vector<16xi32> to vector<16x1xi32>
        %parallel_loop3A_420 = vector.shape_cast %parallel_loop3A_419 : vector<16x1xi32> to vector<16xi32>
        %parallel_loop3A_421 = tpu.dynamic_gather %parallel_loop3A_396[%parallel_loop3A_420] in [0] : vector<16xf32>, vector<16xi32> -> vector<16xf32>
        %parallel_loop3A_422 = arith.index_cast %parallel_loop3A_378 : i32 to index
        %parallel_loop3A_423 = arith.constant 16 : index
        %parallel_loop3A_424 = tpu.vector_load %arg14[%parallel_loop3A_422, %parallel_loop3A_423] {strides = array<i32>} : memref<80x144xf32, #tpu.memory_space<vmem>>, vector<1x16xf32>,
        %parallel_loop3A_425 = vector.shape_cast %parallel_loop3A_424 : vector<1x16xf32> to vector<16xf32>
        %parallel_loop3A_426 = arith.mulf %parallel_loop3A_425, %parallel_loop3A_421 : vector<16xf32>
        %parallel_loop3A_427 = arith.index_cast %parallel_loop3A_378 : i32 to index
        %parallel_loop3A_428 = arith.constant 16 : index
        %parallel_loop3A_429 = tpu.vector_load %arg14[%parallel_loop3A_427, %parallel_loop3A_428] {strides = array<i32>} : memref<80x144xf32, #tpu.memory_space<vmem>>, vector<1x16xf32>,
        %parallel_loop3A_430 = vector.shape_cast %parallel_loop3A_429 : vector<1x16xf32> to vector<16xf32>
        %parallel_loop3A_431 = vector.shape_cast %parallel_loop3A_426 : vector<16xf32> to vector<1x16xf32>
        tpu.vector_store %arg14[%parallel_loop3A_427, %parallel_loop3A_428], %parallel_loop3A_431 {strides = array<i32>} : memref<80x144xf32, #tpu.memory_space<vmem>>, vector<1x16xf32>,
        %parallel_loop3A_432 = arith.constant 2 : i32
        %parallel_loop3A_433 = vector.broadcast %parallel_loop3A_432 : i32 to vector<16xi32>
        %parallel_loop3A_434 = vector.shape_cast %parallel_loop3A_433 : vector<16xi32> to vector<16x1xi32>
        %parallel_loop3A_435 = vector.shape_cast %parallel_loop3A_434 : vector<16x1xi32> to vector<16xi32>
        %parallel_loop3A_436 = tpu.dynamic_gather %parallel_loop3A_396[%parallel_loop3A_435] in [0] : vector<16xf32>, vector<16xi32> -> vector<16xf32>
        %parallel_loop3A_437 = arith.index_cast %parallel_loop3A_378 : i32 to index
        %parallel_loop3A_438 = arith.constant 32 : index
        %parallel_loop3A_439 = tpu.vector_load %arg14[%parallel_loop3A_437, %parallel_loop3A_438] {strides = array<i32>} : memref<80x144xf32, #tpu.memory_space<vmem>>, vector<1x16xf32>,
        %parallel_loop3A_440 = vector.shape_cast %parallel_loop3A_439 : vector<1x16xf32> to vector<16xf32>
        %parallel_loop3A_441 = arith.mulf %parallel_loop3A_440, %parallel_loop3A_436 : vector<16xf32>
        %parallel_loop3A_442 = arith.index_cast %parallel_loop3A_378 : i32 to index
        %parallel_loop3A_443 = arith.constant 32 : index
        %parallel_loop3A_444 = tpu.vector_load %arg14[%parallel_loop3A_442, %parallel_loop3A_443] {strides = array<i32>} : memref<80x144xf32, #tpu.memory_space<vmem>>, vector<1x16xf32>,
        %parallel_loop3A_445 = vector.shape_cast %parallel_loop3A_444 : vector<1x16xf32> to vector<16xf32>
        %parallel_loop3A_446 = vector.shape_cast %parallel_loop3A_441 : vector<16xf32> to vector<1x16xf32>
        tpu.vector_store %arg14[%parallel_loop3A_442, %parallel_loop3A_443], %parallel_loop3A_446 {strides = array<i32>} : memref<80x144xf32, #tpu.memory_space<vmem>>, vector<1x16xf32>,
        %parallel_loop3A_447 = arith.constant 3 : i32
        %parallel_loop3A_448 = vector.broadcast %parallel_loop3A_447 : i32 to vector<16xi32>
        %parallel_loop3A_449 = vector.shape_cast %parallel_loop3A_448 : vector<16xi32> to vector<16x1xi32>
        %parallel_loop3A_450 = vector.shape_cast %parallel_loop3A_449 : vector<16x1xi32> to vector<16xi32>
        %parallel_loop3A_451 = tpu.dynamic_gather %parallel_loop3A_396[%parallel_loop3A_450] in [0] : vector<16xf32>, vector<16xi32> -> vector<16xf32>
        %parallel_loop3A_452 = arith.index_cast %parallel_loop3A_378 : i32 to index
        %parallel_loop3A_453 = arith.constant 48 : index
        %parallel_loop3A_454 = tpu.vector_load %arg14[%parallel_loop3A_452, %parallel_loop3A_453] {strides = array<i32>} : memref<80x144xf32, #tpu.memory_space<vmem>>, vector<1x16xf32>,
        %parallel_loop3A_455 = vector.shape_cast %parallel_loop3A_454 : vector<1x16xf32> to vector<16xf32>
        %parallel_loop3A_456 = arith.mulf %parallel_loop3A_455, %parallel_loop3A_451 : vector<16xf32>
        %parallel_loop3A_457 = arith.index_cast %parallel_loop3A_378 : i32 to index
        %parallel_loop3A_458 = arith.constant 48 : index
        %parallel_loop3A_459 = tpu.vector_load %arg14[%parallel_loop3A_457, %parallel_loop3A_458] {strides = array<i32>} : memref<80x144xf32, #tpu.memory_space<vmem>>, vector<1x16xf32>,
        %parallel_loop3A_460 = vector.shape_cast %parallel_loop3A_459 : vector<1x16xf32> to vector<16xf32>
        %parallel_loop3A_461 = vector.shape_cast %parallel_loop3A_456 : vector<16xf32> to vector<1x16xf32>
        tpu.vector_store %arg14[%parallel_loop3A_457, %parallel_loop3A_458], %parallel_loop3A_461 {strides = array<i32>} : memref<80x144xf32, #tpu.memory_space<vmem>>, vector<1x16xf32>,
        %parallel_loop3A_462 = arith.constant 4 : i32
        %parallel_loop3A_463 = vector.broadcast %parallel_loop3A_462 : i32 to vector<16xi32>
        %parallel_loop3A_464 = vector.shape_cast %parallel_loop3A_463 : vector<16xi32> to vector<16x1xi32>
        %parallel_loop3A_465 = vector.shape_cast %parallel_loop3A_464 : vector<16x1xi32> to vector<16xi32>
        %parallel_loop3A_466 = tpu.dynamic_gather %parallel_loop3A_396[%parallel_loop3A_465] in [0] : vector<16xf32>, vector<16xi32> -> vector<16xf32>
        %parallel_loop3A_467 = arith.index_cast %parallel_loop3A_378 : i32 to index
        %parallel_loop3A_468 = arith.constant 64 : index
        %parallel_loop3A_469 = tpu.vector_load %arg14[%parallel_loop3A_467, %parallel_loop3A_468] {strides = array<i32>} : memref<80x144xf32, #tpu.memory_space<vmem>>, vector<1x16xf32>,
        %parallel_loop3A_470 = vector.shape_cast %parallel_loop3A_469 : vector<1x16xf32> to vector<16xf32>
        %parallel_loop3A_471 = arith.mulf %parallel_loop3A_470, %parallel_loop3A_466 : vector<16xf32>
        %parallel_loop3A_472 = arith.index_cast %parallel_loop3A_378 : i32 to index
        %parallel_loop3A_473 = arith.constant 64 : index
        %parallel_loop3A_474 = tpu.vector_load %arg14[%parallel_loop3A_472, %parallel_loop3A_473] {strides = array<i32>} : memref<80x144xf32, #tpu.memory_space<vmem>>, vector<1x16xf32>,
        %parallel_loop3A_475 = vector.shape_cast %parallel_loop3A_474 : vector<1x16xf32> to vector<16xf32>
        %parallel_loop3A_476 = vector.shape_cast %parallel_loop3A_471 : vector<16xf32> to vector<1x16xf32>
        tpu.vector_store %arg14[%parallel_loop3A_472, %parallel_loop3A_473], %parallel_loop3A_476 {strides = array<i32>} : memref<80x144xf32, #tpu.memory_space<vmem>>, vector<1x16xf32>,
        %parallel_loop3A_477 = arith.constant 5 : i32
        %parallel_loop3A_478 = vector.broadcast %parallel_loop3A_477 : i32 to vector<16xi32>
        %parallel_loop3A_479 = vector.shape_cast %parallel_loop3A_478 : vector<16xi32> to vector<16x1xi32>
        %parallel_loop3A_480 = vector.shape_cast %parallel_loop3A_479 : vector<16x1xi32> to vector<16xi32>
        %parallel_loop3A_481 = tpu.dynamic_gather %parallel_loop3A_396[%parallel_loop3A_480] in [0] : vector<16xf32>, vector<16xi32> -> vector<16xf32>
        %parallel_loop3A_482 = arith.index_cast %parallel_loop3A_378 : i32 to index
        %parallel_loop3A_483 = arith.constant 80 : index
        %parallel_loop3A_484 = tpu.vector_load %arg14[%parallel_loop3A_482, %parallel_loop3A_483] {strides = array<i32>} : memref<80x144xf32, #tpu.memory_space<vmem>>, vector<1x16xf32>,
        %parallel_loop3A_485 = vector.shape_cast %parallel_loop3A_484 : vector<1x16xf32> to vector<16xf32>
        %parallel_loop3A_486 = arith.mulf %parallel_loop3A_485, %parallel_loop3A_481 : vector<16xf32>
        %parallel_loop3A_487 = arith.index_cast %parallel_loop3A_378 : i32 to index
        %parallel_loop3A_488 = arith.constant 80 : index
        %parallel_loop3A_489 = tpu.vector_load %arg14[%parallel_loop3A_487, %parallel_loop3A_488] {strides = array<i32>} : memref<80x144xf32, #tpu.memory_space<vmem>>, vector<1x16xf32>,
        %parallel_loop3A_490 = vector.shape_cast %parallel_loop3A_489 : vector<1x16xf32> to vector<16xf32>
        %parallel_loop3A_491 = vector.shape_cast %parallel_loop3A_486 : vector<16xf32> to vector<1x16xf32>
        tpu.vector_store %arg14[%parallel_loop3A_487, %parallel_loop3A_488], %parallel_loop3A_491 {strides = array<i32>} : memref<80x144xf32, #tpu.memory_space<vmem>>, vector<1x16xf32>,
        %parallel_loop3A_492 = arith.constant 6 : i32
        %parallel_loop3A_493 = vector.broadcast %parallel_loop3A_492 : i32 to vector<16xi32>
        %parallel_loop3A_494 = vector.shape_cast %parallel_loop3A_493 : vector<16xi32> to vector<16x1xi32>
        %parallel_loop3A_495 = vector.shape_cast %parallel_loop3A_494 : vector<16x1xi32> to vector<16xi32>
        %parallel_loop3A_496 = tpu.dynamic_gather %parallel_loop3A_396[%parallel_loop3A_495] in [0] : vector<16xf32>, vector<16xi32> -> vector<16xf32>
        %parallel_loop3A_497 = arith.index_cast %parallel_loop3A_378 : i32 to index
        %parallel_loop3A_498 = arith.constant 96 : index
        %parallel_loop3A_499 = tpu.vector_load %arg14[%parallel_loop3A_497, %parallel_loop3A_498] {strides = array<i32>} : memref<80x144xf32, #tpu.memory_space<vmem>>, vector<1x16xf32>,
        %parallel_loop3A_500 = vector.shape_cast %parallel_loop3A_499 : vector<1x16xf32> to vector<16xf32>
        %parallel_loop3A_501 = arith.mulf %parallel_loop3A_500, %parallel_loop3A_496 : vector<16xf32>
        %parallel_loop3A_502 = arith.index_cast %parallel_loop3A_378 : i32 to index
        %parallel_loop3A_503 = arith.constant 96 : index
        %parallel_loop3A_504 = tpu.vector_load %arg14[%parallel_loop3A_502, %parallel_loop3A_503] {strides = array<i32>} : memref<80x144xf32, #tpu.memory_space<vmem>>, vector<1x16xf32>,
        %parallel_loop3A_505 = vector.shape_cast %parallel_loop3A_504 : vector<1x16xf32> to vector<16xf32>
        %parallel_loop3A_506 = vector.shape_cast %parallel_loop3A_501 : vector<16xf32> to vector<1x16xf32>
        tpu.vector_store %arg14[%parallel_loop3A_502, %parallel_loop3A_503], %parallel_loop3A_506 {strides = array<i32>} : memref<80x144xf32, #tpu.memory_space<vmem>>, vector<1x16xf32>,
        %parallel_loop3A_507 = arith.constant 7 : i32
        %parallel_loop3A_508 = vector.broadcast %parallel_loop3A_507 : i32 to vector<16xi32>
        %parallel_loop3A_509 = vector.shape_cast %parallel_loop3A_508 : vector<16xi32> to vector<16x1xi32>
        %parallel_loop3A_510 = vector.shape_cast %parallel_loop3A_509 : vector<16x1xi32> to vector<16xi32>
        %parallel_loop3A_511 = tpu.dynamic_gather %parallel_loop3A_396[%parallel_loop3A_510] in [0] : vector<16xf32>, vector<16xi32> -> vector<16xf32>
        %parallel_loop3A_512 = arith.index_cast %parallel_loop3A_378 : i32 to index
        %parallel_loop3A_513 = arith.constant 112 : index
        %parallel_loop3A_514 = tpu.vector_load %arg14[%parallel_loop3A_512, %parallel_loop3A_513] {strides = array<i32>} : memref<80x144xf32, #tpu.memory_space<vmem>>, vector<1x16xf32>,
        %parallel_loop3A_515 = vector.shape_cast %parallel_loop3A_514 : vector<1x16xf32> to vector<16xf32>
        %parallel_loop3A_516 = arith.mulf %parallel_loop3A_515, %parallel_loop3A_511 : vector<16xf32>
        %parallel_loop3A_517 = arith.index_cast %parallel_loop3A_378 : i32 to index
        %parallel_loop3A_518 = arith.constant 112 : index
        %parallel_loop3A_519 = tpu.vector_load %arg14[%parallel_loop3A_517, %parallel_loop3A_518] {strides = array<i32>} : memref<80x144xf32, #tpu.memory_space<vmem>>, vector<1x16xf32>,
        %parallel_loop3A_520 = vector.shape_cast %parallel_loop3A_519 : vector<1x16xf32> to vector<16xf32>
        %parallel_loop3A_521 = vector.shape_cast %parallel_loop3A_516 : vector<16xf32> to vector<1x16xf32>
        tpu.vector_store %arg14[%parallel_loop3A_517, %parallel_loop3A_518], %parallel_loop3A_521 {strides = array<i32>} : memref<80x144xf32, #tpu.memory_space<vmem>>, vector<1x16xf32>,
      } {sc.loop_unroll_factor = 4 : i64, sc.parallel_access}
      %get3A_253 = arith.constant 0 : index
      %get3A_254 = tpu.vector_load %arg9[%get3A_253] {strides = array<i32>} : memref<80xi32, #tpu.memory_space<vmem>>, vector<16xi32>,
      %get3A_255 = vector.shape_cast %get3A_254 : vector<16xi32> to vector<16xi32>
      %swap3A = arith.constant 0 : index
      %swap3A_256 = tpu.vector_load %arg12[%swap3A] {strides = array<i32>} : memref<80xi32, #tpu.memory_space<vmem>>, vector<16xi32>,
      %swap3A_257 = vector.shape_cast %swap3A_256 : vector<16xi32> to vector<16xi32>
      %swap3A_258 = vector.shape_cast %get3A_255 : vector<16xi32> to vector<16xi32>
      tpu.vector_store %arg12[%swap3A], %swap3A_258 {strides = array<i32>} : memref<80xi32, #tpu.memory_space<vmem>>, vector<16xi32>,
      %get3A_259 = arith.constant 16 : index
      %get3A_260 = tpu.vector_load %arg9[%get3A_259] {strides = array<i32>} : memref<80xi32, #tpu.memory_space<vmem>>, vector<16xi32>,
      %get3A_261 = vector.shape_cast %get3A_260 : vector<16xi32> to vector<16xi32>
      %swap3A_262 = arith.constant 16 : index
      %swap3A_263 = tpu.vector_load %arg12[%swap3A_262] {strides = array<i32>} : memref<80xi32, #tpu.memory_space<vmem>>, vector<16xi32>,
      %swap3A_264 = vector.shape_cast %swap3A_263 : vector<16xi32> to vector<16xi32>
      %swap3A_265 = vector.shape_cast %get3A_261 : vector<16xi32> to vector<16xi32>
      tpu.vector_store %arg12[%swap3A_262], %swap3A_265 {strides = array<i32>} : memref<80xi32, #tpu.memory_space<vmem>>, vector<16xi32>,
      %get3A_266 = arith.constant 32 : index
      %get3A_267 = tpu.vector_load %arg9[%get3A_266] {strides = array<i32>} : memref<80xi32, #tpu.memory_space<vmem>>, vector<16xi32>,
      %get3A_268 = vector.shape_cast %get3A_267 : vector<16xi32> to vector<16xi32>
      %swap3A_269 = arith.constant 32 : index
      %swap3A_270 = tpu.vector_load %arg12[%swap3A_269] {strides = array<i32>} : memref<80xi32, #tpu.memory_space<vmem>>, vector<16xi32>,
      %swap3A_271 = vector.shape_cast %swap3A_270 : vector<16xi32> to vector<16xi32>
      %swap3A_272 = vector.shape_cast %get3A_268 : vector<16xi32> to vector<16xi32>
      tpu.vector_store %arg12[%swap3A_269], %swap3A_272 {strides = array<i32>} : memref<80xi32, #tpu.memory_space<vmem>>, vector<16xi32>,
      %get3A_273 = arith.constant 48 : index
      %get3A_274 = tpu.vector_load %arg9[%get3A_273] {strides = array<i32>} : memref<80xi32, #tpu.memory_space<vmem>>, vector<16xi32>,
      %get3A_275 = vector.shape_cast %get3A_274 : vector<16xi32> to vector<16xi32>
      %swap3A_276 = arith.constant 48 : index
      %swap3A_277 = tpu.vector_load %arg12[%swap3A_276] {strides = array<i32>} : memref<80xi32, #tpu.memory_space<vmem>>, vector<16xi32>,
      %swap3A_278 = vector.shape_cast %swap3A_277 : vector<16xi32> to vector<16xi32>
      %swap3A_279 = vector.shape_cast %get3A_275 : vector<16xi32> to vector<16xi32>
      tpu.vector_store %arg12[%swap3A_276], %swap3A_279 {strides = array<i32>} : memref<80xi32, #tpu.memory_space<vmem>>, vector<16xi32>,
      %get3A_280 = arith.constant 64 : index
      %get3A_281 = tpu.vector_load %arg9[%get3A_280] {strides = array<i32>} : memref<80xi32, #tpu.memory_space<vmem>>, vector<16xi32>,
      %get3A_282 = vector.shape_cast %get3A_281 : vector<16xi32> to vector<16xi32>
      %swap3A_283 = arith.constant 64 : index
      %swap3A_284 = tpu.vector_load %arg12[%swap3A_283] {strides = array<i32>} : memref<80xi32, #tpu.memory_space<vmem>>, vector<16xi32>,
      %swap3A_285 = vector.shape_cast %swap3A_284 : vector<16xi32> to vector<16xi32>
      %swap3A_286 = vector.shape_cast %get3A_282 : vector<16xi32> to vector<16xi32>
      tpu.vector_store %arg12[%swap3A_283], %swap3A_286 {strides = array<i32>} : memref<80xi32, #tpu.memory_space<vmem>>, vector<16xi32>,
      %dma_start3A_287 = arith.constant 0 : i32
      %dma_start3A_288 = arith.constant 0 : i32
      %dma_start3A_289 = tpu.memref_slice %arg20[%dma_start3A_287, %dma_start3A_288] : memref<10240x144xf32, #tpu.memory_space<vmem_shared>> -> memref<10240x144xf32, #tpu.memory_space<vmem_shared>>
      tpu.enqueue_indirect_dma source(%arg14 : memref<80x144xf32, #tpu.memory_space<vmem>>) target(%dma_start3A_289 : memref<10240x144xf32, #tpu.memory_space<vmem_shared>>) offsets(%arg12 : memref<80xi32, #tpu.memory_space<vmem>>) semaphore(%arg25 : memref<!tpu.dma_semaphore, #tpu.memory_space<semaphore_mem>>) {add = true}
      %mul3A_290 = arith.constant 2 : i32
      %mul3A_291 = arith.muli %mul3A_290, %scan3A_226 : i32
      %add3A_292 = arith.constant 2 : i32
      %add3A_293 = arith.addi %mul3A_291, %add3A_292 : i32
      %mul3A_294 = arith.constant 80 : i32
      %mul3A_295 = arith.muli %add3A_293, %mul3A_294 : i32
      %add3A_296 = arith.addi %mul3A_2, %mul3A_295 : i32
      %dma_start3A_297 = tpu.memref_slice %arg4[%add3A_296] : memref<320000xi32, #tpu.memory_space<hbm>> -> memref<80xi32, #tpu.memory_space<hbm>>
      %dma_start3A_298 = tpu.memref_slice %arg4[%add3A_296] : memref<320000xi32, #tpu.memory_space<hbm>> -> memref<80xi32, #tpu.memory_space<hbm>>
      tpu.enqueue_dma source(%dma_start3A_298 : memref<80xi32, #tpu.memory_space<hbm>>) target(%arg8 : memref<80xi32, #tpu.memory_space<vmem>>) target_semaphore(%arg21 : memref<!tpu.dma_semaphore, #tpu.memory_space<semaphore_mem>>)
      %dma_start3A_299 = tpu.memref_slice %arg5[%add3A_296] : memref<320000xi32, #tpu.memory_space<hbm>> -> memref<80xi32, #tpu.memory_space<hbm>>
      %dma_start3A_300 = tpu.memref_slice %arg5[%add3A_296] : memref<320000xi32, #tpu.memory_space<hbm>> -> memref<80xi32, #tpu.memory_space<hbm>>
      tpu.enqueue_dma source(%dma_start3A_300 : memref<80xi32, #tpu.memory_space<hbm>>) target(%arg9 : memref<80xi32, #tpu.memory_space<vmem>>) target_semaphore(%arg21 : memref<!tpu.dma_semaphore, #tpu.memory_space<semaphore_mem>>)
      %dma_wait3A_301 = arith.constant 0 : i32
      %dma_wait3A_302 = arith.constant 0 : i32
      %dma_wait3A_303 = tpu.memref_slice %arg2[%dma_wait3A_301, %dma_wait3A_302] : memref<10000x144xf32, #tpu.memory_space<hbm>> -> memref<10000x144xf32, #tpu.memory_space<hbm>>
      tpu.wait_indirect_dma semaphore(%arg24 : memref<!tpu.dma_semaphore, #tpu.memory_space<semaphore_mem>>) src(%dma_wait3A_303 : memref<10000x144xf32, #tpu.memory_space<hbm>>) dst(%arg16 : memref<80x144xf32, #tpu.memory_space<vmem>>)
      %dma_wait3A_304 = arith.constant 0 : i32
      %dma_wait3A_305 = arith.constant 0 : i32
      %dma_wait3A_306 = tpu.memref_slice %arg3[%dma_wait3A_304, %dma_wait3A_305] : memref<10000x16xf32, #tpu.memory_space<hbm>> -> memref<10000x16xf32, #tpu.memory_space<hbm>>
      tpu.wait_indirect_dma semaphore(%arg24 : memref<!tpu.dma_semaphore, #tpu.memory_space<semaphore_mem>>) src(%dma_wait3A_306 : memref<10000x16xf32, #tpu.memory_space<hbm>>) dst(%arg17 : memref<80x16xf32, #tpu.memory_space<vmem>>)
      %parallel_loop3A_307 = arith.constant 0 : i32
      %parallel_loop3A_308 = arith.constant 80 : i32
      %parallel_loop3A_309 = arith.constant 1 : i32
      scf.for %parallel_loop3A_378 = %parallel_loop3A_307 to %parallel_loop3A_308 step %parallel_loop3A_309  : i32 {
        %parallel_loop3A_379 = arith.index_cast %parallel_loop3A_378 : i32 to index
        %parallel_loop3A_380 = arith.constant 128 : index
        %parallel_loop3A_381 = tpu.vector_load %arg16[%parallel_loop3A_379, %parallel_loop3A_380] {strides = array<i32>} : memref<80x144xf32, #tpu.memory_space<vmem>>, vector<1x16xf32>,
        %parallel_loop3A_382 = vector.shape_cast %parallel_loop3A_381 : vector<1x16xf32> to vector<16xf32>
        %parallel_loop3A_383 = arith.index_cast %parallel_loop3A_378 : i32 to index
        %parallel_loop3A_384 = arith.constant 0 : index
        %parallel_loop3A_385 = tpu.vector_load %arg17[%parallel_loop3A_383, %parallel_loop3A_384] {strides = array<i32>} : memref<80x16xf32, #tpu.memory_space<vmem>>, vector<1x16xf32>,
        %parallel_loop3A_386 = vector.shape_cast %parallel_loop3A_385 : vector<1x16xf32> to vector<16xf32>
        %parallel_loop3A_387 = arith.addf %parallel_loop3A_382, %parallel_loop3A_386 : vector<16xf32>
        %parallel_loop3A_388 = arith.constant 0.000000e+00 : f32
        %parallel_loop3A_389 = vector.broadcast %parallel_loop3A_388 : f32 to vector<16xf32>
        %parallel_loop3A_390 = arith.cmpf oge, %parallel_loop3A_387, %parallel_loop3A_389 : vector<16xf32>
        %parallel_loop3A_391 = arith.constant 2.000000e-01 : f32
        %parallel_loop3A_392 = vector.broadcast %parallel_loop3A_391 : f32 to vector<16xf32>
        %parallel_loop3A_393 = arith.mulf %parallel_loop3A_392, %parallel_loop3A_387 : vector<16xf32>
        %parallel_loop3A_394 = arith.select %parallel_loop3A_390, %parallel_loop3A_387, %parallel_loop3A_393 : vector<16xi1>, vector<16xf32>
        %parallel_loop3A_395 = arith.subf %parallel_loop3A_394, %get3A_168 : vector<16xf32>
        %parallel_loop3A_396 = math.exp %parallel_loop3A_395 : vector<16xf32>
        %parallel_loop3A_397 = arith.index_cast %parallel_loop3A_378 : i32 to index
        %parallel_loop3A_398 = arith.constant 128 : index
        %parallel_loop3A_399 = tpu.vector_load %arg16[%parallel_loop3A_397, %parallel_loop3A_398] {strides = array<i32>} : memref<80x144xf32, #tpu.memory_space<vmem>>, vector<1x16xf32>,
        %parallel_loop3A_400 = vector.shape_cast %parallel_loop3A_399 : vector<1x16xf32> to vector<16xf32>
        %parallel_loop3A_401 = vector.shape_cast %parallel_loop3A_396 : vector<16xf32> to vector<1x16xf32>
        tpu.vector_store %arg16[%parallel_loop3A_397, %parallel_loop3A_398], %parallel_loop3A_401 {strides = array<i32>} : memref<80x144xf32, #tpu.memory_space<vmem>>, vector<1x16xf32>,
        %parallel_loop3A_402 = arith.constant 0 : i32
        %parallel_loop3A_403 = vector.broadcast %parallel_loop3A_402 : i32 to vector<16xi32>
        %parallel_loop3A_404 = vector.shape_cast %parallel_loop3A_403 : vector<16xi32> to vector<16x1xi32>
        %parallel_loop3A_405 = vector.shape_cast %parallel_loop3A_404 : vector<16x1xi32> to vector<16xi32>
        %parallel_loop3A_406 = tpu.dynamic_gather %parallel_loop3A_396[%parallel_loop3A_405] in [0] : vector<16xf32>, vector<16xi32> -> vector<16xf32>
        %parallel_loop3A_407 = arith.index_cast %parallel_loop3A_378 : i32 to index
        %parallel_loop3A_408 = arith.constant 0 : index
        %parallel_loop3A_409 = tpu.vector_load %arg16[%parallel_loop3A_407, %parallel_loop3A_408] {strides = array<i32>} : memref<80x144xf32, #tpu.memory_space<vmem>>, vector<1x16xf32>,
        %parallel_loop3A_410 = vector.shape_cast %parallel_loop3A_409 : vector<1x16xf32> to vector<16xf32>
        %parallel_loop3A_411 = arith.mulf %parallel_loop3A_410, %parallel_loop3A_406 : vector<16xf32>
        %parallel_loop3A_412 = arith.index_cast %parallel_loop3A_378 : i32 to index
        %parallel_loop3A_413 = arith.constant 0 : index
        %parallel_loop3A_414 = tpu.vector_load %arg16[%parallel_loop3A_412, %parallel_loop3A_413] {strides = array<i32>} : memref<80x144xf32, #tpu.memory_space<vmem>>, vector<1x16xf32>,
        %parallel_loop3A_415 = vector.shape_cast %parallel_loop3A_414 : vector<1x16xf32> to vector<16xf32>
        %parallel_loop3A_416 = vector.shape_cast %parallel_loop3A_411 : vector<16xf32> to vector<1x16xf32>
        tpu.vector_store %arg16[%parallel_loop3A_412, %parallel_loop3A_413], %parallel_loop3A_416 {strides = array<i32>} : memref<80x144xf32, #tpu.memory_space<vmem>>, vector<1x16xf32>,
        %parallel_loop3A_417 = arith.constant 1 : i32
        %parallel_loop3A_418 = vector.broadcast %parallel_loop3A_417 : i32 to vector<16xi32>
        %parallel_loop3A_419 = vector.shape_cast %parallel_loop3A_418 : vector<16xi32> to vector<16x1xi32>
        %parallel_loop3A_420 = vector.shape_cast %parallel_loop3A_419 : vector<16x1xi32> to vector<16xi32>
        %parallel_loop3A_421 = tpu.dynamic_gather %parallel_loop3A_396[%parallel_loop3A_420] in [0] : vector<16xf32>, vector<16xi32> -> vector<16xf32>
        %parallel_loop3A_422 = arith.index_cast %parallel_loop3A_378 : i32 to index
        %parallel_loop3A_423 = arith.constant 16 : index
        %parallel_loop3A_424 = tpu.vector_load %arg16[%parallel_loop3A_422, %parallel_loop3A_423] {strides = array<i32>} : memref<80x144xf32, #tpu.memory_space<vmem>>, vector<1x16xf32>,
        %parallel_loop3A_425 = vector.shape_cast %parallel_loop3A_424 : vector<1x16xf32> to vector<16xf32>
        %parallel_loop3A_426 = arith.mulf %parallel_loop3A_425, %parallel_loop3A_421 : vector<16xf32>
        %parallel_loop3A_427 = arith.index_cast %parallel_loop3A_378 : i32 to index
        %parallel_loop3A_428 = arith.constant 16 : index
        %parallel_loop3A_429 = tpu.vector_load %arg16[%parallel_loop3A_427, %parallel_loop3A_428] {strides = array<i32>} : memref<80x144xf32, #tpu.memory_space<vmem>>, vector<1x16xf32>,
        %parallel_loop3A_430 = vector.shape_cast %parallel_loop3A_429 : vector<1x16xf32> to vector<16xf32>
        %parallel_loop3A_431 = vector.shape_cast %parallel_loop3A_426 : vector<16xf32> to vector<1x16xf32>
        tpu.vector_store %arg16[%parallel_loop3A_427, %parallel_loop3A_428], %parallel_loop3A_431 {strides = array<i32>} : memref<80x144xf32, #tpu.memory_space<vmem>>, vector<1x16xf32>,
        %parallel_loop3A_432 = arith.constant 2 : i32
        %parallel_loop3A_433 = vector.broadcast %parallel_loop3A_432 : i32 to vector<16xi32>
        %parallel_loop3A_434 = vector.shape_cast %parallel_loop3A_433 : vector<16xi32> to vector<16x1xi32>
        %parallel_loop3A_435 = vector.shape_cast %parallel_loop3A_434 : vector<16x1xi32> to vector<16xi32>
        %parallel_loop3A_436 = tpu.dynamic_gather %parallel_loop3A_396[%parallel_loop3A_435] in [0] : vector<16xf32>, vector<16xi32> -> vector<16xf32>
        %parallel_loop3A_437 = arith.index_cast %parallel_loop3A_378 : i32 to index
        %parallel_loop3A_438 = arith.constant 32 : index
        %parallel_loop3A_439 = tpu.vector_load %arg16[%parallel_loop3A_437, %parallel_loop3A_438] {strides = array<i32>} : memref<80x144xf32, #tpu.memory_space<vmem>>, vector<1x16xf32>,
        %parallel_loop3A_440 = vector.shape_cast %parallel_loop3A_439 : vector<1x16xf32> to vector<16xf32>
        %parallel_loop3A_441 = arith.mulf %parallel_loop3A_440, %parallel_loop3A_436 : vector<16xf32>
        %parallel_loop3A_442 = arith.index_cast %parallel_loop3A_378 : i32 to index
        %parallel_loop3A_443 = arith.constant 32 : index
        %parallel_loop3A_444 = tpu.vector_load %arg16[%parallel_loop3A_442, %parallel_loop3A_443] {strides = array<i32>} : memref<80x144xf32, #tpu.memory_space<vmem>>, vector<1x16xf32>,
        %parallel_loop3A_445 = vector.shape_cast %parallel_loop3A_444 : vector<1x16xf32> to vector<16xf32>
        %parallel_loop3A_446 = vector.shape_cast %parallel_loop3A_441 : vector<16xf32> to vector<1x16xf32>
        tpu.vector_store %arg16[%parallel_loop3A_442, %parallel_loop3A_443], %parallel_loop3A_446 {strides = array<i32>} : memref<80x144xf32, #tpu.memory_space<vmem>>, vector<1x16xf32>,
        %parallel_loop3A_447 = arith.constant 3 : i32
        %parallel_loop3A_448 = vector.broadcast %parallel_loop3A_447 : i32 to vector<16xi32>
        %parallel_loop3A_449 = vector.shape_cast %parallel_loop3A_448 : vector<16xi32> to vector<16x1xi32>
        %parallel_loop3A_450 = vector.shape_cast %parallel_loop3A_449 : vector<16x1xi32> to vector<16xi32>
        %parallel_loop3A_451 = tpu.dynamic_gather %parallel_loop3A_396[%parallel_loop3A_450] in [0] : vector<16xf32>, vector<16xi32> -> vector<16xf32>
        %parallel_loop3A_452 = arith.index_cast %parallel_loop3A_378 : i32 to index
        %parallel_loop3A_453 = arith.constant 48 : index
        %parallel_loop3A_454 = tpu.vector_load %arg16[%parallel_loop3A_452, %parallel_loop3A_453] {strides = array<i32>} : memref<80x144xf32, #tpu.memory_space<vmem>>, vector<1x16xf32>,
        %parallel_loop3A_455 = vector.shape_cast %parallel_loop3A_454 : vector<1x16xf32> to vector<16xf32>
        %parallel_loop3A_456 = arith.mulf %parallel_loop3A_455, %parallel_loop3A_451 : vector<16xf32>
        %parallel_loop3A_457 = arith.index_cast %parallel_loop3A_378 : i32 to index
        %parallel_loop3A_458 = arith.constant 48 : index
        %parallel_loop3A_459 = tpu.vector_load %arg16[%parallel_loop3A_457, %parallel_loop3A_458] {strides = array<i32>} : memref<80x144xf32, #tpu.memory_space<vmem>>, vector<1x16xf32>,
        %parallel_loop3A_460 = vector.shape_cast %parallel_loop3A_459 : vector<1x16xf32> to vector<16xf32>
        %parallel_loop3A_461 = vector.shape_cast %parallel_loop3A_456 : vector<16xf32> to vector<1x16xf32>
        tpu.vector_store %arg16[%parallel_loop3A_457, %parallel_loop3A_458], %parallel_loop3A_461 {strides = array<i32>} : memref<80x144xf32, #tpu.memory_space<vmem>>, vector<1x16xf32>,
        %parallel_loop3A_462 = arith.constant 4 : i32
        %parallel_loop3A_463 = vector.broadcast %parallel_loop3A_462 : i32 to vector<16xi32>
        %parallel_loop3A_464 = vector.shape_cast %parallel_loop3A_463 : vector<16xi32> to vector<16x1xi32>
        %parallel_loop3A_465 = vector.shape_cast %parallel_loop3A_464 : vector<16x1xi32> to vector<16xi32>
        %parallel_loop3A_466 = tpu.dynamic_gather %parallel_loop3A_396[%parallel_loop3A_465] in [0] : vector<16xf32>, vector<16xi32> -> vector<16xf32>
        %parallel_loop3A_467 = arith.index_cast %parallel_loop3A_378 : i32 to index
        %parallel_loop3A_468 = arith.constant 64 : index
        %parallel_loop3A_469 = tpu.vector_load %arg16[%parallel_loop3A_467, %parallel_loop3A_468] {strides = array<i32>} : memref<80x144xf32, #tpu.memory_space<vmem>>, vector<1x16xf32>,
        %parallel_loop3A_470 = vector.shape_cast %parallel_loop3A_469 : vector<1x16xf32> to vector<16xf32>
        %parallel_loop3A_471 = arith.mulf %parallel_loop3A_470, %parallel_loop3A_466 : vector<16xf32>
        %parallel_loop3A_472 = arith.index_cast %parallel_loop3A_378 : i32 to index
        %parallel_loop3A_473 = arith.constant 64 : index
        %parallel_loop3A_474 = tpu.vector_load %arg16[%parallel_loop3A_472, %parallel_loop3A_473] {strides = array<i32>} : memref<80x144xf32, #tpu.memory_space<vmem>>, vector<1x16xf32>,
        %parallel_loop3A_475 = vector.shape_cast %parallel_loop3A_474 : vector<1x16xf32> to vector<16xf32>
        %parallel_loop3A_476 = vector.shape_cast %parallel_loop3A_471 : vector<16xf32> to vector<1x16xf32>
        tpu.vector_store %arg16[%parallel_loop3A_472, %parallel_loop3A_473], %parallel_loop3A_476 {strides = array<i32>} : memref<80x144xf32, #tpu.memory_space<vmem>>, vector<1x16xf32>,
        %parallel_loop3A_477 = arith.constant 5 : i32
        %parallel_loop3A_478 = vector.broadcast %parallel_loop3A_477 : i32 to vector<16xi32>
        %parallel_loop3A_479 = vector.shape_cast %parallel_loop3A_478 : vector<16xi32> to vector<16x1xi32>
        %parallel_loop3A_480 = vector.shape_cast %parallel_loop3A_479 : vector<16x1xi32> to vector<16xi32>
        %parallel_loop3A_481 = tpu.dynamic_gather %parallel_loop3A_396[%parallel_loop3A_480] in [0] : vector<16xf32>, vector<16xi32> -> vector<16xf32>
        %parallel_loop3A_482 = arith.index_cast %parallel_loop3A_378 : i32 to index
        %parallel_loop3A_483 = arith.constant 80 : index
        %parallel_loop3A_484 = tpu.vector_load %arg16[%parallel_loop3A_482, %parallel_loop3A_483] {strides = array<i32>} : memref<80x144xf32, #tpu.memory_space<vmem>>, vector<1x16xf32>,
        %parallel_loop3A_485 = vector.shape_cast %parallel_loop3A_484 : vector<1x16xf32> to vector<16xf32>
        %parallel_loop3A_486 = arith.mulf %parallel_loop3A_485, %parallel_loop3A_481 : vector<16xf32>
        %parallel_loop3A_487 = arith.index_cast %parallel_loop3A_378 : i32 to index
        %parallel_loop3A_488 = arith.constant 80 : index
        %parallel_loop3A_489 = tpu.vector_load %arg16[%parallel_loop3A_487, %parallel_loop3A_488] {strides = array<i32>} : memref<80x144xf32, #tpu.memory_space<vmem>>, vector<1x16xf32>,
        %parallel_loop3A_490 = vector.shape_cast %parallel_loop3A_489 : vector<1x16xf32> to vector<16xf32>
        %parallel_loop3A_491 = vector.shape_cast %parallel_loop3A_486 : vector<16xf32> to vector<1x16xf32>
        tpu.vector_store %arg16[%parallel_loop3A_487, %parallel_loop3A_488], %parallel_loop3A_491 {strides = array<i32>} : memref<80x144xf32, #tpu.memory_space<vmem>>, vector<1x16xf32>,
        %parallel_loop3A_492 = arith.constant 6 : i32
        %parallel_loop3A_493 = vector.broadcast %parallel_loop3A_492 : i32 to vector<16xi32>
        %parallel_loop3A_494 = vector.shape_cast %parallel_loop3A_493 : vector<16xi32> to vector<16x1xi32>
        %parallel_loop3A_495 = vector.shape_cast %parallel_loop3A_494 : vector<16x1xi32> to vector<16xi32>
        %parallel_loop3A_496 = tpu.dynamic_gather %parallel_loop3A_396[%parallel_loop3A_495] in [0] : vector<16xf32>, vector<16xi32> -> vector<16xf32>
        %parallel_loop3A_497 = arith.index_cast %parallel_loop3A_378 : i32 to index
        %parallel_loop3A_498 = arith.constant 96 : index
        %parallel_loop3A_499 = tpu.vector_load %arg16[%parallel_loop3A_497, %parallel_loop3A_498] {strides = array<i32>} : memref<80x144xf32, #tpu.memory_space<vmem>>, vector<1x16xf32>,
        %parallel_loop3A_500 = vector.shape_cast %parallel_loop3A_499 : vector<1x16xf32> to vector<16xf32>
        %parallel_loop3A_501 = arith.mulf %parallel_loop3A_500, %parallel_loop3A_496 : vector<16xf32>
        %parallel_loop3A_502 = arith.index_cast %parallel_loop3A_378 : i32 to index
        %parallel_loop3A_503 = arith.constant 96 : index
        %parallel_loop3A_504 = tpu.vector_load %arg16[%parallel_loop3A_502, %parallel_loop3A_503] {strides = array<i32>} : memref<80x144xf32, #tpu.memory_space<vmem>>, vector<1x16xf32>,
        %parallel_loop3A_505 = vector.shape_cast %parallel_loop3A_504 : vector<1x16xf32> to vector<16xf32>
        %parallel_loop3A_506 = vector.shape_cast %parallel_loop3A_501 : vector<16xf32> to vector<1x16xf32>
        tpu.vector_store %arg16[%parallel_loop3A_502, %parallel_loop3A_503], %parallel_loop3A_506 {strides = array<i32>} : memref<80x144xf32, #tpu.memory_space<vmem>>, vector<1x16xf32>,
        %parallel_loop3A_507 = arith.constant 7 : i32
        %parallel_loop3A_508 = vector.broadcast %parallel_loop3A_507 : i32 to vector<16xi32>
        %parallel_loop3A_509 = vector.shape_cast %parallel_loop3A_508 : vector<16xi32> to vector<16x1xi32>
        %parallel_loop3A_510 = vector.shape_cast %parallel_loop3A_509 : vector<16x1xi32> to vector<16xi32>
        %parallel_loop3A_511 = tpu.dynamic_gather %parallel_loop3A_396[%parallel_loop3A_510] in [0] : vector<16xf32>, vector<16xi32> -> vector<16xf32>
        %parallel_loop3A_512 = arith.index_cast %parallel_loop3A_378 : i32 to index
        %parallel_loop3A_513 = arith.constant 112 : index
        %parallel_loop3A_514 = tpu.vector_load %arg16[%parallel_loop3A_512, %parallel_loop3A_513] {strides = array<i32>} : memref<80x144xf32, #tpu.memory_space<vmem>>, vector<1x16xf32>,
        %parallel_loop3A_515 = vector.shape_cast %parallel_loop3A_514 : vector<1x16xf32> to vector<16xf32>
        %parallel_loop3A_516 = arith.mulf %parallel_loop3A_515, %parallel_loop3A_511 : vector<16xf32>
        %parallel_loop3A_517 = arith.index_cast %parallel_loop3A_378 : i32 to index
        %parallel_loop3A_518 = arith.constant 112 : index
        %parallel_loop3A_519 = tpu.vector_load %arg16[%parallel_loop3A_517, %parallel_loop3A_518] {strides = array<i32>} : memref<80x144xf32, #tpu.memory_space<vmem>>, vector<1x16xf32>,
        %parallel_loop3A_520 = vector.shape_cast %parallel_loop3A_519 : vector<1x16xf32> to vector<16xf32>
        %parallel_loop3A_521 = vector.shape_cast %parallel_loop3A_516 : vector<16xf32> to vector<1x16xf32>
        tpu.vector_store %arg16[%parallel_loop3A_517, %parallel_loop3A_518], %parallel_loop3A_521 {strides = array<i32>} : memref<80x144xf32, #tpu.memory_space<vmem>>, vector<1x16xf32>,
      } {sc.loop_unroll_factor = 4 : i64, sc.parallel_access}
      %get3A_310 = arith.constant 0 : index
      %get3A_311 = tpu.vector_load %arg11[%get3A_310] {strides = array<i32>} : memref<80xi32, #tpu.memory_space<vmem>>, vector<16xi32>,
      %get3A_312 = vector.shape_cast %get3A_311 : vector<16xi32> to vector<16xi32>
      %swap3A_313 = arith.constant 0 : index
      %swap3A_314 = tpu.vector_load %arg13[%swap3A_313] {strides = array<i32>} : memref<80xi32, #tpu.memory_space<vmem>>, vector<16xi32>,
      %swap3A_315 = vector.shape_cast %swap3A_314 : vector<16xi32> to vector<16xi32>
      %swap3A_316 = vector.shape_cast %get3A_312 : vector<16xi32> to vector<16xi32>
      tpu.vector_store %arg13[%swap3A_313], %swap3A_316 {strides = array<i32>} : memref<80xi32, #tpu.memory_space<vmem>>, vector<16xi32>,
      %get3A_317 = arith.constant 16 : index
      %get3A_318 = tpu.vector_load %arg11[%get3A_317] {strides = array<i32>} : memref<80xi32, #tpu.memory_space<vmem>>, vector<16xi32>,
      %get3A_319 = vector.shape_cast %get3A_318 : vector<16xi32> to vector<16xi32>
      %swap3A_320 = arith.constant 16 : index
      %swap3A_321 = tpu.vector_load %arg13[%swap3A_320] {strides = array<i32>} : memref<80xi32, #tpu.memory_space<vmem>>, vector<16xi32>,
      %swap3A_322 = vector.shape_cast %swap3A_321 : vector<16xi32> to vector<16xi32>
      %swap3A_323 = vector.shape_cast %get3A_319 : vector<16xi32> to vector<16xi32>
      tpu.vector_store %arg13[%swap3A_320], %swap3A_323 {strides = array<i32>} : memref<80xi32, #tpu.memory_space<vmem>>, vector<16xi32>,
      %get3A_324 = arith.constant 32 : index
      %get3A_325 = tpu.vector_load %arg11[%get3A_324] {strides = array<i32>} : memref<80xi32, #tpu.memory_space<vmem>>, vector<16xi32>,
      %get3A_326 = vector.shape_cast %get3A_325 : vector<16xi32> to vector<16xi32>
      %swap3A_327 = arith.constant 32 : index
      %swap3A_328 = tpu.vector_load %arg13[%swap3A_327] {strides = array<i32>} : memref<80xi32, #tpu.memory_space<vmem>>, vector<16xi32>,
      %swap3A_329 = vector.shape_cast %swap3A_328 : vector<16xi32> to vector<16xi32>
      %swap3A_330 = vector.shape_cast %get3A_326 : vector<16xi32> to vector<16xi32>
      tpu.vector_store %arg13[%swap3A_327], %swap3A_330 {strides = array<i32>} : memref<80xi32, #tpu.memory_space<vmem>>, vector<16xi32>,
      %get3A_331 = arith.constant 48 : index
      %get3A_332 = tpu.vector_load %arg11[%get3A_331] {strides = array<i32>} : memref<80xi32, #tpu.memory_space<vmem>>, vector<16xi32>,
      %get3A_333 = vector.shape_cast %get3A_332 : vector<16xi32> to vector<16xi32>
      %swap3A_334 = arith.constant 48 : index
      %swap3A_335 = tpu.vector_load %arg13[%swap3A_334] {strides = array<i32>} : memref<80xi32, #tpu.memory_space<vmem>>, vector<16xi32>,
      %swap3A_336 = vector.shape_cast %swap3A_335 : vector<16xi32> to vector<16xi32>
      %swap3A_337 = vector.shape_cast %get3A_333 : vector<16xi32> to vector<16xi32>
      tpu.vector_store %arg13[%swap3A_334], %swap3A_337 {strides = array<i32>} : memref<80xi32, #tpu.memory_space<vmem>>, vector<16xi32>,
      %get3A_338 = arith.constant 64 : index
      %get3A_339 = tpu.vector_load %arg11[%get3A_338] {strides = array<i32>} : memref<80xi32, #tpu.memory_space<vmem>>, vector<16xi32>,
      %get3A_340 = vector.shape_cast %get3A_339 : vector<16xi32> to vector<16xi32>
      %swap3A_341 = arith.constant 64 : index
      %swap3A_342 = tpu.vector_load %arg13[%swap3A_341] {strides = array<i32>} : memref<80xi32, #tpu.memory_space<vmem>>, vector<16xi32>,
      %swap3A_343 = vector.shape_cast %swap3A_342 : vector<16xi32> to vector<16xi32>
      %swap3A_344 = vector.shape_cast %get3A_340 : vector<16xi32> to vector<16xi32>
      tpu.vector_store %arg13[%swap3A_341], %swap3A_344 {strides = array<i32>} : memref<80xi32, #tpu.memory_space<vmem>>, vector<16xi32>,
      %dma_start3A_345 = arith.constant 0 : i32
      %dma_start3A_346 = arith.constant 0 : i32
      %dma_start3A_347 = tpu.memref_slice %arg20[%dma_start3A_345, %dma_start3A_346] : memref<10240x144xf32, #tpu.memory_space<vmem_shared>> -> memref<10240x144xf32, #tpu.memory_space<vmem_shared>>
      tpu.enqueue_indirect_dma source(%arg16 : memref<80x144xf32, #tpu.memory_space<vmem>>) target(%dma_start3A_347 : memref<10240x144xf32, #tpu.memory_space<vmem_shared>>) offsets(%arg13 : memref<80xi32, #tpu.memory_space<vmem>>) semaphore(%arg26 : memref<!tpu.dma_semaphore, #tpu.memory_space<semaphore_mem>>) {add = true}
      %mul3A_348 = arith.constant 2 : i32
      %mul3A_349 = arith.muli %mul3A_348, %scan3A_226 : i32
      %add3A_350 = arith.constant 3 : i32
      %add3A_351 = arith.addi %mul3A_349, %add3A_350 : i32
      %min3A = arith.constant 124 : i32
      %min3A_352 = arith.minsi %add3A_351, %min3A : i32
      %mul3A_353 = arith.constant 80 : i32
      %mul3A_354 = arith.muli %min3A_352, %mul3A_353 : i32
      %add3A_355 = arith.addi %mul3A_2, %mul3A_354 : i32
      %dma_start3A_356 = tpu.memref_slice %arg4[%add3A_355] : memref<320000xi32, #tpu.memory_space<hbm>> -> memref<80xi32, #tpu.memory_space<hbm>>
      %dma_start3A_357 = tpu.memref_slice %arg4[%add3A_355] : memref<320000xi32, #tpu.memory_space<hbm>> -> memref<80xi32, #tpu.memory_space<hbm>>
      tpu.enqueue_dma source(%dma_start3A_357 : memref<80xi32, #tpu.memory_space<hbm>>) target(%arg10 : memref<80xi32, #tpu.memory_space<vmem>>) target_semaphore(%arg22 : memref<!tpu.dma_semaphore, #tpu.memory_space<semaphore_mem>>)
      %dma_start3A_358 = tpu.memref_slice %arg5[%add3A_355] : memref<320000xi32, #tpu.memory_space<hbm>> -> memref<80xi32, #tpu.memory_space<hbm>>
      %dma_start3A_359 = tpu.memref_slice %arg5[%add3A_355] : memref<320000xi32, #tpu.memory_space<hbm>> -> memref<80xi32, #tpu.memory_space<hbm>>
      tpu.enqueue_dma source(%dma_start3A_359 : memref<80xi32, #tpu.memory_space<hbm>>) target(%arg11 : memref<80xi32, #tpu.memory_space<vmem>>) target_semaphore(%arg22 : memref<!tpu.dma_semaphore, #tpu.memory_space<semaphore_mem>>)
      %dma_wait3A_360 = arith.constant 0 : i32
      %dma_wait3A_361 = arith.constant 0 : i32
      %dma_wait3A_362 = tpu.memref_slice %arg20[%dma_wait3A_360, %dma_wait3A_361] : memref<10240x144xf32, #tpu.memory_space<vmem_shared>> -> memref<10240x144xf32, #tpu.memory_space<vmem_shared>>
      tpu.wait_indirect_dma semaphore(%arg25 : memref<!tpu.dma_semaphore, #tpu.memory_space<semaphore_mem>>) src(%arg14 : memref<80x144xf32, #tpu.memory_space<vmem>>) dst(%dma_wait3A_362 : memref<10240x144xf32, #tpu.memory_space<vmem_shared>>)
      %dma_wait3A_363 = arith.constant 0 : i32
      %dma_wait3A_364 = tpu.memref_slice %arg4[%dma_wait3A_363] : memref<320000xi32, #tpu.memory_space<hbm>> -> memref<80xi32, #tpu.memory_space<hbm>>
      %dma_wait3A_365 = arith.constant 0 : i32
      %dma_wait3A_366 = tpu.memref_slice %arg4[%dma_wait3A_365] : memref<320000xi32, #tpu.memory_space<hbm>> -> memref<80xi32, #tpu.memory_space<hbm>>
      tpu.wait_dma2 semaphore(%arg21 : memref<!tpu.dma_semaphore, #tpu.memory_space<semaphore_mem>>) src(%dma_wait3A_366 : memref<80xi32, #tpu.memory_space<hbm>>) dst(%arg8 : memref<80xi32, #tpu.memory_space<vmem>>)
      %dma_wait3A_367 = arith.constant 0 : i32
      %dma_wait3A_368 = tpu.memref_slice %arg5[%dma_wait3A_367] : memref<320000xi32, #tpu.memory_space<hbm>> -> memref<80xi32, #tpu.memory_space<hbm>>
      %dma_wait3A_369 = arith.constant 0 : i32
      %dma_wait3A_370 = tpu.memref_slice %arg5[%dma_wait3A_369] : memref<320000xi32, #tpu.memory_space<hbm>> -> memref<80xi32, #tpu.memory_space<hbm>>
      tpu.wait_dma2 semaphore(%arg21 : memref<!tpu.dma_semaphore, #tpu.memory_space<semaphore_mem>>) src(%dma_wait3A_370 : memref<80xi32, #tpu.memory_space<hbm>>) dst(%arg9 : memref<80xi32, #tpu.memory_space<vmem>>)
      %dma_start3A_371 = arith.constant 0 : i32
      %dma_start3A_372 = arith.constant 0 : i32
      %dma_start3A_373 = tpu.memref_slice %arg2[%dma_start3A_371, %dma_start3A_372] : memref<10000x144xf32, #tpu.memory_space<hbm>> -> memref<10000x144xf32, #tpu.memory_space<hbm>>
      tpu.enqueue_indirect_dma source(%dma_start3A_373 : memref<10000x144xf32, #tpu.memory_space<hbm>>) target(%arg14 : memref<80x144xf32, #tpu.memory_space<vmem>>) offsets(%arg8 : memref<80xi32, #tpu.memory_space<vmem>>) semaphore(%arg23 : memref<!tpu.dma_semaphore, #tpu.memory_space<semaphore_mem>>)
      %dma_start3A_374 = arith.constant 0 : i32
      %dma_start3A_375 = arith.constant 0 : i32
      %dma_start3A_376 = tpu.memref_slice %arg3[%dma_start3A_374, %dma_start3A_375] : memref<10000x16xf32, #tpu.memory_space<hbm>> -> memref<10000x16xf32, #tpu.memory_space<hbm>>
      tpu.enqueue_indirect_dma source(%dma_start3A_376 : memref<10000x16xf32, #tpu.memory_space<hbm>>) target(%arg15 : memref<80x16xf32, #tpu.memory_space<vmem>>) offsets(%arg9 : memref<80xi32, #tpu.memory_space<vmem>>) semaphore(%arg23 : memref<!tpu.dma_semaphore, #tpu.memory_space<semaphore_mem>>)
      %scan3A_377 = arith.constant 0 : i32
      scf.yield %scan3A_377 : i32
    }
    %scan3A_201 = arith.constant 62 : i32
    %dma_wait3A_202 = arith.constant 0 : i32
    %dma_wait3A_203 = arith.constant 0 : i32
    %dma_wait3A_204 = tpu.memref_slice %arg20[%dma_wait3A_202, %dma_wait3A_203] : memref<10240x144xf32, #tpu.memory_space<vmem_shared>> -> memref<10240x144xf32, #tpu.memory_space<vmem_shared>>
    tpu.wait_indirect_dma semaphore(%arg26 : memref<!tpu.dma_semaphore, #tpu.memory_space<semaphore_mem>>) src(%arg16 : memref<80x144xf32, #tpu.memory_space<vmem>>) dst(%dma_wait3A_204 : memref<10240x144xf32, #tpu.memory_space<vmem_shared>>)
    %dma_wait3A_205 = arith.constant 0 : i32
    %dma_wait3A_206 = arith.constant 0 : i32
    %dma_wait3A_207 = tpu.memref_slice %arg2[%dma_wait3A_205, %dma_wait3A_206] : memref<10000x144xf32, #tpu.memory_space<hbm>> -> memref<10000x144xf32, #tpu.memory_space<hbm>>
    tpu.wait_indirect_dma semaphore(%arg23 : memref<!tpu.dma_semaphore, #tpu.memory_space<semaphore_mem>>) src(%dma_wait3A_207 : memref<10000x144xf32, #tpu.memory_space<hbm>>) dst(%arg14 : memref<80x144xf32, #tpu.memory_space<vmem>>)
    %dma_wait3A_208 = arith.constant 0 : i32
    %dma_wait3A_209 = arith.constant 0 : i32
    %dma_wait3A_210 = tpu.memref_slice %arg3[%dma_wait3A_208, %dma_wait3A_209] : memref<10000x16xf32, #tpu.memory_space<hbm>> -> memref<10000x16xf32, #tpu.memory_space<hbm>>
    tpu.wait_indirect_dma semaphore(%arg23 : memref<!tpu.dma_semaphore, #tpu.memory_space<semaphore_mem>>) src(%dma_wait3A_210 : memref<10000x16xf32, #tpu.memory_space<hbm>>) dst(%arg15 : memref<80x16xf32, #tpu.memory_space<vmem>>)
    %parallel_loop3A = arith.constant 0 : i32
    %parallel_loop3A_211 = arith.constant 80 : i32
    %parallel_loop3A_212 = arith.constant 1 : i32
    scf.for %parallel_loop3A_226 = %parallel_loop3A to %parallel_loop3A_211 step %parallel_loop3A_212  : i32 {
      %parallel_loop3A_227 = arith.index_cast %parallel_loop3A_226 : i32 to index
      %parallel_loop3A_228 = arith.constant 128 : index
      %parallel_loop3A_229 = tpu.vector_load %arg14[%parallel_loop3A_227, %parallel_loop3A_228] {strides = array<i32>} : memref<80x144xf32, #tpu.memory_space<vmem>>, vector<1x16xf32>,
      %parallel_loop3A_230 = vector.shape_cast %parallel_loop3A_229 : vector<1x16xf32> to vector<16xf32>
      %parallel_loop3A_231 = arith.index_cast %parallel_loop3A_226 : i32 to index
      %parallel_loop3A_232 = arith.constant 0 : index
      %parallel_loop3A_233 = tpu.vector_load %arg15[%parallel_loop3A_231, %parallel_loop3A_232] {strides = array<i32>} : memref<80x16xf32, #tpu.memory_space<vmem>>, vector<1x16xf32>,
      %parallel_loop3A_234 = vector.shape_cast %parallel_loop3A_233 : vector<1x16xf32> to vector<16xf32>
      %parallel_loop3A_235 = arith.addf %parallel_loop3A_230, %parallel_loop3A_234 : vector<16xf32>
      %parallel_loop3A_236 = arith.constant 0.000000e+00 : f32
      %parallel_loop3A_237 = vector.broadcast %parallel_loop3A_236 : f32 to vector<16xf32>
      %parallel_loop3A_238 = arith.cmpf oge, %parallel_loop3A_235, %parallel_loop3A_237 : vector<16xf32>
      %parallel_loop3A_239 = arith.constant 2.000000e-01 : f32
      %parallel_loop3A_240 = vector.broadcast %parallel_loop3A_239 : f32 to vector<16xf32>
      %parallel_loop3A_241 = arith.mulf %parallel_loop3A_240, %parallel_loop3A_235 : vector<16xf32>
      %parallel_loop3A_242 = arith.select %parallel_loop3A_238, %parallel_loop3A_235, %parallel_loop3A_241 : vector<16xi1>, vector<16xf32>
      %parallel_loop3A_243 = arith.subf %parallel_loop3A_242, %get3A_168 : vector<16xf32>
      %parallel_loop3A_244 = math.exp %parallel_loop3A_243 : vector<16xf32>
      %parallel_loop3A_245 = arith.index_cast %parallel_loop3A_226 : i32 to index
      %parallel_loop3A_246 = arith.constant 128 : index
      %parallel_loop3A_247 = tpu.vector_load %arg14[%parallel_loop3A_245, %parallel_loop3A_246] {strides = array<i32>} : memref<80x144xf32, #tpu.memory_space<vmem>>, vector<1x16xf32>,
      %parallel_loop3A_248 = vector.shape_cast %parallel_loop3A_247 : vector<1x16xf32> to vector<16xf32>
      %parallel_loop3A_249 = vector.shape_cast %parallel_loop3A_244 : vector<16xf32> to vector<1x16xf32>
      tpu.vector_store %arg14[%parallel_loop3A_245, %parallel_loop3A_246], %parallel_loop3A_249 {strides = array<i32>} : memref<80x144xf32, #tpu.memory_space<vmem>>, vector<1x16xf32>,
      %parallel_loop3A_250 = arith.constant 0 : i32
      %parallel_loop3A_251 = vector.broadcast %parallel_loop3A_250 : i32 to vector<16xi32>
      %parallel_loop3A_252 = vector.shape_cast %parallel_loop3A_251 : vector<16xi32> to vector<16x1xi32>
      %parallel_loop3A_253 = vector.shape_cast %parallel_loop3A_252 : vector<16x1xi32> to vector<16xi32>
      %parallel_loop3A_254 = tpu.dynamic_gather %parallel_loop3A_244[%parallel_loop3A_253] in [0] : vector<16xf32>, vector<16xi32> -> vector<16xf32>
      %parallel_loop3A_255 = arith.index_cast %parallel_loop3A_226 : i32 to index
      %parallel_loop3A_256 = arith.constant 0 : index
      %parallel_loop3A_257 = tpu.vector_load %arg14[%parallel_loop3A_255, %parallel_loop3A_256] {strides = array<i32>} : memref<80x144xf32, #tpu.memory_space<vmem>>, vector<1x16xf32>,
      %parallel_loop3A_258 = vector.shape_cast %parallel_loop3A_257 : vector<1x16xf32> to vector<16xf32>
      %parallel_loop3A_259 = arith.mulf %parallel_loop3A_258, %parallel_loop3A_254 : vector<16xf32>
      %parallel_loop3A_260 = arith.index_cast %parallel_loop3A_226 : i32 to index
      %parallel_loop3A_261 = arith.constant 0 : index
      %parallel_loop3A_262 = tpu.vector_load %arg14[%parallel_loop3A_260, %parallel_loop3A_261] {strides = array<i32>} : memref<80x144xf32, #tpu.memory_space<vmem>>, vector<1x16xf32>,
      %parallel_loop3A_263 = vector.shape_cast %parallel_loop3A_262 : vector<1x16xf32> to vector<16xf32>
      %parallel_loop3A_264 = vector.shape_cast %parallel_loop3A_259 : vector<16xf32> to vector<1x16xf32>
      tpu.vector_store %arg14[%parallel_loop3A_260, %parallel_loop3A_261], %parallel_loop3A_264 {strides = array<i32>} : memref<80x144xf32, #tpu.memory_space<vmem>>, vector<1x16xf32>,
      %parallel_loop3A_265 = arith.constant 1 : i32
      %parallel_loop3A_266 = vector.broadcast %parallel_loop3A_265 : i32 to vector<16xi32>
      %parallel_loop3A_267 = vector.shape_cast %parallel_loop3A_266 : vector<16xi32> to vector<16x1xi32>
      %parallel_loop3A_268 = vector.shape_cast %parallel_loop3A_267 : vector<16x1xi32> to vector<16xi32>
      %parallel_loop3A_269 = tpu.dynamic_gather %parallel_loop3A_244[%parallel_loop3A_268] in [0] : vector<16xf32>, vector<16xi32> -> vector<16xf32>
      %parallel_loop3A_270 = arith.index_cast %parallel_loop3A_226 : i32 to index
      %parallel_loop3A_271 = arith.constant 16 : index
      %parallel_loop3A_272 = tpu.vector_load %arg14[%parallel_loop3A_270, %parallel_loop3A_271] {strides = array<i32>} : memref<80x144xf32, #tpu.memory_space<vmem>>, vector<1x16xf32>,
      %parallel_loop3A_273 = vector.shape_cast %parallel_loop3A_272 : vector<1x16xf32> to vector<16xf32>
      %parallel_loop3A_274 = arith.mulf %parallel_loop3A_273, %parallel_loop3A_269 : vector<16xf32>
      %parallel_loop3A_275 = arith.index_cast %parallel_loop3A_226 : i32 to index
      %parallel_loop3A_276 = arith.constant 16 : index
      %parallel_loop3A_277 = tpu.vector_load %arg14[%parallel_loop3A_275, %parallel_loop3A_276] {strides = array<i32>} : memref<80x144xf32, #tpu.memory_space<vmem>>, vector<1x16xf32>,
      %parallel_loop3A_278 = vector.shape_cast %parallel_loop3A_277 : vector<1x16xf32> to vector<16xf32>
      %parallel_loop3A_279 = vector.shape_cast %parallel_loop3A_274 : vector<16xf32> to vector<1x16xf32>
      tpu.vector_store %arg14[%parallel_loop3A_275, %parallel_loop3A_276], %parallel_loop3A_279 {strides = array<i32>} : memref<80x144xf32, #tpu.memory_space<vmem>>, vector<1x16xf32>,
      %parallel_loop3A_280 = arith.constant 2 : i32
      %parallel_loop3A_281 = vector.broadcast %parallel_loop3A_280 : i32 to vector<16xi32>
      %parallel_loop3A_282 = vector.shape_cast %parallel_loop3A_281 : vector<16xi32> to vector<16x1xi32>
      %parallel_loop3A_283 = vector.shape_cast %parallel_loop3A_282 : vector<16x1xi32> to vector<16xi32>
      %parallel_loop3A_284 = tpu.dynamic_gather %parallel_loop3A_244[%parallel_loop3A_283] in [0] : vector<16xf32>, vector<16xi32> -> vector<16xf32>
      %parallel_loop3A_285 = arith.index_cast %parallel_loop3A_226 : i32 to index
      %parallel_loop3A_286 = arith.constant 32 : index
      %parallel_loop3A_287 = tpu.vector_load %arg14[%parallel_loop3A_285, %parallel_loop3A_286] {strides = array<i32>} : memref<80x144xf32, #tpu.memory_space<vmem>>, vector<1x16xf32>,
      %parallel_loop3A_288 = vector.shape_cast %parallel_loop3A_287 : vector<1x16xf32> to vector<16xf32>
      %parallel_loop3A_289 = arith.mulf %parallel_loop3A_288, %parallel_loop3A_284 : vector<16xf32>
      %parallel_loop3A_290 = arith.index_cast %parallel_loop3A_226 : i32 to index
      %parallel_loop3A_291 = arith.constant 32 : index
      %parallel_loop3A_292 = tpu.vector_load %arg14[%parallel_loop3A_290, %parallel_loop3A_291] {strides = array<i32>} : memref<80x144xf32, #tpu.memory_space<vmem>>, vector<1x16xf32>,
      %parallel_loop3A_293 = vector.shape_cast %parallel_loop3A_292 : vector<1x16xf32> to vector<16xf32>
      %parallel_loop3A_294 = vector.shape_cast %parallel_loop3A_289 : vector<16xf32> to vector<1x16xf32>
      tpu.vector_store %arg14[%parallel_loop3A_290, %parallel_loop3A_291], %parallel_loop3A_294 {strides = array<i32>} : memref<80x144xf32, #tpu.memory_space<vmem>>, vector<1x16xf32>,
      %parallel_loop3A_295 = arith.constant 3 : i32
      %parallel_loop3A_296 = vector.broadcast %parallel_loop3A_295 : i32 to vector<16xi32>
      %parallel_loop3A_297 = vector.shape_cast %parallel_loop3A_296 : vector<16xi32> to vector<16x1xi32>
      %parallel_loop3A_298 = vector.shape_cast %parallel_loop3A_297 : vector<16x1xi32> to vector<16xi32>
      %parallel_loop3A_299 = tpu.dynamic_gather %parallel_loop3A_244[%parallel_loop3A_298] in [0] : vector<16xf32>, vector<16xi32> -> vector<16xf32>
      %parallel_loop3A_300 = arith.index_cast %parallel_loop3A_226 : i32 to index
      %parallel_loop3A_301 = arith.constant 48 : index
      %parallel_loop3A_302 = tpu.vector_load %arg14[%parallel_loop3A_300, %parallel_loop3A_301] {strides = array<i32>} : memref<80x144xf32, #tpu.memory_space<vmem>>, vector<1x16xf32>,
      %parallel_loop3A_303 = vector.shape_cast %parallel_loop3A_302 : vector<1x16xf32> to vector<16xf32>
      %parallel_loop3A_304 = arith.mulf %parallel_loop3A_303, %parallel_loop3A_299 : vector<16xf32>
      %parallel_loop3A_305 = arith.index_cast %parallel_loop3A_226 : i32 to index
      %parallel_loop3A_306 = arith.constant 48 : index
      %parallel_loop3A_307 = tpu.vector_load %arg14[%parallel_loop3A_305, %parallel_loop3A_306] {strides = array<i32>} : memref<80x144xf32, #tpu.memory_space<vmem>>, vector<1x16xf32>,
      %parallel_loop3A_308 = vector.shape_cast %parallel_loop3A_307 : vector<1x16xf32> to vector<16xf32>
      %parallel_loop3A_309 = vector.shape_cast %parallel_loop3A_304 : vector<16xf32> to vector<1x16xf32>
      tpu.vector_store %arg14[%parallel_loop3A_305, %parallel_loop3A_306], %parallel_loop3A_309 {strides = array<i32>} : memref<80x144xf32, #tpu.memory_space<vmem>>, vector<1x16xf32>,
      %parallel_loop3A_310 = arith.constant 4 : i32
      %parallel_loop3A_311 = vector.broadcast %parallel_loop3A_310 : i32 to vector<16xi32>
      %parallel_loop3A_312 = vector.shape_cast %parallel_loop3A_311 : vector<16xi32> to vector<16x1xi32>
      %parallel_loop3A_313 = vector.shape_cast %parallel_loop3A_312 : vector<16x1xi32> to vector<16xi32>
      %parallel_loop3A_314 = tpu.dynamic_gather %parallel_loop3A_244[%parallel_loop3A_313] in [0] : vector<16xf32>, vector<16xi32> -> vector<16xf32>
      %parallel_loop3A_315 = arith.index_cast %parallel_loop3A_226 : i32 to index
      %parallel_loop3A_316 = arith.constant 64 : index
      %parallel_loop3A_317 = tpu.vector_load %arg14[%parallel_loop3A_315, %parallel_loop3A_316] {strides = array<i32>} : memref<80x144xf32, #tpu.memory_space<vmem>>, vector<1x16xf32>,
      %parallel_loop3A_318 = vector.shape_cast %parallel_loop3A_317 : vector<1x16xf32> to vector<16xf32>
      %parallel_loop3A_319 = arith.mulf %parallel_loop3A_318, %parallel_loop3A_314 : vector<16xf32>
      %parallel_loop3A_320 = arith.index_cast %parallel_loop3A_226 : i32 to index
      %parallel_loop3A_321 = arith.constant 64 : index
      %parallel_loop3A_322 = tpu.vector_load %arg14[%parallel_loop3A_320, %parallel_loop3A_321] {strides = array<i32>} : memref<80x144xf32, #tpu.memory_space<vmem>>, vector<1x16xf32>,
      %parallel_loop3A_323 = vector.shape_cast %parallel_loop3A_322 : vector<1x16xf32> to vector<16xf32>
      %parallel_loop3A_324 = vector.shape_cast %parallel_loop3A_319 : vector<16xf32> to vector<1x16xf32>
      tpu.vector_store %arg14[%parallel_loop3A_320, %parallel_loop3A_321], %parallel_loop3A_324 {strides = array<i32>} : memref<80x144xf32, #tpu.memory_space<vmem>>, vector<1x16xf32>,
      %parallel_loop3A_325 = arith.constant 5 : i32
      %parallel_loop3A_326 = vector.broadcast %parallel_loop3A_325 : i32 to vector<16xi32>
      %parallel_loop3A_327 = vector.shape_cast %parallel_loop3A_326 : vector<16xi32> to vector<16x1xi32>
      %parallel_loop3A_328 = vector.shape_cast %parallel_loop3A_327 : vector<16x1xi32> to vector<16xi32>
      %parallel_loop3A_329 = tpu.dynamic_gather %parallel_loop3A_244[%parallel_loop3A_328] in [0] : vector<16xf32>, vector<16xi32> -> vector<16xf32>
      %parallel_loop3A_330 = arith.index_cast %parallel_loop3A_226 : i32 to index
      %parallel_loop3A_331 = arith.constant 80 : index
      %parallel_loop3A_332 = tpu.vector_load %arg14[%parallel_loop3A_330, %parallel_loop3A_331] {strides = array<i32>} : memref<80x144xf32, #tpu.memory_space<vmem>>, vector<1x16xf32>,
      %parallel_loop3A_333 = vector.shape_cast %parallel_loop3A_332 : vector<1x16xf32> to vector<16xf32>
      %parallel_loop3A_334 = arith.mulf %parallel_loop3A_333, %parallel_loop3A_329 : vector<16xf32>
      %parallel_loop3A_335 = arith.index_cast %parallel_loop3A_226 : i32 to index
      %parallel_loop3A_336 = arith.constant 80 : index
      %parallel_loop3A_337 = tpu.vector_load %arg14[%parallel_loop3A_335, %parallel_loop3A_336] {strides = array<i32>} : memref<80x144xf32, #tpu.memory_space<vmem>>, vector<1x16xf32>,
      %parallel_loop3A_338 = vector.shape_cast %parallel_loop3A_337 : vector<1x16xf32> to vector<16xf32>
      %parallel_loop3A_339 = vector.shape_cast %parallel_loop3A_334 : vector<16xf32> to vector<1x16xf32>
      tpu.vector_store %arg14[%parallel_loop3A_335, %parallel_loop3A_336], %parallel_loop3A_339 {strides = array<i32>} : memref<80x144xf32, #tpu.memory_space<vmem>>, vector<1x16xf32>,
      %parallel_loop3A_340 = arith.constant 6 : i32
      %parallel_loop3A_341 = vector.broadcast %parallel_loop3A_340 : i32 to vector<16xi32>
      %parallel_loop3A_342 = vector.shape_cast %parallel_loop3A_341 : vector<16xi32> to vector<16x1xi32>
      %parallel_loop3A_343 = vector.shape_cast %parallel_loop3A_342 : vector<16x1xi32> to vector<16xi32>
      %parallel_loop3A_344 = tpu.dynamic_gather %parallel_loop3A_244[%parallel_loop3A_343] in [0] : vector<16xf32>, vector<16xi32> -> vector<16xf32>
      %parallel_loop3A_345 = arith.index_cast %parallel_loop3A_226 : i32 to index
      %parallel_loop3A_346 = arith.constant 96 : index
      %parallel_loop3A_347 = tpu.vector_load %arg14[%parallel_loop3A_345, %parallel_loop3A_346] {strides = array<i32>} : memref<80x144xf32, #tpu.memory_space<vmem>>, vector<1x16xf32>,
      %parallel_loop3A_348 = vector.shape_cast %parallel_loop3A_347 : vector<1x16xf32> to vector<16xf32>
      %parallel_loop3A_349 = arith.mulf %parallel_loop3A_348, %parallel_loop3A_344 : vector<16xf32>
      %parallel_loop3A_350 = arith.index_cast %parallel_loop3A_226 : i32 to index
      %parallel_loop3A_351 = arith.constant 96 : index
      %parallel_loop3A_352 = tpu.vector_load %arg14[%parallel_loop3A_350, %parallel_loop3A_351] {strides = array<i32>} : memref<80x144xf32, #tpu.memory_space<vmem>>, vector<1x16xf32>,
      %parallel_loop3A_353 = vector.shape_cast %parallel_loop3A_352 : vector<1x16xf32> to vector<16xf32>
      %parallel_loop3A_354 = vector.shape_cast %parallel_loop3A_349 : vector<16xf32> to vector<1x16xf32>
      tpu.vector_store %arg14[%parallel_loop3A_350, %parallel_loop3A_351], %parallel_loop3A_354 {strides = array<i32>} : memref<80x144xf32, #tpu.memory_space<vmem>>, vector<1x16xf32>,
      %parallel_loop3A_355 = arith.constant 7 : i32
      %parallel_loop3A_356 = vector.broadcast %parallel_loop3A_355 : i32 to vector<16xi32>
      %parallel_loop3A_357 = vector.shape_cast %parallel_loop3A_356 : vector<16xi32> to vector<16x1xi32>
      %parallel_loop3A_358 = vector.shape_cast %parallel_loop3A_357 : vector<16x1xi32> to vector<16xi32>
      %parallel_loop3A_359 = tpu.dynamic_gather %parallel_loop3A_244[%parallel_loop3A_358] in [0] : vector<16xf32>, vector<16xi32> -> vector<16xf32>
      %parallel_loop3A_360 = arith.index_cast %parallel_loop3A_226 : i32 to index
      %parallel_loop3A_361 = arith.constant 112 : index
      %parallel_loop3A_362 = tpu.vector_load %arg14[%parallel_loop3A_360, %parallel_loop3A_361] {strides = array<i32>} : memref<80x144xf32, #tpu.memory_space<vmem>>, vector<1x16xf32>,
      %parallel_loop3A_363 = vector.shape_cast %parallel_loop3A_362 : vector<1x16xf32> to vector<16xf32>
      %parallel_loop3A_364 = arith.mulf %parallel_loop3A_363, %parallel_loop3A_359 : vector<16xf32>
      %parallel_loop3A_365 = arith.index_cast %parallel_loop3A_226 : i32 to index
      %parallel_loop3A_366 = arith.constant 112 : index
      %parallel_loop3A_367 = tpu.vector_load %arg14[%parallel_loop3A_365, %parallel_loop3A_366] {strides = array<i32>} : memref<80x144xf32, #tpu.memory_space<vmem>>, vector<1x16xf32>,
      %parallel_loop3A_368 = vector.shape_cast %parallel_loop3A_367 : vector<1x16xf32> to vector<16xf32>
      %parallel_loop3A_369 = vector.shape_cast %parallel_loop3A_364 : vector<16xf32> to vector<1x16xf32>
      tpu.vector_store %arg14[%parallel_loop3A_365, %parallel_loop3A_366], %parallel_loop3A_369 {strides = array<i32>} : memref<80x144xf32, #tpu.memory_space<vmem>>, vector<1x16xf32>,
    } {sc.loop_unroll_factor = 4 : i64, sc.parallel_access}
    "tpu.region"() ({
      %run_scoped3A = tpu.sem_alloc : memref<!tpu.dma_semaphore, #tpu.memory_space<semaphore_mem>>
      %dma_start3A_226 = arith.constant 0 : i32
      %dma_start3A_227 = arith.constant 0 : i32
      %dma_start3A_228 = tpu.memref_slice %arg20[%dma_start3A_226, %dma_start3A_227] : memref<10240x144xf32, #tpu.memory_space<vmem_shared>> -> memref<10240x144xf32, #tpu.memory_space<vmem_shared>>
      tpu.enqueue_indirect_dma source(%arg14 : memref<80x144xf32, #tpu.memory_space<vmem>>) target(%dma_start3A_228 : memref<10240x144xf32, #tpu.memory_space<vmem_shared>>) offsets(%arg9 : memref<80xi32, #tpu.memory_space<vmem>>) semaphore(%run_scoped3A : memref<!tpu.dma_semaphore, #tpu.memory_space<semaphore_mem>>) {add = true}
      %dma_wait3A_229 = arith.constant 0 : i32
      %dma_wait3A_230 = arith.constant 0 : i32
      %dma_wait3A_231 = tpu.memref_slice %arg20[%dma_wait3A_229, %dma_wait3A_230] : memref<10240x144xf32, #tpu.memory_space<vmem_shared>> -> memref<10240x144xf32, #tpu.memory_space<vmem_shared>>
      tpu.wait_indirect_dma semaphore(%run_scoped3A : memref<!tpu.dma_semaphore, #tpu.memory_space<semaphore_mem>>) src(%arg14 : memref<80x144xf32, #tpu.memory_space<vmem>>) dst(%dma_wait3A_231 : memref<10240x144xf32, #tpu.memory_space<vmem_shared>>)
      tpu.yield
    }) : () -> ()
    %dma_wait3A_213 = arith.constant 0 : i32
    %dma_wait3A_214 = tpu.memref_slice %arg4[%dma_wait3A_213] : memref<320000xi32, #tpu.memory_space<hbm>> -> memref<80xi32, #tpu.memory_space<hbm>>
    %dma_wait3A_215 = arith.constant 0 : i32
    %dma_wait3A_216 = tpu.memref_slice %arg4[%dma_wait3A_215] : memref<320000xi32, #tpu.memory_space<hbm>> -> memref<80xi32, #tpu.memory_space<hbm>>
    tpu.wait_dma2 semaphore(%arg22 : memref<!tpu.dma_semaphore, #tpu.memory_space<semaphore_mem>>) src(%dma_wait3A_216 : memref<80xi32, #tpu.memory_space<hbm>>) dst(%arg10 : memref<80xi32, #tpu.memory_space<vmem>>)
    %dma_wait3A_217 = arith.constant 0 : i32
    %dma_wait3A_218 = tpu.memref_slice %arg5[%dma_wait3A_217] : memref<320000xi32, #tpu.memory_space<hbm>> -> memref<80xi32, #tpu.memory_space<hbm>>
    %dma_wait3A_219 = arith.constant 0 : i32
    %dma_wait3A_220 = tpu.memref_slice %arg5[%dma_wait3A_219] : memref<320000xi32, #tpu.memory_space<hbm>> -> memref<80xi32, #tpu.memory_space<hbm>>
    tpu.wait_dma2 semaphore(%arg22 : memref<!tpu.dma_semaphore, #tpu.memory_space<semaphore_mem>>) src(%dma_wait3A_220 : memref<80xi32, #tpu.memory_space<hbm>>) dst(%arg11 : memref<80xi32, #tpu.memory_space<vmem>>)
    %barrier3A_221 = arith.constant 0 : index
    tpu.barrier barrier_id(%barrier3A_221)
    %mul3A_222 = arith.constant 640 : i32
    %mul3A_223 = arith.muli %arg1, %mul3A_222 : i32
    %mul3A_224 = arith.constant 640 : i32
    %mul3A_225 = arith.muli %arg1, %mul3A_224 : i32
    "tpu.region"() ({
      %run_scoped3A = tpu.sem_alloc : memref<!tpu.dma_semaphore, #tpu.memory_space<semaphore_mem>>
      %dma_start3A_226 = arith.constant 0 : i32
      %dma_start3A_227 = tpu.memref_slice %arg7[%arg0, %mul3A_225, %dma_start3A_226] : memref<2x10240x144xf32, #tpu.memory_space<hbm>> -> memref<1x640x144xf32, #tpu.memory_space<hbm>>
      %dma_start3A_228 = tpu.memref_squeeze %dma_start3A_227 : memref<1x640x144xf32, #tpu.memory_space<hbm>> -> memref<640x144xf32, #tpu.memory_space<hbm>>
      %dma_start3A_229 = arith.constant 0 : i32
      %dma_start3A_230 = tpu.memref_slice %arg20[%mul3A_223, %dma_start3A_229] : memref<10240x144xf32, #tpu.memory_space<vmem_shared>> -> memref<640x144xf32, #tpu.memory_space<vmem_shared>>
      tpu.enqueue_dma source(%dma_start3A_230 : memref<640x144xf32, #tpu.memory_space<vmem_shared>>) target(%dma_start3A_228 : memref<640x144xf32, #tpu.memory_space<hbm>>) target_semaphore(%run_scoped3A : memref<!tpu.dma_semaphore, #tpu.memory_space<semaphore_mem>>)
      %dma_wait3A_231 = arith.constant 0 : i32
      %dma_wait3A_232 = tpu.memref_slice %arg7[%arg0, %mul3A_225, %dma_wait3A_231] : memref<2x10240x144xf32, #tpu.memory_space<hbm>> -> memref<1x640x144xf32, #tpu.memory_space<hbm>>
      %dma_wait3A_233 = tpu.memref_squeeze %dma_wait3A_232 : memref<1x640x144xf32, #tpu.memory_space<hbm>> -> memref<640x144xf32, #tpu.memory_space<hbm>>
      %dma_wait3A_234 = arith.constant 0 : i32
      %dma_wait3A_235 = tpu.memref_slice %arg20[%mul3A_223, %dma_wait3A_234] : memref<10240x144xf32, #tpu.memory_space<vmem_shared>> -> memref<640x144xf32, #tpu.memory_space<vmem_shared>>
      tpu.wait_dma2 semaphore(%run_scoped3A : memref<!tpu.dma_semaphore, #tpu.memory_space<semaphore_mem>>) src(%dma_wait3A_235 : memref<640x144xf32, #tpu.memory_space<vmem_shared>>) dst(%dma_wait3A_233 : memref<640x144xf32, #tpu.memory_space<hbm>>)
      tpu.yield
    }) : () -> ()
    return
  }
}

#map = affine_map<(d0, d1) -> (0, 0)>
#map1 = affine_map<(d0, d1) -> (0)>
#map2 = affine_map<(d0, d1) -> (0, 0, 0)>
module attributes {stable_mosaic.version = 14 : i64} {
  func.func @_sc_body(%arg0: i32, %arg1: i32, %arg2: memref<10000x144xf32, #tpu.memory_space<hbm>>, %arg3: memref<10000x16xf32, #tpu.memory_space<hbm>>, %arg4: memref<320000xi32, #tpu.memory_space<hbm>>, %arg5: memref<320000xi32, #tpu.memory_space<hbm>>, %arg6: memref<16xf32, #tpu.memory_space<hbm>>, %arg7: memref<2x10240x144xf32, #tpu.memory_space<hbm>>, %arg8: memref<80xi32, #tpu.memory_space<vmem>>, %arg9: memref<80xi32, #tpu.memory_space<vmem>>, %arg10: memref<80xi32, #tpu.memory_space<vmem>>, %arg11: memref<80xi32, #tpu.memory_space<vmem>>, %arg12: memref<80xi32, #tpu.memory_space<vmem>>, %arg13: memref<80xi32, #tpu.memory_space<vmem>>, %arg14: memref<80x144xf32, #tpu.memory_space<vmem>>, %arg15: memref<80x16xf32, #tpu.memory_space<vmem>>, %arg16: memref<80x144xf32, #tpu.memory_space<vmem>>, %arg17: memref<80x16xf32, #tpu.memory_space<vmem>>, %arg18: memref<16xf32, #tpu.memory_space<vmem>>, %arg19: memref<64x144xf32, #tpu.memory_space<vmem>>, %arg20: memref<10240x144xf32, #tpu.memory_space<vmem_shared>>, %arg21: memref<!tpu.dma_semaphore, #tpu.memory_space<semaphore_mem>>, %arg22: memref<!tpu.dma_semaphore, #tpu.memory_space<semaphore_mem>>, %arg23: memref<!tpu.dma_semaphore, #tpu.memory_space<semaphore_mem>>, %arg24: memref<!tpu.dma_semaphore, #tpu.memory_space<semaphore_mem>>, %arg25: memref<!tpu.dma_semaphore, #tpu.memory_space<semaphore_mem>>, %arg26: memref<!tpu.dma_semaphore, #tpu.memory_space<semaphore_mem>>, %arg27: memref<!tpu.dma_semaphore, #tpu.memory_space<semaphore_mem>>) attributes {dimension_semantics = [#tpu.dimension_semantics<core_parallel>, #tpu.dimension_semantics<subcore_parallel>], iteration_bounds = array<i64: 2, 16>, scalar_prefetch = 0 : i64, scratch_operands = 20 : i64, tpu.core_type = #tpu.core_type<sc_vector_subcore>, window_params = [{transform_indices = #map}, {transform_indices = #map}, {transform_indices = #map1}, {transform_indices = #map1}, {transform_indices = #map1}, {transform_indices = #map2}]} {
    %mul3A = arith.constant 16 : i32
    %mul3A_0 = arith.muli %arg0, %mul3A : i32
    %add3A = arith.addi %mul3A_0, %arg1 : i32
    %mul3A_1 = arith.constant 10000 : i32
    %mul3A_2 = arith.muli %add3A, %mul3A_1 : i32
    %scan3A = arith.constant 0 : i32
    %scan3A_3 = arith.constant 0 : i32
    %scan3A_4 = arith.constant 64 : i32
    %scan3A_5 = arith.addi %scan3A_3, %scan3A_4 : i32
    %scan3A_6 = arith.constant 1 : i32
    %scan3A_7 = scf.for %scan3A_226 = %scan3A_3 to %scan3A_5 step %scan3A_6 iter_args(%scan3A_227 = %scan3A) -> (i32)  : i32 {
      %broadcast_in_dim3A = arith.constant 0.000000e+00 : f32
      %broadcast_in_dim3A_228 = vector.broadcast %broadcast_in_dim3A : f32 to vector<16xf32>
      %swap3A = arith.index_cast %scan3A_226 : i32 to index
      %swap3A_229 = arith.constant 0 : index
      %swap3A_230 = tpu.vector_load %arg19[%swap3A, %swap3A_229] {strides = array<i32>} : memref<64x144xf32, #tpu.memory_space<vmem>>, vector<1x16xf32>,
      %swap3A_231 = vector.shape_cast %swap3A_230 : vector<1x16xf32> to vector<16xf32>
      %swap3A_232 = vector.shape_cast %broadcast_in_dim3A_228 : vector<16xf32> to vector<1x16xf32>
      tpu.vector_store %arg19[%swap3A, %swap3A_229], %swap3A_232 {strides = array<i32>} : memref<64x144xf32, #tpu.memory_space<vmem>>, vector<1x16xf32>,
      %broadcast_in_dim3A_233 = arith.constant 0.000000e+00 : f32
      %broadcast_in_dim3A_234 = vector.broadcast %broadcast_in_dim3A_233 : f32 to vector<16xf32>
      %swap3A_235 = arith.index_cast %scan3A_226 : i32 to index
      %swap3A_236 = arith.constant 16 : index
      %swap3A_237 = tpu.vector_load %arg19[%swap3A_235, %swap3A_236] {strides = array<i32>} : memref<64x144xf32, #tpu.memory_space<vmem>>, vector<1x16xf32>,
      %swap3A_238 = vector.shape_cast %swap3A_237 : vector<1x16xf32> to vector<16xf32>
      %swap3A_239 = vector.shape_cast %broadcast_in_dim3A_234 : vector<16xf32> to vector<1x16xf32>
      tpu.vector_store %arg19[%swap3A_235, %swap3A_236], %swap3A_239 {strides = array<i32>} : memref<64x144xf32, #tpu.memory_space<vmem>>, vector<1x16xf32>,
      %broadcast_in_dim3A_240 = arith.constant 0.000000e+00 : f32
      %broadcast_in_dim3A_241 = vector.broadcast %broadcast_in_dim3A_240 : f32 to vector<16xf32>
      %swap3A_242 = arith.index_cast %scan3A_226 : i32 to index
      %swap3A_243 = arith.constant 32 : index
      %swap3A_244 = tpu.vector_load %arg19[%swap3A_242, %swap3A_243] {strides = array<i32>} : memref<64x144xf32, #tpu.memory_space<vmem>>, vector<1x16xf32>,
      %swap3A_245 = vector.shape_cast %swap3A_244 : vector<1x16xf32> to vector<16xf32>
      %swap3A_246 = vector.shape_cast %broadcast_in_dim3A_241 : vector<16xf32> to vector<1x16xf32>
      tpu.vector_store %arg19[%swap3A_242, %swap3A_243], %swap3A_246 {strides = array<i32>} : memref<64x144xf32, #tpu.memory_space<vmem>>, vector<1x16xf32>,
      %broadcast_in_dim3A_247 = arith.constant 0.000000e+00 : f32
      %broadcast_in_dim3A_248 = vector.broadcast %broadcast_in_dim3A_247 : f32 to vector<16xf32>
      %swap3A_249 = arith.index_cast %scan3A_226 : i32 to index
      %swap3A_250 = arith.constant 48 : index
      %swap3A_251 = tpu.vector_load %arg19[%swap3A_249, %swap3A_250] {strides = array<i32>} : memref<64x144xf32, #tpu.memory_space<vmem>>, vector<1x16xf32>,
      %swap3A_252 = vector.shape_cast %swap3A_251 : vector<1x16xf32> to vector<16xf32>
      %swap3A_253 = vector.shape_cast %broadcast_in_dim3A_248 : vector<16xf32> to vector<1x16xf32>
      tpu.vector_store %arg19[%swap3A_249, %swap3A_250], %swap3A_253 {strides = array<i32>} : memref<64x144xf32, #tpu.memory_space<vmem>>, vector<1x16xf32>,
      %broadcast_in_dim3A_254 = arith.constant 0.000000e+00 : f32
      %broadcast_in_dim3A_255 = vector.broadcast %broadcast_in_dim3A_254 : f32 to vector<16xf32>
      %swap3A_256 = arith.index_cast %scan3A_226 : i32 to index
      %swap3A_257 = arith.constant 64 : index
      %swap3A_258 = tpu.vector_load %arg19[%swap3A_256, %swap3A_257] {strides = array<i32>} : memref<64x144xf32, #tpu.memory_space<vmem>>, vector<1x16xf32>,
      %swap3A_259 = vector.shape_cast %swap3A_258 : vector<1x16xf32> to vector<16xf32>
      %swap3A_260 = vector.shape_cast %broadcast_in_dim3A_255 : vector<16xf32> to vector<1x16xf32>
      tpu.vector_store %arg19[%swap3A_256, %swap3A_257], %swap3A_260 {strides = array<i32>} : memref<64x144xf32, #tpu.memory_space<vmem>>, vector<1x16xf32>,
      %broadcast_in_dim3A_261 = arith.constant 0.000000e+00 : f32
      %broadcast_in_dim3A_262 = vector.broadcast %broadcast_in_dim3A_261 : f32 to vector<16xf32>
      %swap3A_263 = arith.index_cast %scan3A_226 : i32 to index
      %swap3A_264 = arith.constant 80 : index
      %swap3A_265 = tpu.vector_load %arg19[%swap3A_263, %swap3A_264] {strides = array<i32>} : memref<64x144xf32, #tpu.memory_space<vmem>>, vector<1x16xf32>,
      %swap3A_266 = vector.shape_cast %swap3A_265 : vector<1x16xf32> to vector<16xf32>
      %swap3A_267 = vector.shape_cast %broadcast_in_dim3A_262 : vector<16xf32> to vector<1x16xf32>
      tpu.vector_store %arg19[%swap3A_263, %swap3A_264], %swap3A_267 {strides = array<i32>} : memref<64x144xf32, #tpu.memory_space<vmem>>, vector<1x16xf32>,
      %broadcast_in_dim3A_268 = arith.constant 0.000000e+00 : f32
      %broadcast_in_dim3A_269 = vector.broadcast %broadcast_in_dim3A_268 : f32 to vector<16xf32>
      %swap3A_270 = arith.index_cast %scan3A_226 : i32 to index
      %swap3A_271 = arith.constant 96 : index
      %swap3A_272 = tpu.vector_load %arg19[%swap3A_270, %swap3A_271] {strides = array<i32>} : memref<64x144xf32, #tpu.memory_space<vmem>>, vector<1x16xf32>,
      %swap3A_273 = vector.shape_cast %swap3A_272 : vector<1x16xf32> to vector<16xf32>
      %swap3A_274 = vector.shape_cast %broadcast_in_dim3A_269 : vector<16xf32> to vector<1x16xf32>
      tpu.vector_store %arg19[%swap3A_270, %swap3A_271], %swap3A_274 {strides = array<i32>} : memref<64x144xf32, #tpu.memory_space<vmem>>, vector<1x16xf32>,
      %broadcast_in_dim3A_275 = arith.constant 0.000000e+00 : f32
      %broadcast_in_dim3A_276 = vector.broadcast %broadcast_in_dim3A_275 : f32 to vector<16xf32>
      %swap3A_277 = arith.index_cast %scan3A_226 : i32 to index
      %swap3A_278 = arith.constant 112 : index
      %swap3A_279 = tpu.vector_load %arg19[%swap3A_277, %swap3A_278] {strides = array<i32>} : memref<64x144xf32, #tpu.memory_space<vmem>>, vector<1x16xf32>,
      %swap3A_280 = vector.shape_cast %swap3A_279 : vector<1x16xf32> to vector<16xf32>
      %swap3A_281 = vector.shape_cast %broadcast_in_dim3A_276 : vector<16xf32> to vector<1x16xf32>
      tpu.vector_store %arg19[%swap3A_277, %swap3A_278], %swap3A_281 {strides = array<i32>} : memref<64x144xf32, #tpu.memory_space<vmem>>, vector<1x16xf32>,
      %broadcast_in_dim3A_282 = arith.constant 0.000000e+00 : f32
      %broadcast_in_dim3A_283 = vector.broadcast %broadcast_in_dim3A_282 : f32 to vector<16xf32>
      %swap3A_284 = arith.index_cast %scan3A_226 : i32 to index
      %swap3A_285 = arith.constant 128 : index
      %swap3A_286 = tpu.vector_load %arg19[%swap3A_284, %swap3A_285] {strides = array<i32>} : memref<64x144xf32, #tpu.memory_space<vmem>>, vector<1x16xf32>,
      %swap3A_287 = vector.shape_cast %swap3A_286 : vector<1x16xf32> to vector<16xf32>
      %swap3A_288 = vector.shape_cast %broadcast_in_dim3A_283 : vector<16xf32> to vector<1x16xf32>
      tpu.vector_store %arg19[%swap3A_284, %swap3A_285], %swap3A_288 {strides = array<i32>} : memref<64x144xf32, #tpu.memory_space<vmem>>, vector<1x16xf32>,
      %scan3A_289 = arith.constant 0 : i32
      scf.yield %scan3A_289 : i32
    }
    %scan3A_8 = arith.constant 64 : i32
    %mul3A_9 = arith.constant 640 : i32
    %mul3A_10 = arith.muli %arg1, %mul3A_9 : i32
    %add3A_11 = arith.constant 0 : i32
    %add3A_12 = arith.addi %mul3A_10, %add3A_11 : i32
    %dma_start3A = arith.constant 0 : i32
    %dma_start3A_13 = tpu.memref_slice %arg20[%add3A_12, %dma_start3A] : memref<10240x144xf32, #tpu.memory_space<vmem_shared>> -> memref<64x144xf32, #tpu.memory_space<vmem_shared>>
    %dma_start3A_14 = arith.constant 0 : i32
    %dma_start3A_15 = tpu.memref_slice %arg20[%add3A_12, %dma_start3A_14] : memref<10240x144xf32, #tpu.memory_space<vmem_shared>> -> memref<64x144xf32, #tpu.memory_space<vmem_shared>>
    tpu.enqueue_dma source(%arg19 : memref<64x144xf32, #tpu.memory_space<vmem>>) target(%dma_start3A_15 : memref<64x144xf32, #tpu.memory_space<vmem_shared>>) target_semaphore(%arg27 : memref<!tpu.dma_semaphore, #tpu.memory_space<semaphore_mem>>)
    %mul3A_16 = arith.constant 640 : i32
    %mul3A_17 = arith.muli %arg1, %mul3A_16 : i32
    %add3A_18 = arith.constant 64 : i32
    %add3A_19 = arith.addi %mul3A_17, %add3A_18 : i32
    %dma_start3A_20 = arith.constant 0 : i32
    %dma_start3A_21 = tpu.memref_slice %arg20[%add3A_19, %dma_start3A_20] : memref<10240x144xf32, #tpu.memory_space<vmem_shared>> -> memref<64x144xf32, #tpu.memory_space<vmem_shared>>
    %dma_start3A_22 = arith.constant 0 : i32
    %dma_start3A_23 = tpu.memref_slice %arg20[%add3A_19, %dma_start3A_22] : memref<10240x144xf32, #tpu.memory_space<vmem_shared>> -> memref<64x144xf32, #tpu.memory_space<vmem_shared>>
    tpu.enqueue_dma source(%arg19 : memref<64x144xf32, #tpu.memory_space<vmem>>) target(%dma_start3A_23 : memref<64x144xf32, #tpu.memory_space<vmem_shared>>) target_semaphore(%arg27 : memref<!tpu.dma_semaphore, #tpu.memory_space<semaphore_mem>>)
    %mul3A_24 = arith.constant 640 : i32
    %mul3A_25 = arith.muli %arg1, %mul3A_24 : i32
    %add3A_26 = arith.constant 128 : i32
    %add3A_27 = arith.addi %mul3A_25, %add3A_26 : i32
    %dma_start3A_28 = arith.constant 0 : i32
    %dma_start3A_29 = tpu.memref_slice %arg20[%add3A_27, %dma_start3A_28] : memref<10240x144xf32, #tpu.memory_space<vmem_shared>> -> memref<64x144xf32, #tpu.memory_space<vmem_shared>>
    %dma_start3A_30 = arith.constant 0 : i32
    %dma_start3A_31 = tpu.memref_slice %arg20[%add3A_27, %dma_start3A_30] : memref<10240x144xf32, #tpu.memory_space<vmem_shared>> -> memref<64x144xf32, #tpu.memory_space<vmem_shared>>
    tpu.enqueue_dma source(%arg19 : memref<64x144xf32, #tpu.memory_space<vmem>>) target(%dma_start3A_31 : memref<64x144xf32, #tpu.memory_space<vmem_shared>>) target_semaphore(%arg27 : memref<!tpu.dma_semaphore, #tpu.memory_space<semaphore_mem>>)
    %mul3A_32 = arith.constant 640 : i32
    %mul3A_33 = arith.muli %arg1, %mul3A_32 : i32
    %add3A_34 = arith.constant 192 : i32
    %add3A_35 = arith.addi %mul3A_33, %add3A_34 : i32
    %dma_start3A_36 = arith.constant 0 : i32
    %dma_start3A_37 = tpu.memref_slice %arg20[%add3A_35, %dma_start3A_36] : memref<10240x144xf32, #tpu.memory_space<vmem_shared>> -> memref<64x144xf32, #tpu.memory_space<vmem_shared>>
    %dma_start3A_38 = arith.constant 0 : i32
    %dma_start3A_39 = tpu.memref_slice %arg20[%add3A_35, %dma_start3A_38] : memref<10240x144xf32, #tpu.memory_space<vmem_shared>> -> memref<64x144xf32, #tpu.memory_space<vmem_shared>>
    tpu.enqueue_dma source(%arg19 : memref<64x144xf32, #tpu.memory_space<vmem>>) target(%dma_start3A_39 : memref<64x144xf32, #tpu.memory_space<vmem_shared>>) target_semaphore(%arg27 : memref<!tpu.dma_semaphore, #tpu.memory_space<semaphore_mem>>)
    %mul3A_40 = arith.constant 640 : i32
    %mul3A_41 = arith.muli %arg1, %mul3A_40 : i32
    %add3A_42 = arith.constant 256 : i32
    %add3A_43 = arith.addi %mul3A_41, %add3A_42 : i32
    %dma_start3A_44 = arith.constant 0 : i32
    %dma_start3A_45 = tpu.memref_slice %arg20[%add3A_43, %dma_start3A_44] : memref<10240x144xf32, #tpu.memory_space<vmem_shared>> -> memref<64x144xf32, #tpu.memory_space<vmem_shared>>
    %dma_start3A_46 = arith.constant 0 : i32
    %dma_start3A_47 = tpu.memref_slice %arg20[%add3A_43, %dma_start3A_46] : memref<10240x144xf32, #tpu.memory_space<vmem_shared>> -> memref<64x144xf32, #tpu.memory_space<vmem_shared>>
    tpu.enqueue_dma source(%arg19 : memref<64x144xf32, #tpu.memory_space<vmem>>) target(%dma_start3A_47 : memref<64x144xf32, #tpu.memory_space<vmem_shared>>) target_semaphore(%arg27 : memref<!tpu.dma_semaphore, #tpu.memory_space<semaphore_mem>>)
    %mul3A_48 = arith.constant 640 : i32
    %mul3A_49 = arith.muli %arg1, %mul3A_48 : i32
    %add3A_50 = arith.constant 320 : i32
    %add3A_51 = arith.addi %mul3A_49, %add3A_50 : i32
    %dma_start3A_52 = arith.constant 0 : i32
    %dma_start3A_53 = tpu.memref_slice %arg20[%add3A_51, %dma_start3A_52] : memref<10240x144xf32, #tpu.memory_space<vmem_shared>> -> memref<64x144xf32, #tpu.memory_space<vmem_shared>>
    %dma_start3A_54 = arith.constant 0 : i32
    %dma_start3A_55 = tpu.memref_slice %arg20[%add3A_51, %dma_start3A_54] : memref<10240x144xf32, #tpu.memory_space<vmem_shared>> -> memref<64x144xf32, #tpu.memory_space<vmem_shared>>
    tpu.enqueue_dma source(%arg19 : memref<64x144xf32, #tpu.memory_space<vmem>>) target(%dma_start3A_55 : memref<64x144xf32, #tpu.memory_space<vmem_shared>>) target_semaphore(%arg27 : memref<!tpu.dma_semaphore, #tpu.memory_space<semaphore_mem>>)
    %mul3A_56 = arith.constant 640 : i32
    %mul3A_57 = arith.muli %arg1, %mul3A_56 : i32
    %add3A_58 = arith.constant 384 : i32
    %add3A_59 = arith.addi %mul3A_57, %add3A_58 : i32
    %dma_start3A_60 = arith.constant 0 : i32
    %dma_start3A_61 = tpu.memref_slice %arg20[%add3A_59, %dma_start3A_60] : memref<10240x144xf32, #tpu.memory_space<vmem_shared>> -> memref<64x144xf32, #tpu.memory_space<vmem_shared>>
    %dma_start3A_62 = arith.constant 0 : i32
    %dma_start3A_63 = tpu.memref_slice %arg20[%add3A_59, %dma_start3A_62] : memref<10240x144xf32, #tpu.memory_space<vmem_shared>> -> memref<64x144xf32, #tpu.memory_space<vmem_shared>>
    tpu.enqueue_dma source(%arg19 : memref<64x144xf32, #tpu.memory_space<vmem>>) target(%dma_start3A_63 : memref<64x144xf32, #tpu.memory_space<vmem_shared>>) target_semaphore(%arg27 : memref<!tpu.dma_semaphore, #tpu.memory_space<semaphore_mem>>)
    %mul3A_64 = arith.constant 640 : i32
    %mul3A_65 = arith.muli %arg1, %mul3A_64 : i32
    %add3A_66 = arith.constant 448 : i32
    %add3A_67 = arith.addi %mul3A_65, %add3A_66 : i32
    %dma_start3A_68 = arith.constant 0 : i32
    %dma_start3A_69 = tpu.memref_slice %arg20[%add3A_67, %dma_start3A_68] : memref<10240x144xf32, #tpu.memory_space<vmem_shared>> -> memref<64x144xf32, #tpu.memory_space<vmem_shared>>
    %dma_start3A_70 = arith.constant 0 : i32
    %dma_start3A_71 = tpu.memref_slice %arg20[%add3A_67, %dma_start3A_70] : memref<10240x144xf32, #tpu.memory_space<vmem_shared>> -> memref<64x144xf32, #tpu.memory_space<vmem_shared>>
    tpu.enqueue_dma source(%arg19 : memref<64x144xf32, #tpu.memory_space<vmem>>) target(%dma_start3A_71 : memref<64x144xf32, #tpu.memory_space<vmem_shared>>) target_semaphore(%arg27 : memref<!tpu.dma_semaphore, #tpu.memory_space<semaphore_mem>>)
    %mul3A_72 = arith.constant 640 : i32
    %mul3A_73 = arith.muli %arg1, %mul3A_72 : i32
    %add3A_74 = arith.constant 512 : i32
    %add3A_75 = arith.addi %mul3A_73, %add3A_74 : i32
    %dma_start3A_76 = arith.constant 0 : i32
    %dma_start3A_77 = tpu.memref_slice %arg20[%add3A_75, %dma_start3A_76] : memref<10240x144xf32, #tpu.memory_space<vmem_shared>> -> memref<64x144xf32, #tpu.memory_space<vmem_shared>>
    %dma_start3A_78 = arith.constant 0 : i32
    %dma_start3A_79 = tpu.memref_slice %arg20[%add3A_75, %dma_start3A_78] : memref<10240x144xf32, #tpu.memory_space<vmem_shared>> -> memref<64x144xf32, #tpu.memory_space<vmem_shared>>
    tpu.enqueue_dma source(%arg19 : memref<64x144xf32, #tpu.memory_space<vmem>>) target(%dma_start3A_79 : memref<64x144xf32, #tpu.memory_space<vmem_shared>>) target_semaphore(%arg27 : memref<!tpu.dma_semaphore, #tpu.memory_space<semaphore_mem>>)
    %mul3A_80 = arith.constant 640 : i32
    %mul3A_81 = arith.muli %arg1, %mul3A_80 : i32
    %add3A_82 = arith.constant 576 : i32
    %add3A_83 = arith.addi %mul3A_81, %add3A_82 : i32
    %dma_start3A_84 = arith.constant 0 : i32
    %dma_start3A_85 = tpu.memref_slice %arg20[%add3A_83, %dma_start3A_84] : memref<10240x144xf32, #tpu.memory_space<vmem_shared>> -> memref<64x144xf32, #tpu.memory_space<vmem_shared>>
    %dma_start3A_86 = arith.constant 0 : i32
    %dma_start3A_87 = tpu.memref_slice %arg20[%add3A_83, %dma_start3A_86] : memref<10240x144xf32, #tpu.memory_space<vmem_shared>> -> memref<64x144xf32, #tpu.memory_space<vmem_shared>>
    tpu.enqueue_dma source(%arg19 : memref<64x144xf32, #tpu.memory_space<vmem>>) target(%dma_start3A_87 : memref<64x144xf32, #tpu.memory_space<vmem_shared>>) target_semaphore(%arg27 : memref<!tpu.dma_semaphore, #tpu.memory_space<semaphore_mem>>)
    %mul3A_88 = arith.constant 640 : i32
    %mul3A_89 = arith.muli %arg1, %mul3A_88 : i32
    %add3A_90 = arith.constant 0 : i32
    %add3A_91 = arith.addi %mul3A_89, %add3A_90 : i32
    %dma_wait3A = arith.constant 0 : i32
    %dma_wait3A_92 = tpu.memref_slice %arg20[%add3A_91, %dma_wait3A] : memref<10240x144xf32, #tpu.memory_space<vmem_shared>> -> memref<64x144xf32, #tpu.memory_space<vmem_shared>>
    %dma_wait3A_93 = arith.constant 0 : i32
    %dma_wait3A_94 = tpu.memref_slice %arg20[%add3A_91, %dma_wait3A_93] : memref<10240x144xf32, #tpu.memory_space<vmem_shared>> -> memref<64x144xf32, #tpu.memory_space<vmem_shared>>
    tpu.wait_dma2 semaphore(%arg27 : memref<!tpu.dma_semaphore, #tpu.memory_space<semaphore_mem>>) src(%arg19 : memref<64x144xf32, #tpu.memory_space<vmem>>) dst(%dma_wait3A_94 : memref<64x144xf32, #tpu.memory_space<vmem_shared>>)
    %mul3A_95 = arith.constant 640 : i32
    %mul3A_96 = arith.muli %arg1, %mul3A_95 : i32
    %add3A_97 = arith.constant 64 : i32
    %add3A_98 = arith.addi %mul3A_96, %add3A_97 : i32
    %dma_wait3A_99 = arith.constant 0 : i32
    %dma_wait3A_100 = tpu.memref_slice %arg20[%add3A_98, %dma_wait3A_99] : memref<10240x144xf32, #tpu.memory_space<vmem_shared>> -> memref<64x144xf32, #tpu.memory_space<vmem_shared>>
    %dma_wait3A_101 = arith.constant 0 : i32
    %dma_wait3A_102 = tpu.memref_slice %arg20[%add3A_98, %dma_wait3A_101] : memref<10240x144xf32, #tpu.memory_space<vmem_shared>> -> memref<64x144xf32, #tpu.memory_space<vmem_shared>>
    tpu.wait_dma2 semaphore(%arg27 : memref<!tpu.dma_semaphore, #tpu.memory_space<semaphore_mem>>) src(%arg19 : memref<64x144xf32, #tpu.memory_space<vmem>>) dst(%dma_wait3A_102 : memref<64x144xf32, #tpu.memory_space<vmem_shared>>)
    %mul3A_103 = arith.constant 640 : i32
    %mul3A_104 = arith.muli %arg1, %mul3A_103 : i32
    %add3A_105 = arith.constant 128 : i32
    %add3A_106 = arith.addi %mul3A_104, %add3A_105 : i32
    %dma_wait3A_107 = arith.constant 0 : i32
    %dma_wait3A_108 = tpu.memref_slice %arg20[%add3A_106, %dma_wait3A_107] : memref<10240x144xf32, #tpu.memory_space<vmem_shared>> -> memref<64x144xf32, #tpu.memory_space<vmem_shared>>
    %dma_wait3A_109 = arith.constant 0 : i32
    %dma_wait3A_110 = tpu.memref_slice %arg20[%add3A_106, %dma_wait3A_109] : memref<10240x144xf32, #tpu.memory_space<vmem_shared>> -> memref<64x144xf32, #tpu.memory_space<vmem_shared>>
    tpu.wait_dma2 semaphore(%arg27 : memref<!tpu.dma_semaphore, #tpu.memory_space<semaphore_mem>>) src(%arg19 : memref<64x144xf32, #tpu.memory_space<vmem>>) dst(%dma_wait3A_110 : memref<64x144xf32, #tpu.memory_space<vmem_shared>>)
    %mul3A_111 = arith.constant 640 : i32
    %mul3A_112 = arith.muli %arg1, %mul3A_111 : i32
    %add3A_113 = arith.constant 192 : i32
    %add3A_114 = arith.addi %mul3A_112, %add3A_113 : i32
    %dma_wait3A_115 = arith.constant 0 : i32
    %dma_wait3A_116 = tpu.memref_slice %arg20[%add3A_114, %dma_wait3A_115] : memref<10240x144xf32, #tpu.memory_space<vmem_shared>> -> memref<64x144xf32, #tpu.memory_space<vmem_shared>>
    %dma_wait3A_117 = arith.constant 0 : i32
    %dma_wait3A_118 = tpu.memref_slice %arg20[%add3A_114, %dma_wait3A_117] : memref<10240x144xf32, #tpu.memory_space<vmem_shared>> -> memref<64x144xf32, #tpu.memory_space<vmem_shared>>
    tpu.wait_dma2 semaphore(%arg27 : memref<!tpu.dma_semaphore, #tpu.memory_space<semaphore_mem>>) src(%arg19 : memref<64x144xf32, #tpu.memory_space<vmem>>) dst(%dma_wait3A_118 : memref<64x144xf32, #tpu.memory_space<vmem_shared>>)
    %mul3A_119 = arith.constant 640 : i32
    %mul3A_120 = arith.muli %arg1, %mul3A_119 : i32
    %add3A_121 = arith.constant 256 : i32
    %add3A_122 = arith.addi %mul3A_120, %add3A_121 : i32
    %dma_wait3A_123 = arith.constant 0 : i32
    %dma_wait3A_124 = tpu.memref_slice %arg20[%add3A_122, %dma_wait3A_123] : memref<10240x144xf32, #tpu.memory_space<vmem_shared>> -> memref<64x144xf32, #tpu.memory_space<vmem_shared>>
    %dma_wait3A_125 = arith.constant 0 : i32
    %dma_wait3A_126 = tpu.memref_slice %arg20[%add3A_122, %dma_wait3A_125] : memref<10240x144xf32, #tpu.memory_space<vmem_shared>> -> memref<64x144xf32, #tpu.memory_space<vmem_shared>>
    tpu.wait_dma2 semaphore(%arg27 : memref<!tpu.dma_semaphore, #tpu.memory_space<semaphore_mem>>) src(%arg19 : memref<64x144xf32, #tpu.memory_space<vmem>>) dst(%dma_wait3A_126 : memref<64x144xf32, #tpu.memory_space<vmem_shared>>)
    %mul3A_127 = arith.constant 640 : i32
    %mul3A_128 = arith.muli %arg1, %mul3A_127 : i32
    %add3A_129 = arith.constant 320 : i32
    %add3A_130 = arith.addi %mul3A_128, %add3A_129 : i32
    %dma_wait3A_131 = arith.constant 0 : i32
    %dma_wait3A_132 = tpu.memref_slice %arg20[%add3A_130, %dma_wait3A_131] : memref<10240x144xf32, #tpu.memory_space<vmem_shared>> -> memref<64x144xf32, #tpu.memory_space<vmem_shared>>
    %dma_wait3A_133 = arith.constant 0 : i32
    %dma_wait3A_134 = tpu.memref_slice %arg20[%add3A_130, %dma_wait3A_133] : memref<10240x144xf32, #tpu.memory_space<vmem_shared>> -> memref<64x144xf32, #tpu.memory_space<vmem_shared>>
    tpu.wait_dma2 semaphore(%arg27 : memref<!tpu.dma_semaphore, #tpu.memory_space<semaphore_mem>>) src(%arg19 : memref<64x144xf32, #tpu.memory_space<vmem>>) dst(%dma_wait3A_134 : memref<64x144xf32, #tpu.memory_space<vmem_shared>>)
    %mul3A_135 = arith.constant 640 : i32
    %mul3A_136 = arith.muli %arg1, %mul3A_135 : i32
    %add3A_137 = arith.constant 384 : i32
    %add3A_138 = arith.addi %mul3A_136, %add3A_137 : i32
    %dma_wait3A_139 = arith.constant 0 : i32
    %dma_wait3A_140 = tpu.memref_slice %arg20[%add3A_138, %dma_wait3A_139] : memref<10240x144xf32, #tpu.memory_space<vmem_shared>> -> memref<64x144xf32, #tpu.memory_space<vmem_shared>>
    %dma_wait3A_141 = arith.constant 0 : i32
    %dma_wait3A_142 = tpu.memref_slice %arg20[%add3A_138, %dma_wait3A_141] : memref<10240x144xf32, #tpu.memory_space<vmem_shared>> -> memref<64x144xf32, #tpu.memory_space<vmem_shared>>
    tpu.wait_dma2 semaphore(%arg27 : memref<!tpu.dma_semaphore, #tpu.memory_space<semaphore_mem>>) src(%arg19 : memref<64x144xf32, #tpu.memory_space<vmem>>) dst(%dma_wait3A_142 : memref<64x144xf32, #tpu.memory_space<vmem_shared>>)
    %mul3A_143 = arith.constant 640 : i32
    %mul3A_144 = arith.muli %arg1, %mul3A_143 : i32
    %add3A_145 = arith.constant 448 : i32
    %add3A_146 = arith.addi %mul3A_144, %add3A_145 : i32
    %dma_wait3A_147 = arith.constant 0 : i32
    %dma_wait3A_148 = tpu.memref_slice %arg20[%add3A_146, %dma_wait3A_147] : memref<10240x144xf32, #tpu.memory_space<vmem_shared>> -> memref<64x144xf32, #tpu.memory_space<vmem_shared>>
    %dma_wait3A_149 = arith.constant 0 : i32
    %dma_wait3A_150 = tpu.memref_slice %arg20[%add3A_146, %dma_wait3A_149] : memref<10240x144xf32, #tpu.memory_space<vmem_shared>> -> memref<64x144xf32, #tpu.memory_space<vmem_shared>>
    tpu.wait_dma2 semaphore(%arg27 : memref<!tpu.dma_semaphore, #tpu.memory_space<semaphore_mem>>) src(%arg19 : memref<64x144xf32, #tpu.memory_space<vmem>>) dst(%dma_wait3A_150 : memref<64x144xf32, #tpu.memory_space<vmem_shared>>)
    %mul3A_151 = arith.constant 640 : i32
    %mul3A_152 = arith.muli %arg1, %mul3A_151 : i32
    %add3A_153 = arith.constant 512 : i32
    %add3A_154 = arith.addi %mul3A_152, %add3A_153 : i32
    %dma_wait3A_155 = arith.constant 0 : i32
    %dma_wait3A_156 = tpu.memref_slice %arg20[%add3A_154, %dma_wait3A_155] : memref<10240x144xf32, #tpu.memory_space<vmem_shared>> -> memref<64x144xf32, #tpu.memory_space<vmem_shared>>
    %dma_wait3A_157 = arith.constant 0 : i32
    %dma_wait3A_158 = tpu.memref_slice %arg20[%add3A_154, %dma_wait3A_157] : memref<10240x144xf32, #tpu.memory_space<vmem_shared>> -> memref<64x144xf32, #tpu.memory_space<vmem_shared>>
    tpu.wait_dma2 semaphore(%arg27 : memref<!tpu.dma_semaphore, #tpu.memory_space<semaphore_mem>>) src(%arg19 : memref<64x144xf32, #tpu.memory_space<vmem>>) dst(%dma_wait3A_158 : memref<64x144xf32, #tpu.memory_space<vmem_shared>>)
    %mul3A_159 = arith.constant 640 : i32
    %mul3A_160 = arith.muli %arg1, %mul3A_159 : i32
    %add3A_161 = arith.constant 576 : i32
    %add3A_162 = arith.addi %mul3A_160, %add3A_161 : i32
    %dma_wait3A_163 = arith.constant 0 : i32
    %dma_wait3A_164 = tpu.memref_slice %arg20[%add3A_162, %dma_wait3A_163] : memref<10240x144xf32, #tpu.memory_space<vmem_shared>> -> memref<64x144xf32, #tpu.memory_space<vmem_shared>>
    %dma_wait3A_165 = arith.constant 0 : i32
    %dma_wait3A_166 = tpu.memref_slice %arg20[%add3A_162, %dma_wait3A_165] : memref<10240x144xf32, #tpu.memory_space<vmem_shared>> -> memref<64x144xf32, #tpu.memory_space<vmem_shared>>
    tpu.wait_dma2 semaphore(%arg27 : memref<!tpu.dma_semaphore, #tpu.memory_space<semaphore_mem>>) src(%arg19 : memref<64x144xf32, #tpu.memory_space<vmem>>) dst(%dma_wait3A_166 : memref<64x144xf32, #tpu.memory_space<vmem_shared>>)
    "tpu.region"() ({
      %run_scoped3A = tpu.sem_alloc : memref<!tpu.dma_semaphore, #tpu.memory_space<semaphore_mem>>
      tpu.enqueue_dma source(%arg6 : memref<16xf32, #tpu.memory_space<hbm>>) target(%arg18 : memref<16xf32, #tpu.memory_space<vmem>>) target_semaphore(%run_scoped3A : memref<!tpu.dma_semaphore, #tpu.memory_space<semaphore_mem>>)
      tpu.wait_dma2 semaphore(%run_scoped3A : memref<!tpu.dma_semaphore, #tpu.memory_space<semaphore_mem>>) src(%arg6 : memref<16xf32, #tpu.memory_space<hbm>>) dst(%arg18 : memref<16xf32, #tpu.memory_space<vmem>>)
      tpu.yield
    }) : () -> ()
    %get3A = arith.constant 0 : index
    %get3A_167 = tpu.vector_load %arg18[%get3A] {strides = array<i32>} : memref<16xf32, #tpu.memory_space<vmem>>, vector<16xf32>,
    %get3A_168 = vector.shape_cast %get3A_167 : vector<16xf32> to vector<16xf32>
    %barrier3A = arith.constant 0 : index
    tpu.barrier barrier_id(%barrier3A)
    %add3A_169 = arith.constant 0 : i32
    %add3A_170 = arith.addi %mul3A_2, %add3A_169 : i32
    %dma_start3A_171 = tpu.memref_slice %arg4[%add3A_170] : memref<320000xi32, #tpu.memory_space<hbm>> -> memref<80xi32, #tpu.memory_space<hbm>>
    %dma_start3A_172 = tpu.memref_slice %arg4[%add3A_170] : memref<320000xi32, #tpu.memory_space<hbm>> -> memref<80xi32, #tpu.memory_space<hbm>>
    tpu.enqueue_dma source(%dma_start3A_172 : memref<80xi32, #tpu.memory_space<hbm>>) target(%arg8 : memref<80xi32, #tpu.memory_space<vmem>>) target_semaphore(%arg21 : memref<!tpu.dma_semaphore, #tpu.memory_space<semaphore_mem>>)
    %dma_start3A_173 = tpu.memref_slice %arg5[%add3A_170] : memref<320000xi32, #tpu.memory_space<hbm>> -> memref<80xi32, #tpu.memory_space<hbm>>
    %dma_start3A_174 = tpu.memref_slice %arg5[%add3A_170] : memref<320000xi32, #tpu.memory_space<hbm>> -> memref<80xi32, #tpu.memory_space<hbm>>
    tpu.enqueue_dma source(%dma_start3A_174 : memref<80xi32, #tpu.memory_space<hbm>>) target(%arg9 : memref<80xi32, #tpu.memory_space<vmem>>) target_semaphore(%arg21 : memref<!tpu.dma_semaphore, #tpu.memory_space<semaphore_mem>>)
    %dma_wait3A_175 = arith.constant 0 : i32
    %dma_wait3A_176 = tpu.memref_slice %arg4[%dma_wait3A_175] : memref<320000xi32, #tpu.memory_space<hbm>> -> memref<80xi32, #tpu.memory_space<hbm>>
    %dma_wait3A_177 = arith.constant 0 : i32
    %dma_wait3A_178 = tpu.memref_slice %arg4[%dma_wait3A_177] : memref<320000xi32, #tpu.memory_space<hbm>> -> memref<80xi32, #tpu.memory_space<hbm>>
    tpu.wait_dma2 semaphore(%arg21 : memref<!tpu.dma_semaphore, #tpu.memory_space<semaphore_mem>>) src(%dma_wait3A_178 : memref<80xi32, #tpu.memory_space<hbm>>) dst(%arg8 : memref<80xi32, #tpu.memory_space<vmem>>)
    %dma_wait3A_179 = arith.constant 0 : i32
    %dma_wait3A_180 = tpu.memref_slice %arg5[%dma_wait3A_179] : memref<320000xi32, #tpu.memory_space<hbm>> -> memref<80xi32, #tpu.memory_space<hbm>>
    %dma_wait3A_181 = arith.constant 0 : i32
    %dma_wait3A_182 = tpu.memref_slice %arg5[%dma_wait3A_181] : memref<320000xi32, #tpu.memory_space<hbm>> -> memref<80xi32, #tpu.memory_space<hbm>>
    tpu.wait_dma2 semaphore(%arg21 : memref<!tpu.dma_semaphore, #tpu.memory_space<semaphore_mem>>) src(%dma_wait3A_182 : memref<80xi32, #tpu.memory_space<hbm>>) dst(%arg9 : memref<80xi32, #tpu.memory_space<vmem>>)
    %dma_start3A_183 = arith.constant 0 : i32
    %dma_start3A_184 = arith.constant 0 : i32
    %dma_start3A_185 = tpu.memref_slice %arg2[%dma_start3A_183, %dma_start3A_184] : memref<10000x144xf32, #tpu.memory_space<hbm>> -> memref<10000x144xf32, #tpu.memory_space<hbm>>
    tpu.enqueue_indirect_dma source(%dma_start3A_185 : memref<10000x144xf32, #tpu.memory_space<hbm>>) target(%arg14 : memref<80x144xf32, #tpu.memory_space<vmem>>) offsets(%arg8 : memref<80xi32, #tpu.memory_space<vmem>>) semaphore(%arg23 : memref<!tpu.dma_semaphore, #tpu.memory_space<semaphore_mem>>)
    %dma_start3A_186 = arith.constant 0 : i32
    %dma_start3A_187 = arith.constant 0 : i32
    %dma_start3A_188 = tpu.memref_slice %arg3[%dma_start3A_186, %dma_start3A_187] : memref<10000x16xf32, #tpu.memory_space<hbm>> -> memref<10000x16xf32, #tpu.memory_space<hbm>>
    tpu.enqueue_indirect_dma source(%dma_start3A_188 : memref<10000x16xf32, #tpu.memory_space<hbm>>) target(%arg15 : memref<80x16xf32, #tpu.memory_space<vmem>>) offsets(%arg9 : memref<80xi32, #tpu.memory_space<vmem>>) semaphore(%arg23 : memref<!tpu.dma_semaphore, #tpu.memory_space<semaphore_mem>>)
    %add3A_189 = arith.constant 80 : i32
    %add3A_190 = arith.addi %mul3A_2, %add3A_189 : i32
    %dma_start3A_191 = tpu.memref_slice %arg4[%add3A_190] : memref<320000xi32, #tpu.memory_space<hbm>> -> memref<80xi32, #tpu.memory_space<hbm>>
    %dma_start3A_192 = tpu.memref_slice %arg4[%add3A_190] : memref<320000xi32, #tpu.memory_space<hbm>> -> memref<80xi32, #tpu.memory_space<hbm>>
    tpu.enqueue_dma source(%dma_start3A_192 : memref<80xi32, #tpu.memory_space<hbm>>) target(%arg10 : memref<80xi32, #tpu.memory_space<vmem>>) target_semaphore(%arg22 : memref<!tpu.dma_semaphore, #tpu.memory_space<semaphore_mem>>)
    %dma_start3A_193 = tpu.memref_slice %arg5[%add3A_190] : memref<320000xi32, #tpu.memory_space<hbm>> -> memref<80xi32, #tpu.memory_space<hbm>>
    %dma_start3A_194 = tpu.memref_slice %arg5[%add3A_190] : memref<320000xi32, #tpu.memory_space<hbm>> -> memref<80xi32, #tpu.memory_space<hbm>>
    tpu.enqueue_dma source(%dma_start3A_194 : memref<80xi32, #tpu.memory_space<hbm>>) target(%arg11 : memref<80xi32, #tpu.memory_space<vmem>>) target_semaphore(%arg22 : memref<!tpu.dma_semaphore, #tpu.memory_space<semaphore_mem>>)
    %scan3A_195 = arith.constant 0 : i32
    %scan3A_196 = arith.constant 0 : i32
    %scan3A_197 = arith.constant 62 : i32
    %scan3A_198 = arith.addi %scan3A_196, %scan3A_197 : i32
    %scan3A_199 = arith.constant 1 : i32
    %scan3A_200 = scf.for %scan3A_226 = %scan3A_196 to %scan3A_198 step %scan3A_199 iter_args(%scan3A_227 = %scan3A_195) -> (i32)  : i32 {
      %gt3A = arith.constant 0 : i32
      %gt3A_228 = arith.cmpi sgt, %scan3A_226, %gt3A : i32
      %convert_element_type3A = arith.extui %gt3A_228 : i1 to i32
      %cond3A = arith.constant 0 : i32
      %cond3A_229 = arith.cmpi ne, %convert_element_type3A, %cond3A : i32
      scf.if %cond3A_229 {
        %dma_wait3A_378 = arith.constant 0 : i32
        %dma_wait3A_379 = arith.constant 0 : i32
        %dma_wait3A_380 = tpu.memref_slice %arg20[%dma_wait3A_378, %dma_wait3A_379] : memref<10240x144xf32, #tpu.memory_space<vmem_shared>> -> memref<10240x144xf32, #tpu.memory_space<vmem_shared>>
        tpu.wait_indirect_dma semaphore(%arg26 : memref<!tpu.dma_semaphore, #tpu.memory_space<semaphore_mem>>) src(%arg16 : memref<80x144xf32, #tpu.memory_space<vmem>>) dst(%dma_wait3A_380 : memref<10240x144xf32, #tpu.memory_space<vmem_shared>>)
      } else {
      }
      %dma_wait3A_230 = arith.constant 0 : i32
      %dma_wait3A_231 = tpu.memref_slice %arg4[%dma_wait3A_230] : memref<320000xi32, #tpu.memory_space<hbm>> -> memref<80xi32, #tpu.memory_space<hbm>>
      %dma_wait3A_232 = arith.constant 0 : i32
      %dma_wait3A_233 = tpu.memref_slice %arg4[%dma_wait3A_232] : memref<320000xi32, #tpu.memory_space<hbm>> -> memref<80xi32, #tpu.memory_space<hbm>>
      tpu.wait_dma2 semaphore(%arg22 : memref<!tpu.dma_semaphore, #tpu.memory_space<semaphore_mem>>) src(%dma_wait3A_233 : memref<80xi32, #tpu.memory_space<hbm>>) dst(%arg10 : memref<80xi32, #tpu.memory_space<vmem>>)
      %dma_wait3A_234 = arith.constant 0 : i32
      %dma_wait3A_235 = tpu.memref_slice %arg5[%dma_wait3A_234] : memref<320000xi32, #tpu.memory_space<hbm>> -> memref<80xi32, #tpu.memory_space<hbm>>
      %dma_wait3A_236 = arith.constant 0 : i32
      %dma_wait3A_237 = tpu.memref_slice %arg5[%dma_wait3A_236] : memref<320000xi32, #tpu.memory_space<hbm>> -> memref<80xi32, #tpu.memory_space<hbm>>
      tpu.wait_dma2 semaphore(%arg22 : memref<!tpu.dma_semaphore, #tpu.memory_space<semaphore_mem>>) src(%dma_wait3A_237 : memref<80xi32, #tpu.memory_space<hbm>>) dst(%arg11 : memref<80xi32, #tpu.memory_space<vmem>>)
      %dma_start3A_238 = arith.constant 0 : i32
      %dma_start3A_239 = arith.constant 0 : i32
      %dma_start3A_240 = tpu.memref_slice %arg2[%dma_start3A_238, %dma_start3A_239] : memref<10000x144xf32, #tpu.memory_space<hbm>> -> memref<10000x144xf32, #tpu.memory_space<hbm>>
      tpu.enqueue_indirect_dma source(%dma_start3A_240 : memref<10000x144xf32, #tpu.memory_space<hbm>>) target(%arg16 : memref<80x144xf32, #tpu.memory_space<vmem>>) offsets(%arg10 : memref<80xi32, #tpu.memory_space<vmem>>) semaphore(%arg24 : memref<!tpu.dma_semaphore, #tpu.memory_space<semaphore_mem>>)
      %dma_start3A_241 = arith.constant 0 : i32
      %dma_start3A_242 = arith.constant 0 : i32
      %dma_start3A_243 = tpu.memref_slice %arg3[%dma_start3A_241, %dma_start3A_242] : memref<10000x16xf32, #tpu.memory_space<hbm>> -> memref<10000x16xf32, #tpu.memory_space<hbm>>
      tpu.enqueue_indirect_dma source(%dma_start3A_243 : memref<10000x16xf32, #tpu.memory_space<hbm>>) target(%arg17 : memref<80x16xf32, #tpu.memory_space<vmem>>) offsets(%arg11 : memref<80xi32, #tpu.memory_space<vmem>>) semaphore(%arg24 : memref<!tpu.dma_semaphore, #tpu.memory_space<semaphore_mem>>)
      %dma_wait3A_244 = arith.constant 0 : i32
      %dma_wait3A_245 = arith.constant 0 : i32
      %dma_wait3A_246 = tpu.memref_slice %arg2[%dma_wait3A_244, %dma_wait3A_245] : memref<10000x144xf32, #tpu.memory_space<hbm>> -> memref<10000x144xf32, #tpu.memory_space<hbm>>
      tpu.wait_indirect_dma semaphore(%arg23 : memref<!tpu.dma_semaphore, #tpu.memory_space<semaphore_mem>>) src(%dma_wait3A_246 : memref<10000x144xf32, #tpu.memory_space<hbm>>) dst(%arg14 : memref<80x144xf32, #tpu.memory_space<vmem>>)
      %dma_wait3A_247 = arith.constant 0 : i32
      %dma_wait3A_248 = arith.constant 0 : i32
      %dma_wait3A_249 = tpu.memref_slice %arg3[%dma_wait3A_247, %dma_wait3A_248] : memref<10000x16xf32, #tpu.memory_space<hbm>> -> memref<10000x16xf32, #tpu.memory_space<hbm>>
      tpu.wait_indirect_dma semaphore(%arg23 : memref<!tpu.dma_semaphore, #tpu.memory_space<semaphore_mem>>) src(%dma_wait3A_249 : memref<10000x16xf32, #tpu.memory_space<hbm>>) dst(%arg15 : memref<80x16xf32, #tpu.memory_space<vmem>>)
      %parallel_loop3A_250 = arith.constant 0 : i32
      %parallel_loop3A_251 = arith.constant 80 : i32
      %parallel_loop3A_252 = arith.constant 1 : i32
      scf.for %parallel_loop3A_378 = %parallel_loop3A_250 to %parallel_loop3A_251 step %parallel_loop3A_252  : i32 {
        %parallel_loop3A_379 = arith.index_cast %parallel_loop3A_378 : i32 to index
        %parallel_loop3A_380 = arith.constant 128 : index
        %parallel_loop3A_381 = tpu.vector_load %arg14[%parallel_loop3A_379, %parallel_loop3A_380] {strides = array<i32>} : memref<80x144xf32, #tpu.memory_space<vmem>>, vector<1x16xf32>,
        %parallel_loop3A_382 = vector.shape_cast %parallel_loop3A_381 : vector<1x16xf32> to vector<16xf32>
        %parallel_loop3A_383 = arith.index_cast %parallel_loop3A_378 : i32 to index
        %parallel_loop3A_384 = arith.constant 0 : index
        %parallel_loop3A_385 = tpu.vector_load %arg15[%parallel_loop3A_383, %parallel_loop3A_384] {strides = array<i32>} : memref<80x16xf32, #tpu.memory_space<vmem>>, vector<1x16xf32>,
        %parallel_loop3A_386 = vector.shape_cast %parallel_loop3A_385 : vector<1x16xf32> to vector<16xf32>
        %parallel_loop3A_387 = arith.addf %parallel_loop3A_382, %parallel_loop3A_386 : vector<16xf32>
        %parallel_loop3A_388 = arith.constant 0.000000e+00 : f32
        %parallel_loop3A_389 = vector.broadcast %parallel_loop3A_388 : f32 to vector<16xf32>
        %parallel_loop3A_390 = arith.cmpf oge, %parallel_loop3A_387, %parallel_loop3A_389 : vector<16xf32>
        %parallel_loop3A_391 = arith.constant 2.000000e-01 : f32
        %parallel_loop3A_392 = vector.broadcast %parallel_loop3A_391 : f32 to vector<16xf32>
        %parallel_loop3A_393 = arith.mulf %parallel_loop3A_392, %parallel_loop3A_387 : vector<16xf32>
        %parallel_loop3A_394 = arith.select %parallel_loop3A_390, %parallel_loop3A_387, %parallel_loop3A_393 : vector<16xi1>, vector<16xf32>
        %parallel_loop3A_395 = arith.subf %parallel_loop3A_394, %get3A_168 : vector<16xf32>
        %parallel_loop3A_396 = math.exp %parallel_loop3A_395 : vector<16xf32>
        %parallel_loop3A_397 = arith.index_cast %parallel_loop3A_378 : i32 to index
        %parallel_loop3A_398 = arith.constant 128 : index
        %parallel_loop3A_399 = tpu.vector_load %arg14[%parallel_loop3A_397, %parallel_loop3A_398] {strides = array<i32>} : memref<80x144xf32, #tpu.memory_space<vmem>>, vector<1x16xf32>,
        %parallel_loop3A_400 = vector.shape_cast %parallel_loop3A_399 : vector<1x16xf32> to vector<16xf32>
        %parallel_loop3A_401 = vector.shape_cast %parallel_loop3A_396 : vector<16xf32> to vector<1x16xf32>
        tpu.vector_store %arg14[%parallel_loop3A_397, %parallel_loop3A_398], %parallel_loop3A_401 {strides = array<i32>} : memref<80x144xf32, #tpu.memory_space<vmem>>, vector<1x16xf32>,
        %parallel_loop3A_402 = arith.constant 0 : i32
        %parallel_loop3A_403 = vector.broadcast %parallel_loop3A_402 : i32 to vector<16xi32>
        %parallel_loop3A_404 = vector.shape_cast %parallel_loop3A_403 : vector<16xi32> to vector<16x1xi32>
        %parallel_loop3A_405 = vector.shape_cast %parallel_loop3A_404 : vector<16x1xi32> to vector<16xi32>
        %parallel_loop3A_406 = tpu.dynamic_gather %parallel_loop3A_396[%parallel_loop3A_405] in [0] : vector<16xf32>, vector<16xi32> -> vector<16xf32>
        %parallel_loop3A_407 = arith.index_cast %parallel_loop3A_378 : i32 to index
        %parallel_loop3A_408 = arith.constant 0 : index
        %parallel_loop3A_409 = tpu.vector_load %arg14[%parallel_loop3A_407, %parallel_loop3A_408] {strides = array<i32>} : memref<80x144xf32, #tpu.memory_space<vmem>>, vector<1x16xf32>,
        %parallel_loop3A_410 = vector.shape_cast %parallel_loop3A_409 : vector<1x16xf32> to vector<16xf32>
        %parallel_loop3A_411 = arith.mulf %parallel_loop3A_410, %parallel_loop3A_406 : vector<16xf32>
        %parallel_loop3A_412 = arith.index_cast %parallel_loop3A_378 : i32 to index
        %parallel_loop3A_413 = arith.constant 0 : index
        %parallel_loop3A_414 = tpu.vector_load %arg14[%parallel_loop3A_412, %parallel_loop3A_413] {strides = array<i32>} : memref<80x144xf32, #tpu.memory_space<vmem>>, vector<1x16xf32>,
        %parallel_loop3A_415 = vector.shape_cast %parallel_loop3A_414 : vector<1x16xf32> to vector<16xf32>
        %parallel_loop3A_416 = vector.shape_cast %parallel_loop3A_411 : vector<16xf32> to vector<1x16xf32>
        tpu.vector_store %arg14[%parallel_loop3A_412, %parallel_loop3A_413], %parallel_loop3A_416 {strides = array<i32>} : memref<80x144xf32, #tpu.memory_space<vmem>>, vector<1x16xf32>,
        %parallel_loop3A_417 = arith.constant 1 : i32
        %parallel_loop3A_418 = vector.broadcast %parallel_loop3A_417 : i32 to vector<16xi32>
        %parallel_loop3A_419 = vector.shape_cast %parallel_loop3A_418 : vector<16xi32> to vector<16x1xi32>
        %parallel_loop3A_420 = vector.shape_cast %parallel_loop3A_419 : vector<16x1xi32> to vector<16xi32>
        %parallel_loop3A_421 = tpu.dynamic_gather %parallel_loop3A_396[%parallel_loop3A_420] in [0] : vector<16xf32>, vector<16xi32> -> vector<16xf32>
        %parallel_loop3A_422 = arith.index_cast %parallel_loop3A_378 : i32 to index
        %parallel_loop3A_423 = arith.constant 16 : index
        %parallel_loop3A_424 = tpu.vector_load %arg14[%parallel_loop3A_422, %parallel_loop3A_423] {strides = array<i32>} : memref<80x144xf32, #tpu.memory_space<vmem>>, vector<1x16xf32>,
        %parallel_loop3A_425 = vector.shape_cast %parallel_loop3A_424 : vector<1x16xf32> to vector<16xf32>
        %parallel_loop3A_426 = arith.mulf %parallel_loop3A_425, %parallel_loop3A_421 : vector<16xf32>
        %parallel_loop3A_427 = arith.index_cast %parallel_loop3A_378 : i32 to index
        %parallel_loop3A_428 = arith.constant 16 : index
        %parallel_loop3A_429 = tpu.vector_load %arg14[%parallel_loop3A_427, %parallel_loop3A_428] {strides = array<i32>} : memref<80x144xf32, #tpu.memory_space<vmem>>, vector<1x16xf32>,
        %parallel_loop3A_430 = vector.shape_cast %parallel_loop3A_429 : vector<1x16xf32> to vector<16xf32>
        %parallel_loop3A_431 = vector.shape_cast %parallel_loop3A_426 : vector<16xf32> to vector<1x16xf32>
        tpu.vector_store %arg14[%parallel_loop3A_427, %parallel_loop3A_428], %parallel_loop3A_431 {strides = array<i32>} : memref<80x144xf32, #tpu.memory_space<vmem>>, vector<1x16xf32>,
        %parallel_loop3A_432 = arith.constant 2 : i32
        %parallel_loop3A_433 = vector.broadcast %parallel_loop3A_432 : i32 to vector<16xi32>
        %parallel_loop3A_434 = vector.shape_cast %parallel_loop3A_433 : vector<16xi32> to vector<16x1xi32>
        %parallel_loop3A_435 = vector.shape_cast %parallel_loop3A_434 : vector<16x1xi32> to vector<16xi32>
        %parallel_loop3A_436 = tpu.dynamic_gather %parallel_loop3A_396[%parallel_loop3A_435] in [0] : vector<16xf32>, vector<16xi32> -> vector<16xf32>
        %parallel_loop3A_437 = arith.index_cast %parallel_loop3A_378 : i32 to index
        %parallel_loop3A_438 = arith.constant 32 : index
        %parallel_loop3A_439 = tpu.vector_load %arg14[%parallel_loop3A_437, %parallel_loop3A_438] {strides = array<i32>} : memref<80x144xf32, #tpu.memory_space<vmem>>, vector<1x16xf32>,
        %parallel_loop3A_440 = vector.shape_cast %parallel_loop3A_439 : vector<1x16xf32> to vector<16xf32>
        %parallel_loop3A_441 = arith.mulf %parallel_loop3A_440, %parallel_loop3A_436 : vector<16xf32>
        %parallel_loop3A_442 = arith.index_cast %parallel_loop3A_378 : i32 to index
        %parallel_loop3A_443 = arith.constant 32 : index
        %parallel_loop3A_444 = tpu.vector_load %arg14[%parallel_loop3A_442, %parallel_loop3A_443] {strides = array<i32>} : memref<80x144xf32, #tpu.memory_space<vmem>>, vector<1x16xf32>,
        %parallel_loop3A_445 = vector.shape_cast %parallel_loop3A_444 : vector<1x16xf32> to vector<16xf32>
        %parallel_loop3A_446 = vector.shape_cast %parallel_loop3A_441 : vector<16xf32> to vector<1x16xf32>
        tpu.vector_store %arg14[%parallel_loop3A_442, %parallel_loop3A_443], %parallel_loop3A_446 {strides = array<i32>} : memref<80x144xf32, #tpu.memory_space<vmem>>, vector<1x16xf32>,
        %parallel_loop3A_447 = arith.constant 3 : i32
        %parallel_loop3A_448 = vector.broadcast %parallel_loop3A_447 : i32 to vector<16xi32>
        %parallel_loop3A_449 = vector.shape_cast %parallel_loop3A_448 : vector<16xi32> to vector<16x1xi32>
        %parallel_loop3A_450 = vector.shape_cast %parallel_loop3A_449 : vector<16x1xi32> to vector<16xi32>
        %parallel_loop3A_451 = tpu.dynamic_gather %parallel_loop3A_396[%parallel_loop3A_450] in [0] : vector<16xf32>, vector<16xi32> -> vector<16xf32>
        %parallel_loop3A_452 = arith.index_cast %parallel_loop3A_378 : i32 to index
        %parallel_loop3A_453 = arith.constant 48 : index
        %parallel_loop3A_454 = tpu.vector_load %arg14[%parallel_loop3A_452, %parallel_loop3A_453] {strides = array<i32>} : memref<80x144xf32, #tpu.memory_space<vmem>>, vector<1x16xf32>,
        %parallel_loop3A_455 = vector.shape_cast %parallel_loop3A_454 : vector<1x16xf32> to vector<16xf32>
        %parallel_loop3A_456 = arith.mulf %parallel_loop3A_455, %parallel_loop3A_451 : vector<16xf32>
        %parallel_loop3A_457 = arith.index_cast %parallel_loop3A_378 : i32 to index
        %parallel_loop3A_458 = arith.constant 48 : index
        %parallel_loop3A_459 = tpu.vector_load %arg14[%parallel_loop3A_457, %parallel_loop3A_458] {strides = array<i32>} : memref<80x144xf32, #tpu.memory_space<vmem>>, vector<1x16xf32>,
        %parallel_loop3A_460 = vector.shape_cast %parallel_loop3A_459 : vector<1x16xf32> to vector<16xf32>
        %parallel_loop3A_461 = vector.shape_cast %parallel_loop3A_456 : vector<16xf32> to vector<1x16xf32>
        tpu.vector_store %arg14[%parallel_loop3A_457, %parallel_loop3A_458], %parallel_loop3A_461 {strides = array<i32>} : memref<80x144xf32, #tpu.memory_space<vmem>>, vector<1x16xf32>,
        %parallel_loop3A_462 = arith.constant 4 : i32
        %parallel_loop3A_463 = vector.broadcast %parallel_loop3A_462 : i32 to vector<16xi32>
        %parallel_loop3A_464 = vector.shape_cast %parallel_loop3A_463 : vector<16xi32> to vector<16x1xi32>
        %parallel_loop3A_465 = vector.shape_cast %parallel_loop3A_464 : vector<16x1xi32> to vector<16xi32>
        %parallel_loop3A_466 = tpu.dynamic_gather %parallel_loop3A_396[%parallel_loop3A_465] in [0] : vector<16xf32>, vector<16xi32> -> vector<16xf32>
        %parallel_loop3A_467 = arith.index_cast %parallel_loop3A_378 : i32 to index
        %parallel_loop3A_468 = arith.constant 64 : index
        %parallel_loop3A_469 = tpu.vector_load %arg14[%parallel_loop3A_467, %parallel_loop3A_468] {strides = array<i32>} : memref<80x144xf32, #tpu.memory_space<vmem>>, vector<1x16xf32>,
        %parallel_loop3A_470 = vector.shape_cast %parallel_loop3A_469 : vector<1x16xf32> to vector<16xf32>
        %parallel_loop3A_471 = arith.mulf %parallel_loop3A_470, %parallel_loop3A_466 : vector<16xf32>
        %parallel_loop3A_472 = arith.index_cast %parallel_loop3A_378 : i32 to index
        %parallel_loop3A_473 = arith.constant 64 : index
        %parallel_loop3A_474 = tpu.vector_load %arg14[%parallel_loop3A_472, %parallel_loop3A_473] {strides = array<i32>} : memref<80x144xf32, #tpu.memory_space<vmem>>, vector<1x16xf32>,
        %parallel_loop3A_475 = vector.shape_cast %parallel_loop3A_474 : vector<1x16xf32> to vector<16xf32>
        %parallel_loop3A_476 = vector.shape_cast %parallel_loop3A_471 : vector<16xf32> to vector<1x16xf32>
        tpu.vector_store %arg14[%parallel_loop3A_472, %parallel_loop3A_473], %parallel_loop3A_476 {strides = array<i32>} : memref<80x144xf32, #tpu.memory_space<vmem>>, vector<1x16xf32>,
        %parallel_loop3A_477 = arith.constant 5 : i32
        %parallel_loop3A_478 = vector.broadcast %parallel_loop3A_477 : i32 to vector<16xi32>
        %parallel_loop3A_479 = vector.shape_cast %parallel_loop3A_478 : vector<16xi32> to vector<16x1xi32>
        %parallel_loop3A_480 = vector.shape_cast %parallel_loop3A_479 : vector<16x1xi32> to vector<16xi32>
        %parallel_loop3A_481 = tpu.dynamic_gather %parallel_loop3A_396[%parallel_loop3A_480] in [0] : vector<16xf32>, vector<16xi32> -> vector<16xf32>
        %parallel_loop3A_482 = arith.index_cast %parallel_loop3A_378 : i32 to index
        %parallel_loop3A_483 = arith.constant 80 : index
        %parallel_loop3A_484 = tpu.vector_load %arg14[%parallel_loop3A_482, %parallel_loop3A_483] {strides = array<i32>} : memref<80x144xf32, #tpu.memory_space<vmem>>, vector<1x16xf32>,
        %parallel_loop3A_485 = vector.shape_cast %parallel_loop3A_484 : vector<1x16xf32> to vector<16xf32>
        %parallel_loop3A_486 = arith.mulf %parallel_loop3A_485, %parallel_loop3A_481 : vector<16xf32>
        %parallel_loop3A_487 = arith.index_cast %parallel_loop3A_378 : i32 to index
        %parallel_loop3A_488 = arith.constant 80 : index
        %parallel_loop3A_489 = tpu.vector_load %arg14[%parallel_loop3A_487, %parallel_loop3A_488] {strides = array<i32>} : memref<80x144xf32, #tpu.memory_space<vmem>>, vector<1x16xf32>,
        %parallel_loop3A_490 = vector.shape_cast %parallel_loop3A_489 : vector<1x16xf32> to vector<16xf32>
        %parallel_loop3A_491 = vector.shape_cast %parallel_loop3A_486 : vector<16xf32> to vector<1x16xf32>
        tpu.vector_store %arg14[%parallel_loop3A_487, %parallel_loop3A_488], %parallel_loop3A_491 {strides = array<i32>} : memref<80x144xf32, #tpu.memory_space<vmem>>, vector<1x16xf32>,
        %parallel_loop3A_492 = arith.constant 6 : i32
        %parallel_loop3A_493 = vector.broadcast %parallel_loop3A_492 : i32 to vector<16xi32>
        %parallel_loop3A_494 = vector.shape_cast %parallel_loop3A_493 : vector<16xi32> to vector<16x1xi32>
        %parallel_loop3A_495 = vector.shape_cast %parallel_loop3A_494 : vector<16x1xi32> to vector<16xi32>
        %parallel_loop3A_496 = tpu.dynamic_gather %parallel_loop3A_396[%parallel_loop3A_495] in [0] : vector<16xf32>, vector<16xi32> -> vector<16xf32>
        %parallel_loop3A_497 = arith.index_cast %parallel_loop3A_378 : i32 to index
        %parallel_loop3A_498 = arith.constant 96 : index
        %parallel_loop3A_499 = tpu.vector_load %arg14[%parallel_loop3A_497, %parallel_loop3A_498] {strides = array<i32>} : memref<80x144xf32, #tpu.memory_space<vmem>>, vector<1x16xf32>,
        %parallel_loop3A_500 = vector.shape_cast %parallel_loop3A_499 : vector<1x16xf32> to vector<16xf32>
        %parallel_loop3A_501 = arith.mulf %parallel_loop3A_500, %parallel_loop3A_496 : vector<16xf32>
        %parallel_loop3A_502 = arith.index_cast %parallel_loop3A_378 : i32 to index
        %parallel_loop3A_503 = arith.constant 96 : index
        %parallel_loop3A_504 = tpu.vector_load %arg14[%parallel_loop3A_502, %parallel_loop3A_503] {strides = array<i32>} : memref<80x144xf32, #tpu.memory_space<vmem>>, vector<1x16xf32>,
        %parallel_loop3A_505 = vector.shape_cast %parallel_loop3A_504 : vector<1x16xf32> to vector<16xf32>
        %parallel_loop3A_506 = vector.shape_cast %parallel_loop3A_501 : vector<16xf32> to vector<1x16xf32>
        tpu.vector_store %arg14[%parallel_loop3A_502, %parallel_loop3A_503], %parallel_loop3A_506 {strides = array<i32>} : memref<80x144xf32, #tpu.memory_space<vmem>>, vector<1x16xf32>,
        %parallel_loop3A_507 = arith.constant 7 : i32
        %parallel_loop3A_508 = vector.broadcast %parallel_loop3A_507 : i32 to vector<16xi32>
        %parallel_loop3A_509 = vector.shape_cast %parallel_loop3A_508 : vector<16xi32> to vector<16x1xi32>
        %parallel_loop3A_510 = vector.shape_cast %parallel_loop3A_509 : vector<16x1xi32> to vector<16xi32>
        %parallel_loop3A_511 = tpu.dynamic_gather %parallel_loop3A_396[%parallel_loop3A_510] in [0] : vector<16xf32>, vector<16xi32> -> vector<16xf32>
        %parallel_loop3A_512 = arith.index_cast %parallel_loop3A_378 : i32 to index
        %parallel_loop3A_513 = arith.constant 112 : index
        %parallel_loop3A_514 = tpu.vector_load %arg14[%parallel_loop3A_512, %parallel_loop3A_513] {strides = array<i32>} : memref<80x144xf32, #tpu.memory_space<vmem>>, vector<1x16xf32>,
        %parallel_loop3A_515 = vector.shape_cast %parallel_loop3A_514 : vector<1x16xf32> to vector<16xf32>
        %parallel_loop3A_516 = arith.mulf %parallel_loop3A_515, %parallel_loop3A_511 : vector<16xf32>
        %parallel_loop3A_517 = arith.index_cast %parallel_loop3A_378 : i32 to index
        %parallel_loop3A_518 = arith.constant 112 : index
        %parallel_loop3A_519 = tpu.vector_load %arg14[%parallel_loop3A_517, %parallel_loop3A_518] {strides = array<i32>} : memref<80x144xf32, #tpu.memory_space<vmem>>, vector<1x16xf32>,
        %parallel_loop3A_520 = vector.shape_cast %parallel_loop3A_519 : vector<1x16xf32> to vector<16xf32>
        %parallel_loop3A_521 = vector.shape_cast %parallel_loop3A_516 : vector<16xf32> to vector<1x16xf32>
        tpu.vector_store %arg14[%parallel_loop3A_517, %parallel_loop3A_518], %parallel_loop3A_521 {strides = array<i32>} : memref<80x144xf32, #tpu.memory_space<vmem>>, vector<1x16xf32>,
      } {sc.loop_unroll_factor = 4 : i64, sc.parallel_access}
      %get3A_253 = arith.constant 0 : index
      %get3A_254 = tpu.vector_load %arg9[%get3A_253] {strides = array<i32>} : memref<80xi32, #tpu.memory_space<vmem>>, vector<16xi32>,
      %get3A_255 = vector.shape_cast %get3A_254 : vector<16xi32> to vector<16xi32>
      %swap3A = arith.constant 0 : index
      %swap3A_256 = tpu.vector_load %arg12[%swap3A] {strides = array<i32>} : memref<80xi32, #tpu.memory_space<vmem>>, vector<16xi32>,
      %swap3A_257 = vector.shape_cast %swap3A_256 : vector<16xi32> to vector<16xi32>
      %swap3A_258 = vector.shape_cast %get3A_255 : vector<16xi32> to vector<16xi32>
      tpu.vector_store %arg12[%swap3A], %swap3A_258 {strides = array<i32>} : memref<80xi32, #tpu.memory_space<vmem>>, vector<16xi32>,
      %get3A_259 = arith.constant 16 : index
      %get3A_260 = tpu.vector_load %arg9[%get3A_259] {strides = array<i32>} : memref<80xi32, #tpu.memory_space<vmem>>, vector<16xi32>,
      %get3A_261 = vector.shape_cast %get3A_260 : vector<16xi32> to vector<16xi32>
      %swap3A_262 = arith.constant 16 : index
      %swap3A_263 = tpu.vector_load %arg12[%swap3A_262] {strides = array<i32>} : memref<80xi32, #tpu.memory_space<vmem>>, vector<16xi32>,
      %swap3A_264 = vector.shape_cast %swap3A_263 : vector<16xi32> to vector<16xi32>
      %swap3A_265 = vector.shape_cast %get3A_261 : vector<16xi32> to vector<16xi32>
      tpu.vector_store %arg12[%swap3A_262], %swap3A_265 {strides = array<i32>} : memref<80xi32, #tpu.memory_space<vmem>>, vector<16xi32>,
      %get3A_266 = arith.constant 32 : index
      %get3A_267 = tpu.vector_load %arg9[%get3A_266] {strides = array<i32>} : memref<80xi32, #tpu.memory_space<vmem>>, vector<16xi32>,
      %get3A_268 = vector.shape_cast %get3A_267 : vector<16xi32> to vector<16xi32>
      %swap3A_269 = arith.constant 32 : index
      %swap3A_270 = tpu.vector_load %arg12[%swap3A_269] {strides = array<i32>} : memref<80xi32, #tpu.memory_space<vmem>>, vector<16xi32>,
      %swap3A_271 = vector.shape_cast %swap3A_270 : vector<16xi32> to vector<16xi32>
      %swap3A_272 = vector.shape_cast %get3A_268 : vector<16xi32> to vector<16xi32>
      tpu.vector_store %arg12[%swap3A_269], %swap3A_272 {strides = array<i32>} : memref<80xi32, #tpu.memory_space<vmem>>, vector<16xi32>,
      %get3A_273 = arith.constant 48 : index
      %get3A_274 = tpu.vector_load %arg9[%get3A_273] {strides = array<i32>} : memref<80xi32, #tpu.memory_space<vmem>>, vector<16xi32>,
      %get3A_275 = vector.shape_cast %get3A_274 : vector<16xi32> to vector<16xi32>
      %swap3A_276 = arith.constant 48 : index
      %swap3A_277 = tpu.vector_load %arg12[%swap3A_276] {strides = array<i32>} : memref<80xi32, #tpu.memory_space<vmem>>, vector<16xi32>,
      %swap3A_278 = vector.shape_cast %swap3A_277 : vector<16xi32> to vector<16xi32>
      %swap3A_279 = vector.shape_cast %get3A_275 : vector<16xi32> to vector<16xi32>
      tpu.vector_store %arg12[%swap3A_276], %swap3A_279 {strides = array<i32>} : memref<80xi32, #tpu.memory_space<vmem>>, vector<16xi32>,
      %get3A_280 = arith.constant 64 : index
      %get3A_281 = tpu.vector_load %arg9[%get3A_280] {strides = array<i32>} : memref<80xi32, #tpu.memory_space<vmem>>, vector<16xi32>,
      %get3A_282 = vector.shape_cast %get3A_281 : vector<16xi32> to vector<16xi32>
      %swap3A_283 = arith.constant 64 : index
      %swap3A_284 = tpu.vector_load %arg12[%swap3A_283] {strides = array<i32>} : memref<80xi32, #tpu.memory_space<vmem>>, vector<16xi32>,
      %swap3A_285 = vector.shape_cast %swap3A_284 : vector<16xi32> to vector<16xi32>
      %swap3A_286 = vector.shape_cast %get3A_282 : vector<16xi32> to vector<16xi32>
      tpu.vector_store %arg12[%swap3A_283], %swap3A_286 {strides = array<i32>} : memref<80xi32, #tpu.memory_space<vmem>>, vector<16xi32>,
      %dma_start3A_287 = arith.constant 0 : i32
      %dma_start3A_288 = arith.constant 0 : i32
      %dma_start3A_289 = tpu.memref_slice %arg20[%dma_start3A_287, %dma_start3A_288] : memref<10240x144xf32, #tpu.memory_space<vmem_shared>> -> memref<10240x144xf32, #tpu.memory_space<vmem_shared>>
      tpu.enqueue_indirect_dma source(%arg14 : memref<80x144xf32, #tpu.memory_space<vmem>>) target(%dma_start3A_289 : memref<10240x144xf32, #tpu.memory_space<vmem_shared>>) offsets(%arg12 : memref<80xi32, #tpu.memory_space<vmem>>) semaphore(%arg25 : memref<!tpu.dma_semaphore, #tpu.memory_space<semaphore_mem>>) {add = true}
      %mul3A_290 = arith.constant 2 : i32
      %mul3A_291 = arith.muli %mul3A_290, %scan3A_226 : i32
      %add3A_292 = arith.constant 2 : i32
      %add3A_293 = arith.addi %mul3A_291, %add3A_292 : i32
      %mul3A_294 = arith.constant 80 : i32
      %mul3A_295 = arith.muli %add3A_293, %mul3A_294 : i32
      %add3A_296 = arith.addi %mul3A_2, %mul3A_295 : i32
      %dma_start3A_297 = tpu.memref_slice %arg4[%add3A_296] : memref<320000xi32, #tpu.memory_space<hbm>> -> memref<80xi32, #tpu.memory_space<hbm>>
      %dma_start3A_298 = tpu.memref_slice %arg4[%add3A_296] : memref<320000xi32, #tpu.memory_space<hbm>> -> memref<80xi32, #tpu.memory_space<hbm>>
      tpu.enqueue_dma source(%dma_start3A_298 : memref<80xi32, #tpu.memory_space<hbm>>) target(%arg8 : memref<80xi32, #tpu.memory_space<vmem>>) target_semaphore(%arg21 : memref<!tpu.dma_semaphore, #tpu.memory_space<semaphore_mem>>)
      %dma_start3A_299 = tpu.memref_slice %arg5[%add3A_296] : memref<320000xi32, #tpu.memory_space<hbm>> -> memref<80xi32, #tpu.memory_space<hbm>>
      %dma_start3A_300 = tpu.memref_slice %arg5[%add3A_296] : memref<320000xi32, #tpu.memory_space<hbm>> -> memref<80xi32, #tpu.memory_space<hbm>>
      tpu.enqueue_dma source(%dma_start3A_300 : memref<80xi32, #tpu.memory_space<hbm>>) target(%arg9 : memref<80xi32, #tpu.memory_space<vmem>>) target_semaphore(%arg21 : memref<!tpu.dma_semaphore, #tpu.memory_space<semaphore_mem>>)
      %dma_wait3A_301 = arith.constant 0 : i32
      %dma_wait3A_302 = arith.constant 0 : i32
      %dma_wait3A_303 = tpu.memref_slice %arg2[%dma_wait3A_301, %dma_wait3A_302] : memref<10000x144xf32, #tpu.memory_space<hbm>> -> memref<10000x144xf32, #tpu.memory_space<hbm>>
      tpu.wait_indirect_dma semaphore(%arg24 : memref<!tpu.dma_semaphore, #tpu.memory_space<semaphore_mem>>) src(%dma_wait3A_303 : memref<10000x144xf32, #tpu.memory_space<hbm>>) dst(%arg16 : memref<80x144xf32, #tpu.memory_space<vmem>>)
      %dma_wait3A_304 = arith.constant 0 : i32
      %dma_wait3A_305 = arith.constant 0 : i32
      %dma_wait3A_306 = tpu.memref_slice %arg3[%dma_wait3A_304, %dma_wait3A_305] : memref<10000x16xf32, #tpu.memory_space<hbm>> -> memref<10000x16xf32, #tpu.memory_space<hbm>>
      tpu.wait_indirect_dma semaphore(%arg24 : memref<!tpu.dma_semaphore, #tpu.memory_space<semaphore_mem>>) src(%dma_wait3A_306 : memref<10000x16xf32, #tpu.memory_space<hbm>>) dst(%arg17 : memref<80x16xf32, #tpu.memory_space<vmem>>)
      %parallel_loop3A_307 = arith.constant 0 : i32
      %parallel_loop3A_308 = arith.constant 80 : i32
      %parallel_loop3A_309 = arith.constant 1 : i32
      scf.for %parallel_loop3A_378 = %parallel_loop3A_307 to %parallel_loop3A_308 step %parallel_loop3A_309  : i32 {
        %parallel_loop3A_379 = arith.index_cast %parallel_loop3A_378 : i32 to index
        %parallel_loop3A_380 = arith.constant 128 : index
        %parallel_loop3A_381 = tpu.vector_load %arg16[%parallel_loop3A_379, %parallel_loop3A_380] {strides = array<i32>} : memref<80x144xf32, #tpu.memory_space<vmem>>, vector<1x16xf32>,
        %parallel_loop3A_382 = vector.shape_cast %parallel_loop3A_381 : vector<1x16xf32> to vector<16xf32>
        %parallel_loop3A_383 = arith.index_cast %parallel_loop3A_378 : i32 to index
        %parallel_loop3A_384 = arith.constant 0 : index
        %parallel_loop3A_385 = tpu.vector_load %arg17[%parallel_loop3A_383, %parallel_loop3A_384] {strides = array<i32>} : memref<80x16xf32, #tpu.memory_space<vmem>>, vector<1x16xf32>,
        %parallel_loop3A_386 = vector.shape_cast %parallel_loop3A_385 : vector<1x16xf32> to vector<16xf32>
        %parallel_loop3A_387 = arith.addf %parallel_loop3A_382, %parallel_loop3A_386 : vector<16xf32>
        %parallel_loop3A_388 = arith.constant 0.000000e+00 : f32
        %parallel_loop3A_389 = vector.broadcast %parallel_loop3A_388 : f32 to vector<16xf32>
        %parallel_loop3A_390 = arith.cmpf oge, %parallel_loop3A_387, %parallel_loop3A_389 : vector<16xf32>
        %parallel_loop3A_391 = arith.constant 2.000000e-01 : f32
        %parallel_loop3A_392 = vector.broadcast %parallel_loop3A_391 : f32 to vector<16xf32>
        %parallel_loop3A_393 = arith.mulf %parallel_loop3A_392, %parallel_loop3A_387 : vector<16xf32>
        %parallel_loop3A_394 = arith.select %parallel_loop3A_390, %parallel_loop3A_387, %parallel_loop3A_393 : vector<16xi1>, vector<16xf32>
        %parallel_loop3A_395 = arith.subf %parallel_loop3A_394, %get3A_168 : vector<16xf32>
        %parallel_loop3A_396 = math.exp %parallel_loop3A_395 : vector<16xf32>
        %parallel_loop3A_397 = arith.index_cast %parallel_loop3A_378 : i32 to index
        %parallel_loop3A_398 = arith.constant 128 : index
        %parallel_loop3A_399 = tpu.vector_load %arg16[%parallel_loop3A_397, %parallel_loop3A_398] {strides = array<i32>} : memref<80x144xf32, #tpu.memory_space<vmem>>, vector<1x16xf32>,
        %parallel_loop3A_400 = vector.shape_cast %parallel_loop3A_399 : vector<1x16xf32> to vector<16xf32>
        %parallel_loop3A_401 = vector.shape_cast %parallel_loop3A_396 : vector<16xf32> to vector<1x16xf32>
        tpu.vector_store %arg16[%parallel_loop3A_397, %parallel_loop3A_398], %parallel_loop3A_401 {strides = array<i32>} : memref<80x144xf32, #tpu.memory_space<vmem>>, vector<1x16xf32>,
        %parallel_loop3A_402 = arith.constant 0 : i32
        %parallel_loop3A_403 = vector.broadcast %parallel_loop3A_402 : i32 to vector<16xi32>
        %parallel_loop3A_404 = vector.shape_cast %parallel_loop3A_403 : vector<16xi32> to vector<16x1xi32>
        %parallel_loop3A_405 = vector.shape_cast %parallel_loop3A_404 : vector<16x1xi32> to vector<16xi32>
        %parallel_loop3A_406 = tpu.dynamic_gather %parallel_loop3A_396[%parallel_loop3A_405] in [0] : vector<16xf32>, vector<16xi32> -> vector<16xf32>
        %parallel_loop3A_407 = arith.index_cast %parallel_loop3A_378 : i32 to index
        %parallel_loop3A_408 = arith.constant 0 : index
        %parallel_loop3A_409 = tpu.vector_load %arg16[%parallel_loop3A_407, %parallel_loop3A_408] {strides = array<i32>} : memref<80x144xf32, #tpu.memory_space<vmem>>, vector<1x16xf32>,
        %parallel_loop3A_410 = vector.shape_cast %parallel_loop3A_409 : vector<1x16xf32> to vector<16xf32>
        %parallel_loop3A_411 = arith.mulf %parallel_loop3A_410, %parallel_loop3A_406 : vector<16xf32>
        %parallel_loop3A_412 = arith.index_cast %parallel_loop3A_378 : i32 to index
        %parallel_loop3A_413 = arith.constant 0 : index
        %parallel_loop3A_414 = tpu.vector_load %arg16[%parallel_loop3A_412, %parallel_loop3A_413] {strides = array<i32>} : memref<80x144xf32, #tpu.memory_space<vmem>>, vector<1x16xf32>,
        %parallel_loop3A_415 = vector.shape_cast %parallel_loop3A_414 : vector<1x16xf32> to vector<16xf32>
        %parallel_loop3A_416 = vector.shape_cast %parallel_loop3A_411 : vector<16xf32> to vector<1x16xf32>
        tpu.vector_store %arg16[%parallel_loop3A_412, %parallel_loop3A_413], %parallel_loop3A_416 {strides = array<i32>} : memref<80x144xf32, #tpu.memory_space<vmem>>, vector<1x16xf32>,
        %parallel_loop3A_417 = arith.constant 1 : i32
        %parallel_loop3A_418 = vector.broadcast %parallel_loop3A_417 : i32 to vector<16xi32>
        %parallel_loop3A_419 = vector.shape_cast %parallel_loop3A_418 : vector<16xi32> to vector<16x1xi32>
        %parallel_loop3A_420 = vector.shape_cast %parallel_loop3A_419 : vector<16x1xi32> to vector<16xi32>
        %parallel_loop3A_421 = tpu.dynamic_gather %parallel_loop3A_396[%parallel_loop3A_420] in [0] : vector<16xf32>, vector<16xi32> -> vector<16xf32>
        %parallel_loop3A_422 = arith.index_cast %parallel_loop3A_378 : i32 to index
        %parallel_loop3A_423 = arith.constant 16 : index
        %parallel_loop3A_424 = tpu.vector_load %arg16[%parallel_loop3A_422, %parallel_loop3A_423] {strides = array<i32>} : memref<80x144xf32, #tpu.memory_space<vmem>>, vector<1x16xf32>,
        %parallel_loop3A_425 = vector.shape_cast %parallel_loop3A_424 : vector<1x16xf32> to vector<16xf32>
        %parallel_loop3A_426 = arith.mulf %parallel_loop3A_425, %parallel_loop3A_421 : vector<16xf32>
        %parallel_loop3A_427 = arith.index_cast %parallel_loop3A_378 : i32 to index
        %parallel_loop3A_428 = arith.constant 16 : index
        %parallel_loop3A_429 = tpu.vector_load %arg16[%parallel_loop3A_427, %parallel_loop3A_428] {strides = array<i32>} : memref<80x144xf32, #tpu.memory_space<vmem>>, vector<1x16xf32>,
        %parallel_loop3A_430 = vector.shape_cast %parallel_loop3A_429 : vector<1x16xf32> to vector<16xf32>
        %parallel_loop3A_431 = vector.shape_cast %parallel_loop3A_426 : vector<16xf32> to vector<1x16xf32>
        tpu.vector_store %arg16[%parallel_loop3A_427, %parallel_loop3A_428], %parallel_loop3A_431 {strides = array<i32>} : memref<80x144xf32, #tpu.memory_space<vmem>>, vector<1x16xf32>,
        %parallel_loop3A_432 = arith.constant 2 : i32
        %parallel_loop3A_433 = vector.broadcast %parallel_loop3A_432 : i32 to vector<16xi32>
        %parallel_loop3A_434 = vector.shape_cast %parallel_loop3A_433 : vector<16xi32> to vector<16x1xi32>
        %parallel_loop3A_435 = vector.shape_cast %parallel_loop3A_434 : vector<16x1xi32> to vector<16xi32>
        %parallel_loop3A_436 = tpu.dynamic_gather %parallel_loop3A_396[%parallel_loop3A_435] in [0] : vector<16xf32>, vector<16xi32> -> vector<16xf32>
        %parallel_loop3A_437 = arith.index_cast %parallel_loop3A_378 : i32 to index
        %parallel_loop3A_438 = arith.constant 32 : index
        %parallel_loop3A_439 = tpu.vector_load %arg16[%parallel_loop3A_437, %parallel_loop3A_438] {strides = array<i32>} : memref<80x144xf32, #tpu.memory_space<vmem>>, vector<1x16xf32>,
        %parallel_loop3A_440 = vector.shape_cast %parallel_loop3A_439 : vector<1x16xf32> to vector<16xf32>
        %parallel_loop3A_441 = arith.mulf %parallel_loop3A_440, %parallel_loop3A_436 : vector<16xf32>
        %parallel_loop3A_442 = arith.index_cast %parallel_loop3A_378 : i32 to index
        %parallel_loop3A_443 = arith.constant 32 : index
        %parallel_loop3A_444 = tpu.vector_load %arg16[%parallel_loop3A_442, %parallel_loop3A_443] {strides = array<i32>} : memref<80x144xf32, #tpu.memory_space<vmem>>, vector<1x16xf32>,
        %parallel_loop3A_445 = vector.shape_cast %parallel_loop3A_444 : vector<1x16xf32> to vector<16xf32>
        %parallel_loop3A_446 = vector.shape_cast %parallel_loop3A_441 : vector<16xf32> to vector<1x16xf32>
        tpu.vector_store %arg16[%parallel_loop3A_442, %parallel_loop3A_443], %parallel_loop3A_446 {strides = array<i32>} : memref<80x144xf32, #tpu.memory_space<vmem>>, vector<1x16xf32>,
        %parallel_loop3A_447 = arith.constant 3 : i32
        %parallel_loop3A_448 = vector.broadcast %parallel_loop3A_447 : i32 to vector<16xi32>
        %parallel_loop3A_449 = vector.shape_cast %parallel_loop3A_448 : vector<16xi32> to vector<16x1xi32>
        %parallel_loop3A_450 = vector.shape_cast %parallel_loop3A_449 : vector<16x1xi32> to vector<16xi32>
        %parallel_loop3A_451 = tpu.dynamic_gather %parallel_loop3A_396[%parallel_loop3A_450] in [0] : vector<16xf32>, vector<16xi32> -> vector<16xf32>
        %parallel_loop3A_452 = arith.index_cast %parallel_loop3A_378 : i32 to index
        %parallel_loop3A_453 = arith.constant 48 : index
        %parallel_loop3A_454 = tpu.vector_load %arg16[%parallel_loop3A_452, %parallel_loop3A_453] {strides = array<i32>} : memref<80x144xf32, #tpu.memory_space<vmem>>, vector<1x16xf32>,
        %parallel_loop3A_455 = vector.shape_cast %parallel_loop3A_454 : vector<1x16xf32> to vector<16xf32>
        %parallel_loop3A_456 = arith.mulf %parallel_loop3A_455, %parallel_loop3A_451 : vector<16xf32>
        %parallel_loop3A_457 = arith.index_cast %parallel_loop3A_378 : i32 to index
        %parallel_loop3A_458 = arith.constant 48 : index
        %parallel_loop3A_459 = tpu.vector_load %arg16[%parallel_loop3A_457, %parallel_loop3A_458] {strides = array<i32>} : memref<80x144xf32, #tpu.memory_space<vmem>>, vector<1x16xf32>,
        %parallel_loop3A_460 = vector.shape_cast %parallel_loop3A_459 : vector<1x16xf32> to vector<16xf32>
        %parallel_loop3A_461 = vector.shape_cast %parallel_loop3A_456 : vector<16xf32> to vector<1x16xf32>
        tpu.vector_store %arg16[%parallel_loop3A_457, %parallel_loop3A_458], %parallel_loop3A_461 {strides = array<i32>} : memref<80x144xf32, #tpu.memory_space<vmem>>, vector<1x16xf32>,
        %parallel_loop3A_462 = arith.constant 4 : i32
        %parallel_loop3A_463 = vector.broadcast %parallel_loop3A_462 : i32 to vector<16xi32>
        %parallel_loop3A_464 = vector.shape_cast %parallel_loop3A_463 : vector<16xi32> to vector<16x1xi32>
        %parallel_loop3A_465 = vector.shape_cast %parallel_loop3A_464 : vector<16x1xi32> to vector<16xi32>
        %parallel_loop3A_466 = tpu.dynamic_gather %parallel_loop3A_396[%parallel_loop3A_465] in [0] : vector<16xf32>, vector<16xi32> -> vector<16xf32>
        %parallel_loop3A_467 = arith.index_cast %parallel_loop3A_378 : i32 to index
        %parallel_loop3A_468 = arith.constant 64 : index
        %parallel_loop3A_469 = tpu.vector_load %arg16[%parallel_loop3A_467, %parallel_loop3A_468] {strides = array<i32>} : memref<80x144xf32, #tpu.memory_space<vmem>>, vector<1x16xf32>,
        %parallel_loop3A_470 = vector.shape_cast %parallel_loop3A_469 : vector<1x16xf32> to vector<16xf32>
        %parallel_loop3A_471 = arith.mulf %parallel_loop3A_470, %parallel_loop3A_466 : vector<16xf32>
        %parallel_loop3A_472 = arith.index_cast %parallel_loop3A_378 : i32 to index
        %parallel_loop3A_473 = arith.constant 64 : index
        %parallel_loop3A_474 = tpu.vector_load %arg16[%parallel_loop3A_472, %parallel_loop3A_473] {strides = array<i32>} : memref<80x144xf32, #tpu.memory_space<vmem>>, vector<1x16xf32>,
        %parallel_loop3A_475 = vector.shape_cast %parallel_loop3A_474 : vector<1x16xf32> to vector<16xf32>
        %parallel_loop3A_476 = vector.shape_cast %parallel_loop3A_471 : vector<16xf32> to vector<1x16xf32>
        tpu.vector_store %arg16[%parallel_loop3A_472, %parallel_loop3A_473], %parallel_loop3A_476 {strides = array<i32>} : memref<80x144xf32, #tpu.memory_space<vmem>>, vector<1x16xf32>,
        %parallel_loop3A_477 = arith.constant 5 : i32
        %parallel_loop3A_478 = vector.broadcast %parallel_loop3A_477 : i32 to vector<16xi32>
        %parallel_loop3A_479 = vector.shape_cast %parallel_loop3A_478 : vector<16xi32> to vector<16x1xi32>
        %parallel_loop3A_480 = vector.shape_cast %parallel_loop3A_479 : vector<16x1xi32> to vector<16xi32>
        %parallel_loop3A_481 = tpu.dynamic_gather %parallel_loop3A_396[%parallel_loop3A_480] in [0] : vector<16xf32>, vector<16xi32> -> vector<16xf32>
        %parallel_loop3A_482 = arith.index_cast %parallel_loop3A_378 : i32 to index
        %parallel_loop3A_483 = arith.constant 80 : index
        %parallel_loop3A_484 = tpu.vector_load %arg16[%parallel_loop3A_482, %parallel_loop3A_483] {strides = array<i32>} : memref<80x144xf32, #tpu.memory_space<vmem>>, vector<1x16xf32>,
        %parallel_loop3A_485 = vector.shape_cast %parallel_loop3A_484 : vector<1x16xf32> to vector<16xf32>
        %parallel_loop3A_486 = arith.mulf %parallel_loop3A_485, %parallel_loop3A_481 : vector<16xf32>
        %parallel_loop3A_487 = arith.index_cast %parallel_loop3A_378 : i32 to index
        %parallel_loop3A_488 = arith.constant 80 : index
        %parallel_loop3A_489 = tpu.vector_load %arg16[%parallel_loop3A_487, %parallel_loop3A_488] {strides = array<i32>} : memref<80x144xf32, #tpu.memory_space<vmem>>, vector<1x16xf32>,
        %parallel_loop3A_490 = vector.shape_cast %parallel_loop3A_489 : vector<1x16xf32> to vector<16xf32>
        %parallel_loop3A_491 = vector.shape_cast %parallel_loop3A_486 : vector<16xf32> to vector<1x16xf32>
        tpu.vector_store %arg16[%parallel_loop3A_487, %parallel_loop3A_488], %parallel_loop3A_491 {strides = array<i32>} : memref<80x144xf32, #tpu.memory_space<vmem>>, vector<1x16xf32>,
        %parallel_loop3A_492 = arith.constant 6 : i32
        %parallel_loop3A_493 = vector.broadcast %parallel_loop3A_492 : i32 to vector<16xi32>
        %parallel_loop3A_494 = vector.shape_cast %parallel_loop3A_493 : vector<16xi32> to vector<16x1xi32>
        %parallel_loop3A_495 = vector.shape_cast %parallel_loop3A_494 : vector<16x1xi32> to vector<16xi32>
        %parallel_loop3A_496 = tpu.dynamic_gather %parallel_loop3A_396[%parallel_loop3A_495] in [0] : vector<16xf32>, vector<16xi32> -> vector<16xf32>
        %parallel_loop3A_497 = arith.index_cast %parallel_loop3A_378 : i32 to index
        %parallel_loop3A_498 = arith.constant 96 : index
        %parallel_loop3A_499 = tpu.vector_load %arg16[%parallel_loop3A_497, %parallel_loop3A_498] {strides = array<i32>} : memref<80x144xf32, #tpu.memory_space<vmem>>, vector<1x16xf32>,
        %parallel_loop3A_500 = vector.shape_cast %parallel_loop3A_499 : vector<1x16xf32> to vector<16xf32>
        %parallel_loop3A_501 = arith.mulf %parallel_loop3A_500, %parallel_loop3A_496 : vector<16xf32>
        %parallel_loop3A_502 = arith.index_cast %parallel_loop3A_378 : i32 to index
        %parallel_loop3A_503 = arith.constant 96 : index
        %parallel_loop3A_504 = tpu.vector_load %arg16[%parallel_loop3A_502, %parallel_loop3A_503] {strides = array<i32>} : memref<80x144xf32, #tpu.memory_space<vmem>>, vector<1x16xf32>,
        %parallel_loop3A_505 = vector.shape_cast %parallel_loop3A_504 : vector<1x16xf32> to vector<16xf32>
        %parallel_loop3A_506 = vector.shape_cast %parallel_loop3A_501 : vector<16xf32> to vector<1x16xf32>
        tpu.vector_store %arg16[%parallel_loop3A_502, %parallel_loop3A_503], %parallel_loop3A_506 {strides = array<i32>} : memref<80x144xf32, #tpu.memory_space<vmem>>, vector<1x16xf32>,
        %parallel_loop3A_507 = arith.constant 7 : i32
        %parallel_loop3A_508 = vector.broadcast %parallel_loop3A_507 : i32 to vector<16xi32>
        %parallel_loop3A_509 = vector.shape_cast %parallel_loop3A_508 : vector<16xi32> to vector<16x1xi32>
        %parallel_loop3A_510 = vector.shape_cast %parallel_loop3A_509 : vector<16x1xi32> to vector<16xi32>
        %parallel_loop3A_511 = tpu.dynamic_gather %parallel_loop3A_396[%parallel_loop3A_510] in [0] : vector<16xf32>, vector<16xi32> -> vector<16xf32>
        %parallel_loop3A_512 = arith.index_cast %parallel_loop3A_378 : i32 to index
        %parallel_loop3A_513 = arith.constant 112 : index
        %parallel_loop3A_514 = tpu.vector_load %arg16[%parallel_loop3A_512, %parallel_loop3A_513] {strides = array<i32>} : memref<80x144xf32, #tpu.memory_space<vmem>>, vector<1x16xf32>,
        %parallel_loop3A_515 = vector.shape_cast %parallel_loop3A_514 : vector<1x16xf32> to vector<16xf32>
        %parallel_loop3A_516 = arith.mulf %parallel_loop3A_515, %parallel_loop3A_511 : vector<16xf32>
        %parallel_loop3A_517 = arith.index_cast %parallel_loop3A_378 : i32 to index
        %parallel_loop3A_518 = arith.constant 112 : index
        %parallel_loop3A_519 = tpu.vector_load %arg16[%parallel_loop3A_517, %parallel_loop3A_518] {strides = array<i32>} : memref<80x144xf32, #tpu.memory_space<vmem>>, vector<1x16xf32>,
        %parallel_loop3A_520 = vector.shape_cast %parallel_loop3A_519 : vector<1x16xf32> to vector<16xf32>
        %parallel_loop3A_521 = vector.shape_cast %parallel_loop3A_516 : vector<16xf32> to vector<1x16xf32>
        tpu.vector_store %arg16[%parallel_loop3A_517, %parallel_loop3A_518], %parallel_loop3A_521 {strides = array<i32>} : memref<80x144xf32, #tpu.memory_space<vmem>>, vector<1x16xf32>,
      } {sc.loop_unroll_factor = 4 : i64, sc.parallel_access}
      %get3A_310 = arith.constant 0 : index
      %get3A_311 = tpu.vector_load %arg11[%get3A_310] {strides = array<i32>} : memref<80xi32, #tpu.memory_space<vmem>>, vector<16xi32>,
      %get3A_312 = vector.shape_cast %get3A_311 : vector<16xi32> to vector<16xi32>
      %swap3A_313 = arith.constant 0 : index
      %swap3A_314 = tpu.vector_load %arg13[%swap3A_313] {strides = array<i32>} : memref<80xi32, #tpu.memory_space<vmem>>, vector<16xi32>,
      %swap3A_315 = vector.shape_cast %swap3A_314 : vector<16xi32> to vector<16xi32>
      %swap3A_316 = vector.shape_cast %get3A_312 : vector<16xi32> to vector<16xi32>
      tpu.vector_store %arg13[%swap3A_313], %swap3A_316 {strides = array<i32>} : memref<80xi32, #tpu.memory_space<vmem>>, vector<16xi32>,
      %get3A_317 = arith.constant 16 : index
      %get3A_318 = tpu.vector_load %arg11[%get3A_317] {strides = array<i32>} : memref<80xi32, #tpu.memory_space<vmem>>, vector<16xi32>,
      %get3A_319 = vector.shape_cast %get3A_318 : vector<16xi32> to vector<16xi32>
      %swap3A_320 = arith.constant 16 : index
      %swap3A_321 = tpu.vector_load %arg13[%swap3A_320] {strides = array<i32>} : memref<80xi32, #tpu.memory_space<vmem>>, vector<16xi32>,
      %swap3A_322 = vector.shape_cast %swap3A_321 : vector<16xi32> to vector<16xi32>
      %swap3A_323 = vector.shape_cast %get3A_319 : vector<16xi32> to vector<16xi32>
      tpu.vector_store %arg13[%swap3A_320], %swap3A_323 {strides = array<i32>} : memref<80xi32, #tpu.memory_space<vmem>>, vector<16xi32>,
      %get3A_324 = arith.constant 32 : index
      %get3A_325 = tpu.vector_load %arg11[%get3A_324] {strides = array<i32>} : memref<80xi32, #tpu.memory_space<vmem>>, vector<16xi32>,
      %get3A_326 = vector.shape_cast %get3A_325 : vector<16xi32> to vector<16xi32>
      %swap3A_327 = arith.constant 32 : index
      %swap3A_328 = tpu.vector_load %arg13[%swap3A_327] {strides = array<i32>} : memref<80xi32, #tpu.memory_space<vmem>>, vector<16xi32>,
      %swap3A_329 = vector.shape_cast %swap3A_328 : vector<16xi32> to vector<16xi32>
      %swap3A_330 = vector.shape_cast %get3A_326 : vector<16xi32> to vector<16xi32>
      tpu.vector_store %arg13[%swap3A_327], %swap3A_330 {strides = array<i32>} : memref<80xi32, #tpu.memory_space<vmem>>, vector<16xi32>,
      %get3A_331 = arith.constant 48 : index
      %get3A_332 = tpu.vector_load %arg11[%get3A_331] {strides = array<i32>} : memref<80xi32, #tpu.memory_space<vmem>>, vector<16xi32>,
      %get3A_333 = vector.shape_cast %get3A_332 : vector<16xi32> to vector<16xi32>
      %swap3A_334 = arith.constant 48 : index
      %swap3A_335 = tpu.vector_load %arg13[%swap3A_334] {strides = array<i32>} : memref<80xi32, #tpu.memory_space<vmem>>, vector<16xi32>,
      %swap3A_336 = vector.shape_cast %swap3A_335 : vector<16xi32> to vector<16xi32>
      %swap3A_337 = vector.shape_cast %get3A_333 : vector<16xi32> to vector<16xi32>
      tpu.vector_store %arg13[%swap3A_334], %swap3A_337 {strides = array<i32>} : memref<80xi32, #tpu.memory_space<vmem>>, vector<16xi32>,
      %get3A_338 = arith.constant 64 : index
      %get3A_339 = tpu.vector_load %arg11[%get3A_338] {strides = array<i32>} : memref<80xi32, #tpu.memory_space<vmem>>, vector<16xi32>,
      %get3A_340 = vector.shape_cast %get3A_339 : vector<16xi32> to vector<16xi32>
      %swap3A_341 = arith.constant 64 : index
      %swap3A_342 = tpu.vector_load %arg13[%swap3A_341] {strides = array<i32>} : memref<80xi32, #tpu.memory_space<vmem>>, vector<16xi32>,
      %swap3A_343 = vector.shape_cast %swap3A_342 : vector<16xi32> to vector<16xi32>
      %swap3A_344 = vector.shape_cast %get3A_340 : vector<16xi32> to vector<16xi32>
      tpu.vector_store %arg13[%swap3A_341], %swap3A_344 {strides = array<i32>} : memref<80xi32, #tpu.memory_space<vmem>>, vector<16xi32>,
      %dma_start3A_345 = arith.constant 0 : i32
      %dma_start3A_346 = arith.constant 0 : i32
      %dma_start3A_347 = tpu.memref_slice %arg20[%dma_start3A_345, %dma_start3A_346] : memref<10240x144xf32, #tpu.memory_space<vmem_shared>> -> memref<10240x144xf32, #tpu.memory_space<vmem_shared>>
      tpu.enqueue_indirect_dma source(%arg16 : memref<80x144xf32, #tpu.memory_space<vmem>>) target(%dma_start3A_347 : memref<10240x144xf32, #tpu.memory_space<vmem_shared>>) offsets(%arg13 : memref<80xi32, #tpu.memory_space<vmem>>) semaphore(%arg26 : memref<!tpu.dma_semaphore, #tpu.memory_space<semaphore_mem>>) {add = true}
      %mul3A_348 = arith.constant 2 : i32
      %mul3A_349 = arith.muli %mul3A_348, %scan3A_226 : i32
      %add3A_350 = arith.constant 3 : i32
      %add3A_351 = arith.addi %mul3A_349, %add3A_350 : i32
      %min3A = arith.constant 124 : i32
      %min3A_352 = arith.minsi %add3A_351, %min3A : i32
      %mul3A_353 = arith.constant 80 : i32
      %mul3A_354 = arith.muli %min3A_352, %mul3A_353 : i32
      %add3A_355 = arith.addi %mul3A_2, %mul3A_354 : i32
      %dma_start3A_356 = tpu.memref_slice %arg4[%add3A_355] : memref<320000xi32, #tpu.memory_space<hbm>> -> memref<80xi32, #tpu.memory_space<hbm>>
      %dma_start3A_357 = tpu.memref_slice %arg4[%add3A_355] : memref<320000xi32, #tpu.memory_space<hbm>> -> memref<80xi32, #tpu.memory_space<hbm>>
      tpu.enqueue_dma source(%dma_start3A_357 : memref<80xi32, #tpu.memory_space<hbm>>) target(%arg10 : memref<80xi32, #tpu.memory_space<vmem>>) target_semaphore(%arg22 : memref<!tpu.dma_semaphore, #tpu.memory_space<semaphore_mem>>)
      %dma_start3A_358 = tpu.memref_slice %arg5[%add3A_355] : memref<320000xi32, #tpu.memory_space<hbm>> -> memref<80xi32, #tpu.memory_space<hbm>>
      %dma_start3A_359 = tpu.memref_slice %arg5[%add3A_355] : memref<320000xi32, #tpu.memory_space<hbm>> -> memref<80xi32, #tpu.memory_space<hbm>>
      tpu.enqueue_dma source(%dma_start3A_359 : memref<80xi32, #tpu.memory_space<hbm>>) target(%arg11 : memref<80xi32, #tpu.memory_space<vmem>>) target_semaphore(%arg22 : memref<!tpu.dma_semaphore, #tpu.memory_space<semaphore_mem>>)
      %dma_wait3A_360 = arith.constant 0 : i32
      %dma_wait3A_361 = arith.constant 0 : i32
      %dma_wait3A_362 = tpu.memref_slice %arg20[%dma_wait3A_360, %dma_wait3A_361] : memref<10240x144xf32, #tpu.memory_space<vmem_shared>> -> memref<10240x144xf32, #tpu.memory_space<vmem_shared>>
      tpu.wait_indirect_dma semaphore(%arg25 : memref<!tpu.dma_semaphore, #tpu.memory_space<semaphore_mem>>) src(%arg14 : memref<80x144xf32, #tpu.memory_space<vmem>>) dst(%dma_wait3A_362 : memref<10240x144xf32, #tpu.memory_space<vmem_shared>>)
      %dma_wait3A_363 = arith.constant 0 : i32
      %dma_wait3A_364 = tpu.memref_slice %arg4[%dma_wait3A_363] : memref<320000xi32, #tpu.memory_space<hbm>> -> memref<80xi32, #tpu.memory_space<hbm>>
      %dma_wait3A_365 = arith.constant 0 : i32
      %dma_wait3A_366 = tpu.memref_slice %arg4[%dma_wait3A_365] : memref<320000xi32, #tpu.memory_space<hbm>> -> memref<80xi32, #tpu.memory_space<hbm>>
      tpu.wait_dma2 semaphore(%arg21 : memref<!tpu.dma_semaphore, #tpu.memory_space<semaphore_mem>>) src(%dma_wait3A_366 : memref<80xi32, #tpu.memory_space<hbm>>) dst(%arg8 : memref<80xi32, #tpu.memory_space<vmem>>)
      %dma_wait3A_367 = arith.constant 0 : i32
      %dma_wait3A_368 = tpu.memref_slice %arg5[%dma_wait3A_367] : memref<320000xi32, #tpu.memory_space<hbm>> -> memref<80xi32, #tpu.memory_space<hbm>>
      %dma_wait3A_369 = arith.constant 0 : i32
      %dma_wait3A_370 = tpu.memref_slice %arg5[%dma_wait3A_369] : memref<320000xi32, #tpu.memory_space<hbm>> -> memref<80xi32, #tpu.memory_space<hbm>>
      tpu.wait_dma2 semaphore(%arg21 : memref<!tpu.dma_semaphore, #tpu.memory_space<semaphore_mem>>) src(%dma_wait3A_370 : memref<80xi32, #tpu.memory_space<hbm>>) dst(%arg9 : memref<80xi32, #tpu.memory_space<vmem>>)
      %dma_start3A_371 = arith.constant 0 : i32
      %dma_start3A_372 = arith.constant 0 : i32
      %dma_start3A_373 = tpu.memref_slice %arg2[%dma_start3A_371, %dma_start3A_372] : memref<10000x144xf32, #tpu.memory_space<hbm>> -> memref<10000x144xf32, #tpu.memory_space<hbm>>
      tpu.enqueue_indirect_dma source(%dma_start3A_373 : memref<10000x144xf32, #tpu.memory_space<hbm>>) target(%arg14 : memref<80x144xf32, #tpu.memory_space<vmem>>) offsets(%arg8 : memref<80xi32, #tpu.memory_space<vmem>>) semaphore(%arg23 : memref<!tpu.dma_semaphore, #tpu.memory_space<semaphore_mem>>)
      %dma_start3A_374 = arith.constant 0 : i32
      %dma_start3A_375 = arith.constant 0 : i32
      %dma_start3A_376 = tpu.memref_slice %arg3[%dma_start3A_374, %dma_start3A_375] : memref<10000x16xf32, #tpu.memory_space<hbm>> -> memref<10000x16xf32, #tpu.memory_space<hbm>>
      tpu.enqueue_indirect_dma source(%dma_start3A_376 : memref<10000x16xf32, #tpu.memory_space<hbm>>) target(%arg15 : memref<80x16xf32, #tpu.memory_space<vmem>>) offsets(%arg9 : memref<80xi32, #tpu.memory_space<vmem>>) semaphore(%arg23 : memref<!tpu.dma_semaphore, #tpu.memory_space<semaphore_mem>>)
      %scan3A_377 = arith.constant 0 : i32
      scf.yield %scan3A_377 : i32
    }
    %scan3A_201 = arith.constant 62 : i32
    %dma_wait3A_202 = arith.constant 0 : i32
    %dma_wait3A_203 = arith.constant 0 : i32
    %dma_wait3A_204 = tpu.memref_slice %arg20[%dma_wait3A_202, %dma_wait3A_203] : memref<10240x144xf32, #tpu.memory_space<vmem_shared>> -> memref<10240x144xf32, #tpu.memory_space<vmem_shared>>
    tpu.wait_indirect_dma semaphore(%arg26 : memref<!tpu.dma_semaphore, #tpu.memory_space<semaphore_mem>>) src(%arg16 : memref<80x144xf32, #tpu.memory_space<vmem>>) dst(%dma_wait3A_204 : memref<10240x144xf32, #tpu.memory_space<vmem_shared>>)
    %dma_wait3A_205 = arith.constant 0 : i32
    %dma_wait3A_206 = arith.constant 0 : i32
    %dma_wait3A_207 = tpu.memref_slice %arg2[%dma_wait3A_205, %dma_wait3A_206] : memref<10000x144xf32, #tpu.memory_space<hbm>> -> memref<10000x144xf32, #tpu.memory_space<hbm>>
    tpu.wait_indirect_dma semaphore(%arg23 : memref<!tpu.dma_semaphore, #tpu.memory_space<semaphore_mem>>) src(%dma_wait3A_207 : memref<10000x144xf32, #tpu.memory_space<hbm>>) dst(%arg14 : memref<80x144xf32, #tpu.memory_space<vmem>>)
    %dma_wait3A_208 = arith.constant 0 : i32
    %dma_wait3A_209 = arith.constant 0 : i32
    %dma_wait3A_210 = tpu.memref_slice %arg3[%dma_wait3A_208, %dma_wait3A_209] : memref<10000x16xf32, #tpu.memory_space<hbm>> -> memref<10000x16xf32, #tpu.memory_space<hbm>>
    tpu.wait_indirect_dma semaphore(%arg23 : memref<!tpu.dma_semaphore, #tpu.memory_space<semaphore_mem>>) src(%dma_wait3A_210 : memref<10000x16xf32, #tpu.memory_space<hbm>>) dst(%arg15 : memref<80x16xf32, #tpu.memory_space<vmem>>)
    %parallel_loop3A = arith.constant 0 : i32
    %parallel_loop3A_211 = arith.constant 80 : i32
    %parallel_loop3A_212 = arith.constant 1 : i32
    scf.for %parallel_loop3A_226 = %parallel_loop3A to %parallel_loop3A_211 step %parallel_loop3A_212  : i32 {
      %parallel_loop3A_227 = arith.index_cast %parallel_loop3A_226 : i32 to index
      %parallel_loop3A_228 = arith.constant 128 : index
      %parallel_loop3A_229 = tpu.vector_load %arg14[%parallel_loop3A_227, %parallel_loop3A_228] {strides = array<i32>} : memref<80x144xf32, #tpu.memory_space<vmem>>, vector<1x16xf32>,
      %parallel_loop3A_230 = vector.shape_cast %parallel_loop3A_229 : vector<1x16xf32> to vector<16xf32>
      %parallel_loop3A_231 = arith.index_cast %parallel_loop3A_226 : i32 to index
      %parallel_loop3A_232 = arith.constant 0 : index
      %parallel_loop3A_233 = tpu.vector_load %arg15[%parallel_loop3A_231, %parallel_loop3A_232] {strides = array<i32>} : memref<80x16xf32, #tpu.memory_space<vmem>>, vector<1x16xf32>,
      %parallel_loop3A_234 = vector.shape_cast %parallel_loop3A_233 : vector<1x16xf32> to vector<16xf32>
      %parallel_loop3A_235 = arith.addf %parallel_loop3A_230, %parallel_loop3A_234 : vector<16xf32>
      %parallel_loop3A_236 = arith.constant 0.000000e+00 : f32
      %parallel_loop3A_237 = vector.broadcast %parallel_loop3A_236 : f32 to vector<16xf32>
      %parallel_loop3A_238 = arith.cmpf oge, %parallel_loop3A_235, %parallel_loop3A_237 : vector<16xf32>
      %parallel_loop3A_239 = arith.constant 2.000000e-01 : f32
      %parallel_loop3A_240 = vector.broadcast %parallel_loop3A_239 : f32 to vector<16xf32>
      %parallel_loop3A_241 = arith.mulf %parallel_loop3A_240, %parallel_loop3A_235 : vector<16xf32>
      %parallel_loop3A_242 = arith.select %parallel_loop3A_238, %parallel_loop3A_235, %parallel_loop3A_241 : vector<16xi1>, vector<16xf32>
      %parallel_loop3A_243 = arith.subf %parallel_loop3A_242, %get3A_168 : vector<16xf32>
      %parallel_loop3A_244 = math.exp %parallel_loop3A_243 : vector<16xf32>
      %parallel_loop3A_245 = arith.index_cast %parallel_loop3A_226 : i32 to index
      %parallel_loop3A_246 = arith.constant 128 : index
      %parallel_loop3A_247 = tpu.vector_load %arg14[%parallel_loop3A_245, %parallel_loop3A_246] {strides = array<i32>} : memref<80x144xf32, #tpu.memory_space<vmem>>, vector<1x16xf32>,
      %parallel_loop3A_248 = vector.shape_cast %parallel_loop3A_247 : vector<1x16xf32> to vector<16xf32>
      %parallel_loop3A_249 = vector.shape_cast %parallel_loop3A_244 : vector<16xf32> to vector<1x16xf32>
      tpu.vector_store %arg14[%parallel_loop3A_245, %parallel_loop3A_246], %parallel_loop3A_249 {strides = array<i32>} : memref<80x144xf32, #tpu.memory_space<vmem>>, vector<1x16xf32>,
      %parallel_loop3A_250 = arith.constant 0 : i32
      %parallel_loop3A_251 = vector.broadcast %parallel_loop3A_250 : i32 to vector<16xi32>
      %parallel_loop3A_252 = vector.shape_cast %parallel_loop3A_251 : vector<16xi32> to vector<16x1xi32>
      %parallel_loop3A_253 = vector.shape_cast %parallel_loop3A_252 : vector<16x1xi32> to vector<16xi32>
      %parallel_loop3A_254 = tpu.dynamic_gather %parallel_loop3A_244[%parallel_loop3A_253] in [0] : vector<16xf32>, vector<16xi32> -> vector<16xf32>
      %parallel_loop3A_255 = arith.index_cast %parallel_loop3A_226 : i32 to index
      %parallel_loop3A_256 = arith.constant 0 : index
      %parallel_loop3A_257 = tpu.vector_load %arg14[%parallel_loop3A_255, %parallel_loop3A_256] {strides = array<i32>} : memref<80x144xf32, #tpu.memory_space<vmem>>, vector<1x16xf32>,
      %parallel_loop3A_258 = vector.shape_cast %parallel_loop3A_257 : vector<1x16xf32> to vector<16xf32>
      %parallel_loop3A_259 = arith.mulf %parallel_loop3A_258, %parallel_loop3A_254 : vector<16xf32>
      %parallel_loop3A_260 = arith.index_cast %parallel_loop3A_226 : i32 to index
      %parallel_loop3A_261 = arith.constant 0 : index
      %parallel_loop3A_262 = tpu.vector_load %arg14[%parallel_loop3A_260, %parallel_loop3A_261] {strides = array<i32>} : memref<80x144xf32, #tpu.memory_space<vmem>>, vector<1x16xf32>,
      %parallel_loop3A_263 = vector.shape_cast %parallel_loop3A_262 : vector<1x16xf32> to vector<16xf32>
      %parallel_loop3A_264 = vector.shape_cast %parallel_loop3A_259 : vector<16xf32> to vector<1x16xf32>
      tpu.vector_store %arg14[%parallel_loop3A_260, %parallel_loop3A_261], %parallel_loop3A_264 {strides = array<i32>} : memref<80x144xf32, #tpu.memory_space<vmem>>, vector<1x16xf32>,
      %parallel_loop3A_265 = arith.constant 1 : i32
      %parallel_loop3A_266 = vector.broadcast %parallel_loop3A_265 : i32 to vector<16xi32>
      %parallel_loop3A_267 = vector.shape_cast %parallel_loop3A_266 : vector<16xi32> to vector<16x1xi32>
      %parallel_loop3A_268 = vector.shape_cast %parallel_loop3A_267 : vector<16x1xi32> to vector<16xi32>
      %parallel_loop3A_269 = tpu.dynamic_gather %parallel_loop3A_244[%parallel_loop3A_268] in [0] : vector<16xf32>, vector<16xi32> -> vector<16xf32>
      %parallel_loop3A_270 = arith.index_cast %parallel_loop3A_226 : i32 to index
      %parallel_loop3A_271 = arith.constant 16 : index
      %parallel_loop3A_272 = tpu.vector_load %arg14[%parallel_loop3A_270, %parallel_loop3A_271] {strides = array<i32>} : memref<80x144xf32, #tpu.memory_space<vmem>>, vector<1x16xf32>,
      %parallel_loop3A_273 = vector.shape_cast %parallel_loop3A_272 : vector<1x16xf32> to vector<16xf32>
      %parallel_loop3A_274 = arith.mulf %parallel_loop3A_273, %parallel_loop3A_269 : vector<16xf32>
      %parallel_loop3A_275 = arith.index_cast %parallel_loop3A_226 : i32 to index
      %parallel_loop3A_276 = arith.constant 16 : index
      %parallel_loop3A_277 = tpu.vector_load %arg14[%parallel_loop3A_275, %parallel_loop3A_276] {strides = array<i32>} : memref<80x144xf32, #tpu.memory_space<vmem>>, vector<1x16xf32>,
      %parallel_loop3A_278 = vector.shape_cast %parallel_loop3A_277 : vector<1x16xf32> to vector<16xf32>
      %parallel_loop3A_279 = vector.shape_cast %parallel_loop3A_274 : vector<16xf32> to vector<1x16xf32>
      tpu.vector_store %arg14[%parallel_loop3A_275, %parallel_loop3A_276], %parallel_loop3A_279 {strides = array<i32>} : memref<80x144xf32, #tpu.memory_space<vmem>>, vector<1x16xf32>,
      %parallel_loop3A_280 = arith.constant 2 : i32
      %parallel_loop3A_281 = vector.broadcast %parallel_loop3A_280 : i32 to vector<16xi32>
      %parallel_loop3A_282 = vector.shape_cast %parallel_loop3A_281 : vector<16xi32> to vector<16x1xi32>
      %parallel_loop3A_283 = vector.shape_cast %parallel_loop3A_282 : vector<16x1xi32> to vector<16xi32>
      %parallel_loop3A_284 = tpu.dynamic_gather %parallel_loop3A_244[%parallel_loop3A_283] in [0] : vector<16xf32>, vector<16xi32> -> vector<16xf32>
      %parallel_loop3A_285 = arith.index_cast %parallel_loop3A_226 : i32 to index
      %parallel_loop3A_286 = arith.constant 32 : index
      %parallel_loop3A_287 = tpu.vector_load %arg14[%parallel_loop3A_285, %parallel_loop3A_286] {strides = array<i32>} : memref<80x144xf32, #tpu.memory_space<vmem>>, vector<1x16xf32>,
      %parallel_loop3A_288 = vector.shape_cast %parallel_loop3A_287 : vector<1x16xf32> to vector<16xf32>
      %parallel_loop3A_289 = arith.mulf %parallel_loop3A_288, %parallel_loop3A_284 : vector<16xf32>
      %parallel_loop3A_290 = arith.index_cast %parallel_loop3A_226 : i32 to index
      %parallel_loop3A_291 = arith.constant 32 : index
      %parallel_loop3A_292 = tpu.vector_load %arg14[%parallel_loop3A_290, %parallel_loop3A_291] {strides = array<i32>} : memref<80x144xf32, #tpu.memory_space<vmem>>, vector<1x16xf32>,
      %parallel_loop3A_293 = vector.shape_cast %parallel_loop3A_292 : vector<1x16xf32> to vector<16xf32>
      %parallel_loop3A_294 = vector.shape_cast %parallel_loop3A_289 : vector<16xf32> to vector<1x16xf32>
      tpu.vector_store %arg14[%parallel_loop3A_290, %parallel_loop3A_291], %parallel_loop3A_294 {strides = array<i32>} : memref<80x144xf32, #tpu.memory_space<vmem>>, vector<1x16xf32>,
      %parallel_loop3A_295 = arith.constant 3 : i32
      %parallel_loop3A_296 = vector.broadcast %parallel_loop3A_295 : i32 to vector<16xi32>
      %parallel_loop3A_297 = vector.shape_cast %parallel_loop3A_296 : vector<16xi32> to vector<16x1xi32>
      %parallel_loop3A_298 = vector.shape_cast %parallel_loop3A_297 : vector<16x1xi32> to vector<16xi32>
      %parallel_loop3A_299 = tpu.dynamic_gather %parallel_loop3A_244[%parallel_loop3A_298] in [0] : vector<16xf32>, vector<16xi32> -> vector<16xf32>
      %parallel_loop3A_300 = arith.index_cast %parallel_loop3A_226 : i32 to index
      %parallel_loop3A_301 = arith.constant 48 : index
      %parallel_loop3A_302 = tpu.vector_load %arg14[%parallel_loop3A_300, %parallel_loop3A_301] {strides = array<i32>} : memref<80x144xf32, #tpu.memory_space<vmem>>, vector<1x16xf32>,
      %parallel_loop3A_303 = vector.shape_cast %parallel_loop3A_302 : vector<1x16xf32> to vector<16xf32>
      %parallel_loop3A_304 = arith.mulf %parallel_loop3A_303, %parallel_loop3A_299 : vector<16xf32>
      %parallel_loop3A_305 = arith.index_cast %parallel_loop3A_226 : i32 to index
      %parallel_loop3A_306 = arith.constant 48 : index
      %parallel_loop3A_307 = tpu.vector_load %arg14[%parallel_loop3A_305, %parallel_loop3A_306] {strides = array<i32>} : memref<80x144xf32, #tpu.memory_space<vmem>>, vector<1x16xf32>,
      %parallel_loop3A_308 = vector.shape_cast %parallel_loop3A_307 : vector<1x16xf32> to vector<16xf32>
      %parallel_loop3A_309 = vector.shape_cast %parallel_loop3A_304 : vector<16xf32> to vector<1x16xf32>
      tpu.vector_store %arg14[%parallel_loop3A_305, %parallel_loop3A_306], %parallel_loop3A_309 {strides = array<i32>} : memref<80x144xf32, #tpu.memory_space<vmem>>, vector<1x16xf32>,
      %parallel_loop3A_310 = arith.constant 4 : i32
      %parallel_loop3A_311 = vector.broadcast %parallel_loop3A_310 : i32 to vector<16xi32>
      %parallel_loop3A_312 = vector.shape_cast %parallel_loop3A_311 : vector<16xi32> to vector<16x1xi32>
      %parallel_loop3A_313 = vector.shape_cast %parallel_loop3A_312 : vector<16x1xi32> to vector<16xi32>
      %parallel_loop3A_314 = tpu.dynamic_gather %parallel_loop3A_244[%parallel_loop3A_313] in [0] : vector<16xf32>, vector<16xi32> -> vector<16xf32>
      %parallel_loop3A_315 = arith.index_cast %parallel_loop3A_226 : i32 to index
      %parallel_loop3A_316 = arith.constant 64 : index
      %parallel_loop3A_317 = tpu.vector_load %arg14[%parallel_loop3A_315, %parallel_loop3A_316] {strides = array<i32>} : memref<80x144xf32, #tpu.memory_space<vmem>>, vector<1x16xf32>,
      %parallel_loop3A_318 = vector.shape_cast %parallel_loop3A_317 : vector<1x16xf32> to vector<16xf32>
      %parallel_loop3A_319 = arith.mulf %parallel_loop3A_318, %parallel_loop3A_314 : vector<16xf32>
      %parallel_loop3A_320 = arith.index_cast %parallel_loop3A_226 : i32 to index
      %parallel_loop3A_321 = arith.constant 64 : index
      %parallel_loop3A_322 = tpu.vector_load %arg14[%parallel_loop3A_320, %parallel_loop3A_321] {strides = array<i32>} : memref<80x144xf32, #tpu.memory_space<vmem>>, vector<1x16xf32>,
      %parallel_loop3A_323 = vector.shape_cast %parallel_loop3A_322 : vector<1x16xf32> to vector<16xf32>
      %parallel_loop3A_324 = vector.shape_cast %parallel_loop3A_319 : vector<16xf32> to vector<1x16xf32>
      tpu.vector_store %arg14[%parallel_loop3A_320, %parallel_loop3A_321], %parallel_loop3A_324 {strides = array<i32>} : memref<80x144xf32, #tpu.memory_space<vmem>>, vector<1x16xf32>,
      %parallel_loop3A_325 = arith.constant 5 : i32
      %parallel_loop3A_326 = vector.broadcast %parallel_loop3A_325 : i32 to vector<16xi32>
      %parallel_loop3A_327 = vector.shape_cast %parallel_loop3A_326 : vector<16xi32> to vector<16x1xi32>
      %parallel_loop3A_328 = vector.shape_cast %parallel_loop3A_327 : vector<16x1xi32> to vector<16xi32>
      %parallel_loop3A_329 = tpu.dynamic_gather %parallel_loop3A_244[%parallel_loop3A_328] in [0] : vector<16xf32>, vector<16xi32> -> vector<16xf32>
      %parallel_loop3A_330 = arith.index_cast %parallel_loop3A_226 : i32 to index
      %parallel_loop3A_331 = arith.constant 80 : index
      %parallel_loop3A_332 = tpu.vector_load %arg14[%parallel_loop3A_330, %parallel_loop3A_331] {strides = array<i32>} : memref<80x144xf32, #tpu.memory_space<vmem>>, vector<1x16xf32>,
      %parallel_loop3A_333 = vector.shape_cast %parallel_loop3A_332 : vector<1x16xf32> to vector<16xf32>
      %parallel_loop3A_334 = arith.mulf %parallel_loop3A_333, %parallel_loop3A_329 : vector<16xf32>
      %parallel_loop3A_335 = arith.index_cast %parallel_loop3A_226 : i32 to index
      %parallel_loop3A_336 = arith.constant 80 : index
      %parallel_loop3A_337 = tpu.vector_load %arg14[%parallel_loop3A_335, %parallel_loop3A_336] {strides = array<i32>} : memref<80x144xf32, #tpu.memory_space<vmem>>, vector<1x16xf32>,
      %parallel_loop3A_338 = vector.shape_cast %parallel_loop3A_337 : vector<1x16xf32> to vector<16xf32>
      %parallel_loop3A_339 = vector.shape_cast %parallel_loop3A_334 : vector<16xf32> to vector<1x16xf32>
      tpu.vector_store %arg14[%parallel_loop3A_335, %parallel_loop3A_336], %parallel_loop3A_339 {strides = array<i32>} : memref<80x144xf32, #tpu.memory_space<vmem>>, vector<1x16xf32>,
      %parallel_loop3A_340 = arith.constant 6 : i32
      %parallel_loop3A_341 = vector.broadcast %parallel_loop3A_340 : i32 to vector<16xi32>
      %parallel_loop3A_342 = vector.shape_cast %parallel_loop3A_341 : vector<16xi32> to vector<16x1xi32>
      %parallel_loop3A_343 = vector.shape_cast %parallel_loop3A_342 : vector<16x1xi32> to vector<16xi32>
      %parallel_loop3A_344 = tpu.dynamic_gather %parallel_loop3A_244[%parallel_loop3A_343] in [0] : vector<16xf32>, vector<16xi32> -> vector<16xf32>
      %parallel_loop3A_345 = arith.index_cast %parallel_loop3A_226 : i32 to index
      %parallel_loop3A_346 = arith.constant 96 : index
      %parallel_loop3A_347 = tpu.vector_load %arg14[%parallel_loop3A_345, %parallel_loop3A_346] {strides = array<i32>} : memref<80x144xf32, #tpu.memory_space<vmem>>, vector<1x16xf32>,
      %parallel_loop3A_348 = vector.shape_cast %parallel_loop3A_347 : vector<1x16xf32> to vector<16xf32>
      %parallel_loop3A_349 = arith.mulf %parallel_loop3A_348, %parallel_loop3A_344 : vector<16xf32>
      %parallel_loop3A_350 = arith.index_cast %parallel_loop3A_226 : i32 to index
      %parallel_loop3A_351 = arith.constant 96 : index
      %parallel_loop3A_352 = tpu.vector_load %arg14[%parallel_loop3A_350, %parallel_loop3A_351] {strides = array<i32>} : memref<80x144xf32, #tpu.memory_space<vmem>>, vector<1x16xf32>,
      %parallel_loop3A_353 = vector.shape_cast %parallel_loop3A_352 : vector<1x16xf32> to vector<16xf32>
      %parallel_loop3A_354 = vector.shape_cast %parallel_loop3A_349 : vector<16xf32> to vector<1x16xf32>
      tpu.vector_store %arg14[%parallel_loop3A_350, %parallel_loop3A_351], %parallel_loop3A_354 {strides = array<i32>} : memref<80x144xf32, #tpu.memory_space<vmem>>, vector<1x16xf32>,
      %parallel_loop3A_355 = arith.constant 7 : i32
      %parallel_loop3A_356 = vector.broadcast %parallel_loop3A_355 : i32 to vector<16xi32>
      %parallel_loop3A_357 = vector.shape_cast %parallel_loop3A_356 : vector<16xi32> to vector<16x1xi32>
      %parallel_loop3A_358 = vector.shape_cast %parallel_loop3A_357 : vector<16x1xi32> to vector<16xi32>
      %parallel_loop3A_359 = tpu.dynamic_gather %parallel_loop3A_244[%parallel_loop3A_358] in [0] : vector<16xf32>, vector<16xi32> -> vector<16xf32>
      %parallel_loop3A_360 = arith.index_cast %parallel_loop3A_226 : i32 to index
      %parallel_loop3A_361 = arith.constant 112 : index
      %parallel_loop3A_362 = tpu.vector_load %arg14[%parallel_loop3A_360, %parallel_loop3A_361] {strides = array<i32>} : memref<80x144xf32, #tpu.memory_space<vmem>>, vector<1x16xf32>,
      %parallel_loop3A_363 = vector.shape_cast %parallel_loop3A_362 : vector<1x16xf32> to vector<16xf32>
      %parallel_loop3A_364 = arith.mulf %parallel_loop3A_363, %parallel_loop3A_359 : vector<16xf32>
      %parallel_loop3A_365 = arith.index_cast %parallel_loop3A_226 : i32 to index
      %parallel_loop3A_366 = arith.constant 112 : index
      %parallel_loop3A_367 = tpu.vector_load %arg14[%parallel_loop3A_365, %parallel_loop3A_366] {strides = array<i32>} : memref<80x144xf32, #tpu.memory_space<vmem>>, vector<1x16xf32>,
      %parallel_loop3A_368 = vector.shape_cast %parallel_loop3A_367 : vector<1x16xf32> to vector<16xf32>
      %parallel_loop3A_369 = vector.shape_cast %parallel_loop3A_364 : vector<16xf32> to vector<1x16xf32>
      tpu.vector_store %arg14[%parallel_loop3A_365, %parallel_loop3A_366], %parallel_loop3A_369 {strides = array<i32>} : memref<80x144xf32, #tpu.memory_space<vmem>>, vector<1x16xf32>,
    } {sc.loop_unroll_factor = 4 : i64, sc.parallel_access}
    "tpu.region"() ({
      %run_scoped3A = tpu.sem_alloc : memref<!tpu.dma_semaphore, #tpu.memory_space<semaphore_mem>>
      %dma_start3A_226 = arith.constant 0 : i32
      %dma_start3A_227 = arith.constant 0 : i32
      %dma_start3A_228 = tpu.memref_slice %arg20[%dma_start3A_226, %dma_start3A_227] : memref<10240x144xf32, #tpu.memory_space<vmem_shared>> -> memref<10240x144xf32, #tpu.memory_space<vmem_shared>>
      tpu.enqueue_indirect_dma source(%arg14 : memref<80x144xf32, #tpu.memory_space<vmem>>) target(%dma_start3A_228 : memref<10240x144xf32, #tpu.memory_space<vmem_shared>>) offsets(%arg9 : memref<80xi32, #tpu.memory_space<vmem>>) semaphore(%run_scoped3A : memref<!tpu.dma_semaphore, #tpu.memory_space<semaphore_mem>>) {add = true}
      %dma_wait3A_229 = arith.constant 0 : i32
      %dma_wait3A_230 = arith.constant 0 : i32
      %dma_wait3A_231 = tpu.memref_slice %arg20[%dma_wait3A_229, %dma_wait3A_230] : memref<10240x144xf32, #tpu.memory_space<vmem_shared>> -> memref<10240x144xf32, #tpu.memory_space<vmem_shared>>
      tpu.wait_indirect_dma semaphore(%run_scoped3A : memref<!tpu.dma_semaphore, #tpu.memory_space<semaphore_mem>>) src(%arg14 : memref<80x144xf32, #tpu.memory_space<vmem>>) dst(%dma_wait3A_231 : memref<10240x144xf32, #tpu.memory_space<vmem_shared>>)
      tpu.yield
    }) : () -> ()
    %dma_wait3A_213 = arith.constant 0 : i32
    %dma_wait3A_214 = tpu.memref_slice %arg4[%dma_wait3A_213] : memref<320000xi32, #tpu.memory_space<hbm>> -> memref<80xi32, #tpu.memory_space<hbm>>
    %dma_wait3A_215 = arith.constant 0 : i32
    %dma_wait3A_216 = tpu.memref_slice %arg4[%dma_wait3A_215] : memref<320000xi32, #tpu.memory_space<hbm>> -> memref<80xi32, #tpu.memory_space<hbm>>
    tpu.wait_dma2 semaphore(%arg22 : memref<!tpu.dma_semaphore, #tpu.memory_space<semaphore_mem>>) src(%dma_wait3A_216 : memref<80xi32, #tpu.memory_space<hbm>>) dst(%arg10 : memref<80xi32, #tpu.memory_space<vmem>>)
    %dma_wait3A_217 = arith.constant 0 : i32
    %dma_wait3A_218 = tpu.memref_slice %arg5[%dma_wait3A_217] : memref<320000xi32, #tpu.memory_space<hbm>> -> memref<80xi32, #tpu.memory_space<hbm>>
    %dma_wait3A_219 = arith.constant 0 : i32
    %dma_wait3A_220 = tpu.memref_slice %arg5[%dma_wait3A_219] : memref<320000xi32, #tpu.memory_space<hbm>> -> memref<80xi32, #tpu.memory_space<hbm>>
    tpu.wait_dma2 semaphore(%arg22 : memref<!tpu.dma_semaphore, #tpu.memory_space<semaphore_mem>>) src(%dma_wait3A_220 : memref<80xi32, #tpu.memory_space<hbm>>) dst(%arg11 : memref<80xi32, #tpu.memory_space<vmem>>)
    %barrier3A_221 = arith.constant 0 : index
    tpu.barrier barrier_id(%barrier3A_221)
    %mul3A_222 = arith.constant 640 : i32
    %mul3A_223 = arith.muli %arg1, %mul3A_222 : i32
    %mul3A_224 = arith.constant 640 : i32
    %mul3A_225 = arith.muli %arg1, %mul3A_224 : i32
    "tpu.region"() ({
      %run_scoped3A = tpu.sem_alloc : memref<!tpu.dma_semaphore, #tpu.memory_space<semaphore_mem>>
      %dma_start3A_226 = arith.constant 0 : i32
      %dma_start3A_227 = tpu.memref_slice %arg7[%arg0, %mul3A_225, %dma_start3A_226] : memref<2x10240x144xf32, #tpu.memory_space<hbm>> -> memref<1x640x144xf32, #tpu.memory_space<hbm>>
      %dma_start3A_228 = tpu.memref_squeeze %dma_start3A_227 : memref<1x640x144xf32, #tpu.memory_space<hbm>> -> memref<640x144xf32, #tpu.memory_space<hbm>>
      %dma_start3A_229 = arith.constant 0 : i32
      %dma_start3A_230 = tpu.memref_slice %arg20[%mul3A_223, %dma_start3A_229] : memref<10240x144xf32, #tpu.memory_space<vmem_shared>> -> memref<640x144xf32, #tpu.memory_space<vmem_shared>>
      tpu.enqueue_dma source(%dma_start3A_230 : memref<640x144xf32, #tpu.memory_space<vmem_shared>>) target(%dma_start3A_228 : memref<640x144xf32, #tpu.memory_space<hbm>>) target_semaphore(%run_scoped3A : memref<!tpu.dma_semaphore, #tpu.memory_space<semaphore_mem>>)
      %dma_wait3A_231 = arith.constant 0 : i32
      %dma_wait3A_232 = tpu.memref_slice %arg7[%arg0, %mul3A_225, %dma_wait3A_231] : memref<2x10240x144xf32, #tpu.memory_space<hbm>> -> memref<1x640x144xf32, #tpu.memory_space<hbm>>
      %dma_wait3A_233 = tpu.memref_squeeze %dma_wait3A_232 : memref<1x640x144xf32, #tpu.memory_space<hbm>> -> memref<640x144xf32, #tpu.memory_space<hbm>>
      %dma_wait3A_234 = arith.constant 0 : i32
      %dma_wait3A_235 = tpu.memref_slice %arg20[%mul3A_223, %dma_wait3A_234] : memref<10240x144xf32, #tpu.memory_space<vmem_shared>> -> memref<640x144xf32, #tpu.memory_space<vmem_shared>>
      tpu.wait_dma2 semaphore(%run_scoped3A : memref<!tpu.dma_semaphore, #tpu.memory_space<semaphore_mem>>) src(%dma_wait3A_235 : memref<640x144xf32, #tpu.memory_space<vmem_shared>>) dst(%dma_wait3A_233 : memref<640x144xf32, #tpu.memory_space<hbm>>)
      tpu.yield
    }) : () -> ()
    return
  }
}

module attributes {stable_mosaic.version = 14 : i64} {
  func.func @_tc_front_body(%arg0: memref<10000x128xf32, #tpu.memory_space<vmem>>, %arg1: memref<128x128xf32, #tpu.memory_space<vmem>>, %arg2: memref<128x16xf32, #tpu.memory_space<vmem>>, %arg3: memref<128x16xf32, #tpu.memory_space<vmem>>, %arg4: memref<10000x144xf32, #tpu.memory_space<vmem>>, %arg5: memref<10000x16xf32, #tpu.memory_space<vmem>>, %arg6: memref<1x16xf32, #tpu.memory_space<vmem>>) attributes {dimension_semantics = [], scalar_prefetch = 0 : i64, scratch_operands = 0 : i64, tpu.core_type = #tpu.core_type<tc>} {
    %get3A = arith.constant 0 : index
    %get3A_0 = arith.constant 0 : index
    %get3A_1 = vector.load %arg0[%get3A, %get3A_0] : memref<10000x128xf32, #tpu.memory_space<vmem>>, vector<10000x128xf32>
    %get3A_2 = arith.constant 0 : index
    %get3A_3 = arith.constant 0 : index
    %get3A_4 = vector.load %arg1[%get3A_2, %get3A_3] : memref<128x128xf32, #tpu.memory_space<vmem>>, vector<128x128xf32>
    %dot_general3A = arith.constant dense<0.000000e+00> : vector<10000x128xf32>
    %dot_general3A_5 = tpu.matmul %get3A_1, %get3A_4, %dot_general3A {dimension_numbers = #tpu.dot_dimension_numbers<[1], [0], [0], [1], [0, 0, 1, 1], [], []>, transpose_lhs_hint = false} : vector<10000x128xf32>, vector<128x128xf32>, vector<10000x128xf32> -> vector<10000x128xf32>
    %get3A_6 = arith.constant 0 : index
    %get3A_7 = arith.constant 0 : index
    %get3A_8 = vector.load %arg2[%get3A_6, %get3A_7] : memref<128x16xf32, #tpu.memory_space<vmem>>, vector<128x16xf32>
    %dot_general3A_9 = arith.constant dense<0.000000e+00> : vector<10000x16xf32>
    %dot_general3A_10 = tpu.matmul %dot_general3A_5, %get3A_8, %dot_general3A_9 {dimension_numbers = #tpu.dot_dimension_numbers<[1], [0], [0], [1], [0, 0, 1, 1], [], []>, transpose_lhs_hint = false} : vector<10000x128xf32>, vector<128x16xf32>, vector<10000x16xf32> -> vector<10000x16xf32>
    %get3A_11 = arith.constant 0 : index
    %get3A_12 = arith.constant 0 : index
    %get3A_13 = vector.load %arg3[%get3A_11, %get3A_12] : memref<128x16xf32, #tpu.memory_space<vmem>>, vector<128x16xf32>
    %dot_general3A_14 = arith.constant dense<0.000000e+00> : vector<10000x16xf32>
    %dot_general3A_15 = tpu.matmul %dot_general3A_5, %get3A_13, %dot_general3A_14 {dimension_numbers = #tpu.dot_dimension_numbers<[1], [0], [0], [1], [0, 0, 1, 1], [], []>, transpose_lhs_hint = false} : vector<10000x128xf32>, vector<128x16xf32>, vector<10000x16xf32> -> vector<10000x16xf32>
    %swap3A = arith.constant 0 : index
    %swap3A_16 = arith.constant 0 : index
    %swap3A_17 = vector.load %arg4[%swap3A, %swap3A_16] : memref<10000x144xf32, #tpu.memory_space<vmem>>, vector<10000x128xf32>
    tpu.vector_store %arg4[%swap3A, %swap3A_16], %dot_general3A_5 {strides = array<i32>} : memref<10000x144xf32, #tpu.memory_space<vmem>>, vector<10000x128xf32>,
    %swap3A_18 = arith.constant 0 : index
    %swap3A_19 = arith.constant 128 : index
    %swap3A_20 = vector.load %arg4[%swap3A_18, %swap3A_19] : memref<10000x144xf32, #tpu.memory_space<vmem>>, vector<10000x16xf32>
    tpu.vector_store %arg4[%swap3A_18, %swap3A_19], %dot_general3A_10 {strides = array<i32>} : memref<10000x144xf32, #tpu.memory_space<vmem>>, vector<10000x16xf32>,
    %swap3A_21 = arith.constant 0 : index
    %swap3A_22 = arith.constant 0 : index
    %swap3A_23 = vector.load %arg5[%swap3A_21, %swap3A_22] : memref<10000x16xf32, #tpu.memory_space<vmem>>, vector<10000x16xf32>
    tpu.vector_store %arg5[%swap3A_21, %swap3A_22], %dot_general3A_15 {strides = array<i32>} : memref<10000x16xf32, #tpu.memory_space<vmem>>, vector<10000x16xf32>,
    %reduce_max3A = arith.constant dense<0xFF800000> : vector<16xf32>
    %reduce_max3A_24 = vector.multi_reduction <maximumf>, %dot_general3A_10, %reduce_max3A [0] : vector<10000x16xf32> to vector<16xf32>
    %broadcast_in_dim3A = vector.shape_cast %reduce_max3A_24 : vector<16xf32> to vector<1x16xf32>
    %reduce_max3A_25 = arith.constant dense<0xFF800000> : vector<16xf32>
    %reduce_max3A_26 = vector.multi_reduction <maximumf>, %dot_general3A_15, %reduce_max3A_25 [0] : vector<10000x16xf32> to vector<16xf32>
    %broadcast_in_dim3A_27 = vector.shape_cast %reduce_max3A_26 : vector<16xf32> to vector<1x16xf32>
    %add3A = arith.addf %broadcast_in_dim3A, %broadcast_in_dim3A_27 : vector<1x16xf32>
    %ge3A = arith.constant 0.000000e+00 : f32
    %ge3A_28 = vector.broadcast %ge3A : f32 to vector<1x16xf32>
    %ge3A_29 = arith.cmpf oge, %add3A, %ge3A_28 : vector<1x16xf32>
    %mul3A = arith.constant 2.000000e-01 : f32
    %mul3A_30 = vector.broadcast %mul3A : f32 to vector<1x16xf32>
    %mul3A_31 = arith.mulf %mul3A_30, %add3A : vector<1x16xf32>
    %select_n3A = arith.select %ge3A_29, %add3A, %mul3A_31 : vector<1x16xi1>, vector<1x16xf32>
    %swap3A_32 = arith.constant 0 : index
    %swap3A_33 = arith.constant 0 : index
    %swap3A_34 = vector.load %arg6[%swap3A_32, %swap3A_33] : memref<1x16xf32, #tpu.memory_space<vmem>>, vector<1x16xf32>
    tpu.vector_store %arg6[%swap3A_32, %swap3A_33], %select_n3A {strides = array<i32>} : memref<1x16xf32, #tpu.memory_space<vmem>>, vector<1x16xf32>,
    return
  }
}

module attributes {stable_mosaic.version = 14 : i64} {
  func.func @_tc_mid_body(%arg0: memref<2x10240x144xf32, #tpu.memory_space<vmem>>, %arg1: memref<1x128xf32, #tpu.memory_space<vmem>>, %arg2: memref<16x128xf32, #tpu.memory_space<vmem>>, %arg3: memref<128x128xf32, #tpu.memory_space<vmem>>, %arg4: memref<128x16xf32, #tpu.memory_space<vmem>>, %arg5: memref<128x16xf32, #tpu.memory_space<vmem>>, %arg6: memref<10000x144xf32, #tpu.memory_space<vmem>>, %arg7: memref<10000x16xf32, #tpu.memory_space<vmem>>, %arg8: memref<1x16xf32, #tpu.memory_space<vmem>>) attributes {dimension_semantics = [], scalar_prefetch = 0 : i64, scratch_operands = 0 : i64, tpu.core_type = #tpu.core_type<tc>} {
    %get3A = arith.constant 0 : index
    %get3A_0 = arith.constant 0 : index
    %get3A_1 = arith.constant 0 : index
    %get3A_2 = vector.load %arg0[%get3A, %get3A_0, %get3A_1] : memref<2x10240x144xf32, #tpu.memory_space<vmem>>, vector<1x10000x144xf32>
    %get3A_3 = vector.shape_cast %get3A_2 : vector<1x10000x144xf32> to vector<10000x144xf32>
    %get3A_4 = arith.constant 1 : index
    %get3A_5 = arith.constant 0 : index
    %get3A_6 = arith.constant 0 : index
    %get3A_7 = vector.load %arg0[%get3A_4, %get3A_5, %get3A_6] : memref<2x10240x144xf32, #tpu.memory_space<vmem>>, vector<1x10000x144xf32>
    %get3A_8 = vector.shape_cast %get3A_7 : vector<1x10000x144xf32> to vector<10000x144xf32>
    %add3A = arith.addf %get3A_3, %get3A_8 : vector<10000x144xf32>
    %slice3A = vector.extract_strided_slice %add3A {offsets = [0, 128], sizes = [10000, 16], strides = [1, 1]} : vector<10000x144xf32> to vector<10000x16xf32>
    %get3A_9 = arith.constant 0 : index
    %get3A_10 = arith.constant 0 : index
    %get3A_11 = vector.load %arg2[%get3A_9, %get3A_10] : memref<16x128xf32, #tpu.memory_space<vmem>>, vector<16x128xf32>
    %dot_general3A = arith.constant dense<0.000000e+00> : vector<10000x128xf32>
    %dot_general3A_12 = tpu.matmul %slice3A, %get3A_11, %dot_general3A {dimension_numbers = #tpu.dot_dimension_numbers<[1], [0], [0], [1], [0, 0, 1, 1], [], []>, transpose_lhs_hint = false} : vector<10000x16xf32>, vector<16x128xf32>, vector<10000x128xf32> -> vector<10000x128xf32>
    %slice3A_13 = vector.extract_strided_slice %add3A {offsets = [0, 0], sizes = [10000, 128], strides = [1, 1]} : vector<10000x144xf32> to vector<10000x128xf32>
    %add3A_14 = arith.constant 9.99999971E-10 : f32
    %add3A_15 = vector.broadcast %add3A_14 : f32 to vector<10000x128xf32>
    %add3A_16 = arith.addf %dot_general3A_12, %add3A_15 : vector<10000x128xf32>
    %div3A = arith.divf %slice3A_13, %add3A_16 : vector<10000x128xf32>
    %get3A_17 = arith.constant 0 : index
    %get3A_18 = arith.constant 0 : index
    %get3A_19 = vector.load %arg1[%get3A_17, %get3A_18] : memref<1x128xf32, #tpu.memory_space<vmem>>, vector<1x128xf32>
    %add3A_20 = vector.broadcast %get3A_19 : vector<1x128xf32> to vector<10000x128xf32>
    %add3A_21 = arith.addf %div3A, %add3A_20 : vector<10000x128xf32>
    %ge3A = arith.constant 0.000000e+00 : f32
    %ge3A_22 = vector.broadcast %ge3A : f32 to vector<10000x128xf32>
    %ge3A_23 = arith.cmpf oge, %add3A_21, %ge3A_22 : vector<10000x128xf32>
    %mul3A = arith.constant 0.00999999977 : f32
    %mul3A_24 = vector.broadcast %mul3A : f32 to vector<10000x128xf32>
    %mul3A_25 = arith.mulf %mul3A_24, %add3A_21 : vector<10000x128xf32>
    %select_n3A = arith.select %ge3A_23, %add3A_21, %mul3A_25 : vector<10000x128xi1>, vector<10000x128xf32>
    %get3A_26 = arith.constant 0 : index
    %get3A_27 = arith.constant 0 : index
    %get3A_28 = vector.load %arg3[%get3A_26, %get3A_27] : memref<128x128xf32, #tpu.memory_space<vmem>>, vector<128x128xf32>
    %dot_general3A_29 = arith.constant dense<0.000000e+00> : vector<10000x128xf32>
    %dot_general3A_30 = tpu.matmul %select_n3A, %get3A_28, %dot_general3A_29 {dimension_numbers = #tpu.dot_dimension_numbers<[1], [0], [0], [1], [0, 0, 1, 1], [], []>, transpose_lhs_hint = false} : vector<10000x128xf32>, vector<128x128xf32>, vector<10000x128xf32> -> vector<10000x128xf32>
    %get3A_31 = arith.constant 0 : index
    %get3A_32 = arith.constant 0 : index
    %get3A_33 = vector.load %arg4[%get3A_31, %get3A_32] : memref<128x16xf32, #tpu.memory_space<vmem>>, vector<128x16xf32>
    %dot_general3A_34 = arith.constant dense<0.000000e+00> : vector<10000x16xf32>
    %dot_general3A_35 = tpu.matmul %dot_general3A_30, %get3A_33, %dot_general3A_34 {dimension_numbers = #tpu.dot_dimension_numbers<[1], [0], [0], [1], [0, 0, 1, 1], [], []>, transpose_lhs_hint = false} : vector<10000x128xf32>, vector<128x16xf32>, vector<10000x16xf32> -> vector<10000x16xf32>
    %get3A_36 = arith.constant 0 : index
    %get3A_37 = arith.constant 0 : index
    %get3A_38 = vector.load %arg5[%get3A_36, %get3A_37] : memref<128x16xf32, #tpu.memory_space<vmem>>, vector<128x16xf32>
    %dot_general3A_39 = arith.constant dense<0.000000e+00> : vector<10000x16xf32>
    %dot_general3A_40 = tpu.matmul %dot_general3A_30, %get3A_38, %dot_general3A_39 {dimension_numbers = #tpu.dot_dimension_numbers<[1], [0], [0], [1], [0, 0, 1, 1], [], []>, transpose_lhs_hint = false} : vector<10000x128xf32>, vector<128x16xf32>, vector<10000x16xf32> -> vector<10000x16xf32>
    %swap3A = arith.constant 0 : index
    %swap3A_41 = arith.constant 0 : index
    %swap3A_42 = vector.load %arg6[%swap3A, %swap3A_41] : memref<10000x144xf32, #tpu.memory_space<vmem>>, vector<10000x128xf32>
    tpu.vector_store %arg6[%swap3A, %swap3A_41], %dot_general3A_30 {strides = array<i32>} : memref<10000x144xf32, #tpu.memory_space<vmem>>, vector<10000x128xf32>,
    %swap3A_43 = arith.constant 0 : index
    %swap3A_44 = arith.constant 128 : index
    %swap3A_45 = vector.load %arg6[%swap3A_43, %swap3A_44] : memref<10000x144xf32, #tpu.memory_space<vmem>>, vector<10000x16xf32>
    tpu.vector_store %arg6[%swap3A_43, %swap3A_44], %dot_general3A_35 {strides = array<i32>} : memref<10000x144xf32, #tpu.memory_space<vmem>>, vector<10000x16xf32>,
    %swap3A_46 = arith.constant 0 : index
    %swap3A_47 = arith.constant 0 : index
    %swap3A_48 = vector.load %arg7[%swap3A_46, %swap3A_47] : memref<10000x16xf32, #tpu.memory_space<vmem>>, vector<10000x16xf32>
    tpu.vector_store %arg7[%swap3A_46, %swap3A_47], %dot_general3A_40 {strides = array<i32>} : memref<10000x16xf32, #tpu.memory_space<vmem>>, vector<10000x16xf32>,
    %reduce_max3A = arith.constant dense<0xFF800000> : vector<16xf32>
    %reduce_max3A_49 = vector.multi_reduction <maximumf>, %dot_general3A_35, %reduce_max3A [0] : vector<10000x16xf32> to vector<16xf32>
    %broadcast_in_dim3A = vector.shape_cast %reduce_max3A_49 : vector<16xf32> to vector<1x16xf32>
    %reduce_max3A_50 = arith.constant dense<0xFF800000> : vector<16xf32>
    %reduce_max3A_51 = vector.multi_reduction <maximumf>, %dot_general3A_40, %reduce_max3A_50 [0] : vector<10000x16xf32> to vector<16xf32>
    %broadcast_in_dim3A_52 = vector.shape_cast %reduce_max3A_51 : vector<16xf32> to vector<1x16xf32>
    %add3A_53 = arith.addf %broadcast_in_dim3A, %broadcast_in_dim3A_52 : vector<1x16xf32>
    %ge3A_54 = arith.constant 0.000000e+00 : f32
    %ge3A_55 = vector.broadcast %ge3A_54 : f32 to vector<1x16xf32>
    %ge3A_56 = arith.cmpf oge, %add3A_53, %ge3A_55 : vector<1x16xf32>
    %mul3A_57 = arith.constant 2.000000e-01 : f32
    %mul3A_58 = vector.broadcast %mul3A_57 : f32 to vector<1x16xf32>
    %mul3A_59 = arith.mulf %mul3A_58, %add3A_53 : vector<1x16xf32>
    %select_n3A_60 = arith.select %ge3A_56, %add3A_53, %mul3A_59 : vector<1x16xi1>, vector<1x16xf32>
    %swap3A_61 = arith.constant 0 : index
    %swap3A_62 = arith.constant 0 : index
    %swap3A_63 = vector.load %arg8[%swap3A_61, %swap3A_62] : memref<1x16xf32, #tpu.memory_space<vmem>>, vector<1x16xf32>
    tpu.vector_store %arg8[%swap3A_61, %swap3A_62], %select_n3A_60 {strides = array<i32>} : memref<1x16xf32, #tpu.memory_space<vmem>>, vector<1x16xf32>,
    return
  }
}

module attributes {stable_mosaic.version = 14 : i64} {
  func.func @_tc_final_body(%arg0: memref<2x10240x144xf32, #tpu.memory_space<vmem>>, %arg1: memref<1x128xf32, #tpu.memory_space<vmem>>, %arg2: memref<16x128xf32, #tpu.memory_space<vmem>>, %arg3: memref<10000x128xf32, #tpu.memory_space<vmem>>) attributes {dimension_semantics = [], scalar_prefetch = 0 : i64, scratch_operands = 0 : i64, tpu.core_type = #tpu.core_type<tc>} {
    %get3A = arith.constant 0 : index
    %get3A_0 = arith.constant 0 : index
    %get3A_1 = arith.constant 0 : index
    %get3A_2 = vector.load %arg0[%get3A, %get3A_0, %get3A_1] : memref<2x10240x144xf32, #tpu.memory_space<vmem>>, vector<1x10000x144xf32>
    %get3A_3 = vector.shape_cast %get3A_2 : vector<1x10000x144xf32> to vector<10000x144xf32>
    %get3A_4 = arith.constant 1 : index
    %get3A_5 = arith.constant 0 : index
    %get3A_6 = arith.constant 0 : index
    %get3A_7 = vector.load %arg0[%get3A_4, %get3A_5, %get3A_6] : memref<2x10240x144xf32, #tpu.memory_space<vmem>>, vector<1x10000x144xf32>
    %get3A_8 = vector.shape_cast %get3A_7 : vector<1x10000x144xf32> to vector<10000x144xf32>
    %add3A = arith.addf %get3A_3, %get3A_8 : vector<10000x144xf32>
    %slice3A = vector.extract_strided_slice %add3A {offsets = [0, 128], sizes = [10000, 16], strides = [1, 1]} : vector<10000x144xf32> to vector<10000x16xf32>
    %get3A_9 = arith.constant 0 : index
    %get3A_10 = arith.constant 0 : index
    %get3A_11 = vector.load %arg2[%get3A_9, %get3A_10] : memref<16x128xf32, #tpu.memory_space<vmem>>, vector<16x128xf32>
    %dot_general3A = arith.constant dense<0.000000e+00> : vector<10000x128xf32>
    %dot_general3A_12 = tpu.matmul %slice3A, %get3A_11, %dot_general3A {dimension_numbers = #tpu.dot_dimension_numbers<[1], [0], [0], [1], [0, 0, 1, 1], [], []>, transpose_lhs_hint = false} : vector<10000x16xf32>, vector<16x128xf32>, vector<10000x128xf32> -> vector<10000x128xf32>
    %slice3A_13 = vector.extract_strided_slice %add3A {offsets = [0, 0], sizes = [10000, 128], strides = [1, 1]} : vector<10000x144xf32> to vector<10000x128xf32>
    %add3A_14 = arith.constant 9.99999971E-10 : f32
    %add3A_15 = vector.broadcast %add3A_14 : f32 to vector<10000x128xf32>
    %add3A_16 = arith.addf %dot_general3A_12, %add3A_15 : vector<10000x128xf32>
    %div3A = arith.divf %slice3A_13, %add3A_16 : vector<10000x128xf32>
    %get3A_17 = arith.constant 0 : index
    %get3A_18 = arith.constant 0 : index
    %get3A_19 = vector.load %arg1[%get3A_17, %get3A_18] : memref<1x128xf32, #tpu.memory_space<vmem>>, vector<1x128xf32>
    %add3A_20 = vector.broadcast %get3A_19 : vector<1x128xf32> to vector<10000x128xf32>
    %add3A_21 = arith.addf %div3A, %add3A_20 : vector<10000x128xf32>
    %swap3A = arith.constant 0 : index
    %swap3A_22 = arith.constant 0 : index
    %swap3A_23 = vector.load %arg3[%swap3A, %swap3A_22] : memref<10000x128xf32, #tpu.memory_space<vmem>>, vector<10000x128xf32>
    tpu.vector_store %arg3[%swap3A, %swap3A_22], %add3A_21 {strides = array<i32>} : memref<10000x128xf32, #tpu.memory_space<vmem>>, vector<10000x128xf32>,
    return
  }
}

</mosaic_0001>

<sc_bundles>
// kernel: kernel.10.cloned.1.call-start
scs
__scs_entry_jumppad:
0x0: {  	(pc) =	sbr.rel $0x88, $3  }
0x1: {  	(tag) =	ssettag $0x0;
	lr =	simm.s32 $0x1  }
0x2: {  	[smem:$0x3F97] =	sst lr;
	_ =	strace $0xD0000000  }
0x3: {  	_ = 	snop  }
0x4: {  	_ = 	snop  }
0x5: {  	_ = 	snop  }
0x6: {  	_ = 	snop  }
0x7: {  	_ = 	snop  }
__scs_overlays_trampoline_lowered:
0x8: {  	[smem:$0x3FA6] =	sst s0  }
0x9: {  	[smem:$0x3FA7] =	sst s1  }
0xa: {  	[smem:$0x3FA8] =	sst s2  }
0xb: {  	[smem:$0x3FA9] =	sst s3  }
0xc: {  	[smem:$0x3FAA] =	sst s4  }
0xd: {  	[smem:$0x3FAB] =	sst s5  }
0xe: {  	[smem:$0x3FAC] =	sst s6  }
0xf: {  	[smem:$0x3FAD] =	sst s7  }
0x10: {  	[smem:$0x3FAE] =	sst s8  }
0x11: {  	[smem:$0x3FAF] =	sst s9;
	s0 =	simm.s32 @!p0 $0x0  }
0x12: {  	s1 =	sld [smem:$0x3F95];
	s0 =	simm.s32 @p0 $0x1  }
0x13: {  	[smem:$0x3FB0] =	sst s0;
	s0 =	simm.s32 @!p1 $0x0  }
0x14: {  	s2 =	sld [smem:$0x3F94];
	s0 =	simm.s32 @p1 $0x1  }
0x15: {  	[smem:$0x3FB1] =	sst s0;
	s0 =	simm.s32 @!p2 $0x0  }
0x16: {  	s3 =	sld [smem:$0x3FDB];
	s0 =	simm.s32 @p2 $0x1  }
0x17: {  	s4 =	simm.s32 $0x1BF5;
	[smem:$0x3FB3] =	sst s0  }
0x18: {  	s0 =	sld [smem:$0x3F96];
	_ =	swait.ge [sflag:s4], $0x0  }
0x19: {  	s7 =	sld [smem:$0x3F97]  }
0x1a: {  	s8 =	sadd.s32 $0xFFFFE003, lr  }
0x1b: {  	s9 =	sadd.s32 $0xFFFFFEF7, lr;
	s5 =	simm.s32 $0xFFFFFFFF;
	p2 =	slt.u32 s8, $0xFFFFF086  }
0x1c: {  	p1 =	slt.u32 s9, $0xF7A;
	s5 =	simm.s32 @!p2 $0x0  }
0x1d: {  	s5 =	simm.s32 @p1 $0x1;
	p0 =	seq.s32 s7, s2  }
0x1e: {  	s7 =	smul.u32 @!p0 $0xF7A, s2;
	p2 =	seq.s32 @!p0 s5, $0x0  }
0x1f: {  	s9 =	smul.u32 $0xF7A, s1;
	s8 =	simm.s32 @!p0 $0x1BF5;
	p2 =	por !p2, p0  }
0x20: {  	[sflag:s8] =	ssyncset.s32 @!p0 $0xFFFFF086;
	s6 =	sadd.s32 @!p0 s3, s7;
	s7 =	simm.s32 @!p0 $0x108  }
0x21: {  	s3 =	sadd.s32 s3, s9;
	s6 =	sadd.s32 @!p0 $0x88, s6;
	s7 =	simm.s32 @p2 $0x1082  }
0x22: {  	[simem:s7], [sflag:s8] =	dma.local @!p0 [hbm:s6], $0xF7A  }
0x23: {  	s9 =	sor.u32 $0xD0000000, s2;
	s6 =	simm.s32 $0x108;
	_ =	swait.ge @!p0 [sflag:s8], $0x0  }
0x24: {  	s3 =	sadd.s32 $0x88, s3;
	s6 =	simm.s32 @!p1 $0x1082;
	[sflag:s4] =	ssyncset.s32 $0xFFFFF086  }
0x25: {  	[simem:s6], [sflag:s4] =	dma.local [hbm:s3], $0xF7A  }
0x26: {  	[smem:$0x3F97] =	sst s1;
	(tag) =	ssettag s2;
	_ =	strace s9  }
0x27: {  	s1 =	sld [smem:$0x3FA7]  }
0x28: {  	s2 =	sld [smem:$0x3FA8]  }
0x29: {  	s4 =	sld [smem:$0x3FAA]  }
0x2a: {  	p0 =	seq.s32 s5, $0x0;
	s5 =	sld [smem:$0x3FAB]  }
0x2b: {  	s6 =	sld [smem:$0x3FAC]  }
0x2c: {  	s7 =	sld [smem:$0x3FAD]  }
0x2d: {  	s3 =	simm.s32 $0x108;
	s8 =	sld [smem:$0x3FAE]  }
0x2e: {  	s3 =	simm.s32 @!p0 $0x1082;
	s9 =	sld [smem:$0x3FAF]  }
0x2f: {  	lr =	sadd.s32 s0, s3;
	s0 =	sld [smem:$0x3FA6]  }
0x30: {  	s3 =	sld [smem:$0x3FA9]  }
0x31: {  	[smem:$0x3FB2] =	sst s10  }
0x32: {  	s10 =	sld [smem:$0x3FB0];
	_ =	sdelay $0x3  }
0x33: {  	p0 =	seq.s32 s10, $0x1;
	s10 =	sld [smem:$0x3FB2];
	_ =	sdelay $0x3  }
0x34: {  	[smem:$0x3FB2] =	sst s10  }
0x35: {  	s10 =	sld [smem:$0x3FB1];
	_ =	sdelay $0x3  }
0x36: {  	p1 =	seq.s32 s10, $0x1;
	s10 =	sld [smem:$0x3FB2];
	_ =	sdelay $0x3  }
0x37: {  	[smem:$0x3FB2] =	sst s10  }
0x38: {  	s10 =	sld [smem:$0x3FB3]  }
0x39: {  	_ = 	snop;
	(pc) =	sbr.ind lr, $3  }
0x3a: {  	_ = 	snop  }
0x3b: {  	_ = 	snop  }
0x3c: {  	p2 =	seq.s32 s10, $0x1;
	s10 =	sld [smem:$0x3FB2]  }
0x3d: {  	_ =	shalt  }
0x3e: {  	_ =	shalt  }
0x3f: {  	_ =	shalt  }
0x40: {  	_ =	shalt  }
0x41: {  	_ =	shalt  }
0x42: {  	_ =	shalt  }
0x43: {  	_ =	shalt  }
0x44: {  	_ =	shalt  }
0x45: {  	_ =	shalt  }
0x46: {  	_ =	shalt  }
0x47: {  	_ =	shalt  }
0x48: {  	_ =	shalt  }
0x49: {  	_ =	shalt  }
0x4a: {  	_ =	shalt  }
0x4b: {  	_ =	shalt  }
0x4c: {  	_ =	shalt  }
0x4d: {  	_ =	shalt  }
0x4e: {  	_ =	shalt  }
0x4f: {  	_ =	shalt  }
0x50: {  	_ =	shalt  }
0x51: {  	_ =	shalt  }
0x52: {  	_ =	shalt  }
0x53: {  	_ =	shalt  }
0x54: {  	_ =	shalt  }
0x55: {  	_ =	shalt  }
0x56: {  	_ =	shalt  }
0x57: {  	_ =	shalt  }
0x58: {  	_ =	shalt  }
0x59: {  	_ =	shalt  }
0x5a: {  	_ =	shalt  }
0x5b: {  	_ =	shalt  }
0x5c: {  	_ =	shalt  }
0x5d: {  	_ =	shalt  }
0x5e: {  	_ =	shalt  }
0x5f: {  	_ =	shalt  }
0x60: {  	_ =	shalt  }
0x61: {  	_ =	shalt  }
0x62: {  	_ =	shalt  }
0x63: {  	_ =	shalt  }
0x64: {  	_ =	shalt  }
0x65: {  	_ =	shalt  }
0x66: {  	_ =	shalt  }
0x67: {  	_ =	shalt  }
0x68: {  	_ =	shalt  }
0x69: {  	_ =	shalt  }
0x6a: {  	_ =	shalt  }
0x6b: {  	_ =	shalt  }
0x6c: {  	_ =	shalt  }
0x6d: {  	_ =	shalt  }
0x6e: {  	_ =	shalt  }
0x6f: {  	_ =	shalt  }
0x70: {  	_ =	shalt  }
0x71: {  	_ =	shalt  }
0x72: {  	_ =	shalt  }
0x73: {  	_ =	shalt  }
0x74: {  	_ =	shalt  }
0x75: {  	_ =	shalt  }
0x76: {  	_ =	shalt  }
0x77: {  	_ =	shalt  }
0x78: {  	_ =	shalt  }
0x79: {  	_ =	shalt  }
0x7a: {  	_ =	shalt  }
0x7b: {  	_ =	shalt  }
0x7c: {  	_ =	shalt  }
0x7d: {  	_ =	shalt  }
0x7e: {  	_ =	shalt  }
0x7f: {  	_ =	shalt  }
0x80: {  	_ =	shalt  }
0x81: {  	_ =	shalt  }
0x82: {  	_ =	shalt  }
0x83: {  	_ =	shalt  }
0x84: {  	_ =	shalt  }
0x85: {  	_ =	shalt  }
0x86: {  	_ =	shalt  }
0x87: {  	_ =	shalt  }
.Lfunc_end0:
.L_simem_size_0:
called_computation.1_lowered:
.L_overlay_start_0:
0x88: {  	s2 =	sld [smem:$0x3FD9]  }
0x89: {  	s3 =	sld [smem:$0x3FFE];
	_ =	sdelay $0x1  }
0x8a: {  	s1 =	srdreg.scid  }
0x8b: {  	s0 =	sand.u32 $0x1, s1  }
0x8c: {  	s17 =	sshll.u32 s0, $0xA;
	s2 =	sadd.s32 s3, s2  }
0x8d: {  	s2 =	sadd.s32 s2, s17  }
0x8e: {  	[smem:$0x3FBE] =	sst s2  }
0x8f: {  	_ = 	snop  }
0x90: {  	s2 =	sld [smem:$0x3FD0];
	(tm) =	ssettm $0x1  }
0x91: {  	s18 =	sld [smem:$0x3FFB];
	_ =	sdelay $0x3  }
0x92: {  	_ =	strace s18  }
0x93: {  	s3 =	sld [smem:$0x3FFC];
	_ =	sdelay $0x3  }
0x94: {  	_ =	strace s3  }
0x95: {  	s3 =	sld [smem:$0x3FFD];
	_ =	sdelay $0x3  }
0x96: {  	_ =	strace s3  }
0x97: {  	_ =	strace $0x8FFFFFFF  }
0x98: {  	s19 =	sld [smem:$0x3FDB];
	_ =	sdelay $0x1  }
0x99: {  	s4 =	simm.s32 $_scs_section_size  }
0x9a: {  	s5 =	simm.s32 $_size__tile_overlayer_lowered;
	s6 =	simm.s32 $_tile_overlayer_lowered  }
0x9b: {  	s22 =	simm.s32 $0x1BFF;
	s21 =	sshll.u32 s6, $0x1;
	s3 =	sadd.s32 s4, s19  }
0x9c: {  	s7 =	simm.s32 $0x0;
	s20 =	sshll.u32 s5, $0x1;
	s5 =	sadd.s32 s21, s3  }
0x9d: {  	[timem:s7], [sflag:s22] =	dma.local [hbm:s5], s20  }
0x9e: {  	_ =	swait.ge [sflag:s22], s20  }
0x9f: {  	s4 =	ssub.s32 $0x0, s20;
	[sflag:s22] =	ssyncset.done $0x0  }
0xa0: {  	[sflag:s22] =	ssyncadd.s32 s4;
	_ =	sdelay $0x1  }
0xa1: {  	s23 =	simm.s32 $0x1B8B  }
0xa2: {  	_ =	swait.ge [sflag:s23], $0x1  }
0xa3: {  	[sflag:s23] =	ssyncset.done $0x0  }
0xa4: {  	s25 =	simm.s32 $0x1B8E;
	s24 =	sld [smem:$0x3FFE];
	[sflag:s23] =	ssyncadd.s32 $0xFFFFFFFF  }
0xa5: {  	s26 =	simm.s32 $execute0_lowered;
	[smem:$0x3FD2] =	sst s25  }
0xa6: {  	s5 =	sshll.u32 s26, $0x1;
	_ =	strace $0x80000049;
	[dreg:$0x1] =	wrdreg $0xFFFFFFFF  }
0xa7: {  	s28 =	simm.s32 $_size_execute0_lowered;
	s3 =	sadd.s32 s3, s5;
	[dreg:$0x0] =	wrdreg $0x0  }
0xa8: {  	s5 =	sshll.u32 s28, $0x1;
	[dreg:$0x2] =	wrdreg s3  }
0xa9: {  	[dreg:$0x3] =	wrdreg s5  }
0xaa: {  	[dreg:$0x4] =	wrdreg $0xC0  }
0xab: {  	_ =	task [dreg:s7], $0x5FFFF  }
0xac: {  	[dreg:$0x1] =	wrdreg $0xFFFFFFFF  }
0xad: {  	[dreg:$0x0] =	wrdreg $0x60  }
0xae: {  	[dreg:$0x2] =	wrdreg s24  }
0xaf: {  	[dreg:$0x3] =	wrdreg s2  }
0xb0: {  	[dreg:$0x4] =	wrdreg $0x89F00  }
0xb1: {  	[dreg:$0x5] =	wrdreg $0x9  }
0xb2: {  	_ =	task.clear_ibuf [dreg:s7], $0x6FFFF;
	_ =	strace $0x90000049  }
0xb3: {  	s29 =	simm.s32 $0x9;
	_ =	strace $0x8000004B  }
0xb4: {  	_ =	swait.ge [sflag:s29], $0x1  }
0xb5: {  	[sflag:s29] =	ssyncadd.s32 $0xFFFFFFFF  }
0xb6: {  	_ =	strace $0x9000004B  }
0xb7: {  	_ =	sfence  }
0xb8: {  	s30 =	sld [smem:$0x0];
	_ =	sdelay $0x2  }
0xb9: {  	s31 =	sshll.u32 s1, $0xD;
	s1 =	sshrl.u32 s1, $0x2  }
0xba: {  	s3 =	sand.u32 $0x4000, s31;
	s1 =	sadd.s32 s1, s30  }
0xbb: {  	s0 =	sor.u32 s3, s0;
	s1 =	sshll.u32 s1, $0x11  }
0xbc: {  	s0 =	sor.u32 s1, s0  }
0xbd: {  	s0 =	sadd.s32 $0x8F2B, s0  }
0xbe: {  	[sflag:s0] =	ssyncadd.remote.s32 $0x1  }
0xbf: {  	_ =	sfence.sel $0xFFFF  }
0xc0: {  	[dreg:$0x0] =	wrdreg $0xFFFFFFFF;
	(pc) =	sbr.abs _section_cstart, $3  }
0xc1: {  	[dreg:$0x1] =	wrdreg $0xFFFFFFFF  }
0xc2: {  	_ =	task.clear_ibuf [dreg:s7], $0x2FFFF;
	_ =	strace $0x9FFFFFFF  }
0xc3: {  	(tm) =	ssettm $0x7FFFFFFF  }
tec
execute0_lowered:
.L_overlay_start_1:
0x0: {  	(tag) =	ssettag $0x1  }
0x1: {  	s0 =	rddreg [dreg:$0x0]  }
0x2: {  	s2 =	rddreg [dreg:$0x1]  }
0x3: {  	s3 =	rddreg [dreg:$0x2];
	s1 =	srdreg.scid  }
0x4: {  	s12 =	stileid.u32;
	s4 =	simm.s32 $0x0;
	s28 =	simm.s32 $0x65F0  }
0x5: {  	s29 =	simm.s32 $0x7;
	s31 =	simm.s32 $0x8;
	s30 =	simm.s32 $0x1  }
0x6: {  	s1 =	sand.u32 $0x1, s1;
	s8 =	smul.u32 $0x16800, s12;
	[smem:$0x7FF] =	sst s4  }
0x7: {  	s5 =	sadd.s32 $0xA200, s0;
	s6 =	sadd.s32 $0x36200, s0;
	s11 =	smul.u32 $0x5A000, s12  }
0x8: {  	s7 =	sadd.s32 $0x200, s0;
	s10 =	sadd.s32 $0xA000, s0;
	s9 =	smul.u32 $0x168000, s1  }
0x9: {  	_ =	strace $0x8000004A;
	s25 =	ssub.s32 $0x2, s1;
	s1 =	sshll.u32 s1, $0x4  }
0xa: {  	[dreg:$0x4] =	wrdreg s10;
	s1 =	sor.u32 s12, s1;
	s12 =	sshrl.u32 s11, $0x2  }
0xb: {  	s26 =	sshrl.u32 s25, $0x1;
	s22 =	sadd.s32 s8, s3;
	s13 =	sadd.s32 s12, s3  }
0xc: {  	s11 =	simm.s32 $0xF0;
	[dreg:$0x5] =	wrdreg s22;
	s10 =	sadd.s32 $0x2400, s13  }
0xd: {  	s9 =	sadd.s32 s8, s9;
	s14 =	sadd.s32 $0x4800, s13;
	[dreg:$0x6] =	wrdreg s10  }
0xe: {  	s1 =	smul.u32 $0x2710, s1;
	s15 =	sadd.s32 $0x6C00, s13;
	[dreg:$0x7] =	wrdreg s14  }
0xf: {  	s12 =	simm.s32 $0x2;
	s16 =	sadd.s32 $0x9000, s13;
	[dreg:$0x8] =	wrdreg s15  }
0x10: {  	s9 =	sshrl.u32 s9, $0x3;
	s17 =	sadd.s32 $0xB400, s13;
	[dreg:$0x9] =	wrdreg s16  }
0x11: {  	s18 =	sadd.s32 $0xD800, s13;
	s19 =	sadd.s32 $0xFC00, s13;
	[dreg:$0xa] =	wrdreg s17  }
0x12: {  	s20 =	sadd.s32 $0x12000, s13;
	s8 =	sadd.s32 $0x14400, s13;
	[dreg:$0xb] =	wrdreg s18  }
0x13: {  	s13 =	simm.s32 $0x33E0;
	s0 =	sadd.s32 s9, s0;
	[dreg:$0xc] =	wrdreg s19  }
0x14: {  	s9 =	ssub.s32 s25, s26;
	[dreg:$0xd] =	wrdreg s20;
	s21 =	sshrl.u32 s1, $0x3  }
0x15: {  	[dreg:$0xe] =	wrdreg s8;
	s14 =	simm.s32 $0x60E0;
	s15 =	simm.s32 $0x3  }
0x16: {  	s16 =	simm.s32 $0x140;
	s17 =	simm.s32 $0x4;
	s18 =	simm.s32 $0x190  }
0x17: {  	s19 =	simm.s32 $0x5;
	s23 =	sadd.s32 s7, s21;
	s24 =	sadd.s32 $0xA, s21  }
0x18: {  	s10 =	sadd.s32 s2, s21;
	s0 =	sadd.s32 $0x3B200, s0;
	[dreg:$0xf] =	wrdreg s23  }
0x19: {  	s26 =	smax.u32 s9, $0x1;
	s21 =	simm.s32 $0x0;
	[dreg:$0x10] =	wrdreg s10  }
0x1a: {  	s25 =	sadd.s32 s7, s24;
	s8 =	sadd.s32 s2, s24;
	[dreg:$0x13] =	wrdreg s0  }
0x1b: {  	v0 =	vimm.f32 $0.0e+00;
	v56 =	vimm.s32 $0x0;
	s23 =	sadd.s32 $0xA0, s1;
	s24 =	sadd.s32 $0xF0, s1;
	[dreg:$0x14] =	wrdreg s26  }
0x1c: {  	v45 =	vimm.s32 $0x1;
	v46 =	vimm.s32 $0x2;
	v49 =	vimm.s32 $0x3;
	s0 =	simm.s32 $0x50;
	s1 =	simm.s32 $0x1E0;
	[dreg:$0x11] =	wrdreg s25  }
0x1d: {  	v51 =	vimm.s32 $0x4;
	v34 =	vimm.s32 $0x6;
	v8 =	vimm.s32 $0x7;
	s10 =	simm.s32 $0xA0;
	[dreg:$0x12] =	wrdreg s8;
	s8 =	simm.s32 $0x2EE0  }
.LBB2_1:
0x1e: {  	s9 =	simm.s32 $0x0;
	s20 =	simm.s32 $0x240  }
.LBB2_2:
0x1f: {  	p0 =	sne.s32 s20, $0x8DC0;
	[tilespmem:s9+$0x6670] =	vst v0  }
0x20: {  	[tilespmem:s9+$0x65F0] =	vst v0  }
0x21: {  	[tilespmem:s9+$0x6600] =	vst v0  }
0x22: {  	[tilespmem:s9+$0x6610] =	vst v0  }
.Ltmp0:
0x23: {  	[tilespmem:s9+$0x6620] =	vst v0;
	(pc) =	sbr.rel @p0 .LBB2_2-.Ltmp0, $4  }
0x24: {  	[tilespmem:s9+$0x6630] =	vst v0  }
0x25: {  	[tilespmem:s9+$0x6640] =	vst v0  }
0x26: {  	[tilespmem:s9+$0x6650] =	vst v0  }
0x27: {  	[tilespmem:s9+$0x6660] =	vst v0;
	s9 =	sshra.s32 s20, $0x2;
	s20 =	sadd.s32 $0x240, s20  }
0x28: {  	[tilespmem:s9+$0x6670] =	vst v0  }
0x29: {  	[tilespmem:s9+$0x65F0] =	vst v0  }
0x2a: {  	[tilespmem:s9+$0x6600] =	vst v0  }
0x2b: {  	[tilespmem:s9+$0x6610] =	vst v0  }
0x2c: {  	[tilespmem:s9+$0x6620] =	vst v0  }
0x2d: {  	[tilespmem:s9+$0x6630] =	vst v0  }
0x2e: {  	[tilespmem:s9+$0x6640] =	vst v0  }
0x2f: {  	[tilespmem:s9+$0x6650] =	vst v0  }
0x30: {  	[tilespmem:s9+$0x6660] =	vst v0  }
0x31: {  	[spmem:s22] =	stream.linear.scatter [tilespmem:s28], [sflag:$0x7], $0x2400, $0x38;
	[tilespmem:$0x1F1F0] =	vst v63  }
0x32: {  	s22 =	rddreg [dreg:$0x6]  }
0x33: {  	[spmem:s22] =	stream.linear.scatter [tilespmem:s28], [sflag:$0x7], $0x2400, $0x38;
	[tilespmem:$0x1F1F0] =	vst v63  }
0x34: {  	s25 =	rddreg [dreg:$0x7]  }
0x35: {  	[spmem:s25] =	stream.linear.scatter [tilespmem:s28], [sflag:$0x7], $0x2400, $0x38;
	[tilespmem:$0x1F1F0] =	vst v63  }
0x36: {  	s26 =	rddreg [dreg:$0x8]  }
0x37: {  	[spmem:s26] =	stream.linear.scatter [tilespmem:s28], [sflag:$0x7], $0x2400, $0x38;
	[tilespmem:$0x1F1F0] =	vst v63  }
0x38: {  	s20 =	rddreg [dreg:$0x9]  }
0x39: {  	[spmem:s20] =	stream.linear.scatter [tilespmem:s28], [sflag:$0x7], $0x2400, $0x38;
	[tilespmem:$0x1F1F0] =	vst v63  }
0x3a: {  	s22 =	rddreg [dreg:$0xa]  }
0x3b: {  	[spmem:s22] =	stream.linear.scatter [tilespmem:s28], [sflag:$0x7], $0x2400, $0x38;
	[tilespmem:$0x1F1F0] =	vst v63  }
0x3c: {  	s25 =	rddreg [dreg:$0xb]  }
0x3d: {  	[spmem:s25] =	stream.linear.scatter [tilespmem:s28], [sflag:$0x7], $0x2400, $0x38;
	[tilespmem:$0x1F1F0] =	vst v63  }
0x3e: {  	s26 =	rddreg [dreg:$0xc]  }
0x3f: {  	[spmem:s26] =	stream.linear.scatter [tilespmem:s28], [sflag:$0x7], $0x2400, $0x38;
	[tilespmem:$0x1F1F0] =	vst v63  }
0x40: {  	s20 =	rddreg [dreg:$0xd]  }
0x41: {  	[spmem:s20] =	stream.linear.scatter [tilespmem:s28], [sflag:$0x7], $0x2400, $0x38;
	[tilespmem:$0x1F1F0] =	vst v63  }
0x42: {  	s22 =	rddreg [dreg:$0xe]  }
0x43: {  	[spmem:s22] =	stream.linear.scatter [tilespmem:s28], [sflag:$0x7], $0x2400, $0x38;
	[tilespmem:$0x1F1F0] =	vst v63  }
0x44: {  	_ =	swait.ge [sflag:s29], $0x2400  }
0x45: {  	[sflag:s29] =	ssyncset.done $0x0  }
0x46: {  	[sflag:s29] =	ssyncadd.s32 $0xFFFFDC00  }
0x47: {  	_ =	swait.ge [sflag:s29], $0x2400  }
0x48: {  	[sflag:s29] =	ssyncset.done $0x0  }
0x49: {  	[sflag:s29] =	ssyncadd.s32 $0xFFFFDC00  }
0x4a: {  	_ =	swait.ge [sflag:s29], $0x2400  }
0x4b: {  	[sflag:s29] =	ssyncset.done $0x0  }
0x4c: {  	[sflag:s29] =	ssyncadd.s32 $0xFFFFDC00  }
0x4d: {  	_ =	swait.ge [sflag:s29], $0x2400  }
0x4e: {  	[sflag:s29] =	ssyncset.done $0x0  }
0x4f: {  	[sflag:s29] =	ssyncadd.s32 $0xFFFFDC00  }
0x50: {  	_ =	swait.ge [sflag:s29], $0x2400  }
0x51: {  	[sflag:s29] =	ssyncset.done $0x0  }
0x52: {  	[sflag:s29] =	ssyncadd.s32 $0xFFFFDC00  }
0x53: {  	_ =	swait.ge [sflag:s29], $0x2400  }
0x54: {  	[sflag:s29] =	ssyncset.done $0x0  }
0x55: {  	[sflag:s29] =	ssyncadd.s32 $0xFFFFDC00  }
0x56: {  	_ =	swait.ge [sflag:s29], $0x2400  }
0x57: {  	[sflag:s29] =	ssyncset.done $0x0  }
0x58: {  	[sflag:s29] =	ssyncadd.s32 $0xFFFFDC00  }
0x59: {  	_ =	swait.ge [sflag:s29], $0x2400  }
0x5a: {  	[sflag:s29] =	ssyncset.done $0x0  }
0x5b: {  	[sflag:s29] =	ssyncadd.s32 $0xFFFFDC00  }
0x5c: {  	_ =	swait.ge [sflag:s29], $0x2400  }
0x5d: {  	[sflag:s29] =	ssyncset.done $0x0  }
0x5e: {  	[sflag:s29] =	ssyncadd.s32 $0xFFFFDC00  }
0x5f: {  	_ =	swait.ge [sflag:s29], $0x2400  }
0x60: {  	s20 =	simm.s32 $0x65E0;
	[sflag:s29] =	ssyncset.done $0x0  }
0x61: {  	s22 =	simm.s32 $0x0;
	s25 =	rddreg [dreg:$0x4];
	[sflag:s29] =	ssyncadd.s32 $0xFFFFDC00  }
0x62: {  	[tilespmem:s20], [sflag:$0x8] =	stream.linear.gather [hbm4b:s25+s22], $0x10, $0x38;
	[tilespmem:$0x1F1F0] =	vst v63  }
0x63: {  	_ =	swait.ge [sflag:s31], $0x10  }
0x64: {  	[sflag:s31] =	ssyncset.done $0x0  }
0x65: {  	[sflag:s31] =	ssyncadd.s32 $0xFFFFFFF0  }
0x66: {  	v10 =	vld [tilespmem:$0x65E0];
	[bflag:$0x0] =	sbarrier.arrive $0xFFFF  }
0x67: {  	s26 =	rddreg [dreg:$0xf]  }
0x68: {  	[tilespmem:s22], [sflag:$0x1] =	stream.linear.gather [hbm4b:s26+s22], $0x50, $0x38;
	[tilespmem:$0x1F1F0] =	vst v63  }
0x69: {  	s20 =	rddreg [dreg:$0x10]  }
0x6a: {  	[tilespmem:s0], [sflag:$0x1] =	stream.linear.gather [hbm4b:s20+s22], $0x50, $0x38;
	[tilespmem:$0x1F1F0] =	vst v63  }
0x6b: {  	_ =	swait.ge [sflag:s30], $0x50  }
0x6c: {  	[sflag:s30] =	ssyncset.done $0x0  }
0x6d: {  	[sflag:s30] =	ssyncadd.s32 $0xFFFFFFB0  }
0x6e: {  	_ =	swait.ge [sflag:s30], $0x50  }
0x6f: {  	[sflag:s30] =	ssyncset.done $0x0  }
0x70: {  	[sflag:s30] =	ssyncadd.s32 $0xFFFFFFB0  }
0x71: {  	[tilespmem:s1], [sflag:$0x3] =	stream.indirect.gather [hbm4b:s5+s0], $0x90, s22, s0, $0xb8;
	[tilespmem:$0x1F1F0] =	vst v63  }
0x72: {  	_ = 	snop  }
0x73: {  	[tilespmem:s8], [sflag:$0x3] =	stream.indirect.gather [hbm4b:s6+s0], $0x10, s0, s0, $0xb8;
	[tilespmem:$0x1F1F0] =	vst v63  }
0x74: {  	s25 =	rddreg [dreg:$0x11]  }
0x75: {  	[tilespmem:s10], [sflag:$0x2] =	stream.linear.gather [hbm4b:s25+s22], $0x50, $0x38;
	[tilespmem:$0x1F1F0] =	vst v63  }
0x76: {  	s26 =	rddreg [dreg:$0x12];
	[tilespmem:$0x1FFF0] =	vst v10  }
0x77: {  	[tilespmem:s11], [sflag:$0x2] =	stream.linear.gather [hbm4b:s26+s22], $0x50, $0x38;
	[tilespmem:$0x1F1F0] =	vst v63  }
.LBB2_4:
0x78: {  	p0 =	seq.s32 s22, $0x0  }
0x79: {  	s9 =	simm.s32 @!p0 $0x6  }
0x7a: {  	_ =	swait.ge @!p0 [sflag:s9], $0x2D00  }
0x7b: {  	[sflag:s9] =	ssyncset.done @!p0 $0x0  }
0x7c: {  	[sflag:s9] =	ssyncadd.s32 @!p0 $0xFFFFD300  }
0x7d: {  	_ =	swait.ge [sflag:s12], $0x50  }
0x7e: {  	[sflag:s12] =	ssyncset.done $0x0  }
0x7f: {  	[sflag:s12] =	ssyncadd.s32 $0xFFFFFFB0  }
0x80: {  	_ =	swait.ge [sflag:s12], $0x50  }
0x81: {  	[sflag:s12] =	ssyncset.done $0x0  }
0x82: {  	[sflag:s12] =	ssyncadd.s32 $0xFFFFFFB0  }
0x83: {  	[tilespmem:s13], [sflag:$0x4] =	stream.indirect.gather [hbm4b:s5+s0], $0x90, s10, s0, $0xb8;
	[tilespmem:$0x1F1F0] =	vst v63  }
0x84: {  	_ = 	snop  }
0x85: {  	[tilespmem:s14], [sflag:$0x4] =	stream.indirect.gather [hbm4b:s6+s0], $0x10, s11, s0, $0xb8;
	[tilespmem:$0x1F1F0] =	vst v63  }
0x86: {  	_ =	swait.ge [sflag:s15], $0x2D00  }
0x87: {  	[sflag:s15] =	ssyncset.done $0x0  }
0x88: {  	[sflag:s15] =	ssyncadd.s32 $0xFFFFD300  }
0x89: {  	_ =	swait.ge [sflag:s15], $0x500  }
0x8a: {  	[sflag:s15] =	ssyncset.done $0x0  }
0x8b: {  	s25 =	simm.s32 $0x300;
	[sflag:s15] =	ssyncadd.s32 $0xFFFFFB00  }
0x8c: {  	s26 =	simm.s32 $0x2F00;
	v0 =	vld [tilespmem:s25+$0x110]  }
0x8d: {  	v1 =	vld [tilespmem:s26+$0x10];
	_ =	sdelay $0x2  }
0x8e: {  	v2 =	vld [tilespmem:s26+$0xFFFFFFE0]  }
0x8f: {  	v3 =	vld [tilespmem:s25+$0xFFFFFFF0]  }
0x90: {  	v4 =	vld [tilespmem:s26+$0xFFFFFFF0];
	v0 =	vadd.f32 v1, v0  }
0x91: {  	v5 =	vld [tilespmem:s25+$0x80]  }
0x92: {  	v6 =	vld [tilespmem:s26+$0x0];
	v7 =	vmul.f32 $2.000000030e-01, v0  }
0x93: {  	v1 =	vld [tilespmem:s25+$0xFFFFFF60];
	vm0 =	vge.f32 v0, $0.0e+00  }
0x94: {  	v0 =	vsel vm0, v0, v7  }
0x95: {  	v16 =	vld [tilespmem:s25+$0xFFFFFEE0];
	v3 =	vadd.f32 v4, v3;
	v0 =	vsub.f32 v0, v10  }
0x96: {  	v17 =	vld [tilespmem:s25+$0xFFFFFEF0]  }
0x97: {  	v18 =	vld [tilespmem:s25+$0xFFFFFF00];
	v4 =	vadd.f32 v6, v5;
	v5 =	vmul.f32 $2.000000030e-01, v3;
	v0 =	vmul.f32 $1.442695020e+00, v0  }
0x98: {  	v19 =	vld [tilespmem:s25+$0xFFFFFF10];
	vm15 =	vge.f32 v3, $0.0e+00;
	v1 =	vadd.f32 v2, v1  }
0x99: {  	v20 =	vld [tilespmem:s25+$0xFFFFFF20];
	v3 =	vsel vm15, v3, v5;
	v2 =	vmul.f32 $2.000000030e-01, v4;
	(erf) = vpow2.f32 v0  }
0x9a: {  	v21 =	vld [tilespmem:s25+$0xFFFFFF30];
	vm1 =	vge.f32 v4, $0.0e+00;
	v3 =	vsub.f32 v3, v10;
	v6 =	vmul.f32 $2.000000030e-01, v1  }
0x9b: {  	v22 =	vld [tilespmem:s25+$0xFFFFFF40];
	vm2 =	vge.f32 v1, $0.0e+00;
	v2 =	vsel vm1, v4, v2  }
0x9c: {  	v23 =	vld [tilespmem:s25+$0xFFFFFF50];
	v0 =	vsel vm2, v1, v6;
	v1 =	vsub.f32 v2, v10;
	v2 =	vmul.f32 $1.442695020e+00, v3  }
0x9d: {  	v24 =	vld [tilespmem:s25+$0xFFFFFF70]  }
0x9e: {  	v25 =	vld [tilespmem:s25+$0xFFFFFF80];
	(erf) = vpow2.f32 v2  }
0x9f: {  	v26 =	vld [tilespmem:s25+$0xFFFFFF90]  }
0xa0: {  	v27 =	vld [tilespmem:s25+$0xFFFFFFA0];
	v0 =	vsub.f32 v0, v10;
	v1 =	vmul.f32 $1.442695020e+00, v1  }
0xa1: {  	v30 =	vld [tilespmem:s25+$0xFFFFFFB0]  }
0xa2: {  	v32 =	vld [tilespmem:s25+$0xFFFFFFC0];
	v0 =	vmul.f32 $1.442695020e+00, v0;
	(erf) = vpow2.f32 v1;
	v47 =	vpop (erf)  }
0xa3: {  	v36 =	vld [tilespmem:s25+$0xFFFFFFD0];
	v1 =	vperm.xlane v47, v56  }
0xa4: {  	v37 =	vld [tilespmem:s25+$0xFFFFFFE0];
	(erf) = vpow2.f32 v0  }
0xa5: {  	v0 =	vld [tilespmem:s25+$0x100];
	v14 =	vperm.xlane v47, v45;
	[tilespmem:$0x1FFE0] =	vst v1  }
0xa6: {  	v12 =	vperm.xlane v47, v46;
	v13 =	vperm.xlane v47, v49;
	v39 =	vld [tilespmem:s25+$0x0]  }
0xa7: {  	v50 =	vimm.s32 $0x5;
	v15 =	vperm.xlane v47, v51;
	v1 =	vperm.xlane v47, v8;
	v8 =	vpop (erf);
	v41 =	vld [tilespmem:s25+$0x10]  }
0xa8: {  	v11 =	vperm.xlane v47, v50;
	v43 =	vld [tilespmem:s25+$0x20];
	v54 =	vperm.xlane v8, v56  }
0xa9: {  	v38 =	vimm.s32 $0x7;
	v42 =	vld [tilespmem:s25+$0x30];
	v52 =	vperm.xlane v8, v45;
	v55 =	vperm.xlane v8, v46  }
0xaa: {  	v9 =	vimm.s32 $0x6;
	v28 =	vld [tilespmem:s25+$0x40];
	v53 =	vperm.xlane v8, v49;
	v62 =	vperm.xlane v8, v50  }
0xab: {  	v10 =	vimm.s32 $0x0;
	v48 =	vpop (erf);
	v31 =	vld [tilespmem:s25+$0x50];
	v63 =	vperm.xlane v8, v9;
	v61 =	vperm.xlane v8, v38  }
0xac: {  	v33 =	vld [tilespmem:s25+$0x60];
	v0 =	vmul.f32 v0, v1;
	v59 =	vperm.xlane v48, v10  }
0xad: {  	v29 =	vld [tilespmem:s25+$0x90];
	v44 =	vpop (erf);
	v58 =	vperm.xlane v48, v45;
	v60 =	vperm.xlane v48, v46  }
0xae: {  	v35 =	vld [tilespmem:s25+$0xB0];
	v57 =	vperm.xlane v48, v49;
	v56 =	vperm.xlane v44, v10  }
0xaf: {  	v40 =	vld [tilespmem:s25+$0x70];
	v3 =	vperm.xlane v44, v45;
	v7 =	vperm.xlane v44, v46  }
0xb0: {  	[tilespmem:s25+$0x110] =	vst v47;
	v4 =	vperm.xlane v44, v49;
	v6 =	vperm.xlane v44, v34;
	v34 =	vld [tilespmem:s25+$0xA0]  }
0xb1: {  	[tilespmem:s25+$0xFFFFFFF0] =	vst v8;
	v5 =	vperm.xlane v44, v51;
	v2 =	vperm.xlane v44, v38;
	v38 =	vld [tilespmem:s25+$0xC0]  }
0xb2: {  	v1 =	vperm.xlane v44, v50;
	[tilespmem:s25+$0xFFFFFF60] =	vst v44;
	v44 =	vld [tilespmem:s25+$0xD0];
	v49 =	vperm.xlane v48, v50  }
0xb3: {  	v45 =	vld [tilespmem:s25+$0xE0];
	v50 =	vperm.xlane v48, v9;
	[tilespmem:s25+$0x100] =	vst v0;
	v0 =	vperm.xlane v8, v51;
	v8 =	vimm.s32 $0x7  }
0xb4: {  	s20 =	simm.s32 $0x0;
	s9 =	simm.s32 $0x540;
	[tilespmem:s25+$0x80] =	vst v48;
	v46 =	vld [tilespmem:s25+$0xF0];
	v51 =	vperm.xlane v48, v51;
	v48 =	vperm.xlane v48, v8  }
.LBB2_5:
0xb5: {  	v8 =	vld [tilespmem:s9+$0x110];
	v9 =	vimm.s32 $0x6;
	s26 =	sadd.s32 $0x40, s26;
	v16 =	vmul.f32 v16, v56  }
0xb6: {  	v56 =	vperm.xlane v47, v9;
	v47 =	vld [tilespmem:s26+$0x10];
	v3 =	vmul.f32 v17, v3  }
0xb7: {  	v7 =	vmul.f32 v18, v7;
	v9 =	vld [tilespmem:s26+$0xFFFFFFE0];
	[tilespmem:s25+$0xFFFFFEE0] =	vst v16  }
0xb8: {  	v4 =	vmul.f32 v19, v4;
	v18 =	vld [tilespmem:s9+$0xFFFFFFF0];
	[tilespmem:s25+$0xFFFFFEF0] =	vst v3  }
0xb9: {  	v5 =	vmul.f32 v20, v5;
	v20 =	vld [tilespmem:s9+$0x80];
	[tilespmem:s25+$0xFFFFFF00] =	vst v7  }
0xba: {  	v1 =	vmul.f32 v21, v1;
	v2 =	vmul.f32 v23, v2;
	v23 =	vld [tilespmem:s9+$0xFFFFFF60];
	[tilespmem:s25+$0xFFFFFF10] =	vst v4  }
0xbb: {  	v21 =	vmul.f32 v26, v55;
	v3 =	vmul.f32 v22, v6;
	v6 =	vld [tilespmem:s26+$0xFFFFFFF0];
	[tilespmem:s25+$0xFFFFFF20] =	vst v5  }
0xbc: {  	v0 =	vmul.f32 v30, v0;
	v7 =	vmul.f32 v24, v54;
	v22 =	vld [tilespmem:s26+$0x0];
	[tilespmem:s25+$0xFFFFFF30] =	vst v1  }
0xbd: {  	v4 =	vmul.f32 v25, v52;
	v5 =	vmul.f32 v27, v53;
	[tilespmem:s25+$0xFFFFFF50] =	vst v2  }
0xbe: {  	v30 =	vld [tilespmem:$0x1FFF0];
	v1 =	vmul.f32 v32, v62;
	v25 =	vmul.f32 v36, v63;
	[tilespmem:s25+$0xFFFFFF90] =	vst v21;
	v8 =	vadd.f32 v47, v8  }
0xbf: {  	v2 =	vmul.f32 v39, v59;
	v63 =	vmul.f32 v43, v60;
	[tilespmem:s25+$0xFFFFFFB0] =	vst v0  }
0xc0: {  	v16 =	vld [tilespmem:s9+$0xFFFFFEE0];
	[tilespmem:s25+$0xFFFFFF80] =	vst v4;
	v4 =	vadd.f32 v9, v23;
	v19 =	vmul.f32 $2.000000030e-01, v8;
	v6 =	vadd.f32 v6, v18  }
0xc1: {  	v17 =	vld [tilespmem:s9+$0xFFFFFEF0];
	[tilespmem:s25+$0xFFFFFF40] =	vst v3;
	v3 =	vmul.f32 v37, v61;
	vm0 =	vge.f32 v8, $0.0e+00;
	v26 =	vadd.f32 v22, v20  }
0xc2: {  	[tilespmem:s25+$0xFFFFFF70] =	vst v7;
	v21 =	vld [tilespmem:s9+$0xFFFFFF30];
	vm2 =	vge.f32 v4, $0.0e+00;
	v8 =	vsel vm0, v8, v19;
	v24 =	vmul.f32 $2.000000030e-01, v6  }
0xc3: {  	[tilespmem:s25+$0xFFFFFFA0] =	vst v5;
	v23 =	vld [tilespmem:s9+$0xFFFFFF50];
	vm15 =	vge.f32 v6, $0.0e+00;
	v27 =	vmul.f32 $2.000000030e-01, v26;
	v8 =	vsub.f32 v8, v30  }
0xc4: {  	[tilespmem:s25+$0xFFFFFFD0] =	vst v25;
	v25 =	vld [tilespmem:s9+$0xFFFFFF80];
	v5 =	vmul.f32 $2.000000030e-01, v4;
	vm1 =	vge.f32 v26, $0.0e+00;
	v6 =	vsel vm15, v6, v24  }
0xc5: {  	v18 =	vld [tilespmem:s9+$0xFFFFFF00];
	v8 =	vmul.f32 $1.442695020e+00, v8;
	v0 =	vsub.f32 v6, v30;
	v6 =	vsel vm1, v26, v27  }
0xc6: {  	v7 =	vmul.f32 v41, v58;
	[tilespmem:s25+$0xFFFFFFC0] =	vst v1;
	v20 =	vld [tilespmem:s9+$0xFFFFFF20];
	v1 =	vsel vm2, v4, v5;
	v4 =	vsub.f32 v6, v30  }
0xc7: {  	[tilespmem:s25+$0xFFFFFFE0] =	vst v3;
	v22 =	vld [tilespmem:s9+$0xFFFFFF40];
	v1 =	vsub.f32 v1, v30;
	(erf) = vpow2.f32 v8;
	v0 =	vmul.f32 $1.442695020e+00, v0  }
0xc8: {  	[tilespmem:s25+$0x0] =	vst v2;
	v9 =	vmul.f32 v42, v57;
	v32 =	vld [tilespmem:s9+$0xFFFFFFC0];
	v4 =	vmul.f32 $1.442695020e+00, v4  }
0xc9: {  	[tilespmem:s25+$0x20] =	vst v63;
	v36 =	vld [tilespmem:s9+$0xFFFFFFD0];
	v1 =	vmul.f32 $1.442695020e+00, v1;
	(erf) = vpow2.f32 v0  }
0xca: {  	v2 =	vmul.f32 v33, v50;
	[tilespmem:s25+$0x10] =	vst v7;
	v37 =	vld [tilespmem:s9+$0xFFFFFFE0];
	(erf) = vpow2.f32 v4  }
0xcb: {  	v3 =	vmul.f32 v31, v49;
	[tilespmem:s25+$0x30] =	vst v9;
	(erf) = vpow2.f32 v1;
	v1 =	vld [tilespmem:$0x1FFE0]  }
0xcc: {  	[tilespmem:s25+$0x60] =	vst v2;
	v39 =	vld [tilespmem:s9+$0x0];
	v5 =	vmul.f32 v28, v51  }
0xcd: {  	v10 =	vimm.s32 $0x7;
	v7 =	vmul.f32 v44, v15;
	v2 =	vmul.f32 v45, v11;
	[tilespmem:s25+$0x50] =	vst v3;
	v19 =	vld [tilespmem:s9+$0xFFFFFF10]  }
0xce: {  	v50 =	vimm.s32 $0x4;
	v3 =	vmul.f32 v38, v13;
	v24 =	vld [tilespmem:s9+$0xFFFFFF70];
	[tilespmem:s25+$0x40] =	vst v5;
	v5 =	vmul.f32 v34, v14  }
0xcf: {  	v44 =	vimm.s32 $0x1;
	v6 =	vmul.f32 v35, v12;
	v8 =	vmul.f32 v46, v56;
	v4 =	vld [tilespmem:s9+$0x100]  }
0xd0: {  	v51 =	vimm.s32 $0x0;
	v26 =	vld [tilespmem:s9+$0xFFFFFF90];
	v0 =	vmul.f32 v40, v48;
	v1 =	vmul.f32 v29, v1;
	v47 =	vpop (erf)  }
0xd1: {  	v49 =	vimm.s32 $0x2;
	v27 =	vld [tilespmem:s9+$0xFFFFFFA0];
	v29 =	vperm.xlane v47, v51;
	v28 =	vperm.xlane v47, v10  }
0xd2: {  	v45 =	vimm.s32 $0x3;
	v41 =	vld [tilespmem:s9+$0x10];
	v14 =	vperm.xlane v47, v44;
	v12 =	vperm.xlane v47, v49  }
0xd3: {  	[tilespmem:s25+$0xC0] =	vst v3;
	v43 =	vld [tilespmem:s9+$0x20];
	v46 =	vimm.s32 $0x5;
	v13 =	vperm.xlane v47, v45;
	v15 =	vperm.xlane v47, v50  }
0xd4: {  	v42 =	vld [tilespmem:s9+$0x30];
	v11 =	vperm.xlane v47, v46;
	[tilespmem:s25+$0x90] =	vst v1;
	v9 =	vpop (erf);
	v1 =	vmul.f32 v4, v28  }
0xd5: {  	v30 =	vld [tilespmem:s9+$0xFFFFFFB0];
	[tilespmem:s25+$0x70] =	vst v0;
	v54 =	vperm.xlane v9, v51;
	v52 =	vperm.xlane v9, v44  }
0xd6: {  	[tilespmem:s25+$0xA0] =	vst v5;
	v31 =	vld [tilespmem:s9+$0x50];
	v55 =	vperm.xlane v9, v49;
	v53 =	vperm.xlane v9, v45  }
0xd7: {  	[tilespmem:s25+$0xB0] =	vst v6;
	v33 =	vld [tilespmem:s9+$0x60];
	v48 =	vpop (erf);
	v62 =	vperm.xlane v9, v46;
	v61 =	vperm.xlane v9, v10  }
0xd8: {  	v40 =	vld [tilespmem:s9+$0x70];
	[tilespmem:$0x1FFE0] =	vst v29;
	v59 =	vperm.xlane v48, v51;
	v58 =	vperm.xlane v48, v44  }
0xd9: {  	v28 =	vld [tilespmem:s9+$0x40];
	v0 =	vpop (erf);
	v60 =	vperm.xlane v48, v49;
	v57 =	vperm.xlane v48, v45;
	[tilespmem:s9+$0x100] =	vst v1  }
0xda: {  	s20 =	sadd.s32 $0x4, s20;
	v29 =	vld [tilespmem:s9+$0x90];
	v56 =	vperm.xlane v0, v51;
	v3 =	vperm.xlane v0, v44;
	[tilespmem:s25+$0xD0] =	vst v7  }
0xdb: {  	p0 =	slt.u32 s20, $0x4C;
	v4 =	vperm.xlane v0, v45;
	v5 =	vperm.xlane v0, v50;
	[tilespmem:s25+$0xE0] =	vst v2;
	v34 =	vld [tilespmem:s9+$0xA0]  }
.Ltmp1:
0xdc: {  	v1 =	vperm.xlane v0, v46;
	v51 =	vperm.xlane v48, v50;
	[tilespmem:s25+$0xF0] =	vst v8;
	v35 =	vld [tilespmem:s9+$0xB0];
	(pc) =	sbr.rel @p0 .LBB2_5-.Ltmp1, $4  }
0xdd: {  	[tilespmem:s9+$0xFFFFFFF0] =	vst v9;
	v7 =	vperm.xlane v0, v49;
	v8 =	vimm.s32 $0x6;
	v2 =	vperm.xlane v0, v10;
	v38 =	vld [tilespmem:s9+$0xC0]  }
0xde: {  	[tilespmem:s9+$0x80] =	vst v48;
	v49 =	vperm.xlane v48, v46;
	v6 =	vperm.xlane v0, v8;
	v44 =	vld [tilespmem:s9+$0xD0]  }
0xdf: {  	[tilespmem:s9+$0xFFFFFF60] =	vst v0;
	v0 =	vperm.xlane v9, v50;
	v63 =	vperm.xlane v9, v8;
	v8 =	vimm.s32 $0x6;
	v45 =	vld [tilespmem:s9+$0xE0]  }
0xe0: {  	s25 =	smov.u32 s9;
	[tilespmem:s9+$0x110] =	vst v47;
	v46 =	vld [tilespmem:s9+$0xF0];
	s9 =	sadd.s32 $0x240, s9;
	v50 =	vperm.xlane v48, v8;
	v48 =	vperm.xlane v48, v10  }
0xe1: {  	v8 =	vmul.f32 v16, v56  }
0xe2: {  	v3 =	vmul.f32 v17, v3  }
0xe3: {  	v7 =	vmul.f32 v18, v7;
	[tilespmem:s25+$0xFFFFFEE0] =	vst v8  }
0xe4: {  	v4 =	vmul.f32 v19, v4;
	[tilespmem:s25+$0xFFFFFEF0] =	vst v3  }
0xe5: {  	v1 =	vmul.f32 v21, v1;
	[tilespmem:s25+$0xFFFFFF00] =	vst v7  }
0xe6: {  	v2 =	vmul.f32 v23, v2;
	[tilespmem:s25+$0xFFFFFF10] =	vst v4  }
0xe7: {  	v0 =	vmul.f32 v30, v0;
	[tilespmem:s25+$0xFFFFFF30] =	vst v1  }
0xe8: {  	v3 =	vmul.f32 v20, v5;
	[tilespmem:s25+$0xFFFFFF50] =	vst v2  }
0xe9: {  	v4 =	vmul.f32 v22, v6;
	[tilespmem:s25+$0xFFFFFFB0] =	vst v0  }
0xea: {  	v1 =	vmul.f32 v24, v54;
	[tilespmem:s25+$0xFFFFFF20] =	vst v3  }
0xeb: {  	v2 =	vmul.f32 v26, v55;
	[tilespmem:s25+$0xFFFFFF40] =	vst v4  }
0xec: {  	v0 =	vmul.f32 v37, v61;
	[tilespmem:s25+$0xFFFFFF70] =	vst v1  }
0xed: {  	v3 =	vmul.f32 v25, v52;
	[tilespmem:s25+$0xFFFFFF90] =	vst v2  }
0xee: {  	v1 =	vmul.f32 v27, v53;
	[tilespmem:s25+$0xFFFFFFE0] =	vst v0  }
0xef: {  	v2 =	vmul.f32 v32, v62;
	[tilespmem:s25+$0xFFFFFF80] =	vst v3  }
0xf0: {  	v0 =	vmul.f32 v43, v60;
	[tilespmem:s25+$0xFFFFFFA0] =	vst v1  }
0xf1: {  	v1 =	vmul.f32 v36, v63;
	[tilespmem:s25+$0xFFFFFFC0] =	vst v2  }
0xf2: {  	v2 =	vmul.f32 v39, v59;
	[tilespmem:s25+$0x20] =	vst v0  }
0xf3: {  	v0 =	vmul.f32 v31, v49;
	[tilespmem:s25+$0xFFFFFFD0] =	vst v1  }
0xf4: {  	v1 =	vmul.f32 v41, v58;
	[tilespmem:s25+$0x0] =	vst v2  }
0xf5: {  	v2 =	vmul.f32 v42, v57;
	[tilespmem:s25+$0x50] =	vst v0  }
0xf6: {  	[tilespmem:s25+$0x10] =	vst v1;
	v1 =	vmul.f32 v28, v51  }
0xf7: {  	[tilespmem:s25+$0x30] =	vst v2  }
0xf8: {  	[tilespmem:s25+$0x40] =	vst v1  }
0xf9: {  	v0 =	vld [tilespmem:$0x1FFE0]  }
0xfa: {  	v2 =	vmul.f32 v33, v50  }
0xfb: {  	v3 =	vmul.f32 v44, v15  }
0xfc: {  	v1 =	vmul.f32 v40, v48;
	[tilespmem:s25+$0x60] =	vst v2  }
0xfd: {  	v2 =	vmul.f32 v34, v14;
	[tilespmem:s25+$0xD0] =	vst v3  }
0xfe: {  	[tilespmem:s25+$0x70] =	vst v1;
	v0 =	vmul.f32 v29, v0  }
0xff: {  	v1 =	vmul.f32 v35, v12;
	[tilespmem:s25+$0xA0] =	vst v2;
	v2 =	vimm.s32 $0x6  }
0x100: {  	v2 =	vperm.xlane v47, v2;
	[tilespmem:s25+$0x90] =	vst v0;
	v0 =	vmul.f32 v38, v13  }
0x101: {  	[tilespmem:s25+$0xB0] =	vst v1;
	v1 =	vmul.f32 v45, v11  }
0x102: {  	[tilespmem:s25+$0xC0] =	vst v0;
	v0 =	vmul.f32 v46, v2  }
0x103: {  	[tilespmem:s25+$0xE0] =	vst v1  }
0x104: {  	[tilespmem:s25+$0xF0] =	vst v0  }
0x105: {  	v0 =	vld [tilespmem:$0x50]  }
0x106: {  	v1 =	vld [tilespmem:$0x60]  }
0x107: {  	v2 =	vld [tilespmem:$0x70]  }
0x108: {  	v3 =	vld [tilespmem:$0x80]  }
0x109: {  	v4 =	vld [tilespmem:$0x90]  }
0x10a: {  	[tilespmem:$0x140] =	vst v0  }
0x10b: {  	s9 =	smul.u32 $0xA0, s22;
	[tilespmem:$0x150] =	vst v1  }
0x10c: {  	[tilespmem:$0x160] =	vst v2  }
0x10d: {  	s9 =	sadd.s32 s9, s23;
	[tilespmem:$0x170] =	vst v3  }
0x10e: {  	s9 =	sshrl.u32 s9, $0x3;
	[tilespmem:$0x180] =	vst v4  }
0x10f: {  	[spmem:s3] =	stream.indirect.scatter.add.f32 [tilespmem:s1], [sflag:$0x5], $0x90, s16, s0, $0xb8;
	[tilespmem:$0x1F1F0] =	vst v63  }
0x110: {  	s20 =	sadd.s32 s7, s9  }
0x111: {  	[tilespmem:s4], [sflag:$0x1] =	stream.linear.gather [hbm4b:s20+s4], $0x50, $0x38;
	[tilespmem:$0x1F1F0] =	vst v63  }
0x112: {  	s9 =	sadd.s32 s2, s9  }
0x113: {  	[tilespmem:s0], [sflag:$0x1] =	stream.linear.gather [hbm4b:s9+s4], $0x50, $0x38;
	[tilespmem:$0x1F1F0] =	vst v63  }
0x114: {  	_ =	swait.ge [sflag:s17], $0x2D00  }
0x115: {  	[sflag:s17] =	ssyncset.done $0x0  }
0x116: {  	[sflag:s17] =	ssyncadd.s32 $0xFFFFD300  }
0x117: {  	_ =	swait.ge [sflag:s17], $0x500  }
0x118: {  	[sflag:s17] =	ssyncset.done $0x0  }
0x119: {  	s25 =	simm.s32 $0x3500;
	[sflag:s17] =	ssyncadd.s32 $0xFFFFFB00  }
0x11a: {  	s26 =	simm.s32 $0x6100;
	v0 =	vld [tilespmem:s25+$0x110]  }
0x11b: {  	v1 =	vld [tilespmem:s26+$0x10];
	_ =	sdelay $0x4  }
0x11c: {  	v2 =	vld [tilespmem:s26+$0xFFFFFFE0];
	v0 =	vadd.f32 v1, v0  }
0x11d: {  	v3 =	vld [tilespmem:s25+$0xFFFFFFF0]  }
0x11e: {  	v4 =	vld [tilespmem:s26+$0xFFFFFFF0];
	v7 =	vmul.f32 $2.000000030e-01, v0  }
0x11f: {  	v5 =	vld [tilespmem:s25+$0x80];
	vm0 =	vge.f32 v0, $0.0e+00  }
0x120: {  	v0 =	vsel vm0, v0, v7;
	v7 =	vld [tilespmem:$0x1FFF0]  }
0x121: {  	v6 =	vld [tilespmem:s26+$0x0]  }
0x122: {  	v1 =	vld [tilespmem:s25+$0xFFFFFF60]  }
0x123: {  	v16 =	vld [tilespmem:s25+$0xFFFFFEE0]  }
0x124: {  	v17 =	vld [tilespmem:s25+$0xFFFFFEF0];
	v3 =	vadd.f32 v4, v3  }
0x125: {  	v18 =	vld [tilespmem:s25+$0xFFFFFF00];
	v0 =	vsub.f32 v0, v7  }
0x126: {  	v19 =	vld [tilespmem:s25+$0xFFFFFF10];
	v4 =	vadd.f32 v6, v5;
	v5 =	vmul.f32 $2.000000030e-01, v3  }
0x127: {  	v20 =	vld [tilespmem:s25+$0xFFFFFF20];
	vm15 =	vge.f32 v3, $0.0e+00;
	v1 =	vadd.f32 v2, v1;
	v0 =	vmul.f32 $1.442695020e+00, v0  }
0x128: {  	v21 =	vld [tilespmem:s25+$0xFFFFFF30];
	vm1 =	vge.f32 v4, $0.0e+00;
	v3 =	vsel vm15, v3, v5;
	v2 =	vmul.f32 $2.000000030e-01, v4  }
0x129: {  	v22 =	vld [tilespmem:s25+$0xFFFFFF40];
	v6 =	vmul.f32 $2.000000030e-01, v1;
	v3 =	vsub.f32 v3, v7;
	(erf) = vpow2.f32 v0  }
0x12a: {  	v23 =	vld [tilespmem:s25+$0xFFFFFF50];
	vm2 =	vge.f32 v1, $0.0e+00;
	v2 =	vsel vm1, v4, v2  }
0x12b: {  	v24 =	vld [tilespmem:s25+$0xFFFFFF70];
	v0 =	vsel vm2, v1, v6;
	v1 =	vsub.f32 v2, v7;
	v2 =	vmul.f32 $1.442695020e+00, v3  }
0x12c: {  	v25 =	vld [tilespmem:s25+$0xFFFFFF80]  }
0x12d: {  	v26 =	vld [tilespmem:s25+$0xFFFFFF90];
	v0 =	vsub.f32 v0, v7;
	(erf) = vpow2.f32 v2  }
0x12e: {  	v27 =	vld [tilespmem:s25+$0xFFFFFFA0];
	v1 =	vmul.f32 $1.442695020e+00, v1  }
0x12f: {  	v30 =	vld [tilespmem:s25+$0xFFFFFFB0];
	v0 =	vmul.f32 $1.442695020e+00, v0  }
0x130: {  	v32 =	vld [tilespmem:s25+$0xFFFFFFC0];
	(erf) = vpow2.f32 v1  }
0x131: {  	v56 =	vimm.s32 $0x7;
	(erf) = vpow2.f32 v0;
	v0 =	vld [tilespmem:s25+$0x100]  }
0x132: {  	v49 =	vimm.s32 $0x3;
	v57 =	vimm.s32 $0x0;
	v51 =	vimm.s32 $0x2;
	v36 =	vld [tilespmem:s25+$0xFFFFFFD0];
	v47 =	vpop (erf)  }
0x133: {  	v45 =	vimm.s32 $0x1;
	v37 =	vld [tilespmem:s25+$0xFFFFFFE0];
	v10 =	vperm.xlane v47, v57;
	v1 =	vperm.xlane v47, v56  }
0x134: {  	v50 =	vimm.s32 $0x4;
	v39 =	vld [tilespmem:s25+$0x0];
	v14 =	vperm.xlane v47, v45;
	v12 =	vperm.xlane v47, v51  }
0x135: {  	v46 =	vimm.s32 $0x5;
	v41 =	vld [tilespmem:s25+$0x10];
	v13 =	vperm.xlane v47, v49;
	v15 =	vperm.xlane v47, v50  }
0x136: {  	v43 =	vld [tilespmem:s25+$0x20];
	v11 =	vperm.xlane v47, v46;
	v9 =	vpop (erf);
	v0 =	vmul.f32 v0, v1  }
0x137: {  	v42 =	vld [tilespmem:s25+$0x30];
	v54 =	vperm.xlane v9, v57;
	v52 =	vperm.xlane v9, v45  }
0x138: {  	v59 =	vimm.s32 $0x6;
	v28 =	vld [tilespmem:s25+$0x40];
	v55 =	vperm.xlane v9, v51;
	v53 =	vperm.xlane v9, v49  }
0x139: {  	v31 =	vld [tilespmem:s25+$0x50];
	v62 =	vperm.xlane v9, v46;
	v63 =	vperm.xlane v9, v59  }
0x13a: {  	v33 =	vld [tilespmem:s25+$0x60];
	v61 =	vperm.xlane v9, v56;
	v48 =	vpop (erf);
	[tilespmem:s25+$0x100] =	vst v0;
	v0 =	vperm.xlane v9, v50  }
0x13b: {  	v29 =	vld [tilespmem:s25+$0x90];
	v44 =	vpop (erf);
	v58 =	vperm.xlane v48, v45;
	v60 =	vperm.xlane v48, v51  }
0x13c: {  	v34 =	vld [tilespmem:s25+$0xA0];
	v7 =	vperm.xlane v44, v57;
	v3 =	vperm.xlane v44, v45  }
0x13d: {  	v35 =	vld [tilespmem:s25+$0xB0];
	v8 =	vperm.xlane v44, v51;
	v4 =	vperm.xlane v44, v49  }
0x13e: {  	v38 =	vld [tilespmem:s25+$0xC0];
	v5 =	vperm.xlane v44, v50;
	v1 =	vperm.xlane v44, v46  }
0x13f: {  	v40 =	vld [tilespmem:s25+$0x70];
	[tilespmem:s25+$0x110] =	vst v47;
	v6 =	vperm.xlane v44, v59;
	v2 =	vperm.xlane v44, v56  }
0x140: {  	v59 =	vperm.xlane v48, v57;
	[tilespmem:s25+$0xFFFFFF60] =	vst v44;
	v44 =	vld [tilespmem:s25+$0xD0];
	v57 =	vperm.xlane v48, v49  }
0x141: {  	[tilespmem:s25+$0xFFFFFFF0] =	vst v9;
	v9 =	vimm.s32 $0x6;
	v45 =	vld [tilespmem:s25+$0xE0];
	v51 =	vperm.xlane v48, v50;
	v49 =	vperm.xlane v48, v46  }
0x142: {  	s20 =	simm.s32 $0x0;
	s9 =	simm.s32 $0x3740;
	[tilespmem:s25+$0x80] =	vst v48;
	v46 =	vld [tilespmem:s25+$0xF0];
	v50 =	vperm.xlane v48, v9;
	v48 =	vperm.xlane v48, v56  }
.LBB2_7:
0x143: {  	v7 =	vmul.f32 v16, v7  }
0x144: {  	s26 =	sadd.s32 $0x40, s26;
	v16 =	vimm.s32 $0x6;
	v3 =	vmul.f32 v17, v3  }
0x145: {  	v8 =	vmul.f32 v18, v8;
	v56 =	vperm.xlane v47, v16;
	v47 =	vld [tilespmem:s26+$0xFFFFFFE0];
	[tilespmem:s25+$0xFFFFFEE0] =	vst v7  }
0x146: {  	v4 =	vmul.f32 v19, v4;
	[tilespmem:s25+$0xFFFFFEF0] =	vst v3  }
0x147: {  	v9 =	vld [tilespmem:s9+$0x110];
	v5 =	vmul.f32 v20, v5;
	[tilespmem:s25+$0xFFFFFF00] =	vst v8  }
0x148: {  	v1 =	vmul.f32 v21, v1;
	v16 =	vld [tilespmem:s26+$0x10];
	[tilespmem:s25+$0xFFFFFF10] =	vst v4  }
0x149: {  	v2 =	vmul.f32 v23, v2;
	v23 =	vld [tilespmem:s9+$0xFFFFFF60];
	[tilespmem:s25+$0xFFFFFF20] =	vst v5  }
0x14a: {  	v21 =	vmul.f32 v26, v55;
	v7 =	vld [tilespmem:s9+$0xFFFFFFF0];
	[tilespmem:s25+$0xFFFFFF30] =	vst v1  }
0x14b: {  	v0 =	vmul.f32 v30, v0;
	v3 =	vmul.f32 v22, v6;
	v6 =	vld [tilespmem:s26+$0xFFFFFFF0];
	[tilespmem:s25+$0xFFFFFF50] =	vst v2  }
0x14c: {  	v20 =	vld [tilespmem:s9+$0x80];
	[tilespmem:s25+$0xFFFFFF90] =	vst v21  }
0x14d: {  	v30 =	vld [tilespmem:$0x1FFF0];
	v8 =	vmul.f32 v24, v54;
	v4 =	vmul.f32 v25, v52;
	[tilespmem:s25+$0xFFFFFFB0] =	vst v0;
	v9 =	vadd.f32 v16, v9  }
0x14e: {  	v22 =	vld [tilespmem:s26+$0x0];
	v5 =	vmul.f32 v27, v53;
	v1 =	vmul.f32 v32, v62;
	[tilespmem:s25+$0xFFFFFF40] =	vst v3  }
0x14f: {  	v25 =	vmul.f32 v36, v63;
	v17 =	vld [tilespmem:s9+$0xFFFFFEF0];
	[tilespmem:s25+$0xFFFFFF70] =	vst v8;
	v19 =	vmul.f32 $2.000000030e-01, v9  }
0x150: {  	v2 =	vmul.f32 v39, v59;
	v18 =	vld [tilespmem:s9+$0xFFFFFF00];
	[tilespmem:s25+$0xFFFFFF80] =	vst v4;
	v6 =	vadd.f32 v6, v7;
	vm0 =	vge.f32 v9, $0.0e+00  }
0x151: {  	v3 =	vmul.f32 v37, v61;
	v8 =	vmul.f32 v41, v58;
	[tilespmem:s25+$0xFFFFFFA0] =	vst v5;
	v21 =	vld [tilespmem:s9+$0xFFFFFF30];
	v7 =	vsel vm0, v9, v19  }
0x152: {  	v58 =	vmul.f32 v42, v57;
	[tilespmem:s25+$0xFFFFFFD0] =	vst v25;
	v25 =	vld [tilespmem:s9+$0xFFFFFF80];
	v24 =	vmul.f32 $2.000000030e-01, v6;
	v7 =	vsub.f32 v7, v30  }
0x153: {  	[tilespmem:s25+$0x0] =	vst v2;
	v2 =	vmul.f32 v33, v50;
	v16 =	vld [tilespmem:s9+$0xFFFFFEE0];
	v4 =	vadd.f32 v47, v23;
	vm15 =	vge.f32 v6, $0.0e+00  }
0x154: {  	v23 =	vld [tilespmem:s9+$0xFFFFFF50];
	[tilespmem:s25+$0xFFFFFFE0] =	vst v3;
	v26 =	vadd.f32 v22, v20;
	v6 =	vsel vm15, v6, v24;
	v7 =	vmul.f32 $1.442695020e+00, v7  }
0x155: {  	v3 =	vmul.f32 v31, v49;
	[tilespmem:s25+$0x10] =	vst v8;
	v8 =	vmul.f32 v44, v15;
	v20 =	vld [tilespmem:s9+$0xFFFFFF20];
	v0 =	vsub.f32 v6, v30  }
0x156: {  	[tilespmem:s25+$0xFFFFFFC0] =	vst v1;
	v22 =	vld [tilespmem:s9+$0xFFFFFF40];
	v27 =	vmul.f32 $2.000000030e-01, v26;
	(erf) = vpow2.f32 v7  }
0x157: {  	v32 =	vld [tilespmem:s9+$0xFFFFFFC0];
	v5 =	vmul.f32 $2.000000030e-01, v4;
	vm1 =	vge.f32 v26, $0.0e+00;
	v0 =	vmul.f32 $1.442695020e+00, v0  }
0x158: {  	[tilespmem:s25+$0x60] =	vst v2;
	v2 =	vmul.f32 v45, v11;
	v36 =	vld [tilespmem:s9+$0xFFFFFFD0];
	vm2 =	vge.f32 v4, $0.0e+00;
	v6 =	vsel vm1, v26, v27  }
0x159: {  	v37 =	vld [tilespmem:s9+$0xFFFFFFE0];
	v1 =	vsel vm2, v4, v5;
	v4 =	vsub.f32 v6, v30;
	(erf) = vpow2.f32 v0  }
0x15a: {  	[tilespmem:s25+$0x50] =	vst v3;
	v3 =	vmul.f32 v38, v13;
	v19 =	vld [tilespmem:s9+$0xFFFFFF10];
	v5 =	vmul.f32 v28, v51;
	v1 =	vsub.f32 v1, v30  }
0x15b: {  	v9 =	vmul.f32 v43, v60;
	v24 =	vld [tilespmem:s9+$0xFFFFFF70];
	v4 =	vmul.f32 $1.442695020e+00, v4  }
0x15c: {  	v50 =	vimm.s32 $0x2;
	v26 =	vld [tilespmem:s9+$0xFFFFFF90];
	[tilespmem:s25+$0x40] =	vst v5;
	v5 =	vmul.f32 v34, v14;
	v1 =	vmul.f32 $1.442695020e+00, v1  }
0x15d: {  	v44 =	vimm.s32 $0x0;
	v27 =	vld [tilespmem:s9+$0xFFFFFFA0];
	[tilespmem:s25+$0x20] =	vst v9;
	v9 =	vmul.f32 v46, v56;
	(erf) = vpow2.f32 v4  }
0x15e: {  	[tilespmem:s25+$0x30] =	vst v58;
	v45 =	vimm.s32 $0x1;
	v30 =	vld [tilespmem:s9+$0xFFFFFFB0];
	v6 =	vmul.f32 v35, v12;
	(erf) = vpow2.f32 v1  }
0x15f: {  	v56 =	vimm.s32 $0x7;
	v39 =	vld [tilespmem:s9+$0x0];
	v0 =	vmul.f32 v40, v48;
	v1 =	vmul.f32 v29, v10;
	v47 =	vpop (erf)  }
0x160: {  	v49 =	vimm.s32 $0x3;
	[tilespmem:$0x1FFD0] =	vst v16;
	v41 =	vld [tilespmem:s9+$0x10];
	v16 =	vperm.xlane v47, v44;
	v7 =	vperm.xlane v47, v56  }
0x161: {  	v51 =	vimm.s32 $0x4;
	v4 =	vld [tilespmem:s9+$0x100];
	v14 =	vperm.xlane v47, v45;
	v12 =	vperm.xlane v47, v50  }
0x162: {  	v46 =	vimm.s32 $0x5;
	v43 =	vld [tilespmem:s9+$0x20];
	v13 =	vperm.xlane v47, v49;
	v15 =	vperm.xlane v47, v51;
	v59 =	vpop (erf)  }
0x163: {  	v42 =	vld [tilespmem:s9+$0x30];
	[tilespmem:s25+$0x70] =	vst v0;
	v11 =	vperm.xlane v47, v46;
	v54 =	vperm.xlane v59, v44  }
0x164: {  	[tilespmem:s25+$0xC0] =	vst v3;
	v28 =	vld [tilespmem:s9+$0x40];
	v52 =	vperm.xlane v59, v45;
	v55 =	vperm.xlane v59, v50  }
0x165: {  	[tilespmem:s25+$0xA0] =	vst v5;
	v31 =	vld [tilespmem:s9+$0x50];
	v53 =	vperm.xlane v59, v49;
	v62 =	vperm.xlane v59, v46  }
0x166: {  	v10 =	vimm.s32 $0x6;
	v33 =	vld [tilespmem:s9+$0x60];
	[tilespmem:s25+$0x90] =	vst v1;
	v48 =	vpop (erf);
	v61 =	vperm.xlane v59, v56;
	v1 =	vmul.f32 v4, v7  }
0x167: {  	[tilespmem:s25+$0xB0] =	vst v6;
	v40 =	vld [tilespmem:s9+$0x70];
	v0 =	vpop (erf);
	v58 =	vperm.xlane v48, v45;
	v60 =	vperm.xlane v48, v50  }
0x168: {  	v29 =	vld [tilespmem:s9+$0x90];
	v7 =	vperm.xlane v0, v44;
	v3 =	vperm.xlane v0, v45;
	[tilespmem:s9+$0x100] =	vst v1  }
0x169: {  	s20 =	sadd.s32 $0x4, s20;
	[tilespmem:s25+$0xD0] =	vst v8;
	v8 =	vperm.xlane v0, v50;
	v50 =	vperm.xlane v48, v10;
	v10 =	vmov v16;
	v16 =	vld [tilespmem:$0x1FFD0]  }
0x16a: {  	p0 =	slt.u32 s20, $0x4C;
	v4 =	vperm.xlane v0, v49;
	v5 =	vperm.xlane v0, v51;
	[tilespmem:s25+$0xE0] =	vst v2;
	v34 =	vld [tilespmem:s9+$0xA0]  }
.Ltmp2:
0x16b: {  	v1 =	vperm.xlane v0, v46;
	[tilespmem:s25+$0xF0] =	vst v9;
	v9 =	vimm.s32 $0x6;
	v2 =	vperm.xlane v0, v56;
	v35 =	vld [tilespmem:s9+$0xB0];
	(pc) =	sbr.rel @p0 .LBB2_7-.Ltmp2, $4  }
0x16c: {  	[tilespmem:s9+$0xFFFFFF60] =	vst v0;
	v6 =	vperm.xlane v0, v9;
	v0 =	vperm.xlane v59, v51;
	v38 =	vld [tilespmem:s9+$0xC0]  }
0x16d: {  	[tilespmem:s9+$0xFFFFFFF0] =	vst v59;
	v63 =	vperm.xlane v59, v9;
	v59 =	vperm.xlane v48, v44;
	v44 =	vld [tilespmem:s9+$0xD0]  }
0x16e: {  	[tilespmem:s9+$0x80] =	vst v48;
	v57 =	vperm.xlane v48, v49;
	v49 =	vperm.xlane v48, v46;
	v45 =	vld [tilespmem:s9+$0xE0]  }
0x16f: {  	s25 =	smov.u32 s9;
	[tilespmem:s9+$0x110] =	vst v47;
	v51 =	vperm.xlane v48, v51;
	v46 =	vld [tilespmem:s9+$0xF0];
	v9 =	vimm.s32 $0x6;
	v48 =	vperm.xlane v48, v56;
	s9 =	sadd.s32 $0x240, s9  }
0x170: {  	v7 =	vmul.f32 v16, v7  }
0x171: {  	v3 =	vmul.f32 v17, v3  }
0x172: {  	v8 =	vmul.f32 v18, v8;
	[tilespmem:s25+$0xFFFFFEE0] =	vst v7  }
0x173: {  	v4 =	vmul.f32 v19, v4;
	[tilespmem:s25+$0xFFFFFEF0] =	vst v3  }
0x174: {  	v20 =	vmul.f32 v20, v5;
	[tilespmem:s25+$0xFFFFFF00] =	vst v8  }
0x175: {  	v1 =	vmul.f32 v21, v1;
	[tilespmem:s25+$0xFFFFFF10] =	vst v4  }
0x176: {  	v22 =	vmul.f32 v22, v6;
	[tilespmem:s25+$0xFFFFFF20] =	vst v20  }
0x177: {  	v2 =	vmul.f32 v23, v2;
	[tilespmem:s25+$0xFFFFFF30] =	vst v1  }
0x178: {  	v24 =	vmul.f32 v24, v54;
	[tilespmem:s25+$0xFFFFFF40] =	vst v22  }
0x179: {  	v25 =	vmul.f32 v25, v52;
	[tilespmem:s25+$0xFFFFFF50] =	vst v2  }
0x17a: {  	v26 =	vmul.f32 v26, v55;
	[tilespmem:s25+$0xFFFFFF70] =	vst v24  }
0x17b: {  	v27 =	vmul.f32 v27, v53;
	[tilespmem:s25+$0xFFFFFF80] =	vst v25  }
0x17c: {  	v0 =	vmul.f32 v30, v0;
	[tilespmem:s25+$0xFFFFFF90] =	vst v26  }
0x17d: {  	v30 =	vmul.f32 v32, v62;
	[tilespmem:s25+$0xFFFFFFA0] =	vst v27  }
0x17e: {  	v32 =	vmul.f32 v36, v63;
	[tilespmem:s25+$0xFFFFFFB0] =	vst v0  }
0x17f: {  	v36 =	vmul.f32 v37, v61;
	[tilespmem:s25+$0xFFFFFFC0] =	vst v30  }
0x180: {  	v37 =	vmul.f32 v39, v59;
	[tilespmem:s25+$0xFFFFFFD0] =	vst v32  }
0x181: {  	v39 =	vmul.f32 v41, v58;
	[tilespmem:s25+$0xFFFFFFE0] =	vst v36  }
0x182: {  	v41 =	vmul.f32 v43, v60;
	[tilespmem:s25+$0x0] =	vst v37  }
0x183: {  	v43 =	vmul.f32 v42, v57;
	[tilespmem:s25+$0x10] =	vst v39  }
0x184: {  	v52 =	vmul.f32 v31, v49;
	[tilespmem:s25+$0x20] =	vst v41  }
0x185: {  	v53 =	vmul.f32 v33, v50;
	[tilespmem:s25+$0x30] =	vst v43  }
0x186: {  	v55 =	vmul.f32 v29, v10;
	[tilespmem:s25+$0x50] =	vst v52  }
0x187: {  	v56 =	vmul.f32 v34, v14;
	[tilespmem:s25+$0x60] =	vst v53  }
0x188: {  	v57 =	vmul.f32 v35, v12;
	[tilespmem:s25+$0x90] =	vst v55  }
0x189: {  	v51 =	vmul.f32 v28, v51;
	[tilespmem:s25+$0xA0] =	vst v56  }
0x18a: {  	v54 =	vmul.f32 v40, v48;
	[tilespmem:s25+$0xB0] =	vst v57  }
0x18b: {  	v58 =	vmul.f32 v38, v13;
	[tilespmem:s25+$0x40] =	vst v51  }
0x18c: {  	v59 =	vperm.xlane v47, v9;
	v60 =	vmul.f32 v44, v15;
	[tilespmem:s25+$0x70] =	vst v54  }
0x18d: {  	v61 =	vmul.f32 v45, v11;
	[tilespmem:s25+$0xC0] =	vst v58  }
0x18e: {  	v62 =	vmul.f32 v46, v59;
	[tilespmem:s25+$0xD0] =	vst v60  }
0x18f: {  	[tilespmem:s25+$0xE0] =	vst v61  }
0x190: {  	[tilespmem:s25+$0xF0] =	vst v62  }
0x191: {  	v0 =	vld [tilespmem:$0xF0]  }
0x192: {  	v1 =	vld [tilespmem:$0x100]  }
0x193: {  	v63 =	vld [tilespmem:$0x110]  }
0x194: {  	v3 =	vld [tilespmem:$0x120]  }
0x195: {  	s9 =	sshll.u32 s22, $0x1;
	v4 =	vld [tilespmem:$0x130]  }
0x196: {  	s9 =	smin.u32 s9, $0x79;
	[tilespmem:$0x190] =	vst v0  }
0x197: {  	s9 =	smul.u32 $0x50, s9;
	[tilespmem:$0x1A0] =	vst v1  }
0x198: {  	[tilespmem:$0x1B0] =	vst v63  }
0x199: {  	s9 =	sadd.s32 s9, s24;
	[tilespmem:$0x1C0] =	vst v3  }
0x19a: {  	s9 =	sshrl.u32 s9, $0x3;
	[tilespmem:$0x1D0] =	vst v4  }
0x19b: {  	[spmem:s3] =	stream.indirect.scatter.add.f32 [tilespmem:s13], [sflag:$0x6], $0x90, s18, s0, $0xb8;
	[tilespmem:$0x1F1F0] =	vst v63  }
0x19c: {  	s20 =	sadd.s32 s7, s9  }
0x19d: {  	[tilespmem:s10], [sflag:$0x2] =	stream.linear.gather [hbm4b:s20+s4], $0x50, $0x38;
	[tilespmem:$0x1F1F0] =	vst v63  }
0x19e: {  	s9 =	sadd.s32 s2, s9  }
0x19f: {  	[tilespmem:s11], [sflag:$0x2] =	stream.linear.gather [hbm4b:s9+s4], $0x50, $0x38;
	[tilespmem:$0x1F1F0] =	vst v63  }
0x1a0: {  	_ =	swait.ge [sflag:s19], $0x2D00  }
0x1a1: {  	[sflag:s19] =	ssyncset.done $0x0  }
0x1a2: {  	[sflag:s19] =	ssyncadd.s32 $0xFFFFD300  }
0x1a3: {  	_ =	swait.ge [sflag:s30], $0x50  }
0x1a4: {  	[sflag:s30] =	ssyncset.done $0x0  }
0x1a5: {  	s22 =	sadd.s32 $0x1, s22;
	[sflag:s30] =	ssyncadd.s32 $0xFFFFFFB0  }
0x1a6: {  	p0 =	sne.s32 s22, $0x3E;
	_ =	swait.ge [sflag:s30], $0x50  }
.Ltmp3:
0x1a7: {  	[sflag:s30] =	ssyncset.done $0x0;
	(pc) =	sbr.rel @p0 .LBB2_4-.Ltmp3, $4  }
0x1a8: {  	[sflag:s30] =	ssyncadd.s32 $0xFFFFFFB0  }
0x1a9: {  	v49 =	vimm.s32 $0x3;
	[tilespmem:s1], [sflag:$0x3] =	stream.indirect.gather [hbm4b:s5+s0], $0x90, s4, s0, $0xb8;
	[tilespmem:$0x1F1F0] =	vst v63  }
0x1aa: {  	v34 =	vimm.s32 $0x6;
	v8 =	vimm.s32 $0x7;
	v56 =	vimm.s32 $0x0  }
0x1ab: {  	v45 =	vimm.s32 $0x1;
	v51 =	vimm.s32 $0x4;
	v46 =	vimm.s32 $0x2;
	v10 =	vld [tilespmem:$0x1FFF0];
	[tilespmem:s8], [sflag:$0x3] =	stream.indirect.gather [hbm4b:s6+s0], $0x10, s0, s0, $0xb8  }
0x1ac: {  	s9 =	simm.s32 $0x6  }
0x1ad: {  	_ =	swait.ge [sflag:s9], $0x2D00  }
0x1ae: {  	[sflag:s9] =	ssyncset.done $0x0  }
0x1af: {  	[sflag:s9] =	ssyncadd.s32 $0xFFFFD300  }
0x1b0: {  	_ =	swait.ge [sflag:s15], $0x2D00  }
0x1b1: {  	[sflag:s15] =	ssyncset.done $0x0  }
0x1b2: {  	[sflag:s15] =	ssyncadd.s32 $0xFFFFD300  }
0x1b3: {  	_ =	swait.ge [sflag:s15], $0x500  }
0x1b4: {  	[sflag:s15] =	ssyncset.done $0x0  }
0x1b5: {  	s22 =	simm.s32 $0x300;
	[sflag:s15] =	ssyncadd.s32 $0xFFFFFB00  }
0x1b6: {  	s25 =	simm.s32 $0x2F00;
	v0 =	vld [tilespmem:s22+$0x110]  }
0x1b7: {  	v1 =	vld [tilespmem:s25+$0x10];
	_ =	sdelay $0x2  }
0x1b8: {  	v2 =	vld [tilespmem:s25+$0xFFFFFFE0]  }
0x1b9: {  	v3 =	vld [tilespmem:s22+$0xFFFFFFF0]  }
0x1ba: {  	v4 =	vld [tilespmem:s25+$0xFFFFFFF0];
	v0 =	vadd.f32 v1, v0  }
0x1bb: {  	v5 =	vld [tilespmem:s22+$0x80]  }
0x1bc: {  	v6 =	vld [tilespmem:s25+$0x0];
	v7 =	vmul.f32 $2.000000030e-01, v0  }
0x1bd: {  	v1 =	vld [tilespmem:s22+$0xFFFFFF60];
	vm0 =	vge.f32 v0, $0.0e+00  }
0x1be: {  	v0 =	vsel vm0, v0, v7  }
0x1bf: {  	v16 =	vld [tilespmem:s22+$0xFFFFFEE0];
	v3 =	vadd.f32 v4, v3;
	v0 =	vsub.f32 v0, v10  }
0x1c0: {  	v17 =	vld [tilespmem:s22+$0xFFFFFEF0]  }
0x1c1: {  	v18 =	vld [tilespmem:s22+$0xFFFFFF00];
	v4 =	vadd.f32 v6, v5;
	v5 =	vmul.f32 $2.000000030e-01, v3;
	v0 =	vmul.f32 $1.442695020e+00, v0  }
0x1c2: {  	v19 =	vld [tilespmem:s22+$0xFFFFFF10];
	vm15 =	vge.f32 v3, $0.0e+00;
	v1 =	vadd.f32 v2, v1  }
0x1c3: {  	v20 =	vld [tilespmem:s22+$0xFFFFFF20];
	v3 =	vsel vm15, v3, v5;
	v2 =	vmul.f32 $2.000000030e-01, v4;
	(erf) = vpow2.f32 v0  }
0x1c4: {  	v21 =	vld [tilespmem:s22+$0xFFFFFF30];
	vm1 =	vge.f32 v4, $0.0e+00;
	v3 =	vsub.f32 v3, v10;
	v6 =	vmul.f32 $2.000000030e-01, v1  }
0x1c5: {  	v22 =	vld [tilespmem:s22+$0xFFFFFF40];
	vm2 =	vge.f32 v1, $0.0e+00;
	v2 =	vsel vm1, v4, v2  }
0x1c6: {  	v23 =	vld [tilespmem:s22+$0xFFFFFF50];
	v0 =	vsel vm2, v1, v6;
	v1 =	vsub.f32 v2, v10;
	v2 =	vmul.f32 $1.442695020e+00, v3  }
0x1c7: {  	v24 =	vld [tilespmem:s22+$0xFFFFFF70]  }
0x1c8: {  	v25 =	vld [tilespmem:s22+$0xFFFFFF80];
	(erf) = vpow2.f32 v2  }
0x1c9: {  	v26 =	vld [tilespmem:s22+$0xFFFFFF90]  }
0x1ca: {  	v27 =	vld [tilespmem:s22+$0xFFFFFFA0];
	v0 =	vsub.f32 v0, v10;
	v1 =	vmul.f32 $1.442695020e+00, v1  }
0x1cb: {  	v30 =	vld [tilespmem:s22+$0xFFFFFFB0]  }
0x1cc: {  	v32 =	vld [tilespmem:s22+$0xFFFFFFC0];
	v0 =	vmul.f32 $1.442695020e+00, v0;
	(erf) = vpow2.f32 v1;
	v47 =	vpop (erf)  }
0x1cd: {  	v36 =	vld [tilespmem:s22+$0xFFFFFFD0];
	v1 =	vperm.xlane v47, v56  }
0x1ce: {  	v37 =	vld [tilespmem:s22+$0xFFFFFFE0];
	(erf) = vpow2.f32 v0  }
0x1cf: {  	v0 =	vld [tilespmem:s22+$0x100];
	v14 =	vperm.xlane v47, v45;
	[tilespmem:$0x1FFC0] =	vst v1  }
0x1d0: {  	v50 =	vimm.s32 $0x5;
	v12 =	vperm.xlane v47, v46;
	v13 =	vperm.xlane v47, v49;
	v39 =	vld [tilespmem:s22+$0x0]  }
0x1d1: {  	v15 =	vperm.xlane v47, v51;
	v11 =	vperm.xlane v47, v50;
	v9 =	vpop (erf);
	v41 =	vld [tilespmem:s22+$0x10]  }
0x1d2: {  	v1 =	vperm.xlane v47, v8;
	v54 =	vperm.xlane v9, v56;
	v43 =	vld [tilespmem:s22+$0x20]  }
0x1d3: {  	v38 =	vimm.s32 $0x7;
	v52 =	vperm.xlane v9, v45;
	v55 =	vperm.xlane v9, v46;
	v42 =	vld [tilespmem:s22+$0x30]  }
0x1d4: {  	v40 =	vimm.s32 $0x6;
	v53 =	vperm.xlane v9, v49;
	v62 =	vperm.xlane v9, v50;
	v28 =	vld [tilespmem:s22+$0x40]  }
0x1d5: {  	v63 =	vperm.xlane v9, v40;
	v61 =	vperm.xlane v9, v38;
	v48 =	vpop (erf);
	v31 =	vld [tilespmem:s22+$0x50]  }
0x1d6: {  	v33 =	vld [tilespmem:s22+$0x60];
	v0 =	vmul.f32 v0, v1;
	v59 =	vperm.xlane v48, v56  }
0x1d7: {  	v29 =	vld [tilespmem:s22+$0x90];
	v44 =	vpop (erf);
	v58 =	vperm.xlane v48, v45;
	v60 =	vperm.xlane v48, v46  }
0x1d8: {  	v35 =	vld [tilespmem:s22+$0xB0];
	v57 =	vperm.xlane v48, v49;
	v7 =	vperm.xlane v44, v56  }
0x1d9: {  	v40 =	vld [tilespmem:s22+$0x70];
	v3 =	vperm.xlane v44, v45;
	v8 =	vperm.xlane v44, v46  }
0x1da: {  	[tilespmem:s22+$0xFFFFFFF0] =	vst v9;
	v4 =	vperm.xlane v44, v49;
	v6 =	vperm.xlane v44, v34;
	v34 =	vld [tilespmem:s22+$0xA0]  }
0x1db: {  	v5 =	vperm.xlane v44, v51;
	v2 =	vperm.xlane v44, v38;
	v38 =	vld [tilespmem:s22+$0xC0];
	[tilespmem:s22+$0xFFFFFF60] =	vst v44  }
0x1dc: {  	v1 =	vperm.xlane v44, v50;
	v44 =	vld [tilespmem:s22+$0xD0];
	[tilespmem:s22+$0x100] =	vst v0;
	v0 =	vperm.xlane v9, v51;
	v9 =	vimm.s32 $0x6  }
0x1dd: {  	[tilespmem:s22+$0x110] =	vst v47;
	v45 =	vld [tilespmem:s22+$0xE0];
	v49 =	vperm.xlane v48, v50;
	v50 =	vperm.xlane v48, v9;
	v9 =	vimm.s32 $0x7  }
0x1de: {  	s20 =	simm.s32 $0x0;
	s9 =	simm.s32 $0x540;
	[tilespmem:s22+$0x80] =	vst v48;
	v46 =	vld [tilespmem:s22+$0xF0];
	v51 =	vperm.xlane v48, v51;
	v48 =	vperm.xlane v48, v9  }
.LBB2_10:
0x1df: {  	_ =	sdelay $0x3  }
0x1e0: {  	v7 =	vmul.f32 v16, v7  }
0x1e1: {  	s25 =	sadd.s32 $0x40, s25;
	v16 =	vimm.s32 $0x6;
	v3 =	vmul.f32 v17, v3  }
0x1e2: {  	v8 =	vmul.f32 v18, v8;
	v56 =	vperm.xlane v47, v16;
	v47 =	vld [tilespmem:s25+$0xFFFFFFE0];
	[tilespmem:s22+$0xFFFFFEE0] =	vst v7  }
0x1e3: {  	v4 =	vmul.f32 v19, v4;
	[tilespmem:s22+$0xFFFFFEF0] =	vst v3  }
0x1e4: {  	v5 =	vmul.f32 v20, v5;
	[tilespmem:s22+$0xFFFFFF00] =	vst v8  }
0x1e5: {  	v9 =	vld [tilespmem:s9+$0x110];
	v1 =	vmul.f32 v21, v1;
	[tilespmem:s22+$0xFFFFFF10] =	vst v4  }
0x1e6: {  	v2 =	vmul.f32 v23, v2;
	v23 =	vld [tilespmem:s9+$0xFFFFFF60];
	[tilespmem:s22+$0xFFFFFF20] =	vst v5  }
0x1e7: {  	v21 =	vmul.f32 v26, v55;
	v16 =	vld [tilespmem:s25+$0x10];
	[tilespmem:s22+$0xFFFFFF30] =	vst v1  }
0x1e8: {  	v20 =	vld [tilespmem:s9+$0x80];
	v0 =	vmul.f32 v30, v0;
	[tilespmem:s22+$0xFFFFFF50] =	vst v2  }
0x1e9: {  	v3 =	vmul.f32 v22, v6;
	v6 =	vld [tilespmem:s25+$0xFFFFFFF0];
	[tilespmem:s22+$0xFFFFFF90] =	vst v21  }
0x1ea: {  	v7 =	vld [tilespmem:s9+$0xFFFFFFF0];
	v8 =	vmul.f32 v24, v54;
	[tilespmem:s22+$0xFFFFFFB0] =	vst v0  }
0x1eb: {  	v4 =	vmul.f32 v25, v52;
	v22 =	vld [tilespmem:s25+$0x0];
	[tilespmem:s22+$0xFFFFFF40] =	vst v3  }
0x1ec: {  	v5 =	vmul.f32 v27, v53;
	[tilespmem:s22+$0xFFFFFF70] =	vst v8;
	v9 =	vadd.f32 v16, v9  }
0x1ed: {  	v1 =	vmul.f32 v32, v62;
	v25 =	vmul.f32 v36, v63;
	v18 =	vld [tilespmem:s9+$0xFFFFFF00];
	[tilespmem:s22+$0xFFFFFF80] =	vst v4  }
0x1ee: {  	v2 =	vmul.f32 v39, v59;
	[tilespmem:s22+$0xFFFFFFA0] =	vst v5;
	v21 =	vld [tilespmem:s9+$0xFFFFFF30];
	v19 =	vmul.f32 $2.000000030e-01, v9  }
0x1ef: {  	v3 =	vmul.f32 v37, v61;
	[tilespmem:s22+$0xFFFFFFD0] =	vst v25;
	v25 =	vld [tilespmem:s9+$0xFFFFFF80];
	v6 =	vadd.f32 v6, v7;
	vm0 =	vge.f32 v9, $0.0e+00  }
0x1f0: {  	v16 =	vld [tilespmem:s9+$0xFFFFFEE0];
	v4 =	vadd.f32 v47, v23;
	v26 =	vadd.f32 v22, v20;
	v7 =	vsel vm0, v9, v19  }
0x1f1: {  	v8 =	vmul.f32 v41, v58;
	v23 =	vld [tilespmem:s9+$0xFFFFFF50];
	v24 =	vmul.f32 $2.000000030e-01, v6;
	v7 =	vsub.f32 v7, v10  }
0x1f2: {  	[tilespmem:s22+$0xFFFFFFC0] =	vst v1;
	v20 =	vld [tilespmem:s9+$0xFFFFFF20];
	v5 =	vmul.f32 $2.000000030e-01, v4;
	vm15 =	vge.f32 v6, $0.0e+00;
	v27 =	vmul.f32 $2.000000030e-01, v26  }
0x1f3: {  	[tilespmem:s22+$0xFFFFFFE0] =	vst v3;
	v22 =	vld [tilespmem:s9+$0xFFFFFF40];
	vm1 =	vge.f32 v26, $0.0e+00;
	v6 =	vsel vm15, v6, v24;
	v7 =	vmul.f32 $1.442695020e+00, v7  }
0x1f4: {  	v30 =	vld [tilespmem:s9+$0xFFFFFFB0];
	vm2 =	vge.f32 v4, $0.0e+00;
	v0 =	vsub.f32 v6, v10;
	v6 =	vsel vm1, v26, v27  }
0x1f5: {  	v32 =	vld [tilespmem:s9+$0xFFFFFFC0];
	v1 =	vsel vm2, v4, v5;
	v4 =	vsub.f32 v6, v10;
	(erf) = vpow2.f32 v7  }
0x1f6: {  	v58 =	vmul.f32 v42, v57;
	[tilespmem:s22+$0x0] =	vst v2;
	v36 =	vld [tilespmem:s9+$0xFFFFFFD0];
	v1 =	vsub.f32 v1, v10;
	v0 =	vmul.f32 $1.442695020e+00, v0  }
0x1f7: {  	v2 =	vmul.f32 v33, v50;
	[tilespmem:s22+$0x10] =	vst v8;
	v37 =	vld [tilespmem:s9+$0xFFFFFFE0];
	v4 =	vmul.f32 $1.442695020e+00, v4  }
0x1f8: {  	[tilespmem:s22+$0x30] =	vst v58;
	v19 =	vld [tilespmem:s9+$0xFFFFFF10];
	v1 =	vmul.f32 $1.442695020e+00, v1;
	(erf) = vpow2.f32 v0  }
0x1f9: {  	v3 =	vmul.f32 v31, v49;
	[tilespmem:$0x1FFB0] =	vst v16;
	v16 =	vld [tilespmem:s9+$0xFFFFFEF0];
	(erf) = vpow2.f32 v4  }
0x1fa: {  	[tilespmem:s22+$0x60] =	vst v2;
	v9 =	vmul.f32 v43, v60;
	(erf) = vpow2.f32 v1;
	v1 =	vld [tilespmem:$0x1FFC0]  }
0x1fb: {  	v50 =	vimm.s32 $0x4;
	v8 =	vmul.f32 v44, v15;
	[tilespmem:s22+$0x50] =	vst v3;
	v5 =	vmul.f32 v28, v51;
	v24 =	vld [tilespmem:s9+$0xFFFFFF70]  }
0x1fc: {  	v2 =	vmul.f32 v45, v11;
	v11 =	vimm.s32 $0x7;
	v3 =	vmul.f32 v38, v13;
	v26 =	vld [tilespmem:s9+$0xFFFFFF90];
	[tilespmem:s22+$0x20] =	vst v9  }
0x1fd: {  	v44 =	vimm.s32 $0x1;
	v27 =	vld [tilespmem:s9+$0xFFFFFFA0];
	[tilespmem:s22+$0x40] =	vst v5;
	v5 =	vmul.f32 v34, v14;
	v9 =	vmul.f32 v46, v56  }
0x1fe: {  	v56 =	vimm.s32 $0x0;
	v6 =	vmul.f32 v35, v12;
	v39 =	vld [tilespmem:s9+$0x0];
	v0 =	vmul.f32 v40, v48;
	v47 =	vpop (erf)  }
0x1ff: {  	v49 =	vimm.s32 $0x2;
	[tilespmem:s22+$0xC0] =	vst v3;
	v4 =	vld [tilespmem:s9+$0x100];
	v1 =	vmul.f32 v29, v1;
	v7 =	vperm.xlane v47, v56  }
0x200: {  	v45 =	vimm.s32 $0x3;
	v41 =	vld [tilespmem:s9+$0x10];
	[tilespmem:$0x1FFA0] =	vst v16;
	v16 =	vperm.xlane v47, v44;
	v14 =	vperm.xlane v47, v49  }
0x201: {  	v46 =	vimm.s32 $0x5;
	v43 =	vld [tilespmem:s9+$0x20];
	[tilespmem:s22+$0x70] =	vst v0;
	v13 =	vperm.xlane v47, v45;
	v15 =	vperm.xlane v47, v50  }
0x202: {  	v42 =	vld [tilespmem:s9+$0x30];
	v12 =	vperm.xlane v47, v46;
	v59 =	vpop (erf);
	[tilespmem:$0x1FFC0] =	vst v7;
	v7 =	vperm.xlane v47, v11  }
0x203: {  	[tilespmem:s22+$0xA0] =	vst v5;
	v28 =	vld [tilespmem:s9+$0x40];
	v54 =	vperm.xlane v59, v56;
	v52 =	vperm.xlane v59, v44  }
0x204: {  	v31 =	vld [tilespmem:s9+$0x50];
	[tilespmem:s22+$0x90] =	vst v1;
	v55 =	vperm.xlane v59, v49;
	v1 =	vmul.f32 v4, v7  }
0x205: {  	[tilespmem:s22+$0xB0] =	vst v6;
	v33 =	vld [tilespmem:s9+$0x60];
	v48 =	vpop (erf);
	v53 =	vperm.xlane v59, v45;
	v62 =	vperm.xlane v59, v46  }
0x206: {  	v40 =	vld [tilespmem:s9+$0x70];
	v61 =	vperm.xlane v59, v11;
	v58 =	vperm.xlane v48, v44;
	[tilespmem:s9+$0x100] =	vst v1  }
0x207: {  	v29 =	vld [tilespmem:s9+$0x90];
	v0 =	vpop (erf);
	v60 =	vperm.xlane v48, v49;
	v57 =	vperm.xlane v48, v45;
	[tilespmem:s22+$0xD0] =	vst v8  }
0x208: {  	v51 =	vperm.xlane v48, v50;
	v3 =	vperm.xlane v0, v44;
	[tilespmem:s22+$0xE0] =	vst v2;
	v34 =	vld [tilespmem:s9+$0xA0]  }
0x209: {  	s20 =	sadd.s32 $0x4, s20;
	v5 =	vperm.xlane v0, v50;
	v7 =	vperm.xlane v0, v56;
	[tilespmem:s22+$0xF0] =	vst v9;
	v35 =	vld [tilespmem:s9+$0xB0]  }
0x20a: {  	p0 =	slt.u32 s20, $0x4C;
	v4 =	vperm.xlane v0, v45;
	v1 =	vperm.xlane v0, v46;
	v38 =	vld [tilespmem:s9+$0xC0]  }
.Ltmp4:
0x20b: {  	v8 =	vperm.xlane v0, v49;
	v9 =	vimm.s32 $0x6;
	v2 =	vperm.xlane v0, v11;
	v44 =	vld [tilespmem:s9+$0xD0];
	(pc) =	sbr.rel @p0 .LBB2_10-.Ltmp4, $4  }
0x20c: {  	[tilespmem:s9+$0xFFFFFFF0] =	vst v59;
	v49 =	vperm.xlane v48, v46;
	v6 =	vperm.xlane v0, v9;
	v45 =	vld [tilespmem:s9+$0xE0]  }
0x20d: {  	v17 =	vimm.s32 $0x6;
	[tilespmem:s9+$0xFFFFFF60] =	vst v0;
	v0 =	vperm.xlane v59, v50;
	v63 =	vperm.xlane v59, v9;
	v46 =	vld [tilespmem:s9+$0xF0]  }
0x20e: {  	[tilespmem:s9+$0x80] =	vst v48;
	v59 =	vperm.xlane v48, v56;
	v50 =	vperm.xlane v48, v17;
	v17 =	vld [tilespmem:$0x1FFA0]  }
0x20f: {  	s22 =	smov.u32 s9;
	[tilespmem:s9+$0x110] =	vst v47;
	v9 =	vimm.s32 $0x6;
	v48 =	vperm.xlane v48, v11;
	v11 =	vmovc v12;
	v12 =	vmovc v14;
	v14 =	vmov v16;
	v16 =	vld [tilespmem:$0x1FFB0];
	s9 =	sadd.s32 $0x240, s9  }
0x210: {  	v8 =	vmul.f32 v18, v8  }
0x211: {  	v4 =	vmul.f32 v19, v4  }
0x212: {  	v1 =	vmul.f32 v21, v1;
	[tilespmem:s22+$0xFFFFFF00] =	vst v8  }
0x213: {  	v22 =	vmul.f32 v22, v6;
	[tilespmem:s22+$0xFFFFFF10] =	vst v4  }
0x214: {  	v2 =	vmul.f32 v23, v2;
	[tilespmem:s22+$0xFFFFFF30] =	vst v1  }
0x215: {  	v0 =	vmul.f32 v30, v0;
	[tilespmem:s22+$0xFFFFFF40] =	vst v22  }
0x216: {  	v1 =	vmul.f32 v24, v54;
	[tilespmem:s22+$0xFFFFFF50] =	vst v2  }
0x217: {  	v2 =	vmul.f32 v26, v55;
	[tilespmem:s22+$0xFFFFFFB0] =	vst v0  }
0x218: {  	v0 =	vmul.f32 v37, v61;
	[tilespmem:s22+$0xFFFFFF70] =	vst v1  }
0x219: {  	v3 =	vmul.f32 v17, v3;
	[tilespmem:s22+$0xFFFFFF90] =	vst v2  }
0x21a: {  	v7 =	vmul.f32 v16, v7;
	[tilespmem:s22+$0xFFFFFFE0] =	vst v0  }
0x21b: {  	v1 =	vmul.f32 v27, v53;
	[tilespmem:s22+$0xFFFFFEF0] =	vst v3  }
0x21c: {  	v2 =	vmul.f32 v32, v62;
	[tilespmem:s22+$0xFFFFFEE0] =	vst v7  }
0x21d: {  	v0 =	vmul.f32 v43, v60;
	[tilespmem:s22+$0xFFFFFFA0] =	vst v1  }
0x21e: {  	v3 =	vmul.f32 v20, v5;
	[tilespmem:s22+$0xFFFFFFC0] =	vst v2  }
0x21f: {  	v1 =	vmul.f32 v36, v63;
	[tilespmem:s22+$0x20] =	vst v0  }
0x220: {  	v2 =	vmul.f32 v39, v59;
	[tilespmem:s22+$0xFFFFFF20] =	vst v3  }
0x221: {  	v0 =	vmul.f32 v31, v49;
	[tilespmem:s22+$0xFFFFFFD0] =	vst v1  }
0x222: {  	v3 =	vmul.f32 v25, v52;
	[tilespmem:s22+$0x0] =	vst v2  }
0x223: {  	v1 =	vmul.f32 v41, v58;
	[tilespmem:s22+$0x50] =	vst v0  }
0x224: {  	v2 =	vmul.f32 v42, v57;
	[tilespmem:s22+$0xFFFFFF80] =	vst v3  }
0x225: {  	[tilespmem:s22+$0x10] =	vst v1;
	v1 =	vmul.f32 v28, v51  }
0x226: {  	[tilespmem:s22+$0x30] =	vst v2  }
0x227: {  	[tilespmem:s22+$0x40] =	vst v1  }
0x228: {  	v0 =	vld [tilespmem:$0x1FFC0]  }
0x229: {  	v2 =	vmul.f32 v33, v50  }
0x22a: {  	v3 =	vmul.f32 v44, v15  }
0x22b: {  	v1 =	vmul.f32 v40, v48;
	[tilespmem:s22+$0x60] =	vst v2  }
0x22c: {  	v2 =	vmul.f32 v34, v14;
	[tilespmem:s22+$0xD0] =	vst v3  }
0x22d: {  	[tilespmem:s22+$0x70] =	vst v1;
	v0 =	vmul.f32 v29, v0  }
0x22e: {  	v1 =	vmul.f32 v35, v12;
	[tilespmem:s22+$0xA0] =	vst v2  }
0x22f: {  	v2 =	vperm.xlane v47, v9;
	[tilespmem:s22+$0x90] =	vst v0;
	v0 =	vmul.f32 v38, v13  }
0x230: {  	[tilespmem:s22+$0xB0] =	vst v1;
	v1 =	vmul.f32 v45, v11  }
0x231: {  	[tilespmem:s22+$0xC0] =	vst v0;
	v0 =	vmul.f32 v46, v2  }
0x232: {  	[tilespmem:s22+$0xE0] =	vst v1  }
0x233: {  	[tilespmem:s22+$0xF0] =	vst v0  }
0x234: {  	[spmem:s3] =	stream.indirect.scatter.add.f32 [tilespmem:s1], [sflag:$0x8], $0x90, s0, s0, $0xb8;
	[tilespmem:$0x1F1F0] =	vst v63  }
0x235: {  	_ =	swait.ge [sflag:s31], $0x2D00  }
0x236: {  	[sflag:s31] =	ssyncset.done $0x0  }
0x237: {  	[sflag:s31] =	ssyncadd.s32 $0xFFFFD300  }
0x238: {  	_ =	swait.ge [sflag:s12], $0x50  }
0x239: {  	[sflag:s12] =	ssyncset.done $0x0  }
0x23a: {  	[sflag:s12] =	ssyncadd.s32 $0xFFFFFFB0  }
0x23b: {  	_ =	swait.ge [sflag:s12], $0x50  }
0x23c: {  	[sflag:s12] =	ssyncset.done $0x0  }
0x23d: {  	[sflag:s12] =	ssyncadd.s32 $0xFFFFFFB0  }
0x23e: {  	s9 =	stileid.u32;
	[bflag:$0x0] =	sbarrier.arrive $0xFFFF  }
0x23f: {  	s9 =	sshll.u32 s9, $0x6;
	s22 =	rddreg [dreg:$0x5]  }
0x240: {  	s9 =	sor.u32 $0x1C08, s9;
	s25 =	rddreg [dreg:$0x13];
	s20 =	sshrl.u32 s22, $0x3  }
0x241: {  	[hbm:s25], [sflag:s9] =	dma.local [spmem:s20], $0x2D00  }
0x242: {  	_ =	swait.ge [sflag:s31], $0x2D00  }
0x243: {  	s21 =	sadd.s32 $0x1, s21;
	s26 =	rddreg [dreg:$0x14]  }
0x244: {  	p0 =	sne.s32 s21, s26  }
.Ltmp5:
0x245: {  	_ = 	snop;
	(pc) =	sbr.rel @p0 .LBB2_1-.Ltmp5, $4  }
0x246: {  	_ = 	snop  }
0x247: {  	v8 =	vimm.s32 $0x7  }
0x248: {  	v49 =	vimm.s32 $0x3;
	v51 =	vimm.s32 $0x4;
	v34 =	vimm.s32 $0x6;
	[sflag:s31] =	ssyncset.done $0x0  }
0x249: {  	v45 =	vimm.s32 $0x1;
	v46 =	vimm.s32 $0x2;
	v0 =	vimm.f32 $0.0e+00;
	[sflag:s31] =	ssyncadd.s32 $0xFFFFD300  }
0x24a: {  	_ =	sfence.sel $0x180000  }
0x24b: {  	[bflag:$0x0] =	sbarrier.arrive $0xFFFF  }
0x24c: {  	_ =	strace $0x9000004A  }
0x24d: {  	s0 =	stileid.u32;
	[bflag:$0x2] =	sbarrier.arrive $0xFFFF  }
0x24e: {  	p0 =	sne.s32 s0, $0x0;
	s0 =	rddreg [dreg:$0x3]  }
0x24f: {  	s0 =	sadd.s32 @!p0 $0x100000, s0  }
0x250: {  	[sflag:s0] =	ssyncadd.tile.s32 @!p0 $0x1;
	_ =	shalt  }
.Lfunc_end2:
_tile_overlayer_lowered:
.L_overlay_start_2:
0x251: {  	(tag) =	ssettag $0x2  }
0x252: {  	s0 =	rddreg [dreg:$0x0];
	s2 =	stileid.u32  }
0x253: {  	s1 =	rddreg [dreg:$0x1];
	p0 =	sne.s32 s2, $0x0  }
0x254: {  	s3 =	rddreg [dreg:$0x2];
	[bflag:$0x3] =	sbarrier.arrive $0xFFFF;
	s2 =	simm.s32 @!p0 $0x1C08  }
0x255: {  	[timem:s3], [sflag:s2] =	dma.local @!p0 [hbm:s0], s1  }
0x256: {  	s0 =	simm.s32 @!p0 $0x8  }
0x257: {  	_ =	swait.ge @!p0 [sflag:s0], s1  }
0x258: {  	s1 =	ssub.s32 @!p0 $0x0, s1;
	[sflag:s0] =	ssyncset.done @!p0 $0x0  }
0x259: {  	[sflag:s0] =	ssyncadd.s32 @!p0 s1  }
0x25a: {  	[bflag:$0x3] =	sbarrier.arrive $0xFFFF  }
0x25b: {  	_ =	shalt  }

// kernel: kernel.7.cloned.1.call-start
scs
__scs_entry_jumppad:
0x0: {  	(pc) =	sbr.rel $0x88, $3  }
0x1: {  	(tag) =	ssettag $0x0;
	lr =	simm.s32 $0x1  }
0x2: {  	[smem:$0x3F97] =	sst lr;
	_ =	strace $0xD0000000  }
0x3: {  	_ = 	snop  }
0x4: {  	_ = 	snop  }
0x5: {  	_ = 	snop  }
0x6: {  	_ = 	snop  }
0x7: {  	_ = 	snop  }
__scs_overlays_trampoline_lowered:
0x8: {  	[smem:$0x3FA6] =	sst s0  }
0x9: {  	[smem:$0x3FA7] =	sst s1  }
0xa: {  	[smem:$0x3FA8] =	sst s2  }
0xb: {  	[smem:$0x3FA9] =	sst s3  }
0xc: {  	[smem:$0x3FAA] =	sst s4  }
0xd: {  	[smem:$0x3FAB] =	sst s5  }
0xe: {  	[smem:$0x3FAC] =	sst s6  }
0xf: {  	[smem:$0x3FAD] =	sst s7  }
0x10: {  	[smem:$0x3FAE] =	sst s8  }
0x11: {  	[smem:$0x3FAF] =	sst s9;
	s0 =	simm.s32 @!p0 $0x0  }
0x12: {  	s1 =	sld [smem:$0x3F95];
	s0 =	simm.s32 @p0 $0x1  }
0x13: {  	[smem:$0x3FB0] =	sst s0;
	s0 =	simm.s32 @!p1 $0x0  }
0x14: {  	s2 =	sld [smem:$0x3F94];
	s0 =	simm.s32 @p1 $0x1  }
0x15: {  	[smem:$0x3FB1] =	sst s0;
	s0 =	simm.s32 @!p2 $0x0  }
0x16: {  	s3 =	sld [smem:$0x3FDB];
	s0 =	simm.s32 @p2 $0x1  }
0x17: {  	s4 =	simm.s32 $0x1BF5;
	[smem:$0x3FB3] =	sst s0  }
0x18: {  	s0 =	sld [smem:$0x3F96];
	_ =	swait.ge [sflag:s4], $0x0  }
0x19: {  	s7 =	sld [smem:$0x3F97]  }
0x1a: {  	s8 =	sadd.s32 $0xFFFFE003, lr  }
0x1b: {  	s9 =	sadd.s32 $0xFFFFFEF7, lr;
	s5 =	simm.s32 $0xFFFFFFFF;
	p2 =	slt.u32 s8, $0xFFFFF086  }
0x1c: {  	p1 =	slt.u32 s9, $0xF7A;
	s5 =	simm.s32 @!p2 $0x0  }
0x1d: {  	s5 =	simm.s32 @p1 $0x1;
	p0 =	seq.s32 s7, s2  }
0x1e: {  	s7 =	smul.u32 @!p0 $0xF7A, s2;
	p2 =	seq.s32 @!p0 s5, $0x0  }
0x1f: {  	s9 =	smul.u32 $0xF7A, s1;
	s8 =	simm.s32 @!p0 $0x1BF5;
	p2 =	por !p2, p0  }
0x20: {  	[sflag:s8] =	ssyncset.s32 @!p0 $0xFFFFF086;
	s6 =	sadd.s32 @!p0 s3, s7;
	s7 =	simm.s32 @!p0 $0x108  }
0x21: {  	s3 =	sadd.s32 s3, s9;
	s6 =	sadd.s32 @!p0 $0x88, s6;
	s7 =	simm.s32 @p2 $0x1082  }
0x22: {  	[simem:s7], [sflag:s8] =	dma.local @!p0 [hbm:s6], $0xF7A  }
0x23: {  	s9 =	sor.u32 $0xD0000000, s2;
	s6 =	simm.s32 $0x108;
	_ =	swait.ge @!p0 [sflag:s8], $0x0  }
0x24: {  	s3 =	sadd.s32 $0x88, s3;
	s6 =	simm.s32 @!p1 $0x1082;
	[sflag:s4] =	ssyncset.s32 $0xFFFFF086  }
0x25: {  	[simem:s6], [sflag:s4] =	dma.local [hbm:s3], $0xF7A  }
0x26: {  	[smem:$0x3F97] =	sst s1;
	(tag) =	ssettag s2;
	_ =	strace s9  }
0x27: {  	s1 =	sld [smem:$0x3FA7]  }
0x28: {  	s2 =	sld [smem:$0x3FA8]  }
0x29: {  	s4 =	sld [smem:$0x3FAA]  }
0x2a: {  	p0 =	seq.s32 s5, $0x0;
	s5 =	sld [smem:$0x3FAB]  }
0x2b: {  	s6 =	sld [smem:$0x3FAC]  }
0x2c: {  	s7 =	sld [smem:$0x3FAD]  }
0x2d: {  	s3 =	simm.s32 $0x108;
	s8 =	sld [smem:$0x3FAE]  }
0x2e: {  	s3 =	simm.s32 @!p0 $0x1082;
	s9 =	sld [smem:$0x3FAF]  }
0x2f: {  	lr =	sadd.s32 s0, s3;
	s0 =	sld [smem:$0x3FA6]  }
0x30: {  	s3 =	sld [smem:$0x3FA9]  }
0x31: {  	[smem:$0x3FB2] =	sst s10  }
0x32: {  	s10 =	sld [smem:$0x3FB0];
	_ =	sdelay $0x3  }
0x33: {  	p0 =	seq.s32 s10, $0x1;
	s10 =	sld [smem:$0x3FB2];
	_ =	sdelay $0x3  }
0x34: {  	[smem:$0x3FB2] =	sst s10  }
0x35: {  	s10 =	sld [smem:$0x3FB1];
	_ =	sdelay $0x3  }
0x36: {  	p1 =	seq.s32 s10, $0x1;
	s10 =	sld [smem:$0x3FB2];
	_ =	sdelay $0x3  }
0x37: {  	[smem:$0x3FB2] =	sst s10  }
0x38: {  	s10 =	sld [smem:$0x3FB3]  }
0x39: {  	_ = 	snop;
	(pc) =	sbr.ind lr, $3  }
0x3a: {  	_ = 	snop  }
0x3b: {  	_ = 	snop  }
0x3c: {  	p2 =	seq.s32 s10, $0x1;
	s10 =	sld [smem:$0x3FB2]  }
0x3d: {  	_ =	shalt  }
0x3e: {  	_ =	shalt  }
0x3f: {  	_ =	shalt  }
0x40: {  	_ =	shalt  }
0x41: {  	_ =	shalt  }
0x42: {  	_ =	shalt  }
0x43: {  	_ =	shalt  }
0x44: {  	_ =	shalt  }
0x45: {  	_ =	shalt  }
0x46: {  	_ =	shalt  }
0x47: {  	_ =	shalt  }
0x48: {  	_ =	shalt  }
0x49: {  	_ =	shalt  }
0x4a: {  	_ =	shalt  }
0x4b: {  	_ =	shalt  }
0x4c: {  	_ =	shalt  }
0x4d: {  	_ =	shalt  }
0x4e: {  	_ =	shalt  }
0x4f: {  	_ =	shalt  }
0x50: {  	_ =	shalt  }
0x51: {  	_ =	shalt  }
0x52: {  	_ =	shalt  }
0x53: {  	_ =	shalt  }
0x54: {  	_ =	shalt  }
0x55: {  	_ =	shalt  }
0x56: {  	_ =	shalt  }
0x57: {  	_ =	shalt  }
0x58: {  	_ =	shalt  }
0x59: {  	_ =	shalt  }
0x5a: {  	_ =	shalt  }
0x5b: {  	_ =	shalt  }
0x5c: {  	_ =	shalt  }
0x5d: {  	_ =	shalt  }
0x5e: {  	_ =	shalt  }
0x5f: {  	_ =	shalt  }
0x60: {  	_ =	shalt  }
0x61: {  	_ =	shalt  }
0x62: {  	_ =	shalt  }
0x63: {  	_ =	shalt  }
0x64: {  	_ =	shalt  }
0x65: {  	_ =	shalt  }
0x66: {  	_ =	shalt  }
0x67: {  	_ =	shalt  }
0x68: {  	_ =	shalt  }
0x69: {  	_ =	shalt  }
0x6a: {  	_ =	shalt  }
0x6b: {  	_ =	shalt  }
0x6c: {  	_ =	shalt  }
0x6d: {  	_ =	shalt  }
0x6e: {  	_ =	shalt  }
0x6f: {  	_ =	shalt  }
0x70: {  	_ =	shalt  }
0x71: {  	_ =	shalt  }
0x72: {  	_ =	shalt  }
0x73: {  	_ =	shalt  }
0x74: {  	_ =	shalt  }
0x75: {  	_ =	shalt  }
0x76: {  	_ =	shalt  }
0x77: {  	_ =	shalt  }
0x78: {  	_ =	shalt  }
0x79: {  	_ =	shalt  }
0x7a: {  	_ =	shalt  }
0x7b: {  	_ =	shalt  }
0x7c: {  	_ =	shalt  }
0x7d: {  	_ =	shalt  }
0x7e: {  	_ =	shalt  }
0x7f: {  	_ =	shalt  }
0x80: {  	_ =	shalt  }
0x81: {  	_ =	shalt  }
0x82: {  	_ =	shalt  }
0x83: {  	_ =	shalt  }
0x84: {  	_ =	shalt  }
0x85: {  	_ =	shalt  }
0x86: {  	_ =	shalt  }
0x87: {  	_ =	shalt  }
.Lfunc_end0:
.L_simem_size_0:
called_computation_lowered:
.L_overlay_start_0:
0x88: {  	s2 =	sld [smem:$0x3FD9]  }
0x89: {  	s3 =	sld [smem:$0x3FFE];
	_ =	sdelay $0x1  }
0x8a: {  	s1 =	srdreg.scid  }
0x8b: {  	s0 =	sand.u32 $0x1, s1  }
0x8c: {  	s17 =	sshll.u32 s0, $0xA;
	s2 =	sadd.s32 s3, s2  }
0x8d: {  	s2 =	sadd.s32 s2, s17  }
0x8e: {  	[smem:$0x3FBE] =	sst s2  }
0x8f: {  	_ = 	snop  }
0x90: {  	s2 =	sld [smem:$0x3FD0];
	(tm) =	ssettm $0x1  }
0x91: {  	s18 =	sld [smem:$0x3FFB];
	_ =	sdelay $0x3  }
0x92: {  	_ =	strace s18  }
0x93: {  	s3 =	sld [smem:$0x3FFC];
	_ =	sdelay $0x3  }
0x94: {  	_ =	strace s3  }
0x95: {  	s3 =	sld [smem:$0x3FFD];
	_ =	sdelay $0x3  }
0x96: {  	_ =	strace s3  }
0x97: {  	_ =	strace $0x8FFFFFFF  }
0x98: {  	s19 =	sld [smem:$0x3FDB];
	_ =	sdelay $0x1  }
0x99: {  	s4 =	simm.s32 $_scs_section_size  }
0x9a: {  	s5 =	simm.s32 $_size__tile_overlayer_lowered;
	s6 =	simm.s32 $_tile_overlayer_lowered  }
0x9b: {  	s22 =	simm.s32 $0x1BFF;
	s21 =	sshll.u32 s6, $0x1;
	s3 =	sadd.s32 s4, s19  }
0x9c: {  	s7 =	simm.s32 $0x0;
	s20 =	sshll.u32 s5, $0x1;
	s5 =	sadd.s32 s21, s3  }
0x9d: {  	[timem:s7], [sflag:s22] =	dma.local [hbm:s5], s20  }
0x9e: {  	_ =	swait.ge [sflag:s22], s20  }
0x9f: {  	s4 =	ssub.s32 $0x0, s20;
	[sflag:s22] =	ssyncset.done $0x0  }
0xa0: {  	[sflag:s22] =	ssyncadd.s32 s4;
	_ =	sdelay $0x1  }
0xa1: {  	s23 =	simm.s32 $0x1B8B  }
0xa2: {  	_ =	swait.ge [sflag:s23], $0x1  }
0xa3: {  	[sflag:s23] =	ssyncset.done $0x0  }
0xa4: {  	s25 =	simm.s32 $0x1B8E;
	s24 =	sld [smem:$0x3FFE];
	[sflag:s23] =	ssyncadd.s32 $0xFFFFFFFF  }
0xa5: {  	s26 =	simm.s32 $execute0_lowered;
	[smem:$0x3FD2] =	sst s25  }
0xa6: {  	s5 =	sshll.u32 s26, $0x1;
	_ =	strace $0x80000046;
	[dreg:$0x1] =	wrdreg $0xFFFFFFFF  }
0xa7: {  	s28 =	simm.s32 $_size_execute0_lowered;
	s3 =	sadd.s32 s3, s5;
	[dreg:$0x0] =	wrdreg $0x0  }
0xa8: {  	s5 =	sshll.u32 s28, $0x1;
	[dreg:$0x2] =	wrdreg s3  }
0xa9: {  	[dreg:$0x3] =	wrdreg s5  }
0xaa: {  	[dreg:$0x4] =	wrdreg $0xC0  }
0xab: {  	_ =	task [dreg:s7], $0x5FFFF  }
0xac: {  	[dreg:$0x1] =	wrdreg $0xFFFFFFFF  }
0xad: {  	[dreg:$0x0] =	wrdreg $0x60  }
0xae: {  	[dreg:$0x2] =	wrdreg s24  }
0xaf: {  	[dreg:$0x3] =	wrdreg s2  }
0xb0: {  	[dreg:$0x4] =	wrdreg $0x89F00  }
0xb1: {  	[dreg:$0x5] =	wrdreg $0x9  }
0xb2: {  	_ =	task.clear_ibuf [dreg:s7], $0x6FFFF;
	_ =	strace $0x90000046  }
0xb3: {  	s29 =	simm.s32 $0x9;
	_ =	strace $0x80000048  }
0xb4: {  	_ =	swait.ge [sflag:s29], $0x1  }
0xb5: {  	[sflag:s29] =	ssyncadd.s32 $0xFFFFFFFF  }
0xb6: {  	_ =	strace $0x90000048  }
0xb7: {  	_ =	sfence  }
0xb8: {  	s30 =	sld [smem:$0x0];
	_ =	sdelay $0x2  }
0xb9: {  	s31 =	sshll.u32 s1, $0xD;
	s1 =	sshrl.u32 s1, $0x2  }
0xba: {  	s3 =	sand.u32 $0x4000, s31;
	s1 =	sadd.s32 s1, s30  }
0xbb: {  	s0 =	sor.u32 s3, s0;
	s1 =	sshll.u32 s1, $0x11  }
0xbc: {  	s0 =	sor.u32 s1, s0  }
0xbd: {  	s0 =	sadd.s32 $0x8F2B, s0  }
0xbe: {  	[sflag:s0] =	ssyncadd.remote.s32 $0x1  }
0xbf: {  	_ =	sfence.sel $0xFFFF  }
0xc0: {  	[dreg:$0x0] =	wrdreg $0xFFFFFFFF;
	(pc) =	sbr.abs _section_cstart, $3  }
0xc1: {  	[dreg:$0x1] =	wrdreg $0xFFFFFFFF  }
0xc2: {  	_ =	task.clear_ibuf [dreg:s7], $0x2FFFF;
	_ =	strace $0x9FFFFFFF  }
0xc3: {  	(tm) =	ssettm $0x7FFFFFFF  }
tec
execute0_lowered:
.L_overlay_start_1:
0x0: {  	(tag) =	ssettag $0x1  }
0x1: {  	s0 =	rddreg [dreg:$0x0]  }
0x2: {  	s2 =	rddreg [dreg:$0x1]  }
0x3: {  	s3 =	rddreg [dreg:$0x2];
	s1 =	srdreg.scid  }
0x4: {  	s12 =	stileid.u32;
	s4 =	simm.s32 $0x0;
	s28 =	simm.s32 $0x65F0  }
0x5: {  	s29 =	simm.s32 $0x7;
	s31 =	simm.s32 $0x8;
	s30 =	simm.s32 $0x1  }
0x6: {  	s1 =	sand.u32 $0x1, s1;
	s8 =	smul.u32 $0x16800, s12;
	[smem:$0x7FF] =	sst s4  }
0x7: {  	s5 =	sadd.s32 $0xA200, s0;
	s6 =	sadd.s32 $0x36200, s0;
	s11 =	smul.u32 $0x5A000, s12  }
0x8: {  	s7 =	sadd.s32 $0x200, s0;
	s10 =	sadd.s32 $0xA000, s0;
	s9 =	smul.u32 $0x168000, s1  }
0x9: {  	_ =	strace $0x80000047;
	s25 =	ssub.s32 $0x2, s1;
	s1 =	sshll.u32 s1, $0x4  }
0xa: {  	[dreg:$0x4] =	wrdreg s10;
	s1 =	sor.u32 s12, s1;
	s12 =	sshrl.u32 s11, $0x2  }
0xb: {  	s26 =	sshrl.u32 s25, $0x1;
	s22 =	sadd.s32 s8, s3;
	s13 =	sadd.s32 s12, s3  }
0xc: {  	s11 =	simm.s32 $0xF0;
	[dreg:$0x5] =	wrdreg s22;
	s10 =	sadd.s32 $0x2400, s13  }
0xd: {  	s9 =	sadd.s32 s8, s9;
	s14 =	sadd.s32 $0x4800, s13;
	[dreg:$0x6] =	wrdreg s10  }
0xe: {  	s1 =	smul.u32 $0x2710, s1;
	s15 =	sadd.s32 $0x6C00, s13;
	[dreg:$0x7] =	wrdreg s14  }
0xf: {  	s12 =	simm.s32 $0x2;
	s16 =	sadd.s32 $0x9000, s13;
	[dreg:$0x8] =	wrdreg s15  }
0x10: {  	s9 =	sshrl.u32 s9, $0x3;
	s17 =	sadd.s32 $0xB400, s13;
	[dreg:$0x9] =	wrdreg s16  }
0x11: {  	s18 =	sadd.s32 $0xD800, s13;
	s19 =	sadd.s32 $0xFC00, s13;
	[dreg:$0xa] =	wrdreg s17  }
0x12: {  	s20 =	sadd.s32 $0x12000, s13;
	s8 =	sadd.s32 $0x14400, s13;
	[dreg:$0xb] =	wrdreg s18  }
0x13: {  	s13 =	simm.s32 $0x33E0;
	s0 =	sadd.s32 s9, s0;
	[dreg:$0xc] =	wrdreg s19  }
0x14: {  	s9 =	ssub.s32 s25, s26;
	[dreg:$0xd] =	wrdreg s20;
	s21 =	sshrl.u32 s1, $0x3  }
0x15: {  	[dreg:$0xe] =	wrdreg s8;
	s14 =	simm.s32 $0x60E0;
	s15 =	simm.s32 $0x3  }
0x16: {  	s16 =	simm.s32 $0x140;
	s17 =	simm.s32 $0x4;
	s18 =	simm.s32 $0x190  }
0x17: {  	s19 =	simm.s32 $0x5;
	s23 =	sadd.s32 s7, s21;
	s24 =	sadd.s32 $0xA, s21  }
0x18: {  	s10 =	sadd.s32 s2, s21;
	s0 =	sadd.s32 $0x3B200, s0;
	[dreg:$0xf] =	wrdreg s23  }
0x19: {  	s26 =	smax.u32 s9, $0x1;
	s21 =	simm.s32 $0x0;
	[dreg:$0x10] =	wrdreg s10  }
0x1a: {  	s25 =	sadd.s32 s7, s24;
	s8 =	sadd.s32 s2, s24;
	[dreg:$0x13] =	wrdreg s0  }
0x1b: {  	v0 =	vimm.f32 $0.0e+00;
	v56 =	vimm.s32 $0x0;
	s23 =	sadd.s32 $0xA0, s1;
	s24 =	sadd.s32 $0xF0, s1;
	[dreg:$0x14] =	wrdreg s26  }
0x1c: {  	v45 =	vimm.s32 $0x1;
	v46 =	vimm.s32 $0x2;
	v49 =	vimm.s32 $0x3;
	s0 =	simm.s32 $0x50;
	s1 =	simm.s32 $0x1E0;
	[dreg:$0x11] =	wrdreg s25  }
0x1d: {  	v51 =	vimm.s32 $0x4;
	v34 =	vimm.s32 $0x6;
	v8 =	vimm.s32 $0x7;
	s10 =	simm.s32 $0xA0;
	[dreg:$0x12] =	wrdreg s8;
	s8 =	simm.s32 $0x2EE0  }
.LBB2_1:
0x1e: {  	s9 =	simm.s32 $0x0;
	s20 =	simm.s32 $0x240  }
.LBB2_2:
0x1f: {  	p0 =	sne.s32 s20, $0x8DC0;
	[tilespmem:s9+$0x6670] =	vst v0  }
0x20: {  	[tilespmem:s9+$0x65F0] =	vst v0  }
0x21: {  	[tilespmem:s9+$0x6600] =	vst v0  }
0x22: {  	[tilespmem:s9+$0x6610] =	vst v0  }
.Ltmp0:
0x23: {  	[tilespmem:s9+$0x6620] =	vst v0;
	(pc) =	sbr.rel @p0 .LBB2_2-.Ltmp0, $4  }
0x24: {  	[tilespmem:s9+$0x6630] =	vst v0  }
0x25: {  	[tilespmem:s9+$0x6640] =	vst v0  }
0x26: {  	[tilespmem:s9+$0x6650] =	vst v0  }
0x27: {  	[tilespmem:s9+$0x6660] =	vst v0;
	s9 =	sshra.s32 s20, $0x2;
	s20 =	sadd.s32 $0x240, s20  }
0x28: {  	[tilespmem:s9+$0x6670] =	vst v0  }
0x29: {  	[tilespmem:s9+$0x65F0] =	vst v0  }
0x2a: {  	[tilespmem:s9+$0x6600] =	vst v0  }
0x2b: {  	[tilespmem:s9+$0x6610] =	vst v0  }
0x2c: {  	[tilespmem:s9+$0x6620] =	vst v0  }
0x2d: {  	[tilespmem:s9+$0x6630] =	vst v0  }
0x2e: {  	[tilespmem:s9+$0x6640] =	vst v0  }
0x2f: {  	[tilespmem:s9+$0x6650] =	vst v0  }
0x30: {  	[tilespmem:s9+$0x6660] =	vst v0  }
0x31: {  	[spmem:s22] =	stream.linear.scatter [tilespmem:s28], [sflag:$0x7], $0x2400, $0x38;
	[tilespmem:$0x1F1F0] =	vst v63  }
0x32: {  	s22 =	rddreg [dreg:$0x6]  }
0x33: {  	[spmem:s22] =	stream.linear.scatter [tilespmem:s28], [sflag:$0x7], $0x2400, $0x38;
	[tilespmem:$0x1F1F0] =	vst v63  }
0x34: {  	s25 =	rddreg [dreg:$0x7]  }
0x35: {  	[spmem:s25] =	stream.linear.scatter [tilespmem:s28], [sflag:$0x7], $0x2400, $0x38;
	[tilespmem:$0x1F1F0] =	vst v63  }
0x36: {  	s26 =	rddreg [dreg:$0x8]  }
0x37: {  	[spmem:s26] =	stream.linear.scatter [tilespmem:s28], [sflag:$0x7], $0x2400, $0x38;
	[tilespmem:$0x1F1F0] =	vst v63  }
0x38: {  	s20 =	rddreg [dreg:$0x9]  }
0x39: {  	[spmem:s20] =	stream.linear.scatter [tilespmem:s28], [sflag:$0x7], $0x2400, $0x38;
	[tilespmem:$0x1F1F0] =	vst v63  }
0x3a: {  	s22 =	rddreg [dreg:$0xa]  }
0x3b: {  	[spmem:s22] =	stream.linear.scatter [tilespmem:s28], [sflag:$0x7], $0x2400, $0x38;
	[tilespmem:$0x1F1F0] =	vst v63  }
0x3c: {  	s25 =	rddreg [dreg:$0xb]  }
0x3d: {  	[spmem:s25] =	stream.linear.scatter [tilespmem:s28], [sflag:$0x7], $0x2400, $0x38;
	[tilespmem:$0x1F1F0] =	vst v63  }
0x3e: {  	s26 =	rddreg [dreg:$0xc]  }
0x3f: {  	[spmem:s26] =	stream.linear.scatter [tilespmem:s28], [sflag:$0x7], $0x2400, $0x38;
	[tilespmem:$0x1F1F0] =	vst v63  }
0x40: {  	s20 =	rddreg [dreg:$0xd]  }
0x41: {  	[spmem:s20] =	stream.linear.scatter [tilespmem:s28], [sflag:$0x7], $0x2400, $0x38;
	[tilespmem:$0x1F1F0] =	vst v63  }
0x42: {  	s22 =	rddreg [dreg:$0xe]  }
0x43: {  	[spmem:s22] =	stream.linear.scatter [tilespmem:s28], [sflag:$0x7], $0x2400, $0x38;
	[tilespmem:$0x1F1F0] =	vst v63  }
0x44: {  	_ =	swait.ge [sflag:s29], $0x2400  }
0x45: {  	[sflag:s29] =	ssyncset.done $0x0  }
0x46: {  	[sflag:s29] =	ssyncadd.s32 $0xFFFFDC00  }
0x47: {  	_ =	swait.ge [sflag:s29], $0x2400  }
0x48: {  	[sflag:s29] =	ssyncset.done $0x0  }
0x49: {  	[sflag:s29] =	ssyncadd.s32 $0xFFFFDC00  }
0x4a: {  	_ =	swait.ge [sflag:s29], $0x2400  }
0x4b: {  	[sflag:s29] =	ssyncset.done $0x0  }
0x4c: {  	[sflag:s29] =	ssyncadd.s32 $0xFFFFDC00  }
0x4d: {  	_ =	swait.ge [sflag:s29], $0x2400  }
0x4e: {  	[sflag:s29] =	ssyncset.done $0x0  }
0x4f: {  	[sflag:s29] =	ssyncadd.s32 $0xFFFFDC00  }
0x50: {  	_ =	swait.ge [sflag:s29], $0x2400  }
0x51: {  	[sflag:s29] =	ssyncset.done $0x0  }
0x52: {  	[sflag:s29] =	ssyncadd.s32 $0xFFFFDC00  }
0x53: {  	_ =	swait.ge [sflag:s29], $0x2400  }
0x54: {  	[sflag:s29] =	ssyncset.done $0x0  }
0x55: {  	[sflag:s29] =	ssyncadd.s32 $0xFFFFDC00  }
0x56: {  	_ =	swait.ge [sflag:s29], $0x2400  }
0x57: {  	[sflag:s29] =	ssyncset.done $0x0  }
0x58: {  	[sflag:s29] =	ssyncadd.s32 $0xFFFFDC00  }
0x59: {  	_ =	swait.ge [sflag:s29], $0x2400  }
0x5a: {  	[sflag:s29] =	ssyncset.done $0x0  }
0x5b: {  	[sflag:s29] =	ssyncadd.s32 $0xFFFFDC00  }
0x5c: {  	_ =	swait.ge [sflag:s29], $0x2400  }
0x5d: {  	[sflag:s29] =	ssyncset.done $0x0  }
0x5e: {  	[sflag:s29] =	ssyncadd.s32 $0xFFFFDC00  }
0x5f: {  	_ =	swait.ge [sflag:s29], $0x2400  }
0x60: {  	s20 =	simm.s32 $0x65E0;
	[sflag:s29] =	ssyncset.done $0x0  }
0x61: {  	s22 =	simm.s32 $0x0;
	s25 =	rddreg [dreg:$0x4];
	[sflag:s29] =	ssyncadd.s32 $0xFFFFDC00  }
0x62: {  	[tilespmem:s20], [sflag:$0x8] =	stream.linear.gather [hbm4b:s25+s22], $0x10, $0x38;
	[tilespmem:$0x1F1F0] =	vst v63  }
0x63: {  	_ =	swait.ge [sflag:s31], $0x10  }
0x64: {  	[sflag:s31] =	ssyncset.done $0x0  }
0x65: {  	[sflag:s31] =	ssyncadd.s32 $0xFFFFFFF0  }
0x66: {  	v10 =	vld [tilespmem:$0x65E0];
	[bflag:$0x0] =	sbarrier.arrive $0xFFFF  }
0x67: {  	s26 =	rddreg [dreg:$0xf]  }
0x68: {  	[tilespmem:s22], [sflag:$0x1] =	stream.linear.gather [hbm4b:s26+s22], $0x50, $0x38;
	[tilespmem:$0x1F1F0] =	vst v63  }
0x69: {  	s20 =	rddreg [dreg:$0x10]  }
0x6a: {  	[tilespmem:s0], [sflag:$0x1] =	stream.linear.gather [hbm4b:s20+s22], $0x50, $0x38;
	[tilespmem:$0x1F1F0] =	vst v63  }
0x6b: {  	_ =	swait.ge [sflag:s30], $0x50  }
0x6c: {  	[sflag:s30] =	ssyncset.done $0x0  }
0x6d: {  	[sflag:s30] =	ssyncadd.s32 $0xFFFFFFB0  }
0x6e: {  	_ =	swait.ge [sflag:s30], $0x50  }
0x6f: {  	[sflag:s30] =	ssyncset.done $0x0  }
0x70: {  	[sflag:s30] =	ssyncadd.s32 $0xFFFFFFB0  }
0x71: {  	[tilespmem:s1], [sflag:$0x3] =	stream.indirect.gather [hbm4b:s5+s0], $0x90, s22, s0, $0xb8;
	[tilespmem:$0x1F1F0] =	vst v63  }
0x72: {  	_ = 	snop  }
0x73: {  	[tilespmem:s8], [sflag:$0x3] =	stream.indirect.gather [hbm4b:s6+s0], $0x10, s0, s0, $0xb8;
	[tilespmem:$0x1F1F0] =	vst v63  }
0x74: {  	s25 =	rddreg [dreg:$0x11]  }
0x75: {  	[tilespmem:s10], [sflag:$0x2] =	stream.linear.gather [hbm4b:s25+s22], $0x50, $0x38;
	[tilespmem:$0x1F1F0] =	vst v63  }
0x76: {  	s26 =	rddreg [dreg:$0x12];
	[tilespmem:$0x1FFF0] =	vst v10  }
0x77: {  	[tilespmem:s11], [sflag:$0x2] =	stream.linear.gather [hbm4b:s26+s22], $0x50, $0x38;
	[tilespmem:$0x1F1F0] =	vst v63  }
.LBB2_4:
0x78: {  	p0 =	seq.s32 s22, $0x0  }
0x79: {  	s9 =	simm.s32 @!p0 $0x6  }
0x7a: {  	_ =	swait.ge @!p0 [sflag:s9], $0x2D00  }
0x7b: {  	[sflag:s9] =	ssyncset.done @!p0 $0x0  }
0x7c: {  	[sflag:s9] =	ssyncadd.s32 @!p0 $0xFFFFD300  }
0x7d: {  	_ =	swait.ge [sflag:s12], $0x50  }
0x7e: {  	[sflag:s12] =	ssyncset.done $0x0  }
0x7f: {  	[sflag:s12] =	ssyncadd.s32 $0xFFFFFFB0  }
0x80: {  	_ =	swait.ge [sflag:s12], $0x50  }
0x81: {  	[sflag:s12] =	ssyncset.done $0x0  }
0x82: {  	[sflag:s12] =	ssyncadd.s32 $0xFFFFFFB0  }
0x83: {  	[tilespmem:s13], [sflag:$0x4] =	stream.indirect.gather [hbm4b:s5+s0], $0x90, s10, s0, $0xb8;
	[tilespmem:$0x1F1F0] =	vst v63  }
0x84: {  	_ = 	snop  }
0x85: {  	[tilespmem:s14], [sflag:$0x4] =	stream.indirect.gather [hbm4b:s6+s0], $0x10, s11, s0, $0xb8;
	[tilespmem:$0x1F1F0] =	vst v63  }
0x86: {  	_ =	swait.ge [sflag:s15], $0x2D00  }
0x87: {  	[sflag:s15] =	ssyncset.done $0x0  }
0x88: {  	[sflag:s15] =	ssyncadd.s32 $0xFFFFD300  }
0x89: {  	_ =	swait.ge [sflag:s15], $0x500  }
0x8a: {  	[sflag:s15] =	ssyncset.done $0x0  }
0x8b: {  	s25 =	simm.s32 $0x300;
	[sflag:s15] =	ssyncadd.s32 $0xFFFFFB00  }
0x8c: {  	s26 =	simm.s32 $0x2F00;
	v0 =	vld [tilespmem:s25+$0x110]  }
0x8d: {  	v1 =	vld [tilespmem:s26+$0x10];
	_ =	sdelay $0x2  }
0x8e: {  	v2 =	vld [tilespmem:s26+$0xFFFFFFE0]  }
0x8f: {  	v3 =	vld [tilespmem:s25+$0xFFFFFFF0]  }
0x90: {  	v4 =	vld [tilespmem:s26+$0xFFFFFFF0];
	v0 =	vadd.f32 v1, v0  }
0x91: {  	v5 =	vld [tilespmem:s25+$0x80]  }
0x92: {  	v6 =	vld [tilespmem:s26+$0x0];
	v7 =	vmul.f32 $2.000000030e-01, v0  }
0x93: {  	v1 =	vld [tilespmem:s25+$0xFFFFFF60];
	vm0 =	vge.f32 v0, $0.0e+00  }
0x94: {  	v0 =	vsel vm0, v0, v7  }
0x95: {  	v16 =	vld [tilespmem:s25+$0xFFFFFEE0];
	v3 =	vadd.f32 v4, v3;
	v0 =	vsub.f32 v0, v10  }
0x96: {  	v17 =	vld [tilespmem:s25+$0xFFFFFEF0]  }
0x97: {  	v18 =	vld [tilespmem:s25+$0xFFFFFF00];
	v4 =	vadd.f32 v6, v5;
	v5 =	vmul.f32 $2.000000030e-01, v3;
	v0 =	vmul.f32 $1.442695020e+00, v0  }
0x98: {  	v19 =	vld [tilespmem:s25+$0xFFFFFF10];
	vm15 =	vge.f32 v3, $0.0e+00;
	v1 =	vadd.f32 v2, v1  }
0x99: {  	v20 =	vld [tilespmem:s25+$0xFFFFFF20];
	v3 =	vsel vm15, v3, v5;
	v2 =	vmul.f32 $2.000000030e-01, v4;
	(erf) = vpow2.f32 v0  }
0x9a: {  	v21 =	vld [tilespmem:s25+$0xFFFFFF30];
	vm1 =	vge.f32 v4, $0.0e+00;
	v3 =	vsub.f32 v3, v10;
	v6 =	vmul.f32 $2.000000030e-01, v1  }
0x9b: {  	v22 =	vld [tilespmem:s25+$0xFFFFFF40];
	vm2 =	vge.f32 v1, $0.0e+00;
	v2 =	vsel vm1, v4, v2  }
0x9c: {  	v23 =	vld [tilespmem:s25+$0xFFFFFF50];
	v0 =	vsel vm2, v1, v6;
	v1 =	vsub.f32 v2, v10;
	v2 =	vmul.f32 $1.442695020e+00, v3  }
0x9d: {  	v24 =	vld [tilespmem:s25+$0xFFFFFF70]  }
0x9e: {  	v25 =	vld [tilespmem:s25+$0xFFFFFF80];
	(erf) = vpow2.f32 v2  }
0x9f: {  	v26 =	vld [tilespmem:s25+$0xFFFFFF90]  }
0xa0: {  	v27 =	vld [tilespmem:s25+$0xFFFFFFA0];
	v0 =	vsub.f32 v0, v10;
	v1 =	vmul.f32 $1.442695020e+00, v1  }
0xa1: {  	v30 =	vld [tilespmem:s25+$0xFFFFFFB0]  }
0xa2: {  	v32 =	vld [tilespmem:s25+$0xFFFFFFC0];
	v0 =	vmul.f32 $1.442695020e+00, v0;
	(erf) = vpow2.f32 v1;
	v47 =	vpop (erf)  }
0xa3: {  	v36 =	vld [tilespmem:s25+$0xFFFFFFD0];
	v1 =	vperm.xlane v47, v56  }
0xa4: {  	v37 =	vld [tilespmem:s25+$0xFFFFFFE0];
	(erf) = vpow2.f32 v0  }
0xa5: {  	v0 =	vld [tilespmem:s25+$0x100];
	v14 =	vperm.xlane v47, v45;
	[tilespmem:$0x1FFE0] =	vst v1  }
0xa6: {  	v12 =	vperm.xlane v47, v46;
	v13 =	vperm.xlane v47, v49;
	v39 =	vld [tilespmem:s25+$0x0]  }
0xa7: {  	v50 =	vimm.s32 $0x5;
	v15 =	vperm.xlane v47, v51;
	v1 =	vperm.xlane v47, v8;
	v8 =	vpop (erf);
	v41 =	vld [tilespmem:s25+$0x10]  }
0xa8: {  	v11 =	vperm.xlane v47, v50;
	v43 =	vld [tilespmem:s25+$0x20];
	v54 =	vperm.xlane v8, v56  }
0xa9: {  	v38 =	vimm.s32 $0x7;
	v42 =	vld [tilespmem:s25+$0x30];
	v52 =	vperm.xlane v8, v45;
	v55 =	vperm.xlane v8, v46  }
0xaa: {  	v9 =	vimm.s32 $0x6;
	v28 =	vld [tilespmem:s25+$0x40];
	v53 =	vperm.xlane v8, v49;
	v62 =	vperm.xlane v8, v50  }
0xab: {  	v10 =	vimm.s32 $0x0;
	v48 =	vpop (erf);
	v31 =	vld [tilespmem:s25+$0x50];
	v63 =	vperm.xlane v8, v9;
	v61 =	vperm.xlane v8, v38  }
0xac: {  	v33 =	vld [tilespmem:s25+$0x60];
	v0 =	vmul.f32 v0, v1;
	v59 =	vperm.xlane v48, v10  }
0xad: {  	v29 =	vld [tilespmem:s25+$0x90];
	v44 =	vpop (erf);
	v58 =	vperm.xlane v48, v45;
	v60 =	vperm.xlane v48, v46  }
0xae: {  	v35 =	vld [tilespmem:s25+$0xB0];
	v57 =	vperm.xlane v48, v49;
	v56 =	vperm.xlane v44, v10  }
0xaf: {  	v40 =	vld [tilespmem:s25+$0x70];
	v3 =	vperm.xlane v44, v45;
	v7 =	vperm.xlane v44, v46  }
0xb0: {  	[tilespmem:s25+$0x110] =	vst v47;
	v4 =	vperm.xlane v44, v49;
	v6 =	vperm.xlane v44, v34;
	v34 =	vld [tilespmem:s25+$0xA0]  }
0xb1: {  	[tilespmem:s25+$0xFFFFFFF0] =	vst v8;
	v5 =	vperm.xlane v44, v51;
	v2 =	vperm.xlane v44, v38;
	v38 =	vld [tilespmem:s25+$0xC0]  }
0xb2: {  	v1 =	vperm.xlane v44, v50;
	[tilespmem:s25+$0xFFFFFF60] =	vst v44;
	v44 =	vld [tilespmem:s25+$0xD0];
	v49 =	vperm.xlane v48, v50  }
0xb3: {  	v45 =	vld [tilespmem:s25+$0xE0];
	v50 =	vperm.xlane v48, v9;
	[tilespmem:s25+$0x100] =	vst v0;
	v0 =	vperm.xlane v8, v51;
	v8 =	vimm.s32 $0x7  }
0xb4: {  	s20 =	simm.s32 $0x0;
	s9 =	simm.s32 $0x540;
	[tilespmem:s25+$0x80] =	vst v48;
	v46 =	vld [tilespmem:s25+$0xF0];
	v51 =	vperm.xlane v48, v51;
	v48 =	vperm.xlane v48, v8  }
.LBB2_5:
0xb5: {  	v8 =	vld [tilespmem:s9+$0x110];
	v9 =	vimm.s32 $0x6;
	s26 =	sadd.s32 $0x40, s26;
	v16 =	vmul.f32 v16, v56  }
0xb6: {  	v56 =	vperm.xlane v47, v9;
	v47 =	vld [tilespmem:s26+$0x10];
	v3 =	vmul.f32 v17, v3  }
0xb7: {  	v7 =	vmul.f32 v18, v7;
	v9 =	vld [tilespmem:s26+$0xFFFFFFE0];
	[tilespmem:s25+$0xFFFFFEE0] =	vst v16  }
0xb8: {  	v4 =	vmul.f32 v19, v4;
	v18 =	vld [tilespmem:s9+$0xFFFFFFF0];
	[tilespmem:s25+$0xFFFFFEF0] =	vst v3  }
0xb9: {  	v5 =	vmul.f32 v20, v5;
	v20 =	vld [tilespmem:s9+$0x80];
	[tilespmem:s25+$0xFFFFFF00] =	vst v7  }
0xba: {  	v1 =	vmul.f32 v21, v1;
	v2 =	vmul.f32 v23, v2;
	v23 =	vld [tilespmem:s9+$0xFFFFFF60];
	[tilespmem:s25+$0xFFFFFF10] =	vst v4  }
0xbb: {  	v21 =	vmul.f32 v26, v55;
	v3 =	vmul.f32 v22, v6;
	v6 =	vld [tilespmem:s26+$0xFFFFFFF0];
	[tilespmem:s25+$0xFFFFFF20] =	vst v5  }
0xbc: {  	v0 =	vmul.f32 v30, v0;
	v7 =	vmul.f32 v24, v54;
	v22 =	vld [tilespmem:s26+$0x0];
	[tilespmem:s25+$0xFFFFFF30] =	vst v1  }
0xbd: {  	v4 =	vmul.f32 v25, v52;
	v5 =	vmul.f32 v27, v53;
	[tilespmem:s25+$0xFFFFFF50] =	vst v2  }
0xbe: {  	v30 =	vld [tilespmem:$0x1FFF0];
	v1 =	vmul.f32 v32, v62;
	v25 =	vmul.f32 v36, v63;
	[tilespmem:s25+$0xFFFFFF90] =	vst v21;
	v8 =	vadd.f32 v47, v8  }
0xbf: {  	v2 =	vmul.f32 v39, v59;
	v63 =	vmul.f32 v43, v60;
	[tilespmem:s25+$0xFFFFFFB0] =	vst v0  }
0xc0: {  	v16 =	vld [tilespmem:s9+$0xFFFFFEE0];
	[tilespmem:s25+$0xFFFFFF80] =	vst v4;
	v4 =	vadd.f32 v9, v23;
	v19 =	vmul.f32 $2.000000030e-01, v8;
	v6 =	vadd.f32 v6, v18  }
0xc1: {  	v17 =	vld [tilespmem:s9+$0xFFFFFEF0];
	[tilespmem:s25+$0xFFFFFF40] =	vst v3;
	v3 =	vmul.f32 v37, v61;
	vm0 =	vge.f32 v8, $0.0e+00;
	v26 =	vadd.f32 v22, v20  }
0xc2: {  	[tilespmem:s25+$0xFFFFFF70] =	vst v7;
	v21 =	vld [tilespmem:s9+$0xFFFFFF30];
	vm2 =	vge.f32 v4, $0.0e+00;
	v8 =	vsel vm0, v8, v19;
	v24 =	vmul.f32 $2.000000030e-01, v6  }
0xc3: {  	[tilespmem:s25+$0xFFFFFFA0] =	vst v5;
	v23 =	vld [tilespmem:s9+$0xFFFFFF50];
	vm15 =	vge.f32 v6, $0.0e+00;
	v27 =	vmul.f32 $2.000000030e-01, v26;
	v8 =	vsub.f32 v8, v30  }
0xc4: {  	[tilespmem:s25+$0xFFFFFFD0] =	vst v25;
	v25 =	vld [tilespmem:s9+$0xFFFFFF80];
	v5 =	vmul.f32 $2.000000030e-01, v4;
	vm1 =	vge.f32 v26, $0.0e+00;
	v6 =	vsel vm15, v6, v24  }
0xc5: {  	v18 =	vld [tilespmem:s9+$0xFFFFFF00];
	v8 =	vmul.f32 $1.442695020e+00, v8;
	v0 =	vsub.f32 v6, v30;
	v6 =	vsel vm1, v26, v27  }
0xc6: {  	v7 =	vmul.f32 v41, v58;
	[tilespmem:s25+$0xFFFFFFC0] =	vst v1;
	v20 =	vld [tilespmem:s9+$0xFFFFFF20];
	v1 =	vsel vm2, v4, v5;
	v4 =	vsub.f32 v6, v30  }
0xc7: {  	[tilespmem:s25+$0xFFFFFFE0] =	vst v3;
	v22 =	vld [tilespmem:s9+$0xFFFFFF40];
	v1 =	vsub.f32 v1, v30;
	(erf) = vpow2.f32 v8;
	v0 =	vmul.f32 $1.442695020e+00, v0  }
0xc8: {  	[tilespmem:s25+$0x0] =	vst v2;
	v9 =	vmul.f32 v42, v57;
	v32 =	vld [tilespmem:s9+$0xFFFFFFC0];
	v4 =	vmul.f32 $1.442695020e+00, v4  }
0xc9: {  	[tilespmem:s25+$0x20] =	vst v63;
	v36 =	vld [tilespmem:s9+$0xFFFFFFD0];
	v1 =	vmul.f32 $1.442695020e+00, v1;
	(erf) = vpow2.f32 v0  }
0xca: {  	v2 =	vmul.f32 v33, v50;
	[tilespmem:s25+$0x10] =	vst v7;
	v37 =	vld [tilespmem:s9+$0xFFFFFFE0];
	(erf) = vpow2.f32 v4  }
0xcb: {  	v3 =	vmul.f32 v31, v49;
	[tilespmem:s25+$0x30] =	vst v9;
	(erf) = vpow2.f32 v1;
	v1 =	vld [tilespmem:$0x1FFE0]  }
0xcc: {  	[tilespmem:s25+$0x60] =	vst v2;
	v39 =	vld [tilespmem:s9+$0x0];
	v5 =	vmul.f32 v28, v51  }
0xcd: {  	v10 =	vimm.s32 $0x7;
	v7 =	vmul.f32 v44, v15;
	v2 =	vmul.f32 v45, v11;
	[tilespmem:s25+$0x50] =	vst v3;
	v19 =	vld [tilespmem:s9+$0xFFFFFF10]  }
0xce: {  	v50 =	vimm.s32 $0x4;
	v3 =	vmul.f32 v38, v13;
	v24 =	vld [tilespmem:s9+$0xFFFFFF70];
	[tilespmem:s25+$0x40] =	vst v5;
	v5 =	vmul.f32 v34, v14  }
0xcf: {  	v44 =	vimm.s32 $0x1;
	v6 =	vmul.f32 v35, v12;
	v8 =	vmul.f32 v46, v56;
	v4 =	vld [tilespmem:s9+$0x100]  }
0xd0: {  	v51 =	vimm.s32 $0x0;
	v26 =	vld [tilespmem:s9+$0xFFFFFF90];
	v0 =	vmul.f32 v40, v48;
	v1 =	vmul.f32 v29, v1;
	v47 =	vpop (erf)  }
0xd1: {  	v49 =	vimm.s32 $0x2;
	v27 =	vld [tilespmem:s9+$0xFFFFFFA0];
	v29 =	vperm.xlane v47, v51;
	v28 =	vperm.xlane v47, v10  }
0xd2: {  	v45 =	vimm.s32 $0x3;
	v41 =	vld [tilespmem:s9+$0x10];
	v14 =	vperm.xlane v47, v44;
	v12 =	vperm.xlane v47, v49  }
0xd3: {  	[tilespmem:s25+$0xC0] =	vst v3;
	v43 =	vld [tilespmem:s9+$0x20];
	v46 =	vimm.s32 $0x5;
	v13 =	vperm.xlane v47, v45;
	v15 =	vperm.xlane v47, v50  }
0xd4: {  	v42 =	vld [tilespmem:s9+$0x30];
	v11 =	vperm.xlane v47, v46;
	[tilespmem:s25+$0x90] =	vst v1;
	v9 =	vpop (erf);
	v1 =	vmul.f32 v4, v28  }
0xd5: {  	v30 =	vld [tilespmem:s9+$0xFFFFFFB0];
	[tilespmem:s25+$0x70] =	vst v0;
	v54 =	vperm.xlane v9, v51;
	v52 =	vperm.xlane v9, v44  }
0xd6: {  	[tilespmem:s25+$0xA0] =	vst v5;
	v31 =	vld [tilespmem:s9+$0x50];
	v55 =	vperm.xlane v9, v49;
	v53 =	vperm.xlane v9, v45  }
0xd7: {  	[tilespmem:s25+$0xB0] =	vst v6;
	v33 =	vld [tilespmem:s9+$0x60];
	v48 =	vpop (erf);
	v62 =	vperm.xlane v9, v46;
	v61 =	vperm.xlane v9, v10  }
0xd8: {  	v40 =	vld [tilespmem:s9+$0x70];
	[tilespmem:$0x1FFE0] =	vst v29;
	v59 =	vperm.xlane v48, v51;
	v58 =	vperm.xlane v48, v44  }
0xd9: {  	v28 =	vld [tilespmem:s9+$0x40];
	v0 =	vpop (erf);
	v60 =	vperm.xlane v48, v49;
	v57 =	vperm.xlane v48, v45;
	[tilespmem:s9+$0x100] =	vst v1  }
0xda: {  	s20 =	sadd.s32 $0x4, s20;
	v29 =	vld [tilespmem:s9+$0x90];
	v56 =	vperm.xlane v0, v51;
	v3 =	vperm.xlane v0, v44;
	[tilespmem:s25+$0xD0] =	vst v7  }
0xdb: {  	p0 =	slt.u32 s20, $0x4C;
	v4 =	vperm.xlane v0, v45;
	v5 =	vperm.xlane v0, v50;
	[tilespmem:s25+$0xE0] =	vst v2;
	v34 =	vld [tilespmem:s9+$0xA0]  }
.Ltmp1:
0xdc: {  	v1 =	vperm.xlane v0, v46;
	v51 =	vperm.xlane v48, v50;
	[tilespmem:s25+$0xF0] =	vst v8;
	v35 =	vld [tilespmem:s9+$0xB0];
	(pc) =	sbr.rel @p0 .LBB2_5-.Ltmp1, $4  }
0xdd: {  	[tilespmem:s9+$0xFFFFFFF0] =	vst v9;
	v7 =	vperm.xlane v0, v49;
	v8 =	vimm.s32 $0x6;
	v2 =	vperm.xlane v0, v10;
	v38 =	vld [tilespmem:s9+$0xC0]  }
0xde: {  	[tilespmem:s9+$0x80] =	vst v48;
	v49 =	vperm.xlane v48, v46;
	v6 =	vperm.xlane v0, v8;
	v44 =	vld [tilespmem:s9+$0xD0]  }
0xdf: {  	[tilespmem:s9+$0xFFFFFF60] =	vst v0;
	v0 =	vperm.xlane v9, v50;
	v63 =	vperm.xlane v9, v8;
	v8 =	vimm.s32 $0x6;
	v45 =	vld [tilespmem:s9+$0xE0]  }
0xe0: {  	s25 =	smov.u32 s9;
	[tilespmem:s9+$0x110] =	vst v47;
	v46 =	vld [tilespmem:s9+$0xF0];
	s9 =	sadd.s32 $0x240, s9;
	v50 =	vperm.xlane v48, v8;
	v48 =	vperm.xlane v48, v10  }
0xe1: {  	v8 =	vmul.f32 v16, v56  }
0xe2: {  	v3 =	vmul.f32 v17, v3  }
0xe3: {  	v7 =	vmul.f32 v18, v7;
	[tilespmem:s25+$0xFFFFFEE0] =	vst v8  }
0xe4: {  	v4 =	vmul.f32 v19, v4;
	[tilespmem:s25+$0xFFFFFEF0] =	vst v3  }
0xe5: {  	v1 =	vmul.f32 v21, v1;
	[tilespmem:s25+$0xFFFFFF00] =	vst v7  }
0xe6: {  	v2 =	vmul.f32 v23, v2;
	[tilespmem:s25+$0xFFFFFF10] =	vst v4  }
0xe7: {  	v0 =	vmul.f32 v30, v0;
	[tilespmem:s25+$0xFFFFFF30] =	vst v1  }
0xe8: {  	v3 =	vmul.f32 v20, v5;
	[tilespmem:s25+$0xFFFFFF50] =	vst v2  }
0xe9: {  	v4 =	vmul.f32 v22, v6;
	[tilespmem:s25+$0xFFFFFFB0] =	vst v0  }
0xea: {  	v1 =	vmul.f32 v24, v54;
	[tilespmem:s25+$0xFFFFFF20] =	vst v3  }
0xeb: {  	v2 =	vmul.f32 v26, v55;
	[tilespmem:s25+$0xFFFFFF40] =	vst v4  }
0xec: {  	v0 =	vmul.f32 v37, v61;
	[tilespmem:s25+$0xFFFFFF70] =	vst v1  }
0xed: {  	v3 =	vmul.f32 v25, v52;
	[tilespmem:s25+$0xFFFFFF90] =	vst v2  }
0xee: {  	v1 =	vmul.f32 v27, v53;
	[tilespmem:s25+$0xFFFFFFE0] =	vst v0  }
0xef: {  	v2 =	vmul.f32 v32, v62;
	[tilespmem:s25+$0xFFFFFF80] =	vst v3  }
0xf0: {  	v0 =	vmul.f32 v43, v60;
	[tilespmem:s25+$0xFFFFFFA0] =	vst v1  }
0xf1: {  	v1 =	vmul.f32 v36, v63;
	[tilespmem:s25+$0xFFFFFFC0] =	vst v2  }
0xf2: {  	v2 =	vmul.f32 v39, v59;
	[tilespmem:s25+$0x20] =	vst v0  }
0xf3: {  	v0 =	vmul.f32 v31, v49;
	[tilespmem:s25+$0xFFFFFFD0] =	vst v1  }
0xf4: {  	v1 =	vmul.f32 v41, v58;
	[tilespmem:s25+$0x0] =	vst v2  }
0xf5: {  	v2 =	vmul.f32 v42, v57;
	[tilespmem:s25+$0x50] =	vst v0  }
0xf6: {  	[tilespmem:s25+$0x10] =	vst v1;
	v1 =	vmul.f32 v28, v51  }
0xf7: {  	[tilespmem:s25+$0x30] =	vst v2  }
0xf8: {  	[tilespmem:s25+$0x40] =	vst v1  }
0xf9: {  	v0 =	vld [tilespmem:$0x1FFE0]  }
0xfa: {  	v2 =	vmul.f32 v33, v50  }
0xfb: {  	v3 =	vmul.f32 v44, v15  }
0xfc: {  	v1 =	vmul.f32 v40, v48;
	[tilespmem:s25+$0x60] =	vst v2  }
0xfd: {  	v2 =	vmul.f32 v34, v14;
	[tilespmem:s25+$0xD0] =	vst v3  }
0xfe: {  	[tilespmem:s25+$0x70] =	vst v1;
	v0 =	vmul.f32 v29, v0  }
0xff: {  	v1 =	vmul.f32 v35, v12;
	[tilespmem:s25+$0xA0] =	vst v2;
	v2 =	vimm.s32 $0x6  }
0x100: {  	v2 =	vperm.xlane v47, v2;
	[tilespmem:s25+$0x90] =	vst v0;
	v0 =	vmul.f32 v38, v13  }
0x101: {  	[tilespmem:s25+$0xB0] =	vst v1;
	v1 =	vmul.f32 v45, v11  }
0x102: {  	[tilespmem:s25+$0xC0] =	vst v0;
	v0 =	vmul.f32 v46, v2  }
0x103: {  	[tilespmem:s25+$0xE0] =	vst v1  }
0x104: {  	[tilespmem:s25+$0xF0] =	vst v0  }
0x105: {  	v0 =	vld [tilespmem:$0x50]  }
0x106: {  	v1 =	vld [tilespmem:$0x60]  }
0x107: {  	v2 =	vld [tilespmem:$0x70]  }
0x108: {  	v3 =	vld [tilespmem:$0x80]  }
0x109: {  	v4 =	vld [tilespmem:$0x90]  }
0x10a: {  	[tilespmem:$0x140] =	vst v0  }
0x10b: {  	s9 =	smul.u32 $0xA0, s22;
	[tilespmem:$0x150] =	vst v1  }
0x10c: {  	[tilespmem:$0x160] =	vst v2  }
0x10d: {  	s9 =	sadd.s32 s9, s23;
	[tilespmem:$0x170] =	vst v3  }
0x10e: {  	s9 =	sshrl.u32 s9, $0x3;
	[tilespmem:$0x180] =	vst v4  }
0x10f: {  	[spmem:s3] =	stream.indirect.scatter.add.f32 [tilespmem:s1], [sflag:$0x5], $0x90, s16, s0, $0xb8;
	[tilespmem:$0x1F1F0] =	vst v63  }
0x110: {  	s20 =	sadd.s32 s7, s9  }
0x111: {  	[tilespmem:s4], [sflag:$0x1] =	stream.linear.gather [hbm4b:s20+s4], $0x50, $0x38;
	[tilespmem:$0x1F1F0] =	vst v63  }
0x112: {  	s9 =	sadd.s32 s2, s9  }
0x113: {  	[tilespmem:s0], [sflag:$0x1] =	stream.linear.gather [hbm4b:s9+s4], $0x50, $0x38;
	[tilespmem:$0x1F1F0] =	vst v63  }
0x114: {  	_ =	swait.ge [sflag:s17], $0x2D00  }
0x115: {  	[sflag:s17] =	ssyncset.done $0x0  }
0x116: {  	[sflag:s17] =	ssyncadd.s32 $0xFFFFD300  }
0x117: {  	_ =	swait.ge [sflag:s17], $0x500  }
0x118: {  	[sflag:s17] =	ssyncset.done $0x0  }
0x119: {  	s25 =	simm.s32 $0x3500;
	[sflag:s17] =	ssyncadd.s32 $0xFFFFFB00  }
0x11a: {  	s26 =	simm.s32 $0x6100;
	v0 =	vld [tilespmem:s25+$0x110]  }
0x11b: {  	v1 =	vld [tilespmem:s26+$0x10];
	_ =	sdelay $0x4  }
0x11c: {  	v2 =	vld [tilespmem:s26+$0xFFFFFFE0];
	v0 =	vadd.f32 v1, v0  }
0x11d: {  	v3 =	vld [tilespmem:s25+$0xFFFFFFF0]  }
0x11e: {  	v4 =	vld [tilespmem:s26+$0xFFFFFFF0];
	v7 =	vmul.f32 $2.000000030e-01, v0  }
0x11f: {  	v5 =	vld [tilespmem:s25+$0x80];
	vm0 =	vge.f32 v0, $0.0e+00  }
0x120: {  	v0 =	vsel vm0, v0, v7;
	v7 =	vld [tilespmem:$0x1FFF0]  }
0x121: {  	v6 =	vld [tilespmem:s26+$0x0]  }
0x122: {  	v1 =	vld [tilespmem:s25+$0xFFFFFF60]  }
0x123: {  	v16 =	vld [tilespmem:s25+$0xFFFFFEE0]  }
0x124: {  	v17 =	vld [tilespmem:s25+$0xFFFFFEF0];
	v3 =	vadd.f32 v4, v3  }
0x125: {  	v18 =	vld [tilespmem:s25+$0xFFFFFF00];
	v0 =	vsub.f32 v0, v7  }
0x126: {  	v19 =	vld [tilespmem:s25+$0xFFFFFF10];
	v4 =	vadd.f32 v6, v5;
	v5 =	vmul.f32 $2.000000030e-01, v3  }
0x127: {  	v20 =	vld [tilespmem:s25+$0xFFFFFF20];
	vm15 =	vge.f32 v3, $0.0e+00;
	v1 =	vadd.f32 v2, v1;
	v0 =	vmul.f32 $1.442695020e+00, v0  }
0x128: {  	v21 =	vld [tilespmem:s25+$0xFFFFFF30];
	vm1 =	vge.f32 v4, $0.0e+00;
	v3 =	vsel vm15, v3, v5;
	v2 =	vmul.f32 $2.000000030e-01, v4  }
0x129: {  	v22 =	vld [tilespmem:s25+$0xFFFFFF40];
	v6 =	vmul.f32 $2.000000030e-01, v1;
	v3 =	vsub.f32 v3, v7;
	(erf) = vpow2.f32 v0  }
0x12a: {  	v23 =	vld [tilespmem:s25+$0xFFFFFF50];
	vm2 =	vge.f32 v1, $0.0e+00;
	v2 =	vsel vm1, v4, v2  }
0x12b: {  	v24 =	vld [tilespmem:s25+$0xFFFFFF70];
	v0 =	vsel vm2, v1, v6;
	v1 =	vsub.f32 v2, v7;
	v2 =	vmul.f32 $1.442695020e+00, v3  }
0x12c: {  	v25 =	vld [tilespmem:s25+$0xFFFFFF80]  }
0x12d: {  	v26 =	vld [tilespmem:s25+$0xFFFFFF90];
	v0 =	vsub.f32 v0, v7;
	(erf) = vpow2.f32 v2  }
0x12e: {  	v27 =	vld [tilespmem:s25+$0xFFFFFFA0];
	v1 =	vmul.f32 $1.442695020e+00, v1  }
0x12f: {  	v30 =	vld [tilespmem:s25+$0xFFFFFFB0];
	v0 =	vmul.f32 $1.442695020e+00, v0  }
0x130: {  	v32 =	vld [tilespmem:s25+$0xFFFFFFC0];
	(erf) = vpow2.f32 v1  }
0x131: {  	v56 =	vimm.s32 $0x7;
	(erf) = vpow2.f32 v0;
	v0 =	vld [tilespmem:s25+$0x100]  }
0x132: {  	v49 =	vimm.s32 $0x3;
	v57 =	vimm.s32 $0x0;
	v51 =	vimm.s32 $0x2;
	v36 =	vld [tilespmem:s25+$0xFFFFFFD0];
	v47 =	vpop (erf)  }
0x133: {  	v45 =	vimm.s32 $0x1;
	v37 =	vld [tilespmem:s25+$0xFFFFFFE0];
	v10 =	vperm.xlane v47, v57;
	v1 =	vperm.xlane v47, v56  }
0x134: {  	v50 =	vimm.s32 $0x4;
	v39 =	vld [tilespmem:s25+$0x0];
	v14 =	vperm.xlane v47, v45;
	v12 =	vperm.xlane v47, v51  }
0x135: {  	v46 =	vimm.s32 $0x5;
	v41 =	vld [tilespmem:s25+$0x10];
	v13 =	vperm.xlane v47, v49;
	v15 =	vperm.xlane v47, v50  }
0x136: {  	v43 =	vld [tilespmem:s25+$0x20];
	v11 =	vperm.xlane v47, v46;
	v9 =	vpop (erf);
	v0 =	vmul.f32 v0, v1  }
0x137: {  	v42 =	vld [tilespmem:s25+$0x30];
	v54 =	vperm.xlane v9, v57;
	v52 =	vperm.xlane v9, v45  }
0x138: {  	v59 =	vimm.s32 $0x6;
	v28 =	vld [tilespmem:s25+$0x40];
	v55 =	vperm.xlane v9, v51;
	v53 =	vperm.xlane v9, v49  }
0x139: {  	v31 =	vld [tilespmem:s25+$0x50];
	v62 =	vperm.xlane v9, v46;
	v63 =	vperm.xlane v9, v59  }
0x13a: {  	v33 =	vld [tilespmem:s25+$0x60];
	v61 =	vperm.xlane v9, v56;
	v48 =	vpop (erf);
	[tilespmem:s25+$0x100] =	vst v0;
	v0 =	vperm.xlane v9, v50  }
0x13b: {  	v29 =	vld [tilespmem:s25+$0x90];
	v44 =	vpop (erf);
	v58 =	vperm.xlane v48, v45;
	v60 =	vperm.xlane v48, v51  }
0x13c: {  	v34 =	vld [tilespmem:s25+$0xA0];
	v7 =	vperm.xlane v44, v57;
	v3 =	vperm.xlane v44, v45  }
0x13d: {  	v35 =	vld [tilespmem:s25+$0xB0];
	v8 =	vperm.xlane v44, v51;
	v4 =	vperm.xlane v44, v49  }
0x13e: {  	v38 =	vld [tilespmem:s25+$0xC0];
	v5 =	vperm.xlane v44, v50;
	v1 =	vperm.xlane v44, v46  }
0x13f: {  	v40 =	vld [tilespmem:s25+$0x70];
	[tilespmem:s25+$0x110] =	vst v47;
	v6 =	vperm.xlane v44, v59;
	v2 =	vperm.xlane v44, v56  }
0x140: {  	v59 =	vperm.xlane v48, v57;
	[tilespmem:s25+$0xFFFFFF60] =	vst v44;
	v44 =	vld [tilespmem:s25+$0xD0];
	v57 =	vperm.xlane v48, v49  }
0x141: {  	[tilespmem:s25+$0xFFFFFFF0] =	vst v9;
	v9 =	vimm.s32 $0x6;
	v45 =	vld [tilespmem:s25+$0xE0];
	v51 =	vperm.xlane v48, v50;
	v49 =	vperm.xlane v48, v46  }
0x142: {  	s20 =	simm.s32 $0x0;
	s9 =	simm.s32 $0x3740;
	[tilespmem:s25+$0x80] =	vst v48;
	v46 =	vld [tilespmem:s25+$0xF0];
	v50 =	vperm.xlane v48, v9;
	v48 =	vperm.xlane v48, v56  }
.LBB2_7:
0x143: {  	v7 =	vmul.f32 v16, v7  }
0x144: {  	s26 =	sadd.s32 $0x40, s26;
	v16 =	vimm.s32 $0x6;
	v3 =	vmul.f32 v17, v3  }
0x145: {  	v8 =	vmul.f32 v18, v8;
	v56 =	vperm.xlane v47, v16;
	v47 =	vld [tilespmem:s26+$0xFFFFFFE0];
	[tilespmem:s25+$0xFFFFFEE0] =	vst v7  }
0x146: {  	v4 =	vmul.f32 v19, v4;
	[tilespmem:s25+$0xFFFFFEF0] =	vst v3  }
0x147: {  	v9 =	vld [tilespmem:s9+$0x110];
	v5 =	vmul.f32 v20, v5;
	[tilespmem:s25+$0xFFFFFF00] =	vst v8  }
0x148: {  	v1 =	vmul.f32 v21, v1;
	v16 =	vld [tilespmem:s26+$0x10];
	[tilespmem:s25+$0xFFFFFF10] =	vst v4  }
0x149: {  	v2 =	vmul.f32 v23, v2;
	v23 =	vld [tilespmem:s9+$0xFFFFFF60];
	[tilespmem:s25+$0xFFFFFF20] =	vst v5  }
0x14a: {  	v21 =	vmul.f32 v26, v55;
	v7 =	vld [tilespmem:s9+$0xFFFFFFF0];
	[tilespmem:s25+$0xFFFFFF30] =	vst v1  }
0x14b: {  	v0 =	vmul.f32 v30, v0;
	v3 =	vmul.f32 v22, v6;
	v6 =	vld [tilespmem:s26+$0xFFFFFFF0];
	[tilespmem:s25+$0xFFFFFF50] =	vst v2  }
0x14c: {  	v20 =	vld [tilespmem:s9+$0x80];
	[tilespmem:s25+$0xFFFFFF90] =	vst v21  }
0x14d: {  	v30 =	vld [tilespmem:$0x1FFF0];
	v8 =	vmul.f32 v24, v54;
	v4 =	vmul.f32 v25, v52;
	[tilespmem:s25+$0xFFFFFFB0] =	vst v0;
	v9 =	vadd.f32 v16, v9  }
0x14e: {  	v22 =	vld [tilespmem:s26+$0x0];
	v5 =	vmul.f32 v27, v53;
	v1 =	vmul.f32 v32, v62;
	[tilespmem:s25+$0xFFFFFF40] =	vst v3  }
0x14f: {  	v25 =	vmul.f32 v36, v63;
	v17 =	vld [tilespmem:s9+$0xFFFFFEF0];
	[tilespmem:s25+$0xFFFFFF70] =	vst v8;
	v19 =	vmul.f32 $2.000000030e-01, v9  }
0x150: {  	v2 =	vmul.f32 v39, v59;
	v18 =	vld [tilespmem:s9+$0xFFFFFF00];
	[tilespmem:s25+$0xFFFFFF80] =	vst v4;
	v6 =	vadd.f32 v6, v7;
	vm0 =	vge.f32 v9, $0.0e+00  }
0x151: {  	v3 =	vmul.f32 v37, v61;
	v8 =	vmul.f32 v41, v58;
	[tilespmem:s25+$0xFFFFFFA0] =	vst v5;
	v21 =	vld [tilespmem:s9+$0xFFFFFF30];
	v7 =	vsel vm0, v9, v19  }
0x152: {  	v58 =	vmul.f32 v42, v57;
	[tilespmem:s25+$0xFFFFFFD0] =	vst v25;
	v25 =	vld [tilespmem:s9+$0xFFFFFF80];
	v24 =	vmul.f32 $2.000000030e-01, v6;
	v7 =	vsub.f32 v7, v30  }
0x153: {  	[tilespmem:s25+$0x0] =	vst v2;
	v2 =	vmul.f32 v33, v50;
	v16 =	vld [tilespmem:s9+$0xFFFFFEE0];
	v4 =	vadd.f32 v47, v23;
	vm15 =	vge.f32 v6, $0.0e+00  }
0x154: {  	v23 =	vld [tilespmem:s9+$0xFFFFFF50];
	[tilespmem:s25+$0xFFFFFFE0] =	vst v3;
	v26 =	vadd.f32 v22, v20;
	v6 =	vsel vm15, v6, v24;
	v7 =	vmul.f32 $1.442695020e+00, v7  }
0x155: {  	v3 =	vmul.f32 v31, v49;
	[tilespmem:s25+$0x10] =	vst v8;
	v8 =	vmul.f32 v44, v15;
	v20 =	vld [tilespmem:s9+$0xFFFFFF20];
	v0 =	vsub.f32 v6, v30  }
0x156: {  	[tilespmem:s25+$0xFFFFFFC0] =	vst v1;
	v22 =	vld [tilespmem:s9+$0xFFFFFF40];
	v27 =	vmul.f32 $2.000000030e-01, v26;
	(erf) = vpow2.f32 v7  }
0x157: {  	v32 =	vld [tilespmem:s9+$0xFFFFFFC0];
	v5 =	vmul.f32 $2.000000030e-01, v4;
	vm1 =	vge.f32 v26, $0.0e+00;
	v0 =	vmul.f32 $1.442695020e+00, v0  }
0x158: {  	[tilespmem:s25+$0x60] =	vst v2;
	v2 =	vmul.f32 v45, v11;
	v36 =	vld [tilespmem:s9+$0xFFFFFFD0];
	vm2 =	vge.f32 v4, $0.0e+00;
	v6 =	vsel vm1, v26, v27  }
0x159: {  	v37 =	vld [tilespmem:s9+$0xFFFFFFE0];
	v1 =	vsel vm2, v4, v5;
	v4 =	vsub.f32 v6, v30;
	(erf) = vpow2.f32 v0  }
0x15a: {  	[tilespmem:s25+$0x50] =	vst v3;
	v3 =	vmul.f32 v38, v13;
	v19 =	vld [tilespmem:s9+$0xFFFFFF10];
	v5 =	vmul.f32 v28, v51;
	v1 =	vsub.f32 v1, v30  }
0x15b: {  	v9 =	vmul.f32 v43, v60;
	v24 =	vld [tilespmem:s9+$0xFFFFFF70];
	v4 =	vmul.f32 $1.442695020e+00, v4  }
0x15c: {  	v50 =	vimm.s32 $0x2;
	v26 =	vld [tilespmem:s9+$0xFFFFFF90];
	[tilespmem:s25+$0x40] =	vst v5;
	v5 =	vmul.f32 v34, v14;
	v1 =	vmul.f32 $1.442695020e+00, v1  }
0x15d: {  	v44 =	vimm.s32 $0x0;
	v27 =	vld [tilespmem:s9+$0xFFFFFFA0];
	[tilespmem:s25+$0x20] =	vst v9;
	v9 =	vmul.f32 v46, v56;
	(erf) = vpow2.f32 v4  }
0x15e: {  	[tilespmem:s25+$0x30] =	vst v58;
	v45 =	vimm.s32 $0x1;
	v30 =	vld [tilespmem:s9+$0xFFFFFFB0];
	v6 =	vmul.f32 v35, v12;
	(erf) = vpow2.f32 v1  }
0x15f: {  	v56 =	vimm.s32 $0x7;
	v39 =	vld [tilespmem:s9+$0x0];
	v0 =	vmul.f32 v40, v48;
	v1 =	vmul.f32 v29, v10;
	v47 =	vpop (erf)  }
0x160: {  	v49 =	vimm.s32 $0x3;
	[tilespmem:$0x1FFD0] =	vst v16;
	v41 =	vld [tilespmem:s9+$0x10];
	v16 =	vperm.xlane v47, v44;
	v7 =	vperm.xlane v47, v56  }
0x161: {  	v51 =	vimm.s32 $0x4;
	v4 =	vld [tilespmem:s9+$0x100];
	v14 =	vperm.xlane v47, v45;
	v12 =	vperm.xlane v47, v50  }
0x162: {  	v46 =	vimm.s32 $0x5;
	v43 =	vld [tilespmem:s9+$0x20];
	v13 =	vperm.xlane v47, v49;
	v15 =	vperm.xlane v47, v51;
	v59 =	vpop (erf)  }
0x163: {  	v42 =	vld [tilespmem:s9+$0x30];
	[tilespmem:s25+$0x70] =	vst v0;
	v11 =	vperm.xlane v47, v46;
	v54 =	vperm.xlane v59, v44  }
0x164: {  	[tilespmem:s25+$0xC0] =	vst v3;
	v28 =	vld [tilespmem:s9+$0x40];
	v52 =	vperm.xlane v59, v45;
	v55 =	vperm.xlane v59, v50  }
0x165: {  	[tilespmem:s25+$0xA0] =	vst v5;
	v31 =	vld [tilespmem:s9+$0x50];
	v53 =	vperm.xlane v59, v49;
	v62 =	vperm.xlane v59, v46  }
0x166: {  	v10 =	vimm.s32 $0x6;
	v33 =	vld [tilespmem:s9+$0x60];
	[tilespmem:s25+$0x90] =	vst v1;
	v48 =	vpop (erf);
	v61 =	vperm.xlane v59, v56;
	v1 =	vmul.f32 v4, v7  }
0x167: {  	[tilespmem:s25+$0xB0] =	vst v6;
	v40 =	vld [tilespmem:s9+$0x70];
	v0 =	vpop (erf);
	v58 =	vperm.xlane v48, v45;
	v60 =	vperm.xlane v48, v50  }
0x168: {  	v29 =	vld [tilespmem:s9+$0x90];
	v7 =	vperm.xlane v0, v44;
	v3 =	vperm.xlane v0, v45;
	[tilespmem:s9+$0x100] =	vst v1  }
0x169: {  	s20 =	sadd.s32 $0x4, s20;
	[tilespmem:s25+$0xD0] =	vst v8;
	v8 =	vperm.xlane v0, v50;
	v50 =	vperm.xlane v48, v10;
	v10 =	vmov v16;
	v16 =	vld [tilespmem:$0x1FFD0]  }
0x16a: {  	p0 =	slt.u32 s20, $0x4C;
	v4 =	vperm.xlane v0, v49;
	v5 =	vperm.xlane v0, v51;
	[tilespmem:s25+$0xE0] =	vst v2;
	v34 =	vld [tilespmem:s9+$0xA0]  }
.Ltmp2:
0x16b: {  	v1 =	vperm.xlane v0, v46;
	[tilespmem:s25+$0xF0] =	vst v9;
	v9 =	vimm.s32 $0x6;
	v2 =	vperm.xlane v0, v56;
	v35 =	vld [tilespmem:s9+$0xB0];
	(pc) =	sbr.rel @p0 .LBB2_7-.Ltmp2, $4  }
0x16c: {  	[tilespmem:s9+$0xFFFFFF60] =	vst v0;
	v6 =	vperm.xlane v0, v9;
	v0 =	vperm.xlane v59, v51;
	v38 =	vld [tilespmem:s9+$0xC0]  }
0x16d: {  	[tilespmem:s9+$0xFFFFFFF0] =	vst v59;
	v63 =	vperm.xlane v59, v9;
	v59 =	vperm.xlane v48, v44;
	v44 =	vld [tilespmem:s9+$0xD0]  }
0x16e: {  	[tilespmem:s9+$0x80] =	vst v48;
	v57 =	vperm.xlane v48, v49;
	v49 =	vperm.xlane v48, v46;
	v45 =	vld [tilespmem:s9+$0xE0]  }
0x16f: {  	s25 =	smov.u32 s9;
	[tilespmem:s9+$0x110] =	vst v47;
	v51 =	vperm.xlane v48, v51;
	v46 =	vld [tilespmem:s9+$0xF0];
	v9 =	vimm.s32 $0x6;
	v48 =	vperm.xlane v48, v56;
	s9 =	sadd.s32 $0x240, s9  }
0x170: {  	v7 =	vmul.f32 v16, v7  }
0x171: {  	v3 =	vmul.f32 v17, v3  }
0x172: {  	v8 =	vmul.f32 v18, v8;
	[tilespmem:s25+$0xFFFFFEE0] =	vst v7  }
0x173: {  	v4 =	vmul.f32 v19, v4;
	[tilespmem:s25+$0xFFFFFEF0] =	vst v3  }
0x174: {  	v20 =	vmul.f32 v20, v5;
	[tilespmem:s25+$0xFFFFFF00] =	vst v8  }
0x175: {  	v1 =	vmul.f32 v21, v1;
	[tilespmem:s25+$0xFFFFFF10] =	vst v4  }
0x176: {  	v22 =	vmul.f32 v22, v6;
	[tilespmem:s25+$0xFFFFFF20] =	vst v20  }
0x177: {  	v2 =	vmul.f32 v23, v2;
	[tilespmem:s25+$0xFFFFFF30] =	vst v1  }
0x178: {  	v24 =	vmul.f32 v24, v54;
	[tilespmem:s25+$0xFFFFFF40] =	vst v22  }
0x179: {  	v25 =	vmul.f32 v25, v52;
	[tilespmem:s25+$0xFFFFFF50] =	vst v2  }
0x17a: {  	v26 =	vmul.f32 v26, v55;
	[tilespmem:s25+$0xFFFFFF70] =	vst v24  }
0x17b: {  	v27 =	vmul.f32 v27, v53;
	[tilespmem:s25+$0xFFFFFF80] =	vst v25  }
0x17c: {  	v0 =	vmul.f32 v30, v0;
	[tilespmem:s25+$0xFFFFFF90] =	vst v26  }
0x17d: {  	v30 =	vmul.f32 v32, v62;
	[tilespmem:s25+$0xFFFFFFA0] =	vst v27  }
0x17e: {  	v32 =	vmul.f32 v36, v63;
	[tilespmem:s25+$0xFFFFFFB0] =	vst v0  }
0x17f: {  	v36 =	vmul.f32 v37, v61;
	[tilespmem:s25+$0xFFFFFFC0] =	vst v30  }
0x180: {  	v37 =	vmul.f32 v39, v59;
	[tilespmem:s25+$0xFFFFFFD0] =	vst v32  }
0x181: {  	v39 =	vmul.f32 v41, v58;
	[tilespmem:s25+$0xFFFFFFE0] =	vst v36  }
0x182: {  	v41 =	vmul.f32 v43, v60;
	[tilespmem:s25+$0x0] =	vst v37  }
0x183: {  	v43 =	vmul.f32 v42, v57;
	[tilespmem:s25+$0x10] =	vst v39  }
0x184: {  	v52 =	vmul.f32 v31, v49;
	[tilespmem:s25+$0x20] =	vst v41  }
0x185: {  	v53 =	vmul.f32 v33, v50;
	[tilespmem:s25+$0x30] =	vst v43  }
0x186: {  	v55 =	vmul.f32 v29, v10;
	[tilespmem:s25+$0x50] =	vst v52  }
0x187: {  	v56 =	vmul.f32 v34, v14;
	[tilespmem:s25+$0x60] =	vst v53  }
0x188: {  	v57 =	vmul.f32 v35, v12;
	[tilespmem:s25+$0x90] =	vst v55  }
0x189: {  	v51 =	vmul.f32 v28, v51;
	[tilespmem:s25+$0xA0] =	vst v56  }
0x18a: {  	v54 =	vmul.f32 v40, v48;
	[tilespmem:s25+$0xB0] =	vst v57  }
0x18b: {  	v58 =	vmul.f32 v38, v13;
	[tilespmem:s25+$0x40] =	vst v51  }
0x18c: {  	v59 =	vperm.xlane v47, v9;
	v60 =	vmul.f32 v44, v15;
	[tilespmem:s25+$0x70] =	vst v54  }
0x18d: {  	v61 =	vmul.f32 v45, v11;
	[tilespmem:s25+$0xC0] =	vst v58  }
0x18e: {  	v62 =	vmul.f32 v46, v59;
	[tilespmem:s25+$0xD0] =	vst v60  }
0x18f: {  	[tilespmem:s25+$0xE0] =	vst v61  }
0x190: {  	[tilespmem:s25+$0xF0] =	vst v62  }
0x191: {  	v0 =	vld [tilespmem:$0xF0]  }
0x192: {  	v1 =	vld [tilespmem:$0x100]  }
0x193: {  	v63 =	vld [tilespmem:$0x110]  }
0x194: {  	v3 =	vld [tilespmem:$0x120]  }
0x195: {  	s9 =	sshll.u32 s22, $0x1;
	v4 =	vld [tilespmem:$0x130]  }
0x196: {  	s9 =	smin.u32 s9, $0x79;
	[tilespmem:$0x190] =	vst v0  }
0x197: {  	s9 =	smul.u32 $0x50, s9;
	[tilespmem:$0x1A0] =	vst v1  }
0x198: {  	[tilespmem:$0x1B0] =	vst v63  }
0x199: {  	s9 =	sadd.s32 s9, s24;
	[tilespmem:$0x1C0] =	vst v3  }
0x19a: {  	s9 =	sshrl.u32 s9, $0x3;
	[tilespmem:$0x1D0] =	vst v4  }
0x19b: {  	[spmem:s3] =	stream.indirect.scatter.add.f32 [tilespmem:s13], [sflag:$0x6], $0x90, s18, s0, $0xb8;
	[tilespmem:$0x1F1F0] =	vst v63  }
0x19c: {  	s20 =	sadd.s32 s7, s9  }
0x19d: {  	[tilespmem:s10], [sflag:$0x2] =	stream.linear.gather [hbm4b:s20+s4], $0x50, $0x38;
	[tilespmem:$0x1F1F0] =	vst v63  }
0x19e: {  	s9 =	sadd.s32 s2, s9  }
0x19f: {  	[tilespmem:s11], [sflag:$0x2] =	stream.linear.gather [hbm4b:s9+s4], $0x50, $0x38;
	[tilespmem:$0x1F1F0] =	vst v63  }
0x1a0: {  	_ =	swait.ge [sflag:s19], $0x2D00  }
0x1a1: {  	[sflag:s19] =	ssyncset.done $0x0  }
0x1a2: {  	[sflag:s19] =	ssyncadd.s32 $0xFFFFD300  }
0x1a3: {  	_ =	swait.ge [sflag:s30], $0x50  }
0x1a4: {  	[sflag:s30] =	ssyncset.done $0x0  }
0x1a5: {  	s22 =	sadd.s32 $0x1, s22;
	[sflag:s30] =	ssyncadd.s32 $0xFFFFFFB0  }
0x1a6: {  	p0 =	sne.s32 s22, $0x3E;
	_ =	swait.ge [sflag:s30], $0x50  }
.Ltmp3:
0x1a7: {  	[sflag:s30] =	ssyncset.done $0x0;
	(pc) =	sbr.rel @p0 .LBB2_4-.Ltmp3, $4  }
0x1a8: {  	[sflag:s30] =	ssyncadd.s32 $0xFFFFFFB0  }
0x1a9: {  	v49 =	vimm.s32 $0x3;
	[tilespmem:s1], [sflag:$0x3] =	stream.indirect.gather [hbm4b:s5+s0], $0x90, s4, s0, $0xb8;
	[tilespmem:$0x1F1F0] =	vst v63  }
0x1aa: {  	v34 =	vimm.s32 $0x6;
	v8 =	vimm.s32 $0x7;
	v56 =	vimm.s32 $0x0  }
0x1ab: {  	v45 =	vimm.s32 $0x1;
	v51 =	vimm.s32 $0x4;
	v46 =	vimm.s32 $0x2;
	v10 =	vld [tilespmem:$0x1FFF0];
	[tilespmem:s8], [sflag:$0x3] =	stream.indirect.gather [hbm4b:s6+s0], $0x10, s0, s0, $0xb8  }
0x1ac: {  	s9 =	simm.s32 $0x6  }
0x1ad: {  	_ =	swait.ge [sflag:s9], $0x2D00  }
0x1ae: {  	[sflag:s9] =	ssyncset.done $0x0  }
0x1af: {  	[sflag:s9] =	ssyncadd.s32 $0xFFFFD300  }
0x1b0: {  	_ =	swait.ge [sflag:s15], $0x2D00  }
0x1b1: {  	[sflag:s15] =	ssyncset.done $0x0  }
0x1b2: {  	[sflag:s15] =	ssyncadd.s32 $0xFFFFD300  }
0x1b3: {  	_ =	swait.ge [sflag:s15], $0x500  }
0x1b4: {  	[sflag:s15] =	ssyncset.done $0x0  }
0x1b5: {  	s22 =	simm.s32 $0x300;
	[sflag:s15] =	ssyncadd.s32 $0xFFFFFB00  }
0x1b6: {  	s25 =	simm.s32 $0x2F00;
	v0 =	vld [tilespmem:s22+$0x110]  }
0x1b7: {  	v1 =	vld [tilespmem:s25+$0x10];
	_ =	sdelay $0x2  }
0x1b8: {  	v2 =	vld [tilespmem:s25+$0xFFFFFFE0]  }
0x1b9: {  	v3 =	vld [tilespmem:s22+$0xFFFFFFF0]  }
0x1ba: {  	v4 =	vld [tilespmem:s25+$0xFFFFFFF0];
	v0 =	vadd.f32 v1, v0  }
0x1bb: {  	v5 =	vld [tilespmem:s22+$0x80]  }
0x1bc: {  	v6 =	vld [tilespmem:s25+$0x0];
	v7 =	vmul.f32 $2.000000030e-01, v0  }
0x1bd: {  	v1 =	vld [tilespmem:s22+$0xFFFFFF60];
	vm0 =	vge.f32 v0, $0.0e+00  }
0x1be: {  	v0 =	vsel vm0, v0, v7  }
0x1bf: {  	v16 =	vld [tilespmem:s22+$0xFFFFFEE0];
	v3 =	vadd.f32 v4, v3;
	v0 =	vsub.f32 v0, v10  }
0x1c0: {  	v17 =	vld [tilespmem:s22+$0xFFFFFEF0]  }
0x1c1: {  	v18 =	vld [tilespmem:s22+$0xFFFFFF00];
	v4 =	vadd.f32 v6, v5;
	v5 =	vmul.f32 $2.000000030e-01, v3;
	v0 =	vmul.f32 $1.442695020e+00, v0  }
0x1c2: {  	v19 =	vld [tilespmem:s22+$0xFFFFFF10];
	vm15 =	vge.f32 v3, $0.0e+00;
	v1 =	vadd.f32 v2, v1  }
0x1c3: {  	v20 =	vld [tilespmem:s22+$0xFFFFFF20];
	v3 =	vsel vm15, v3, v5;
	v2 =	vmul.f32 $2.000000030e-01, v4;
	(erf) = vpow2.f32 v0  }
0x1c4: {  	v21 =	vld [tilespmem:s22+$0xFFFFFF30];
	vm1 =	vge.f32 v4, $0.0e+00;
	v3 =	vsub.f32 v3, v10;
	v6 =	vmul.f32 $2.000000030e-01, v1  }
0x1c5: {  	v22 =	vld [tilespmem:s22+$0xFFFFFF40];
	vm2 =	vge.f32 v1, $0.0e+00;
	v2 =	vsel vm1, v4, v2  }
0x1c6: {  	v23 =	vld [tilespmem:s22+$0xFFFFFF50];
	v0 =	vsel vm2, v1, v6;
	v1 =	vsub.f32 v2, v10;
	v2 =	vmul.f32 $1.442695020e+00, v3  }
0x1c7: {  	v24 =	vld [tilespmem:s22+$0xFFFFFF70]  }
0x1c8: {  	v25 =	vld [tilespmem:s22+$0xFFFFFF80];
	(erf) = vpow2.f32 v2  }
0x1c9: {  	v26 =	vld [tilespmem:s22+$0xFFFFFF90]  }
0x1ca: {  	v27 =	vld [tilespmem:s22+$0xFFFFFFA0];
	v0 =	vsub.f32 v0, v10;
	v1 =	vmul.f32 $1.442695020e+00, v1  }
0x1cb: {  	v30 =	vld [tilespmem:s22+$0xFFFFFFB0]  }
0x1cc: {  	v32 =	vld [tilespmem:s22+$0xFFFFFFC0];
	v0 =	vmul.f32 $1.442695020e+00, v0;
	(erf) = vpow2.f32 v1;
	v47 =	vpop (erf)  }
0x1cd: {  	v36 =	vld [tilespmem:s22+$0xFFFFFFD0];
	v1 =	vperm.xlane v47, v56  }
0x1ce: {  	v37 =	vld [tilespmem:s22+$0xFFFFFFE0];
	(erf) = vpow2.f32 v0  }
0x1cf: {  	v0 =	vld [tilespmem:s22+$0x100];
	v14 =	vperm.xlane v47, v45;
	[tilespmem:$0x1FFC0] =	vst v1  }
0x1d0: {  	v50 =	vimm.s32 $0x5;
	v12 =	vperm.xlane v47, v46;
	v13 =	vperm.xlane v47, v49;
	v39 =	vld [tilespmem:s22+$0x0]  }
0x1d1: {  	v15 =	vperm.xlane v47, v51;
	v11 =	vperm.xlane v47, v50;
	v9 =	vpop (erf);
	v41 =	vld [tilespmem:s22+$0x10]  }
0x1d2: {  	v1 =	vperm.xlane v47, v8;
	v54 =	vperm.xlane v9, v56;
	v43 =	vld [tilespmem:s22+$0x20]  }
0x1d3: {  	v38 =	vimm.s32 $0x7;
	v52 =	vperm.xlane v9, v45;
	v55 =	vperm.xlane v9, v46;
	v42 =	vld [tilespmem:s22+$0x30]  }
0x1d4: {  	v40 =	vimm.s32 $0x6;
	v53 =	vperm.xlane v9, v49;
	v62 =	vperm.xlane v9, v50;
	v28 =	vld [tilespmem:s22+$0x40]  }
0x1d5: {  	v63 =	vperm.xlane v9, v40;
	v61 =	vperm.xlane v9, v38;
	v48 =	vpop (erf);
	v31 =	vld [tilespmem:s22+$0x50]  }
0x1d6: {  	v33 =	vld [tilespmem:s22+$0x60];
	v0 =	vmul.f32 v0, v1;
	v59 =	vperm.xlane v48, v56  }
0x1d7: {  	v29 =	vld [tilespmem:s22+$0x90];
	v44 =	vpop (erf);
	v58 =	vperm.xlane v48, v45;
	v60 =	vperm.xlane v48, v46  }
0x1d8: {  	v35 =	vld [tilespmem:s22+$0xB0];
	v57 =	vperm.xlane v48, v49;
	v7 =	vperm.xlane v44, v56  }
0x1d9: {  	v40 =	vld [tilespmem:s22+$0x70];
	v3 =	vperm.xlane v44, v45;
	v8 =	vperm.xlane v44, v46  }
0x1da: {  	[tilespmem:s22+$0xFFFFFFF0] =	vst v9;
	v4 =	vperm.xlane v44, v49;
	v6 =	vperm.xlane v44, v34;
	v34 =	vld [tilespmem:s22+$0xA0]  }
0x1db: {  	v5 =	vperm.xlane v44, v51;
	v2 =	vperm.xlane v44, v38;
	v38 =	vld [tilespmem:s22+$0xC0];
	[tilespmem:s22+$0xFFFFFF60] =	vst v44  }
0x1dc: {  	v1 =	vperm.xlane v44, v50;
	v44 =	vld [tilespmem:s22+$0xD0];
	[tilespmem:s22+$0x100] =	vst v0;
	v0 =	vperm.xlane v9, v51;
	v9 =	vimm.s32 $0x6  }
0x1dd: {  	[tilespmem:s22+$0x110] =	vst v47;
	v45 =	vld [tilespmem:s22+$0xE0];
	v49 =	vperm.xlane v48, v50;
	v50 =	vperm.xlane v48, v9;
	v9 =	vimm.s32 $0x7  }
0x1de: {  	s20 =	simm.s32 $0x0;
	s9 =	simm.s32 $0x540;
	[tilespmem:s22+$0x80] =	vst v48;
	v46 =	vld [tilespmem:s22+$0xF0];
	v51 =	vperm.xlane v48, v51;
	v48 =	vperm.xlane v48, v9  }
.LBB2_10:
0x1df: {  	_ =	sdelay $0x3  }
0x1e0: {  	v7 =	vmul.f32 v16, v7  }
0x1e1: {  	s25 =	sadd.s32 $0x40, s25;
	v16 =	vimm.s32 $0x6;
	v3 =	vmul.f32 v17, v3  }
0x1e2: {  	v8 =	vmul.f32 v18, v8;
	v56 =	vperm.xlane v47, v16;
	v47 =	vld [tilespmem:s25+$0xFFFFFFE0];
	[tilespmem:s22+$0xFFFFFEE0] =	vst v7  }
0x1e3: {  	v4 =	vmul.f32 v19, v4;
	[tilespmem:s22+$0xFFFFFEF0] =	vst v3  }
0x1e4: {  	v5 =	vmul.f32 v20, v5;
	[tilespmem:s22+$0xFFFFFF00] =	vst v8  }
0x1e5: {  	v9 =	vld [tilespmem:s9+$0x110];
	v1 =	vmul.f32 v21, v1;
	[tilespmem:s22+$0xFFFFFF10] =	vst v4  }
0x1e6: {  	v2 =	vmul.f32 v23, v2;
	v23 =	vld [tilespmem:s9+$0xFFFFFF60];
	[tilespmem:s22+$0xFFFFFF20] =	vst v5  }
0x1e7: {  	v21 =	vmul.f32 v26, v55;
	v16 =	vld [tilespmem:s25+$0x10];
	[tilespmem:s22+$0xFFFFFF30] =	vst v1  }
0x1e8: {  	v20 =	vld [tilespmem:s9+$0x80];
	v0 =	vmul.f32 v30, v0;
	[tilespmem:s22+$0xFFFFFF50] =	vst v2  }
0x1e9: {  	v3 =	vmul.f32 v22, v6;
	v6 =	vld [tilespmem:s25+$0xFFFFFFF0];
	[tilespmem:s22+$0xFFFFFF90] =	vst v21  }
0x1ea: {  	v7 =	vld [tilespmem:s9+$0xFFFFFFF0];
	v8 =	vmul.f32 v24, v54;
	[tilespmem:s22+$0xFFFFFFB0] =	vst v0  }
0x1eb: {  	v4 =	vmul.f32 v25, v52;
	v22 =	vld [tilespmem:s25+$0x0];
	[tilespmem:s22+$0xFFFFFF40] =	vst v3  }
0x1ec: {  	v5 =	vmul.f32 v27, v53;
	[tilespmem:s22+$0xFFFFFF70] =	vst v8;
	v9 =	vadd.f32 v16, v9  }
0x1ed: {  	v1 =	vmul.f32 v32, v62;
	v25 =	vmul.f32 v36, v63;
	v18 =	vld [tilespmem:s9+$0xFFFFFF00];
	[tilespmem:s22+$0xFFFFFF80] =	vst v4  }
0x1ee: {  	v2 =	vmul.f32 v39, v59;
	[tilespmem:s22+$0xFFFFFFA0] =	vst v5;
	v21 =	vld [tilespmem:s9+$0xFFFFFF30];
	v19 =	vmul.f32 $2.000000030e-01, v9  }
0x1ef: {  	v3 =	vmul.f32 v37, v61;
	[tilespmem:s22+$0xFFFFFFD0] =	vst v25;
	v25 =	vld [tilespmem:s9+$0xFFFFFF80];
	v6 =	vadd.f32 v6, v7;
	vm0 =	vge.f32 v9, $0.0e+00  }
0x1f0: {  	v16 =	vld [tilespmem:s9+$0xFFFFFEE0];
	v4 =	vadd.f32 v47, v23;
	v26 =	vadd.f32 v22, v20;
	v7 =	vsel vm0, v9, v19  }
0x1f1: {  	v8 =	vmul.f32 v41, v58;
	v23 =	vld [tilespmem:s9+$0xFFFFFF50];
	v24 =	vmul.f32 $2.000000030e-01, v6;
	v7 =	vsub.f32 v7, v10  }
0x1f2: {  	[tilespmem:s22+$0xFFFFFFC0] =	vst v1;
	v20 =	vld [tilespmem:s9+$0xFFFFFF20];
	v5 =	vmul.f32 $2.000000030e-01, v4;
	vm15 =	vge.f32 v6, $0.0e+00;
	v27 =	vmul.f32 $2.000000030e-01, v26  }
0x1f3: {  	[tilespmem:s22+$0xFFFFFFE0] =	vst v3;
	v22 =	vld [tilespmem:s9+$0xFFFFFF40];
	vm1 =	vge.f32 v26, $0.0e+00;
	v6 =	vsel vm15, v6, v24;
	v7 =	vmul.f32 $1.442695020e+00, v7  }
0x1f4: {  	v30 =	vld [tilespmem:s9+$0xFFFFFFB0];
	vm2 =	vge.f32 v4, $0.0e+00;
	v0 =	vsub.f32 v6, v10;
	v6 =	vsel vm1, v26, v27  }
0x1f5: {  	v32 =	vld [tilespmem:s9+$0xFFFFFFC0];
	v1 =	vsel vm2, v4, v5;
	v4 =	vsub.f32 v6, v10;
	(erf) = vpow2.f32 v7  }
0x1f6: {  	v58 =	vmul.f32 v42, v57;
	[tilespmem:s22+$0x0] =	vst v2;
	v36 =	vld [tilespmem:s9+$0xFFFFFFD0];
	v1 =	vsub.f32 v1, v10;
	v0 =	vmul.f32 $1.442695020e+00, v0  }
0x1f7: {  	v2 =	vmul.f32 v33, v50;
	[tilespmem:s22+$0x10] =	vst v8;
	v37 =	vld [tilespmem:s9+$0xFFFFFFE0];
	v4 =	vmul.f32 $1.442695020e+00, v4  }
0x1f8: {  	[tilespmem:s22+$0x30] =	vst v58;
	v19 =	vld [tilespmem:s9+$0xFFFFFF10];
	v1 =	vmul.f32 $1.442695020e+00, v1;
	(erf) = vpow2.f32 v0  }
0x1f9: {  	v3 =	vmul.f32 v31, v49;
	[tilespmem:$0x1FFB0] =	vst v16;
	v16 =	vld [tilespmem:s9+$0xFFFFFEF0];
	(erf) = vpow2.f32 v4  }
0x1fa: {  	[tilespmem:s22+$0x60] =	vst v2;
	v9 =	vmul.f32 v43, v60;
	(erf) = vpow2.f32 v1;
	v1 =	vld [tilespmem:$0x1FFC0]  }
0x1fb: {  	v50 =	vimm.s32 $0x4;
	v8 =	vmul.f32 v44, v15;
	[tilespmem:s22+$0x50] =	vst v3;
	v5 =	vmul.f32 v28, v51;
	v24 =	vld [tilespmem:s9+$0xFFFFFF70]  }
0x1fc: {  	v2 =	vmul.f32 v45, v11;
	v11 =	vimm.s32 $0x7;
	v3 =	vmul.f32 v38, v13;
	v26 =	vld [tilespmem:s9+$0xFFFFFF90];
	[tilespmem:s22+$0x20] =	vst v9  }
0x1fd: {  	v44 =	vimm.s32 $0x1;
	v27 =	vld [tilespmem:s9+$0xFFFFFFA0];
	[tilespmem:s22+$0x40] =	vst v5;
	v5 =	vmul.f32 v34, v14;
	v9 =	vmul.f32 v46, v56  }
0x1fe: {  	v56 =	vimm.s32 $0x0;
	v6 =	vmul.f32 v35, v12;
	v39 =	vld [tilespmem:s9+$0x0];
	v0 =	vmul.f32 v40, v48;
	v47 =	vpop (erf)  }
0x1ff: {  	v49 =	vimm.s32 $0x2;
	[tilespmem:s22+$0xC0] =	vst v3;
	v4 =	vld [tilespmem:s9+$0x100];
	v1 =	vmul.f32 v29, v1;
	v7 =	vperm.xlane v47, v56  }
0x200: {  	v45 =	vimm.s32 $0x3;
	v41 =	vld [tilespmem:s9+$0x10];
	[tilespmem:$0x1FFA0] =	vst v16;
	v16 =	vperm.xlane v47, v44;
	v14 =	vperm.xlane v47, v49  }
0x201: {  	v46 =	vimm.s32 $0x5;
	v43 =	vld [tilespmem:s9+$0x20];
	[tilespmem:s22+$0x70] =	vst v0;
	v13 =	vperm.xlane v47, v45;
	v15 =	vperm.xlane v47, v50  }
0x202: {  	v42 =	vld [tilespmem:s9+$0x30];
	v12 =	vperm.xlane v47, v46;
	v59 =	vpop (erf);
	[tilespmem:$0x1FFC0] =	vst v7;
	v7 =	vperm.xlane v47, v11  }
0x203: {  	[tilespmem:s22+$0xA0] =	vst v5;
	v28 =	vld [tilespmem:s9+$0x40];
	v54 =	vperm.xlane v59, v56;
	v52 =	vperm.xlane v59, v44  }
0x204: {  	v31 =	vld [tilespmem:s9+$0x50];
	[tilespmem:s22+$0x90] =	vst v1;
	v55 =	vperm.xlane v59, v49;
	v1 =	vmul.f32 v4, v7  }
0x205: {  	[tilespmem:s22+$0xB0] =	vst v6;
	v33 =	vld [tilespmem:s9+$0x60];
	v48 =	vpop (erf);
	v53 =	vperm.xlane v59, v45;
	v62 =	vperm.xlane v59, v46  }
0x206: {  	v40 =	vld [tilespmem:s9+$0x70];
	v61 =	vperm.xlane v59, v11;
	v58 =	vperm.xlane v48, v44;
	[tilespmem:s9+$0x100] =	vst v1  }
0x207: {  	v29 =	vld [tilespmem:s9+$0x90];
	v0 =	vpop (erf);
	v60 =	vperm.xlane v48, v49;
	v57 =	vperm.xlane v48, v45;
	[tilespmem:s22+$0xD0] =	vst v8  }
0x208: {  	v51 =	vperm.xlane v48, v50;
	v3 =	vperm.xlane v0, v44;
	[tilespmem:s22+$0xE0] =	vst v2;
	v34 =	vld [tilespmem:s9+$0xA0]  }
0x209: {  	s20 =	sadd.s32 $0x4, s20;
	v5 =	vperm.xlane v0, v50;
	v7 =	vperm.xlane v0, v56;
	[tilespmem:s22+$0xF0] =	vst v9;
	v35 =	vld [tilespmem:s9+$0xB0]  }
0x20a: {  	p0 =	slt.u32 s20, $0x4C;
	v4 =	vperm.xlane v0, v45;
	v1 =	vperm.xlane v0, v46;
	v38 =	vld [tilespmem:s9+$0xC0]  }
.Ltmp4:
0x20b: {  	v8 =	vperm.xlane v0, v49;
	v9 =	vimm.s32 $0x6;
	v2 =	vperm.xlane v0, v11;
	v44 =	vld [tilespmem:s9+$0xD0];
	(pc) =	sbr.rel @p0 .LBB2_10-.Ltmp4, $4  }
0x20c: {  	[tilespmem:s9+$0xFFFFFFF0] =	vst v59;
	v49 =	vperm.xlane v48, v46;
	v6 =	vperm.xlane v0, v9;
	v45 =	vld [tilespmem:s9+$0xE0]  }
0x20d: {  	v17 =	vimm.s32 $0x6;
	[tilespmem:s9+$0xFFFFFF60] =	vst v0;
	v0 =	vperm.xlane v59, v50;
	v63 =	vperm.xlane v59, v9;
	v46 =	vld [tilespmem:s9+$0xF0]  }
0x20e: {  	[tilespmem:s9+$0x80] =	vst v48;
	v59 =	vperm.xlane v48, v56;
	v50 =	vperm.xlane v48, v17;
	v17 =	vld [tilespmem:$0x1FFA0]  }
0x20f: {  	s22 =	smov.u32 s9;
	[tilespmem:s9+$0x110] =	vst v47;
	v9 =	vimm.s32 $0x6;
	v48 =	vperm.xlane v48, v11;
	v11 =	vmovc v12;
	v12 =	vmovc v14;
	v14 =	vmov v16;
	v16 =	vld [tilespmem:$0x1FFB0];
	s9 =	sadd.s32 $0x240, s9  }
0x210: {  	v8 =	vmul.f32 v18, v8  }
0x211: {  	v4 =	vmul.f32 v19, v4  }
0x212: {  	v1 =	vmul.f32 v21, v1;
	[tilespmem:s22+$0xFFFFFF00] =	vst v8  }
0x213: {  	v22 =	vmul.f32 v22, v6;
	[tilespmem:s22+$0xFFFFFF10] =	vst v4  }
0x214: {  	v2 =	vmul.f32 v23, v2;
	[tilespmem:s22+$0xFFFFFF30] =	vst v1  }
0x215: {  	v0 =	vmul.f32 v30, v0;
	[tilespmem:s22+$0xFFFFFF40] =	vst v22  }
0x216: {  	v1 =	vmul.f32 v24, v54;
	[tilespmem:s22+$0xFFFFFF50] =	vst v2  }
0x217: {  	v2 =	vmul.f32 v26, v55;
	[tilespmem:s22+$0xFFFFFFB0] =	vst v0  }
0x218: {  	v0 =	vmul.f32 v37, v61;
	[tilespmem:s22+$0xFFFFFF70] =	vst v1  }
0x219: {  	v3 =	vmul.f32 v17, v3;
	[tilespmem:s22+$0xFFFFFF90] =	vst v2  }
0x21a: {  	v7 =	vmul.f32 v16, v7;
	[tilespmem:s22+$0xFFFFFFE0] =	vst v0  }
0x21b: {  	v1 =	vmul.f32 v27, v53;
	[tilespmem:s22+$0xFFFFFEF0] =	vst v3  }
0x21c: {  	v2 =	vmul.f32 v32, v62;
	[tilespmem:s22+$0xFFFFFEE0] =	vst v7  }
0x21d: {  	v0 =	vmul.f32 v43, v60;
	[tilespmem:s22+$0xFFFFFFA0] =	vst v1  }
0x21e: {  	v3 =	vmul.f32 v20, v5;
	[tilespmem:s22+$0xFFFFFFC0] =	vst v2  }
0x21f: {  	v1 =	vmul.f32 v36, v63;
	[tilespmem:s22+$0x20] =	vst v0  }
0x220: {  	v2 =	vmul.f32 v39, v59;
	[tilespmem:s22+$0xFFFFFF20] =	vst v3  }
0x221: {  	v0 =	vmul.f32 v31, v49;
	[tilespmem:s22+$0xFFFFFFD0] =	vst v1  }
0x222: {  	v3 =	vmul.f32 v25, v52;
	[tilespmem:s22+$0x0] =	vst v2  }
0x223: {  	v1 =	vmul.f32 v41, v58;
	[tilespmem:s22+$0x50] =	vst v0  }
0x224: {  	v2 =	vmul.f32 v42, v57;
	[tilespmem:s22+$0xFFFFFF80] =	vst v3  }
0x225: {  	[tilespmem:s22+$0x10] =	vst v1;
	v1 =	vmul.f32 v28, v51  }
0x226: {  	[tilespmem:s22+$0x30] =	vst v2  }
0x227: {  	[tilespmem:s22+$0x40] =	vst v1  }
0x228: {  	v0 =	vld [tilespmem:$0x1FFC0]  }
0x229: {  	v2 =	vmul.f32 v33, v50  }
0x22a: {  	v3 =	vmul.f32 v44, v15  }
0x22b: {  	v1 =	vmul.f32 v40, v48;
	[tilespmem:s22+$0x60] =	vst v2  }
0x22c: {  	v2 =	vmul.f32 v34, v14;
	[tilespmem:s22+$0xD0] =	vst v3  }
0x22d: {  	[tilespmem:s22+$0x70] =	vst v1;
	v0 =	vmul.f32 v29, v0  }
0x22e: {  	v1 =	vmul.f32 v35, v12;
	[tilespmem:s22+$0xA0] =	vst v2  }
0x22f: {  	v2 =	vperm.xlane v47, v9;
	[tilespmem:s22+$0x90] =	vst v0;
	v0 =	vmul.f32 v38, v13  }
0x230: {  	[tilespmem:s22+$0xB0] =	vst v1;
	v1 =	vmul.f32 v45, v11  }
0x231: {  	[tilespmem:s22+$0xC0] =	vst v0;
	v0 =	vmul.f32 v46, v2  }
0x232: {  	[tilespmem:s22+$0xE0] =	vst v1  }
0x233: {  	[tilespmem:s22+$0xF0] =	vst v0  }
0x234: {  	[spmem:s3] =	stream.indirect.scatter.add.f32 [tilespmem:s1], [sflag:$0x8], $0x90, s0, s0, $0xb8;
	[tilespmem:$0x1F1F0] =	vst v63  }
0x235: {  	_ =	swait.ge [sflag:s31], $0x2D00  }
0x236: {  	[sflag:s31] =	ssyncset.done $0x0  }
0x237: {  	[sflag:s31] =	ssyncadd.s32 $0xFFFFD300  }
0x238: {  	_ =	swait.ge [sflag:s12], $0x50  }
0x239: {  	[sflag:s12] =	ssyncset.done $0x0  }
0x23a: {  	[sflag:s12] =	ssyncadd.s32 $0xFFFFFFB0  }
0x23b: {  	_ =	swait.ge [sflag:s12], $0x50  }
0x23c: {  	[sflag:s12] =	ssyncset.done $0x0  }
0x23d: {  	[sflag:s12] =	ssyncadd.s32 $0xFFFFFFB0  }
0x23e: {  	s9 =	stileid.u32;
	[bflag:$0x0] =	sbarrier.arrive $0xFFFF  }
0x23f: {  	s9 =	sshll.u32 s9, $0x6;
	s22 =	rddreg [dreg:$0x5]  }
0x240: {  	s9 =	sor.u32 $0x1C08, s9;
	s25 =	rddreg [dreg:$0x13];
	s20 =	sshrl.u32 s22, $0x3  }
0x241: {  	[hbm:s25], [sflag:s9] =	dma.local [spmem:s20], $0x2D00  }
0x242: {  	_ =	swait.ge [sflag:s31], $0x2D00  }
0x243: {  	s21 =	sadd.s32 $0x1, s21;
	s26 =	rddreg [dreg:$0x14]  }
0x244: {  	p0 =	sne.s32 s21, s26  }
.Ltmp5:
0x245: {  	_ = 	snop;
	(pc) =	sbr.rel @p0 .LBB2_1-.Ltmp5, $4  }
0x246: {  	_ = 	snop  }
0x247: {  	v8 =	vimm.s32 $0x7  }
0x248: {  	v49 =	vimm.s32 $0x3;
	v51 =	vimm.s32 $0x4;
	v34 =	vimm.s32 $0x6;
	[sflag:s31] =	ssyncset.done $0x0  }
0x249: {  	v45 =	vimm.s32 $0x1;
	v46 =	vimm.s32 $0x2;
	v0 =	vimm.f32 $0.0e+00;
	[sflag:s31] =	ssyncadd.s32 $0xFFFFD300  }
0x24a: {  	_ =	sfence.sel $0x180000  }
0x24b: {  	[bflag:$0x0] =	sbarrier.arrive $0xFFFF  }
0x24c: {  	_ =	strace $0x90000047  }
0x24d: {  	s0 =	stileid.u32;
	[bflag:$0x2] =	sbarrier.arrive $0xFFFF  }
0x24e: {  	p0 =	sne.s32 s0, $0x0;
	s0 =	rddreg [dreg:$0x3]  }
0x24f: {  	s0 =	sadd.s32 @!p0 $0x100000, s0  }
0x250: {  	[sflag:s0] =	ssyncadd.tile.s32 @!p0 $0x1;
	_ =	shalt  }
.Lfunc_end2:
_tile_overlayer_lowered:
.L_overlay_start_2:
0x251: {  	(tag) =	ssettag $0x2  }
0x252: {  	s0 =	rddreg [dreg:$0x0];
	s2 =	stileid.u32  }
0x253: {  	s1 =	rddreg [dreg:$0x1];
	p0 =	sne.s32 s2, $0x0  }
0x254: {  	s3 =	rddreg [dreg:$0x2];
	[bflag:$0x3] =	sbarrier.arrive $0xFFFF;
	s2 =	simm.s32 @!p0 $0x1C08  }
0x255: {  	[timem:s3], [sflag:s2] =	dma.local @!p0 [hbm:s0], s1  }
0x256: {  	s0 =	simm.s32 @!p0 $0x8  }
0x257: {  	_ =	swait.ge @!p0 [sflag:s0], s1  }
0x258: {  	s1 =	ssub.s32 @!p0 $0x0, s1;
	[sflag:s0] =	ssyncset.done @!p0 $0x0  }
0x259: {  	[sflag:s0] =	ssyncadd.s32 @!p0 s1  }
0x25a: {  	[bflag:$0x3] =	sbarrier.arrive $0xFFFF  }
0x25b: {  	_ =	shalt  }

</sc_bundles>
